<compile_context>
chip_gen: v7x
topology: tpu7x:2x2x1
jax: 0.10.2.dev20260603
libtpu: 0.0.44.dev20260713+nightly
codegen_flags: <defaults>
</compile_context>

<pallas_src>
import functools

import jax
import jax.numpy as jnp
from jax import lax
from jax.experimental import pallas as pl
from jax.experimental.pallas import tpu as pltpu
from jax.experimental.pallas import tpu_sc as plsc

NC, NS, LANES = 2, 16, 16
MSGW = 64
AW = 128
CHUNK = 64
EPR = 8


def _mm_bias_kernel(x_ref, w_ref, b_ref, o_ref):
    o_ref[...] = (
        jnp.dot(x_ref[...], w_ref[...], preferred_element_type=jnp.float32)
        + b_ref[...]
    )


def _final_kernel(node_ref, sums_ref, batch_ref, glob_ref, a1_ref, a2_ref,
                  a3_ref, ab_ref, o_ref):
    s = sums_ref[0] + sums_ref[1]
    cnt = s[:, MSGW:MSGW + 1]
    mean = s[:, :MSGW] / jnp.maximum(cnt, 1.0)
    g_tab = jnp.dot(glob_ref[...], a3_ref[...],
                    preferred_element_type=jnp.float32)
    b = batch_ref[...]
    nb = g_tab.shape[0]
    onehot = (b == lax.broadcasted_iota(jnp.int32, (b.shape[0], nb), 1))
    acc = (
        jnp.dot(node_ref[...], a1_ref[...], preferred_element_type=jnp.float32)
        + jnp.dot(mean, a2_ref[...], preferred_element_type=jnp.float32)
        + jnp.dot(onehot.astype(jnp.float32), g_tab,
                  preferred_element_type=jnp.float32)
        + ab_ref[...]
    )
    o_ref[...] = jnp.maximum(acc, 0.0)


@functools.lru_cache(maxsize=None)
def _build_sc_edges(N, E):
    W = NC * NS
    epw = E // W
    nch = epw // CHUNK
    qrows = CHUNK // EPR
    qw = EPR * MSGW
    rpt = (-(-N // NS) + 7) // 8 * 8
    npad = NS * rpt
    NB = 2

    mesh = plsc.VectorSubcoreMesh(core_axis_name="c", subcore_axis_name="s")

    @functools.partial(
        pl.kernel,
        out_type=jax.ShapeDtypeStruct((NC, npad, AW), jnp.float32),
        mesh=mesh,
        scratch_types=[
            pltpu.VMEM_SHARED((npad, AW), jnp.float32),
            pltpu.VMEM((epw,), jnp.int32),
            [pltpu.VMEM((CHUNK // 2,), jnp.int32) for _ in range(NB)],
            [pltpu.VMEM((CHUNK // 2,), jnp.int32) for _ in range(NB)],
            [pltpu.VMEM((CHUNK, AW), jnp.float32) for _ in range(NB)],
            [pltpu.VMEM((qrows, qw), jnp.float32) for _ in range(NB)],
            [pltpu.SemaphoreType.DMA for _ in range(NB)],
            [pltpu.SemaphoreType.DMA for _ in range(NB)],
            [pltpu.SemaphoreType.DMA for _ in range(NB)],
            [pltpu.SemaphoreType.DMA for _ in range(NB)],
            [pltpu.SemaphoreType.DMA for _ in range(NB)],
            [pltpu.SemaphoreType.DMA for _ in range(NB)],
            [pltpu.SemaphoreType.DMA for _ in range(NB)],
        ],
    )
    def sc_edges(p_hbm, q_hbm, src_hbm, dst_hbm, zero_hbm, out_hbm,
                 accum, sidx, dbufl, dbufh, msg, qbuf, qsem, gsem, gsem2,
                 dsem, dsem2, ssem, ssem2):
        cid = lax.axis_index("c")
        sid = lax.axis_index("s")
        w = cid * NS + sid
        ebase = w * epw
        qrow0 = w * (epw // EPR)

        pltpu.sync_copy(src_hbm.at[pl.ds(ebase, epw)], sidx)
        pltpu.sync_copy(zero_hbm.at[pl.ds(sid * rpt, rpt)],
                        accum.at[pl.ds(sid * rpt, rpt)])

        plsc.subcore_barrier()

        H = CHUNK // 2

        def issue(jc, b):
            o = jc * CHUNK
            pltpu.async_copy(dst_hbm.at[pl.ds(ebase + o, H)],
                             dbufl[b], dsem[b])
            pltpu.async_copy(dst_hbm.at[pl.ds(ebase + o + H, H)],
                             dbufh[b], dsem2[b])
            pltpu.async_copy(q_hbm.at[pl.ds(qrow0 + jc * qrows, qrows)],
                             qbuf[b], qsem[b])
            pltpu.async_copy(p_hbm.at[sidx.at[pl.ds(o, H)]],
                             msg[b].at[pl.ds(0, H)], gsem[b])
            pltpu.async_copy(p_hbm.at[sidx.at[pl.ds(o + H, H)]],
                             msg[b].at[pl.ds(H, H)], gsem2[b])

        def wait_in(b):
            pltpu.make_async_copy(q_hbm.at[pl.ds(0, qrows)], qbuf[b],
                                  qsem[b]).wait()
            pltpu.make_async_copy(p_hbm.at[sidx.at[pl.ds(0, H)]],
                                  msg[b].at[pl.ds(0, H)], gsem[b]).wait()
            pltpu.make_async_copy(p_hbm.at[sidx.at[pl.ds(0, H)]],
                                  msg[b].at[pl.ds(H, H)], gsem2[b]).wait()
            pltpu.make_async_copy(dst_hbm.at[pl.ds(0, H)], dbufl[b],
                                  dsem[b]).wait()
            pltpu.make_async_copy(dst_hbm.at[pl.ds(0, H)], dbufh[b],
                                  dsem2[b]).wait()

        def process(jc, b):
            wait_in(b)

            @plsc.parallel_loop(0, qrows, unroll=2)
            def _relu(r):
                for e8 in range(EPR):
                    for jj in range(MSGW // LANES):
                        sl = pl.ds(jj * LANES, LANES)
                        sq = pl.ds(e8 * MSGW + jj * LANES, LANES)
                        i = r * EPR + e8
                        msg[b][i, sl] = jnp.maximum(
                            msg[b][i, sl] + qbuf[b][r, sq], 0.0)

            pltpu.async_copy(msg[b].at[pl.ds(0, H)],
                             accum.at[dbufl[b]], ssem[b], add=True)
            pltpu.async_copy(msg[b].at[pl.ds(H, H)],
                             accum.at[dbufh[b]], ssem2[b], add=True)

        def wait_scatter(b):
            pltpu.make_async_copy(msg[b].at[pl.ds(0, H)],
                                  accum.at[dbufl[b]], ssem[b]).wait()
            pltpu.make_async_copy(msg[b].at[pl.ds(H, H)],
                                  accum.at[dbufh[b]], ssem2[b]).wait()

        for b in range(NB):
            issue(b, b)

        def round_body(k, carry):
            jc0 = NB * k
            for b in range(NB):
                process(jc0 + b, b)

                @pl.when(jc0 + b + NB < nch)
                def _(b=b):
                    wait_scatter(b)
                    issue(jc0 + b + NB, b)

            return carry

        lax.fori_loop(0, nch // NB, round_body, 0)
        for jc in range(nch - nch % NB, nch):
            process(jc, jc % NB)
        for b in range(NB):
            wait_scatter(b)

        plsc.subcore_barrier()

        pltpu.sync_copy(accum.at[pl.ds(sid * rpt, rpt)],
                        out_hbm.at[cid, pl.ds(sid * rpt, rpt)])

    return sc_edges


def kernel(node_feats, edge_index, edge_feats, glob_feats, batch, mW1, mb1,
           aW1, ab1):
    N, D = node_feats.shape
    E, EIN = edge_feats.shape
    B = glob_feats.shape[0]
    f32 = jnp.float32
    bf16 = jnp.bfloat16

    mW1a = mW1[:D]
    mW1b = mW1[D:]
    A1 = aW1[:D]
    A2 = aW1[D:D + MSGW]
    A3 = aW1[D + MSGW:]
    AOUT = aW1.shape[1]

    wpad = jnp.concatenate([mW1a, jnp.zeros((D, AW - MSGW), f32)], axis=1)
    bias_row = jnp.zeros((1, AW), f32).at[0, MSGW].set(1.0)
    rb = 2000
    P2 = pl.pallas_call(
        _mm_bias_kernel,
        grid=(N // rb,),
        in_specs=[
            pl.BlockSpec((rb, D), lambda i: (i, 0)),
            pl.BlockSpec((D, AW), lambda i: (0, 0)),
            pl.BlockSpec((1, AW), lambda i: (0, 0)),
        ],
        out_specs=pl.BlockSpec((rb, AW), lambda i: (i, 0)),
        out_shape=jax.ShapeDtypeStruct((N, AW), f32),
    )(node_feats, wpad, bias_row)

    W = NC * NS
    epw = -(-E // (W * CHUNK)) * CHUNK
    epad = W * epw
    rpt = (-(-N // NS) + 7) // 8 * 8
    npad = NS * rpt
    src_pad = jnp.concatenate(
        [edge_index[0], jnp.zeros((epad - E,), jnp.int32)])
    dst_pad = jnp.concatenate(
        [edge_index[1], N + jnp.arange(epad - E, dtype=jnp.int32)
         % max(npad - N, 1)])

    ef8 = jnp.pad(
        edge_feats.reshape(E // EPR, EPR * EIN),
        ((0, (epad - E) // EPR), (0, 0))).astype(bf16)
    w8 = jnp.kron(jnp.eye(EPR, dtype=f32), mW1b).astype(bf16)
    b8 = jnp.tile(mb1, EPR).reshape(1, EPR * MSGW)
    nqrows = epad // EPR
    qb = nqrows
    for cand in range(2512, 15, -16):
        if nqrows % cand == 0:
            qb = cand
            break
    Q = pl.pallas_call(
        _mm_bias_kernel,
        grid=(nqrows // qb,),
        in_specs=[
            pl.BlockSpec((qb, EPR * EIN), lambda i: (i, 0)),
            pl.BlockSpec((EPR * EIN, EPR * MSGW), lambda i: (0, 0)),
            pl.BlockSpec((1, EPR * MSGW), lambda i: (0, 0)),
        ],
        out_specs=pl.BlockSpec((qb, EPR * MSGW), lambda i: (i, 0)),
        out_shape=jax.ShapeDtypeStruct((nqrows, EPR * MSGW), f32),
    )(ef8, w8, b8)

    zeros = jnp.zeros((npad, AW), f32)
    sums2 = _build_sc_edges(N, epad)(P2, Q, src_pad, dst_pad, zeros)
    sums2 = sums2[:, :N]

    fb = 2000
    out = pl.pallas_call(
        _final_kernel,
        grid=(N // fb,),
        in_specs=[
            pl.BlockSpec((fb, D), lambda i: (i, 0)),
            pl.BlockSpec((NC, fb, AW), lambda i: (0, i, 0)),
            pl.BlockSpec((fb, 1), lambda i: (i, 0)),
            pl.BlockSpec((B, EIN), lambda i: (0, 0)),
            pl.BlockSpec((D, AOUT), lambda i: (0, 0)),
            pl.BlockSpec((MSGW, AOUT), lambda i: (0, 0)),
            pl.BlockSpec((EIN, AOUT), lambda i: (0, 0)),
            pl.BlockSpec((1, AOUT), lambda i: (0, 0)),
        ],
        out_specs=pl.BlockSpec((fb, AOUT), lambda i: (i, 0)),
        out_shape=jax.ShapeDtypeStruct((N, AOUT), f32),
    )(node_feats, sums2, batch.reshape(N, 1), glob_feats, A1, A2, A3,
      ab1.reshape(1, AOUT))

    return out

# --- scband reference (transcript-rebuilt; emitter-appended) ---
"""Pipeline reference for scband-mlpnode-layer-77257871720755 (READ-ONLY COPY).

The authoritative reference and input builder live on the scoring server;
editing this copy changes nothing except your own understanding.
"""

import jax, jax.numpy as jnp
import numpy as np


def setup_inputs(seed: int = 0) -> dict:
    key = jax.random.key(seed)
    ks = jax.random.split(key, 10)
    N, E, B = 10000, 320000, 16
    node_in, edge_in, glob_in = 128, 16, 16
    msg_w, aggr_w = 64, 128
    node_feats = jax.random.normal(ks[0], (N, node_in), dtype=jnp.float32)
    edge_index = jax.random.randint(ks[1], (2, E), 0, N, dtype=jnp.int32)
    edge_feats = jax.random.normal(ks[2], (E, edge_in), dtype=jnp.float32)
    glob_feats = jax.random.normal(ks[3], (B, glob_in), dtype=jnp.float32)
    batch = jnp.sort(jax.random.randint(ks[4], (N,), 0, B, dtype=jnp.int32))
    # message MLP: in = node_in + edge_in = 144 -> 64
    mW1 = jax.random.normal(ks[5], (node_in + edge_in, msg_w), dtype=jnp.float32) * 0.05
    mb1 = jnp.zeros((msg_w,), dtype=jnp.float32)
    # aggregation MLP: in = node_in + msg_w + glob_in = 208 -> 128
    aW1 = jax.random.normal(ks[6], (node_in + msg_w + glob_in, aggr_w), dtype=jnp.float32) * 0.05
    ab1 = jnp.zeros((aggr_w,), dtype=jnp.float32)
    return {"node_feats": node_feats, "edge_index": edge_index, "edge_feats": edge_feats,
            "glob_feats": glob_feats, "batch": batch,
            "mW1": mW1, "mb1": mb1, "aW1": aW1, "ab1": ab1}


def reference(node_feats, edge_index, edge_feats, glob_feats, batch, mW1, mb1, aW1, ab1):
    N = node_feats.shape[0]
    src = edge_index[0]
    dest = edge_index[1]
    # message formation: gather source node feats, concat with edge feats, MLP
    input_feats = jnp.concatenate([node_feats[src], edge_feats], axis=1)
    message_feats = jax.nn.relu(input_feats @ mW1 + mb1)
    # message aggregation: scatter-mean by destination node
    sums = jax.ops.segment_sum(message_feats, dest, num_segments=N)
    counts = jax.ops.segment_sum(jnp.ones((message_feats.shape[0], 1), dtype=jnp.float32), dest, num_segments=N)
    mean_msg = sums / jnp.clip(counts, 1.0, None)
    # stack node feats, aggregated messages, gathered global feats; second MLP
    input_feats2 = jnp.concatenate([node_feats, mean_msg, glob_feats[batch]], axis=1)
    return jax.nn.relu(input_feats2 @ aW1 + ab1)

if __name__ == "__main__":
    import jax
    _d = setup_inputs()
    print(jax.jit(kernel)(*tuple(_d.values())))

</pallas_src>

<mosaic_0001>
#map = affine_map<(d0, d1) -> (0, 0)>
#map1 = affine_map<(d0, d1) -> (0)>
#map2 = affine_map<(d0, d1) -> (0, 0, 0)>
module attributes {stable_mosaic.version = 14 : i64} {
  func.func @sc_edges(%arg0: i32, %arg1: i32, %arg2: memref<10000x128xf32, #tpu.memory_space<hbm>>, %arg3: memref<40192x512xf32, #tpu.memory_space<hbm>>, %arg4: memref<321536xi32, #tpu.memory_space<hbm>>, %arg5: memref<321536xi32, #tpu.memory_space<hbm>>, %arg6: memref<10112x128xf32, #tpu.memory_space<hbm>>, %arg7: memref<2x10112x128xf32, #tpu.memory_space<hbm>>, %arg8: memref<10112x128xf32, #tpu.memory_space<vmem_shared>>, %arg9: memref<10048xi32, #tpu.memory_space<vmem>>, %arg10: memref<32xi32, #tpu.memory_space<vmem>>, %arg11: memref<32xi32, #tpu.memory_space<vmem>>, %arg12: memref<32xi32, #tpu.memory_space<vmem>>, %arg13: memref<32xi32, #tpu.memory_space<vmem>>, %arg14: memref<64x128xf32, #tpu.memory_space<vmem>>, %arg15: memref<64x128xf32, #tpu.memory_space<vmem>>, %arg16: memref<8x512xf32, #tpu.memory_space<vmem>>, %arg17: memref<8x512xf32, #tpu.memory_space<vmem>>, %arg18: memref<!tpu.dma_semaphore, #tpu.memory_space<semaphore_mem>>, %arg19: memref<!tpu.dma_semaphore, #tpu.memory_space<semaphore_mem>>, %arg20: memref<!tpu.dma_semaphore, #tpu.memory_space<semaphore_mem>>, %arg21: memref<!tpu.dma_semaphore, #tpu.memory_space<semaphore_mem>>, %arg22: memref<!tpu.dma_semaphore, #tpu.memory_space<semaphore_mem>>, %arg23: memref<!tpu.dma_semaphore, #tpu.memory_space<semaphore_mem>>, %arg24: memref<!tpu.dma_semaphore, #tpu.memory_space<semaphore_mem>>, %arg25: memref<!tpu.dma_semaphore, #tpu.memory_space<semaphore_mem>>, %arg26: memref<!tpu.dma_semaphore, #tpu.memory_space<semaphore_mem>>, %arg27: memref<!tpu.dma_semaphore, #tpu.memory_space<semaphore_mem>>, %arg28: memref<!tpu.dma_semaphore, #tpu.memory_space<semaphore_mem>>, %arg29: memref<!tpu.dma_semaphore, #tpu.memory_space<semaphore_mem>>, %arg30: memref<!tpu.dma_semaphore, #tpu.memory_space<semaphore_mem>>, %arg31: memref<!tpu.dma_semaphore, #tpu.memory_space<semaphore_mem>>) attributes {dimension_semantics = [#tpu.dimension_semantics<core_parallel>, #tpu.dimension_semantics<subcore_parallel>], iteration_bounds = array<i64: 2, 16>, scalar_prefetch = 0 : i64, scratch_operands = 24 : i64, tpu.core_type = #tpu.core_type<sc_vector_subcore>, window_params = [{transform_indices = #map}, {transform_indices = #map}, {transform_indices = #map1}, {transform_indices = #map1}, {transform_indices = #map}, {transform_indices = #map2}]} {
    %mul3A = arith.constant 16 : i32
    %mul3A_0 = arith.muli %arg0, %mul3A : i32
    %add3A = arith.addi %mul3A_0, %arg1 : i32
    %mul3A_1 = arith.constant 10048 : i32
    %mul3A_2 = arith.muli %add3A, %mul3A_1 : i32
    %mul3A_3 = arith.constant 1256 : i32
    %mul3A_4 = arith.muli %add3A, %mul3A_3 : i32
    "tpu.region"() ({
      %run_scoped3A = tpu.sem_alloc : memref<!tpu.dma_semaphore, #tpu.memory_space<semaphore_mem>>
      %dma_start3A_149 = tpu.memref_slice %arg4[%mul3A_2] : memref<321536xi32, #tpu.memory_space<hbm>> -> memref<10048xi32, #tpu.memory_space<hbm>>
      %dma_start3A_150 = tpu.memref_slice %arg4[%mul3A_2] : memref<321536xi32, #tpu.memory_space<hbm>> -> memref<10048xi32, #tpu.memory_space<hbm>>
      tpu.enqueue_dma source(%dma_start3A_150 : memref<10048xi32, #tpu.memory_space<hbm>>) target(%arg9 : memref<10048xi32, #tpu.memory_space<vmem>>) target_semaphore(%run_scoped3A : memref<!tpu.dma_semaphore, #tpu.memory_space<semaphore_mem>>)
      %dma_wait3A_151 = tpu.memref_slice %arg4[%mul3A_2] : memref<321536xi32, #tpu.memory_space<hbm>> -> memref<10048xi32, #tpu.memory_space<hbm>>
      %dma_wait3A_152 = tpu.memref_slice %arg4[%mul3A_2] : memref<321536xi32, #tpu.memory_space<hbm>> -> memref<10048xi32, #tpu.memory_space<hbm>>
      tpu.wait_dma2 semaphore(%run_scoped3A : memref<!tpu.dma_semaphore, #tpu.memory_space<semaphore_mem>>) src(%dma_wait3A_152 : memref<10048xi32, #tpu.memory_space<hbm>>) dst(%arg9 : memref<10048xi32, #tpu.memory_space<vmem>>)
      tpu.yield
    }) : () -> ()
    %mul3A_5 = arith.constant 632 : i32
    %mul3A_6 = arith.muli %arg1, %mul3A_5 : i32
    %mul3A_7 = arith.constant 632 : i32
    %mul3A_8 = arith.muli %arg1, %mul3A_7 : i32
    "tpu.region"() ({
      %run_scoped3A = tpu.sem_alloc : memref<!tpu.dma_semaphore, #tpu.memory_space<semaphore_mem>>
      %dma_start3A_149 = arith.constant 0 : i32
      %dma_start3A_150 = tpu.memref_slice %arg8[%mul3A_8, %dma_start3A_149] : memref<10112x128xf32, #tpu.memory_space<vmem_shared>> -> memref<632x128xf32, #tpu.memory_space<vmem_shared>>
      %dma_start3A_151 = arith.constant 0 : i32
      %dma_start3A_152 = tpu.memref_slice %arg6[%mul3A_6, %dma_start3A_151] : memref<10112x128xf32, #tpu.memory_space<hbm>> -> memref<632x128xf32, #tpu.memory_space<hbm>>
      tpu.enqueue_dma source(%dma_start3A_152 : memref<632x128xf32, #tpu.memory_space<hbm>>) target(%dma_start3A_150 : memref<632x128xf32, #tpu.memory_space<vmem_shared>>) target_semaphore(%run_scoped3A : memref<!tpu.dma_semaphore, #tpu.memory_space<semaphore_mem>>)
      %dma_wait3A_153 = arith.constant 0 : i32
      %dma_wait3A_154 = tpu.memref_slice %arg8[%mul3A_8, %dma_wait3A_153] : memref<10112x128xf32, #tpu.memory_space<vmem_shared>> -> memref<632x128xf32, #tpu.memory_space<vmem_shared>>
      %dma_wait3A_155 = arith.constant 0 : i32
      %dma_wait3A_156 = tpu.memref_slice %arg6[%mul3A_6, %dma_wait3A_155] : memref<10112x128xf32, #tpu.memory_space<hbm>> -> memref<632x128xf32, #tpu.memory_space<hbm>>
      tpu.wait_dma2 semaphore(%run_scoped3A : memref<!tpu.dma_semaphore, #tpu.memory_space<semaphore_mem>>) src(%dma_wait3A_156 : memref<632x128xf32, #tpu.memory_space<hbm>>) dst(%dma_wait3A_154 : memref<632x128xf32, #tpu.memory_space<vmem_shared>>)
      tpu.yield
    }) : () -> ()
    %barrier3A = arith.constant 0 : index
    tpu.barrier barrier_id(%barrier3A)
    %add3A_9 = arith.constant 0 : i32
    %add3A_10 = arith.addi %mul3A_2, %add3A_9 : i32
    %dma_start3A = tpu.memref_slice %arg5[%add3A_10] : memref<321536xi32, #tpu.memory_space<hbm>> -> memref<32xi32, #tpu.memory_space<hbm>>
    %dma_start3A_11 = tpu.memref_slice %arg5[%add3A_10] : memref<321536xi32, #tpu.memory_space<hbm>> -> memref<32xi32, #tpu.memory_space<hbm>>
    tpu.enqueue_dma source(%dma_start3A_11 : memref<32xi32, #tpu.memory_space<hbm>>) target(%arg10 : memref<32xi32, #tpu.memory_space<vmem>>) target_semaphore(%arg24 : memref<!tpu.dma_semaphore, #tpu.memory_space<semaphore_mem>>)
    %add3A_12 = arith.constant 0 : i32
    %add3A_13 = arith.addi %mul3A_2, %add3A_12 : i32
    %add3A_14 = arith.constant 32 : i32
    %add3A_15 = arith.addi %add3A_13, %add3A_14 : i32
    %dma_start3A_16 = tpu.memref_slice %arg5[%add3A_15] : memref<321536xi32, #tpu.memory_space<hbm>> -> memref<32xi32, #tpu.memory_space<hbm>>
    %dma_start3A_17 = tpu.memref_slice %arg5[%add3A_15] : memref<321536xi32, #tpu.memory_space<hbm>> -> memref<32xi32, #tpu.memory_space<hbm>>
    tpu.enqueue_dma source(%dma_start3A_17 : memref<32xi32, #tpu.memory_space<hbm>>) target(%arg12 : memref<32xi32, #tpu.memory_space<vmem>>) target_semaphore(%arg26 : memref<!tpu.dma_semaphore, #tpu.memory_space<semaphore_mem>>)
    %add3A_18 = arith.constant 0 : i32
    %add3A_19 = arith.addi %mul3A_4, %add3A_18 : i32
    %dma_start3A_20 = arith.constant 0 : i32
    %dma_start3A_21 = tpu.memref_slice %arg3[%add3A_19, %dma_start3A_20] : memref<40192x512xf32, #tpu.memory_space<hbm>> -> memref<8x512xf32, #tpu.memory_space<hbm>>
    %dma_start3A_22 = arith.constant 0 : i32
    %dma_start3A_23 = tpu.memref_slice %arg3[%add3A_19, %dma_start3A_22] : memref<40192x512xf32, #tpu.memory_space<hbm>> -> memref<8x512xf32, #tpu.memory_space<hbm>>
    tpu.enqueue_dma source(%dma_start3A_23 : memref<8x512xf32, #tpu.memory_space<hbm>>) target(%arg16 : memref<8x512xf32, #tpu.memory_space<vmem>>) target_semaphore(%arg18 : memref<!tpu.dma_semaphore, #tpu.memory_space<semaphore_mem>>)
    %dma_start3A_24 = arith.constant 0 : i32
    %dma_start3A_25 = arith.constant 0 : i32
    %dma_start3A_26 = tpu.memref_slice %arg14[%dma_start3A_24, %dma_start3A_25] : memref<64x128xf32, #tpu.memory_space<vmem>> -> memref<32x128xf32, #tpu.memory_space<vmem>>
    %dma_start3A_27 = arith.constant 0 : i32
    %dma_start3A_28 = tpu.memref_slice %arg9[%dma_start3A_27] : memref<10048xi32, #tpu.memory_space<vmem>> -> memref<32xi32, #tpu.memory_space<vmem>>
    %dma_start3A_29 = arith.constant 0 : i32
    %dma_start3A_30 = arith.constant 0 : i32
    %dma_start3A_31 = tpu.memref_slice %arg2[%dma_start3A_29, %dma_start3A_30] : memref<10000x128xf32, #tpu.memory_space<hbm>> -> memref<10000x128xf32, #tpu.memory_space<hbm>>
    tpu.enqueue_indirect_dma source(%dma_start3A_31 : memref<10000x128xf32, #tpu.memory_space<hbm>>) target(%dma_start3A_26 : memref<32x128xf32, #tpu.memory_space<vmem>>) offsets(%dma_start3A_28 : memref<32xi32, #tpu.memory_space<vmem>>) semaphore(%arg20 : memref<!tpu.dma_semaphore, #tpu.memory_space<semaphore_mem>>)
    %dma_start3A_32 = arith.constant 32 : i32
    %dma_start3A_33 = arith.constant 0 : i32
    %dma_start3A_34 = tpu.memref_slice %arg14[%dma_start3A_32, %dma_start3A_33] : memref<64x128xf32, #tpu.memory_space<vmem>> -> memref<32x128xf32, #tpu.memory_space<vmem>>
    %dma_start3A_35 = arith.constant 32 : i32
    %dma_start3A_36 = tpu.memref_slice %arg9[%dma_start3A_35] : memref<10048xi32, #tpu.memory_space<vmem>> -> memref<32xi32, #tpu.memory_space<vmem>>
    %dma_start3A_37 = arith.constant 0 : i32
    %dma_start3A_38 = arith.constant 0 : i32
    %dma_start3A_39 = tpu.memref_slice %arg2[%dma_start3A_37, %dma_start3A_38] : memref<10000x128xf32, #tpu.memory_space<hbm>> -> memref<10000x128xf32, #tpu.memory_space<hbm>>
    tpu.enqueue_indirect_dma source(%dma_start3A_39 : memref<10000x128xf32, #tpu.memory_space<hbm>>) target(%dma_start3A_34 : memref<32x128xf32, #tpu.memory_space<vmem>>) offsets(%dma_start3A_36 : memref<32xi32, #tpu.memory_space<vmem>>) semaphore(%arg22 : memref<!tpu.dma_semaphore, #tpu.memory_space<semaphore_mem>>)
    %add3A_40 = arith.constant 64 : i32
    %add3A_41 = arith.addi %mul3A_2, %add3A_40 : i32
    %dma_start3A_42 = tpu.memref_slice %arg5[%add3A_41] : memref<321536xi32, #tpu.memory_space<hbm>> -> memref<32xi32, #tpu.memory_space<hbm>>
    %dma_start3A_43 = tpu.memref_slice %arg5[%add3A_41] : memref<321536xi32, #tpu.memory_space<hbm>> -> memref<32xi32, #tpu.memory_space<hbm>>
    tpu.enqueue_dma source(%dma_start3A_43 : memref<32xi32, #tpu.memory_space<hbm>>) target(%arg11 : memref<32xi32, #tpu.memory_space<vmem>>) target_semaphore(%arg25 : memref<!tpu.dma_semaphore, #tpu.memory_space<semaphore_mem>>)
    %add3A_44 = arith.constant 64 : i32
    %add3A_45 = arith.addi %mul3A_2, %add3A_44 : i32
    %add3A_46 = arith.constant 32 : i32
    %add3A_47 = arith.addi %add3A_45, %add3A_46 : i32
    %dma_start3A_48 = tpu.memref_slice %arg5[%add3A_47] : memref<321536xi32, #tpu.memory_space<hbm>> -> memref<32xi32, #tpu.memory_space<hbm>>
    %dma_start3A_49 = tpu.memref_slice %arg5[%add3A_47] : memref<321536xi32, #tpu.memory_space<hbm>> -> memref<32xi32, #tpu.memory_space<hbm>>
    tpu.enqueue_dma source(%dma_start3A_49 : memref<32xi32, #tpu.memory_space<hbm>>) target(%arg13 : memref<32xi32, #tpu.memory_space<vmem>>) target_semaphore(%arg27 : memref<!tpu.dma_semaphore, #tpu.memory_space<semaphore_mem>>)
    %add3A_50 = arith.constant 8 : i32
    %add3A_51 = arith.addi %mul3A_4, %add3A_50 : i32
    %dma_start3A_52 = arith.constant 0 : i32
    %dma_start3A_53 = tpu.memref_slice %arg3[%add3A_51, %dma_start3A_52] : memref<40192x512xf32, #tpu.memory_space<hbm>> -> memref<8x512xf32, #tpu.memory_space<hbm>>
    %dma_start3A_54 = arith.constant 0 : i32
    %dma_start3A_55 = tpu.memref_slice %arg3[%add3A_51, %dma_start3A_54] : memref<40192x512xf32, #tpu.memory_space<hbm>> -> memref<8x512xf32, #tpu.memory_space<hbm>>
    tpu.enqueue_dma source(%dma_start3A_55 : memref<8x512xf32, #tpu.memory_space<hbm>>) target(%arg17 : memref<8x512xf32, #tpu.memory_space<vmem>>) target_semaphore(%arg19 : memref<!tpu.dma_semaphore, #tpu.memory_space<semaphore_mem>>)
    %dma_start3A_56 = arith.constant 0 : i32
    %dma_start3A_57 = arith.constant 0 : i32
    %dma_start3A_58 = tpu.memref_slice %arg15[%dma_start3A_56, %dma_start3A_57] : memref<64x128xf32, #tpu.memory_space<vmem>> -> memref<32x128xf32, #tpu.memory_space<vmem>>
    %dma_start3A_59 = arith.constant 64 : i32
    %dma_start3A_60 = tpu.memref_slice %arg9[%dma_start3A_59] : memref<10048xi32, #tpu.memory_space<vmem>> -> memref<32xi32, #tpu.memory_space<vmem>>
    %dma_start3A_61 = arith.constant 0 : i32
    %dma_start3A_62 = arith.constant 0 : i32
    %dma_start3A_63 = tpu.memref_slice %arg2[%dma_start3A_61, %dma_start3A_62] : memref<10000x128xf32, #tpu.memory_space<hbm>> -> memref<10000x128xf32, #tpu.memory_space<hbm>>
    tpu.enqueue_indirect_dma source(%dma_start3A_63 : memref<10000x128xf32, #tpu.memory_space<hbm>>) target(%dma_start3A_58 : memref<32x128xf32, #tpu.memory_space<vmem>>) offsets(%dma_start3A_60 : memref<32xi32, #tpu.memory_space<vmem>>) semaphore(%arg21 : memref<!tpu.dma_semaphore, #tpu.memory_space<semaphore_mem>>)
    %dma_start3A_64 = arith.constant 32 : i32
    %dma_start3A_65 = arith.constant 0 : i32
    %dma_start3A_66 = tpu.memref_slice %arg15[%dma_start3A_64, %dma_start3A_65] : memref<64x128xf32, #tpu.memory_space<vmem>> -> memref<32x128xf32, #tpu.memory_space<vmem>>
    %dma_start3A_67 = arith.constant 96 : i32
    %dma_start3A_68 = tpu.memref_slice %arg9[%dma_start3A_67] : memref<10048xi32, #tpu.memory_space<vmem>> -> memref<32xi32, #tpu.memory_space<vmem>>
    %dma_start3A_69 = arith.constant 0 : i32
    %dma_start3A_70 = arith.constant 0 : i32
    %dma_start3A_71 = tpu.memref_slice %arg2[%dma_start3A_69, %dma_start3A_70] : memref<10000x128xf32, #tpu.memory_space<hbm>> -> memref<10000x128xf32, #tpu.memory_space<hbm>>
    tpu.enqueue_indirect_dma source(%dma_start3A_71 : memref<10000x128xf32, #tpu.memory_space<hbm>>) target(%dma_start3A_66 : memref<32x128xf32, #tpu.memory_space<vmem>>) offsets(%dma_start3A_68 : memref<32xi32, #tpu.memory_space<vmem>>) semaphore(%arg23 : memref<!tpu.dma_semaphore, #tpu.memory_space<semaphore_mem>>)
    %scan3A = arith.constant 0 : i32
    %scan3A_72 = arith.constant 0 : i32
    %scan3A_73 = arith.constant 78 : i32
    %scan3A_74 = arith.addi %scan3A_72, %scan3A_73 : i32
    %scan3A_75 = arith.constant 1 : i32
    scf.for %scan3A_149 = %scan3A_72 to %scan3A_74 step %scan3A_75  : i32 {
      %mul3A_150 = arith.constant 2 : i32
      %mul3A_151 = arith.muli %mul3A_150, %scan3A_149 : i32
      %add3A_152 = arith.constant 0 : i32
      %add3A_153 = arith.addi %mul3A_151, %add3A_152 : i32
      %dma_wait3A_154 = arith.constant 0 : i32
      %dma_wait3A_155 = arith.constant 0 : i32
      %dma_wait3A_156 = tpu.memref_slice %arg3[%dma_wait3A_154, %dma_wait3A_155] : memref<40192x512xf32, #tpu.memory_space<hbm>> -> memref<8x512xf32, #tpu.memory_space<hbm>>
      %dma_wait3A_157 = arith.constant 0 : i32
      %dma_wait3A_158 = arith.constant 0 : i32
      %dma_wait3A_159 = tpu.memref_slice %arg3[%dma_wait3A_157, %dma_wait3A_158] : memref<40192x512xf32, #tpu.memory_space<hbm>> -> memref<8x512xf32, #tpu.memory_space<hbm>>
      tpu.wait_dma2 semaphore(%arg18 : memref<!tpu.dma_semaphore, #tpu.memory_space<semaphore_mem>>) src(%dma_wait3A_159 : memref<8x512xf32, #tpu.memory_space<hbm>>) dst(%arg16 : memref<8x512xf32, #tpu.memory_space<vmem>>)
      %dma_wait3A_160 = arith.constant 0 : i32
      %dma_wait3A_161 = arith.constant 0 : i32
      %dma_wait3A_162 = tpu.memref_slice %arg14[%dma_wait3A_160, %dma_wait3A_161] : memref<64x128xf32, #tpu.memory_space<vmem>> -> memref<32x128xf32, #tpu.memory_space<vmem>>
      %dma_wait3A_163 = arith.constant 0 : i32
      %dma_wait3A_164 = tpu.memref_slice %arg9[%dma_wait3A_163] : memref<10048xi32, #tpu.memory_space<vmem>> -> memref<32xi32, #tpu.memory_space<vmem>>
      %dma_wait3A_165 = arith.constant 0 : i32
      %dma_wait3A_166 = arith.constant 0 : i32
      %dma_wait3A_167 = tpu.memref_slice %arg2[%dma_wait3A_165, %dma_wait3A_166] : memref<10000x128xf32, #tpu.memory_space<hbm>> -> memref<10000x128xf32, #tpu.memory_space<hbm>>
      tpu.wait_indirect_dma semaphore(%arg20 : memref<!tpu.dma_semaphore, #tpu.memory_space<semaphore_mem>>) src(%dma_wait3A_167 : memref<10000x128xf32, #tpu.memory_space<hbm>>) dst(%dma_wait3A_162 : memref<32x128xf32, #tpu.memory_space<vmem>>)
      %dma_wait3A_168 = arith.constant 32 : i32
      %dma_wait3A_169 = arith.constant 0 : i32
      %dma_wait3A_170 = tpu.memref_slice %arg14[%dma_wait3A_168, %dma_wait3A_169] : memref<64x128xf32, #tpu.memory_space<vmem>> -> memref<32x128xf32, #tpu.memory_space<vmem>>
      %dma_wait3A_171 = arith.constant 0 : i32
      %dma_wait3A_172 = tpu.memref_slice %arg9[%dma_wait3A_171] : memref<10048xi32, #tpu.memory_space<vmem>> -> memref<32xi32, #tpu.memory_space<vmem>>
      %dma_wait3A_173 = arith.constant 0 : i32
      %dma_wait3A_174 = arith.constant 0 : i32
      %dma_wait3A_175 = tpu.memref_slice %arg2[%dma_wait3A_173, %dma_wait3A_174] : memref<10000x128xf32, #tpu.memory_space<hbm>> -> memref<10000x128xf32, #tpu.memory_space<hbm>>
      tpu.wait_indirect_dma semaphore(%arg22 : memref<!tpu.dma_semaphore, #tpu.memory_space<semaphore_mem>>) src(%dma_wait3A_175 : memref<10000x128xf32, #tpu.memory_space<hbm>>) dst(%dma_wait3A_170 : memref<32x128xf32, #tpu.memory_space<vmem>>)
      %dma_wait3A_176 = arith.constant 0 : i32
      %dma_wait3A_177 = tpu.memref_slice %arg5[%dma_wait3A_176] : memref<321536xi32, #tpu.memory_space<hbm>> -> memref<32xi32, #tpu.memory_space<hbm>>
      %dma_wait3A_178 = arith.constant 0 : i32
      %dma_wait3A_179 = tpu.memref_slice %arg5[%dma_wait3A_178] : memref<321536xi32, #tpu.memory_space<hbm>> -> memref<32xi32, #tpu.memory_space<hbm>>
      tpu.wait_dma2 semaphore(%arg24 : memref<!tpu.dma_semaphore, #tpu.memory_space<semaphore_mem>>) src(%dma_wait3A_179 : memref<32xi32, #tpu.memory_space<hbm>>) dst(%arg10 : memref<32xi32, #tpu.memory_space<vmem>>)
      %dma_wait3A_180 = arith.constant 0 : i32
      %dma_wait3A_181 = tpu.memref_slice %arg5[%dma_wait3A_180] : memref<321536xi32, #tpu.memory_space<hbm>> -> memref<32xi32, #tpu.memory_space<hbm>>
      %dma_wait3A_182 = arith.constant 0 : i32
      %dma_wait3A_183 = tpu.memref_slice %arg5[%dma_wait3A_182] : memref<321536xi32, #tpu.memory_space<hbm>> -> memref<32xi32, #tpu.memory_space<hbm>>
      tpu.wait_dma2 semaphore(%arg26 : memref<!tpu.dma_semaphore, #tpu.memory_space<semaphore_mem>>) src(%dma_wait3A_183 : memref<32xi32, #tpu.memory_space<hbm>>) dst(%arg12 : memref<32xi32, #tpu.memory_space<vmem>>)
      %parallel_loop3A_184 = arith.constant 0 : i32
      %parallel_loop3A_185 = arith.constant 8 : i32
      %parallel_loop3A_186 = arith.constant 1 : i32
      scf.for %parallel_loop3A_261 = %parallel_loop3A_184 to %parallel_loop3A_185 step %parallel_loop3A_186  : i32 {
        %parallel_loop3A_262 = arith.constant 8 : i32
        %parallel_loop3A_263 = arith.muli %parallel_loop3A_261, %parallel_loop3A_262 : i32
        %parallel_loop3A_264 = arith.constant 0 : i32
        %parallel_loop3A_265 = arith.addi %parallel_loop3A_263, %parallel_loop3A_264 : i32
        %parallel_loop3A_266 = arith.index_cast %parallel_loop3A_265 : i32 to index
        %parallel_loop3A_267 = arith.constant 0 : index
        %parallel_loop3A_268 = tpu.vector_load %arg14[%parallel_loop3A_266, %parallel_loop3A_267] {strides = array<i32>} : memref<64x128xf32, #tpu.memory_space<vmem>>, vector<1x16xf32>,
        %parallel_loop3A_269 = vector.shape_cast %parallel_loop3A_268 : vector<1x16xf32> to vector<16xf32>
        %parallel_loop3A_270 = arith.index_cast %parallel_loop3A_261 : i32 to index
        %parallel_loop3A_271 = arith.constant 0 : index
        %parallel_loop3A_272 = tpu.vector_load %arg16[%parallel_loop3A_270, %parallel_loop3A_271] {strides = array<i32>} : memref<8x512xf32, #tpu.memory_space<vmem>>, vector<1x16xf32>,
        %parallel_loop3A_273 = vector.shape_cast %parallel_loop3A_272 : vector<1x16xf32> to vector<16xf32>
        %parallel_loop3A_274 = arith.addf %parallel_loop3A_269, %parallel_loop3A_273 : vector<16xf32>
        %parallel_loop3A_275 = arith.constant 0.000000e+00 : f32
        %parallel_loop3A_276 = vector.broadcast %parallel_loop3A_275 : f32 to vector<16xf32>
        %parallel_loop3A_277 = arith.maximumf %parallel_loop3A_274, %parallel_loop3A_276 : vector<16xf32>
        %parallel_loop3A_278 = arith.index_cast %parallel_loop3A_265 : i32 to index
        %parallel_loop3A_279 = arith.constant 0 : index
        %parallel_loop3A_280 = tpu.vector_load %arg14[%parallel_loop3A_278, %parallel_loop3A_279] {strides = array<i32>} : memref<64x128xf32, #tpu.memory_space<vmem>>, vector<1x16xf32>,
        %parallel_loop3A_281 = vector.shape_cast %parallel_loop3A_280 : vector<1x16xf32> to vector<16xf32>
        %parallel_loop3A_282 = vector.shape_cast %parallel_loop3A_277 : vector<16xf32> to vector<1x16xf32>
        tpu.vector_store %arg14[%parallel_loop3A_278, %parallel_loop3A_279], %parallel_loop3A_282 {strides = array<i32>} : memref<64x128xf32, #tpu.memory_space<vmem>>, vector<1x16xf32>,
        %parallel_loop3A_283 = arith.constant 8 : i32
        %parallel_loop3A_284 = arith.muli %parallel_loop3A_261, %parallel_loop3A_283 : i32
        %parallel_loop3A_285 = arith.constant 0 : i32
        %parallel_loop3A_286 = arith.addi %parallel_loop3A_284, %parallel_loop3A_285 : i32
        %parallel_loop3A_287 = arith.index_cast %parallel_loop3A_286 : i32 to index
        %parallel_loop3A_288 = arith.constant 16 : index
        %parallel_loop3A_289 = tpu.vector_load %arg14[%parallel_loop3A_287, %parallel_loop3A_288] {strides = array<i32>} : memref<64x128xf32, #tpu.memory_space<vmem>>, vector<1x16xf32>,
        %parallel_loop3A_290 = vector.shape_cast %parallel_loop3A_289 : vector<1x16xf32> to vector<16xf32>
        %parallel_loop3A_291 = arith.index_cast %parallel_loop3A_261 : i32 to index
        %parallel_loop3A_292 = arith.constant 16 : index
        %parallel_loop3A_293 = tpu.vector_load %arg16[%parallel_loop3A_291, %parallel_loop3A_292] {strides = array<i32>} : memref<8x512xf32, #tpu.memory_space<vmem>>, vector<1x16xf32>,
        %parallel_loop3A_294 = vector.shape_cast %parallel_loop3A_293 : vector<1x16xf32> to vector<16xf32>
        %parallel_loop3A_295 = arith.addf %parallel_loop3A_290, %parallel_loop3A_294 : vector<16xf32>
        %parallel_loop3A_296 = arith.constant 0.000000e+00 : f32
        %parallel_loop3A_297 = vector.broadcast %parallel_loop3A_296 : f32 to vector<16xf32>
        %parallel_loop3A_298 = arith.maximumf %parallel_loop3A_295, %parallel_loop3A_297 : vector<16xf32>
        %parallel_loop3A_299 = arith.index_cast %parallel_loop3A_286 : i32 to index
        %parallel_loop3A_300 = arith.constant 16 : index
        %parallel_loop3A_301 = tpu.vector_load %arg14[%parallel_loop3A_299, %parallel_loop3A_300] {strides = array<i32>} : memref<64x128xf32, #tpu.memory_space<vmem>>, vector<1x16xf32>,
        %parallel_loop3A_302 = vector.shape_cast %parallel_loop3A_301 : vector<1x16xf32> to vector<16xf32>
        %parallel_loop3A_303 = vector.shape_cast %parallel_loop3A_298 : vector<16xf32> to vector<1x16xf32>
        tpu.vector_store %arg14[%parallel_loop3A_299, %parallel_loop3A_300], %parallel_loop3A_303 {strides = array<i32>} : memref<64x128xf32, #tpu.memory_space<vmem>>, vector<1x16xf32>,
        %parallel_loop3A_304 = arith.constant 8 : i32
        %parallel_loop3A_305 = arith.muli %parallel_loop3A_261, %parallel_loop3A_304 : i32
        %parallel_loop3A_306 = arith.constant 0 : i32
        %parallel_loop3A_307 = arith.addi %parallel_loop3A_305, %parallel_loop3A_306 : i32
        %parallel_loop3A_308 = arith.index_cast %parallel_loop3A_307 : i32 to index
        %parallel_loop3A_309 = arith.constant 32 : index
        %parallel_loop3A_310 = tpu.vector_load %arg14[%parallel_loop3A_308, %parallel_loop3A_309] {strides = array<i32>} : memref<64x128xf32, #tpu.memory_space<vmem>>, vector<1x16xf32>,
        %parallel_loop3A_311 = vector.shape_cast %parallel_loop3A_310 : vector<1x16xf32> to vector<16xf32>
        %parallel_loop3A_312 = arith.index_cast %parallel_loop3A_261 : i32 to index
        %parallel_loop3A_313 = arith.constant 32 : index
        %parallel_loop3A_314 = tpu.vector_load %arg16[%parallel_loop3A_312, %parallel_loop3A_313] {strides = array<i32>} : memref<8x512xf32, #tpu.memory_space<vmem>>, vector<1x16xf32>,
        %parallel_loop3A_315 = vector.shape_cast %parallel_loop3A_314 : vector<1x16xf32> to vector<16xf32>
        %parallel_loop3A_316 = arith.addf %parallel_loop3A_311, %parallel_loop3A_315 : vector<16xf32>
        %parallel_loop3A_317 = arith.constant 0.000000e+00 : f32
        %parallel_loop3A_318 = vector.broadcast %parallel_loop3A_317 : f32 to vector<16xf32>
        %parallel_loop3A_319 = arith.maximumf %parallel_loop3A_316, %parallel_loop3A_318 : vector<16xf32>
        %parallel_loop3A_320 = arith.index_cast %parallel_loop3A_307 : i32 to index
        %parallel_loop3A_321 = arith.constant 32 : index
        %parallel_loop3A_322 = tpu.vector_load %arg14[%parallel_loop3A_320, %parallel_loop3A_321] {strides = array<i32>} : memref<64x128xf32, #tpu.memory_space<vmem>>, vector<1x16xf32>,
        %parallel_loop3A_323 = vector.shape_cast %parallel_loop3A_322 : vector<1x16xf32> to vector<16xf32>
        %parallel_loop3A_324 = vector.shape_cast %parallel_loop3A_319 : vector<16xf32> to vector<1x16xf32>
        tpu.vector_store %arg14[%parallel_loop3A_320, %parallel_loop3A_321], %parallel_loop3A_324 {strides = array<i32>} : memref<64x128xf32, #tpu.memory_space<vmem>>, vector<1x16xf32>,
        %parallel_loop3A_325 = arith.constant 8 : i32
        %parallel_loop3A_326 = arith.muli %parallel_loop3A_261, %parallel_loop3A_325 : i32
        %parallel_loop3A_327 = arith.constant 0 : i32
        %parallel_loop3A_328 = arith.addi %parallel_loop3A_326, %parallel_loop3A_327 : i32
        %parallel_loop3A_329 = arith.index_cast %parallel_loop3A_328 : i32 to index
        %parallel_loop3A_330 = arith.constant 48 : index
        %parallel_loop3A_331 = tpu.vector_load %arg14[%parallel_loop3A_329, %parallel_loop3A_330] {strides = array<i32>} : memref<64x128xf32, #tpu.memory_space<vmem>>, vector<1x16xf32>,
        %parallel_loop3A_332 = vector.shape_cast %parallel_loop3A_331 : vector<1x16xf32> to vector<16xf32>
        %parallel_loop3A_333 = arith.index_cast %parallel_loop3A_261 : i32 to index
        %parallel_loop3A_334 = arith.constant 48 : index
        %parallel_loop3A_335 = tpu.vector_load %arg16[%parallel_loop3A_333, %parallel_loop3A_334] {strides = array<i32>} : memref<8x512xf32, #tpu.memory_space<vmem>>, vector<1x16xf32>,
        %parallel_loop3A_336 = vector.shape_cast %parallel_loop3A_335 : vector<1x16xf32> to vector<16xf32>
        %parallel_loop3A_337 = arith.addf %parallel_loop3A_332, %parallel_loop3A_336 : vector<16xf32>
        %parallel_loop3A_338 = arith.constant 0.000000e+00 : f32
        %parallel_loop3A_339 = vector.broadcast %parallel_loop3A_338 : f32 to vector<16xf32>
        %parallel_loop3A_340 = arith.maximumf %parallel_loop3A_337, %parallel_loop3A_339 : vector<16xf32>
        %parallel_loop3A_341 = arith.index_cast %parallel_loop3A_328 : i32 to index
        %parallel_loop3A_342 = arith.constant 48 : index
        %parallel_loop3A_343 = tpu.vector_load %arg14[%parallel_loop3A_341, %parallel_loop3A_342] {strides = array<i32>} : memref<64x128xf32, #tpu.memory_space<vmem>>, vector<1x16xf32>,
        %parallel_loop3A_344 = vector.shape_cast %parallel_loop3A_343 : vector<1x16xf32> to vector<16xf32>
        %parallel_loop3A_345 = vector.shape_cast %parallel_loop3A_340 : vector<16xf32> to vector<1x16xf32>
        tpu.vector_store %arg14[%parallel_loop3A_341, %parallel_loop3A_342], %parallel_loop3A_345 {strides = array<i32>} : memref<64x128xf32, #tpu.memory_space<vmem>>, vector<1x16xf32>,
        %parallel_loop3A_346 = arith.constant 8 : i32
        %parallel_loop3A_347 = arith.muli %parallel_loop3A_261, %parallel_loop3A_346 : i32
        %parallel_loop3A_348 = arith.constant 1 : i32
        %parallel_loop3A_349 = arith.addi %parallel_loop3A_347, %parallel_loop3A_348 : i32
        %parallel_loop3A_350 = arith.index_cast %parallel_loop3A_349 : i32 to index
        %parallel_loop3A_351 = arith.constant 0 : index
        %parallel_loop3A_352 = tpu.vector_load %arg14[%parallel_loop3A_350, %parallel_loop3A_351] {strides = array<i32>} : memref<64x128xf32, #tpu.memory_space<vmem>>, vector<1x16xf32>,
        %parallel_loop3A_353 = vector.shape_cast %parallel_loop3A_352 : vector<1x16xf32> to vector<16xf32>
        %parallel_loop3A_354 = arith.index_cast %parallel_loop3A_261 : i32 to index
        %parallel_loop3A_355 = arith.constant 64 : index
        %parallel_loop3A_356 = tpu.vector_load %arg16[%parallel_loop3A_354, %parallel_loop3A_355] {strides = array<i32>} : memref<8x512xf32, #tpu.memory_space<vmem>>, vector<1x16xf32>,
        %parallel_loop3A_357 = vector.shape_cast %parallel_loop3A_356 : vector<1x16xf32> to vector<16xf32>
        %parallel_loop3A_358 = arith.addf %parallel_loop3A_353, %parallel_loop3A_357 : vector<16xf32>
        %parallel_loop3A_359 = arith.constant 0.000000e+00 : f32
        %parallel_loop3A_360 = vector.broadcast %parallel_loop3A_359 : f32 to vector<16xf32>
        %parallel_loop3A_361 = arith.maximumf %parallel_loop3A_358, %parallel_loop3A_360 : vector<16xf32>
        %parallel_loop3A_362 = arith.index_cast %parallel_loop3A_349 : i32 to index
        %parallel_loop3A_363 = arith.constant 0 : index
        %parallel_loop3A_364 = tpu.vector_load %arg14[%parallel_loop3A_362, %parallel_loop3A_363] {strides = array<i32>} : memref<64x128xf32, #tpu.memory_space<vmem>>, vector<1x16xf32>,
        %parallel_loop3A_365 = vector.shape_cast %parallel_loop3A_364 : vector<1x16xf32> to vector<16xf32>
        %parallel_loop3A_366 = vector.shape_cast %parallel_loop3A_361 : vector<16xf32> to vector<1x16xf32>
        tpu.vector_store %arg14[%parallel_loop3A_362, %parallel_loop3A_363], %parallel_loop3A_366 {strides = array<i32>} : memref<64x128xf32, #tpu.memory_space<vmem>>, vector<1x16xf32>,
        %parallel_loop3A_367 = arith.constant 8 : i32
        %parallel_loop3A_368 = arith.muli %parallel_loop3A_261, %parallel_loop3A_367 : i32
        %parallel_loop3A_369 = arith.constant 1 : i32
        %parallel_loop3A_370 = arith.addi %parallel_loop3A_368, %parallel_loop3A_369 : i32
        %parallel_loop3A_371 = arith.index_cast %parallel_loop3A_370 : i32 to index
        %parallel_loop3A_372 = arith.constant 16 : index
        %parallel_loop3A_373 = tpu.vector_load %arg14[%parallel_loop3A_371, %parallel_loop3A_372] {strides = array<i32>} : memref<64x128xf32, #tpu.memory_space<vmem>>, vector<1x16xf32>,
        %parallel_loop3A_374 = vector.shape_cast %parallel_loop3A_373 : vector<1x16xf32> to vector<16xf32>
        %parallel_loop3A_375 = arith.index_cast %parallel_loop3A_261 : i32 to index
        %parallel_loop3A_376 = arith.constant 80 : index
        %parallel_loop3A_377 = tpu.vector_load %arg16[%parallel_loop3A_375, %parallel_loop3A_376] {strides = array<i32>} : memref<8x512xf32, #tpu.memory_space<vmem>>, vector<1x16xf32>,
        %parallel_loop3A_378 = vector.shape_cast %parallel_loop3A_377 : vector<1x16xf32> to vector<16xf32>
        %parallel_loop3A_379 = arith.addf %parallel_loop3A_374, %parallel_loop3A_378 : vector<16xf32>
        %parallel_loop3A_380 = arith.constant 0.000000e+00 : f32
        %parallel_loop3A_381 = vector.broadcast %parallel_loop3A_380 : f32 to vector<16xf32>
        %parallel_loop3A_382 = arith.maximumf %parallel_loop3A_379, %parallel_loop3A_381 : vector<16xf32>
        %parallel_loop3A_383 = arith.index_cast %parallel_loop3A_370 : i32 to index
        %parallel_loop3A_384 = arith.constant 16 : index
        %parallel_loop3A_385 = tpu.vector_load %arg14[%parallel_loop3A_383, %parallel_loop3A_384] {strides = array<i32>} : memref<64x128xf32, #tpu.memory_space<vmem>>, vector<1x16xf32>,
        %parallel_loop3A_386 = vector.shape_cast %parallel_loop3A_385 : vector<1x16xf32> to vector<16xf32>
        %parallel_loop3A_387 = vector.shape_cast %parallel_loop3A_382 : vector<16xf32> to vector<1x16xf32>
        tpu.vector_store %arg14[%parallel_loop3A_383, %parallel_loop3A_384], %parallel_loop3A_387 {strides = array<i32>} : memref<64x128xf32, #tpu.memory_space<vmem>>, vector<1x16xf32>,
        %parallel_loop3A_388 = arith.constant 8 : i32
        %parallel_loop3A_389 = arith.muli %parallel_loop3A_261, %parallel_loop3A_388 : i32
        %parallel_loop3A_390 = arith.constant 1 : i32
        %parallel_loop3A_391 = arith.addi %parallel_loop3A_389, %parallel_loop3A_390 : i32
        %parallel_loop3A_392 = arith.index_cast %parallel_loop3A_391 : i32 to index
        %parallel_loop3A_393 = arith.constant 32 : index
        %parallel_loop3A_394 = tpu.vector_load %arg14[%parallel_loop3A_392, %parallel_loop3A_393] {strides = array<i32>} : memref<64x128xf32, #tpu.memory_space<vmem>>, vector<1x16xf32>,
        %parallel_loop3A_395 = vector.shape_cast %parallel_loop3A_394 : vector<1x16xf32> to vector<16xf32>
        %parallel_loop3A_396 = arith.index_cast %parallel_loop3A_261 : i32 to index
        %parallel_loop3A_397 = arith.constant 96 : index
        %parallel_loop3A_398 = tpu.vector_load %arg16[%parallel_loop3A_396, %parallel_loop3A_397] {strides = array<i32>} : memref<8x512xf32, #tpu.memory_space<vmem>>, vector<1x16xf32>,
        %parallel_loop3A_399 = vector.shape_cast %parallel_loop3A_398 : vector<1x16xf32> to vector<16xf32>
        %parallel_loop3A_400 = arith.addf %parallel_loop3A_395, %parallel_loop3A_399 : vector<16xf32>
        %parallel_loop3A_401 = arith.constant 0.000000e+00 : f32
        %parallel_loop3A_402 = vector.broadcast %parallel_loop3A_401 : f32 to vector<16xf32>
        %parallel_loop3A_403 = arith.maximumf %parallel_loop3A_400, %parallel_loop3A_402 : vector<16xf32>
        %parallel_loop3A_404 = arith.index_cast %parallel_loop3A_391 : i32 to index
        %parallel_loop3A_405 = arith.constant 32 : index
        %parallel_loop3A_406 = tpu.vector_load %arg14[%parallel_loop3A_404, %parallel_loop3A_405] {strides = array<i32>} : memref<64x128xf32, #tpu.memory_space<vmem>>, vector<1x16xf32>,
        %parallel_loop3A_407 = vector.shape_cast %parallel_loop3A_406 : vector<1x16xf32> to vector<16xf32>
        %parallel_loop3A_408 = vector.shape_cast %parallel_loop3A_403 : vector<16xf32> to vector<1x16xf32>
        tpu.vector_store %arg14[%parallel_loop3A_404, %parallel_loop3A_405], %parallel_loop3A_408 {strides = array<i32>} : memref<64x128xf32, #tpu.memory_space<vmem>>, vector<1x16xf32>,
        %parallel_loop3A_409 = arith.constant 8 : i32
        %parallel_loop3A_410 = arith.muli %parallel_loop3A_261, %parallel_loop3A_409 : i32
        %parallel_loop3A_411 = arith.constant 1 : i32
        %parallel_loop3A_412 = arith.addi %parallel_loop3A_410, %parallel_loop3A_411 : i32
        %parallel_loop3A_413 = arith.index_cast %parallel_loop3A_412 : i32 to index
        %parallel_loop3A_414 = arith.constant 48 : index
        %parallel_loop3A_415 = tpu.vector_load %arg14[%parallel_loop3A_413, %parallel_loop3A_414] {strides = array<i32>} : memref<64x128xf32, #tpu.memory_space<vmem>>, vector<1x16xf32>,
        %parallel_loop3A_416 = vector.shape_cast %parallel_loop3A_415 : vector<1x16xf32> to vector<16xf32>
        %parallel_loop3A_417 = arith.index_cast %parallel_loop3A_261 : i32 to index
        %parallel_loop3A_418 = arith.constant 112 : index
        %parallel_loop3A_419 = tpu.vector_load %arg16[%parallel_loop3A_417, %parallel_loop3A_418] {strides = array<i32>} : memref<8x512xf32, #tpu.memory_space<vmem>>, vector<1x16xf32>,
        %parallel_loop3A_420 = vector.shape_cast %parallel_loop3A_419 : vector<1x16xf32> to vector<16xf32>
        %parallel_loop3A_421 = arith.addf %parallel_loop3A_416, %parallel_loop3A_420 : vector<16xf32>
        %parallel_loop3A_422 = arith.constant 0.000000e+00 : f32
        %parallel_loop3A_423 = vector.broadcast %parallel_loop3A_422 : f32 to vector<16xf32>
        %parallel_loop3A_424 = arith.maximumf %parallel_loop3A_421, %parallel_loop3A_423 : vector<16xf32>
        %parallel_loop3A_425 = arith.index_cast %parallel_loop3A_412 : i32 to index
        %parallel_loop3A_426 = arith.constant 48 : index
        %parallel_loop3A_427 = tpu.vector_load %arg14[%parallel_loop3A_425, %parallel_loop3A_426] {strides = array<i32>} : memref<64x128xf32, #tpu.memory_space<vmem>>, vector<1x16xf32>,
        %parallel_loop3A_428 = vector.shape_cast %parallel_loop3A_427 : vector<1x16xf32> to vector<16xf32>
        %parallel_loop3A_429 = vector.shape_cast %parallel_loop3A_424 : vector<16xf32> to vector<1x16xf32>
        tpu.vector_store %arg14[%parallel_loop3A_425, %parallel_loop3A_426], %parallel_loop3A_429 {strides = array<i32>} : memref<64x128xf32, #tpu.memory_space<vmem>>, vector<1x16xf32>,
        %parallel_loop3A_430 = arith.constant 8 : i32
        %parallel_loop3A_431 = arith.muli %parallel_loop3A_261, %parallel_loop3A_430 : i32
        %parallel_loop3A_432 = arith.constant 2 : i32
        %parallel_loop3A_433 = arith.addi %parallel_loop3A_431, %parallel_loop3A_432 : i32
        %parallel_loop3A_434 = arith.index_cast %parallel_loop3A_433 : i32 to index
        %parallel_loop3A_435 = arith.constant 0 : index
        %parallel_loop3A_436 = tpu.vector_load %arg14[%parallel_loop3A_434, %parallel_loop3A_435] {strides = array<i32>} : memref<64x128xf32, #tpu.memory_space<vmem>>, vector<1x16xf32>,
        %parallel_loop3A_437 = vector.shape_cast %parallel_loop3A_436 : vector<1x16xf32> to vector<16xf32>
        %parallel_loop3A_438 = arith.index_cast %parallel_loop3A_261 : i32 to index
        %parallel_loop3A_439 = arith.constant 128 : index
        %parallel_loop3A_440 = tpu.vector_load %arg16[%parallel_loop3A_438, %parallel_loop3A_439] {strides = array<i32>} : memref<8x512xf32, #tpu.memory_space<vmem>>, vector<1x16xf32>,
        %parallel_loop3A_441 = vector.shape_cast %parallel_loop3A_440 : vector<1x16xf32> to vector<16xf32>
        %parallel_loop3A_442 = arith.addf %parallel_loop3A_437, %parallel_loop3A_441 : vector<16xf32>
        %parallel_loop3A_443 = arith.constant 0.000000e+00 : f32
        %parallel_loop3A_444 = vector.broadcast %parallel_loop3A_443 : f32 to vector<16xf32>
        %parallel_loop3A_445 = arith.maximumf %parallel_loop3A_442, %parallel_loop3A_444 : vector<16xf32>
        %parallel_loop3A_446 = arith.index_cast %parallel_loop3A_433 : i32 to index
        %parallel_loop3A_447 = arith.constant 0 : index
        %parallel_loop3A_448 = tpu.vector_load %arg14[%parallel_loop3A_446, %parallel_loop3A_447] {strides = array<i32>} : memref<64x128xf32, #tpu.memory_space<vmem>>, vector<1x16xf32>,
        %parallel_loop3A_449 = vector.shape_cast %parallel_loop3A_448 : vector<1x16xf32> to vector<16xf32>
        %parallel_loop3A_450 = vector.shape_cast %parallel_loop3A_445 : vector<16xf32> to vector<1x16xf32>
        tpu.vector_store %arg14[%parallel_loop3A_446, %parallel_loop3A_447], %parallel_loop3A_450 {strides = array<i32>} : memref<64x128xf32, #tpu.memory_space<vmem>>, vector<1x16xf32>,
        %parallel_loop3A_451 = arith.constant 8 : i32
        %parallel_loop3A_452 = arith.muli %parallel_loop3A_261, %parallel_loop3A_451 : i32
        %parallel_loop3A_453 = arith.constant 2 : i32
        %parallel_loop3A_454 = arith.addi %parallel_loop3A_452, %parallel_loop3A_453 : i32
        %parallel_loop3A_455 = arith.index_cast %parallel_loop3A_454 : i32 to index
        %parallel_loop3A_456 = arith.constant 16 : index
        %parallel_loop3A_457 = tpu.vector_load %arg14[%parallel_loop3A_455, %parallel_loop3A_456] {strides = array<i32>} : memref<64x128xf32, #tpu.memory_space<vmem>>, vector<1x16xf32>,
        %parallel_loop3A_458 = vector.shape_cast %parallel_loop3A_457 : vector<1x16xf32> to vector<16xf32>
        %parallel_loop3A_459 = arith.index_cast %parallel_loop3A_261 : i32 to index
        %parallel_loop3A_460 = arith.constant 144 : index
        %parallel_loop3A_461 = tpu.vector_load %arg16[%parallel_loop3A_459, %parallel_loop3A_460] {strides = array<i32>} : memref<8x512xf32, #tpu.memory_space<vmem>>, vector<1x16xf32>,
        %parallel_loop3A_462 = vector.shape_cast %parallel_loop3A_461 : vector<1x16xf32> to vector<16xf32>
        %parallel_loop3A_463 = arith.addf %parallel_loop3A_458, %parallel_loop3A_462 : vector<16xf32>
        %parallel_loop3A_464 = arith.constant 0.000000e+00 : f32
        %parallel_loop3A_465 = vector.broadcast %parallel_loop3A_464 : f32 to vector<16xf32>
        %parallel_loop3A_466 = arith.maximumf %parallel_loop3A_463, %parallel_loop3A_465 : vector<16xf32>
        %parallel_loop3A_467 = arith.index_cast %parallel_loop3A_454 : i32 to index
        %parallel_loop3A_468 = arith.constant 16 : index
        %parallel_loop3A_469 = tpu.vector_load %arg14[%parallel_loop3A_467, %parallel_loop3A_468] {strides = array<i32>} : memref<64x128xf32, #tpu.memory_space<vmem>>, vector<1x16xf32>,
        %parallel_loop3A_470 = vector.shape_cast %parallel_loop3A_469 : vector<1x16xf32> to vector<16xf32>
        %parallel_loop3A_471 = vector.shape_cast %parallel_loop3A_466 : vector<16xf32> to vector<1x16xf32>
        tpu.vector_store %arg14[%parallel_loop3A_467, %parallel_loop3A_468], %parallel_loop3A_471 {strides = array<i32>} : memref<64x128xf32, #tpu.memory_space<vmem>>, vector<1x16xf32>,
        %parallel_loop3A_472 = arith.constant 8 : i32
        %parallel_loop3A_473 = arith.muli %parallel_loop3A_261, %parallel_loop3A_472 : i32
        %parallel_loop3A_474 = arith.constant 2 : i32
        %parallel_loop3A_475 = arith.addi %parallel_loop3A_473, %parallel_loop3A_474 : i32
        %parallel_loop3A_476 = arith.index_cast %parallel_loop3A_475 : i32 to index
        %parallel_loop3A_477 = arith.constant 32 : index
        %parallel_loop3A_478 = tpu.vector_load %arg14[%parallel_loop3A_476, %parallel_loop3A_477] {strides = array<i32>} : memref<64x128xf32, #tpu.memory_space<vmem>>, vector<1x16xf32>,
        %parallel_loop3A_479 = vector.shape_cast %parallel_loop3A_478 : vector<1x16xf32> to vector<16xf32>
        %parallel_loop3A_480 = arith.index_cast %parallel_loop3A_261 : i32 to index
        %parallel_loop3A_481 = arith.constant 160 : index
        %parallel_loop3A_482 = tpu.vector_load %arg16[%parallel_loop3A_480, %parallel_loop3A_481] {strides = array<i32>} : memref<8x512xf32, #tpu.memory_space<vmem>>, vector<1x16xf32>,
        %parallel_loop3A_483 = vector.shape_cast %parallel_loop3A_482 : vector<1x16xf32> to vector<16xf32>
        %parallel_loop3A_484 = arith.addf %parallel_loop3A_479, %parallel_loop3A_483 : vector<16xf32>
        %parallel_loop3A_485 = arith.constant 0.000000e+00 : f32
        %parallel_loop3A_486 = vector.broadcast %parallel_loop3A_485 : f32 to vector<16xf32>
        %parallel_loop3A_487 = arith.maximumf %parallel_loop3A_484, %parallel_loop3A_486 : vector<16xf32>
        %parallel_loop3A_488 = arith.index_cast %parallel_loop3A_475 : i32 to index
        %parallel_loop3A_489 = arith.constant 32 : index
        %parallel_loop3A_490 = tpu.vector_load %arg14[%parallel_loop3A_488, %parallel_loop3A_489] {strides = array<i32>} : memref<64x128xf32, #tpu.memory_space<vmem>>, vector<1x16xf32>,
        %parallel_loop3A_491 = vector.shape_cast %parallel_loop3A_490 : vector<1x16xf32> to vector<16xf32>
        %parallel_loop3A_492 = vector.shape_cast %parallel_loop3A_487 : vector<16xf32> to vector<1x16xf32>
        tpu.vector_store %arg14[%parallel_loop3A_488, %parallel_loop3A_489], %parallel_loop3A_492 {strides = array<i32>} : memref<64x128xf32, #tpu.memory_space<vmem>>, vector<1x16xf32>,
        %parallel_loop3A_493 = arith.constant 8 : i32
        %parallel_loop3A_494 = arith.muli %parallel_loop3A_261, %parallel_loop3A_493 : i32
        %parallel_loop3A_495 = arith.constant 2 : i32
        %parallel_loop3A_496 = arith.addi %parallel_loop3A_494, %parallel_loop3A_495 : i32
        %parallel_loop3A_497 = arith.index_cast %parallel_loop3A_496 : i32 to index
        %parallel_loop3A_498 = arith.constant 48 : index
        %parallel_loop3A_499 = tpu.vector_load %arg14[%parallel_loop3A_497, %parallel_loop3A_498] {strides = array<i32>} : memref<64x128xf32, #tpu.memory_space<vmem>>, vector<1x16xf32>,
        %parallel_loop3A_500 = vector.shape_cast %parallel_loop3A_499 : vector<1x16xf32> to vector<16xf32>
        %parallel_loop3A_501 = arith.index_cast %parallel_loop3A_261 : i32 to index
        %parallel_loop3A_502 = arith.constant 176 : index
        %parallel_loop3A_503 = tpu.vector_load %arg16[%parallel_loop3A_501, %parallel_loop3A_502] {strides = array<i32>} : memref<8x512xf32, #tpu.memory_space<vmem>>, vector<1x16xf32>,
        %parallel_loop3A_504 = vector.shape_cast %parallel_loop3A_503 : vector<1x16xf32> to vector<16xf32>
        %parallel_loop3A_505 = arith.addf %parallel_loop3A_500, %parallel_loop3A_504 : vector<16xf32>
        %parallel_loop3A_506 = arith.constant 0.000000e+00 : f32
        %parallel_loop3A_507 = vector.broadcast %parallel_loop3A_506 : f32 to vector<16xf32>
        %parallel_loop3A_508 = arith.maximumf %parallel_loop3A_505, %parallel_loop3A_507 : vector<16xf32>
        %parallel_loop3A_509 = arith.index_cast %parallel_loop3A_496 : i32 to index
        %parallel_loop3A_510 = arith.constant 48 : index
        %parallel_loop3A_511 = tpu.vector_load %arg14[%parallel_loop3A_509, %parallel_loop3A_510] {strides = array<i32>} : memref<64x128xf32, #tpu.memory_space<vmem>>, vector<1x16xf32>,
        %parallel_loop3A_512 = vector.shape_cast %parallel_loop3A_511 : vector<1x16xf32> to vector<16xf32>
        %parallel_loop3A_513 = vector.shape_cast %parallel_loop3A_508 : vector<16xf32> to vector<1x16xf32>
        tpu.vector_store %arg14[%parallel_loop3A_509, %parallel_loop3A_510], %parallel_loop3A_513 {strides = array<i32>} : memref<64x128xf32, #tpu.memory_space<vmem>>, vector<1x16xf32>,
        %parallel_loop3A_514 = arith.constant 8 : i32
        %parallel_loop3A_515 = arith.muli %parallel_loop3A_261, %parallel_loop3A_514 : i32
        %parallel_loop3A_516 = arith.constant 3 : i32
        %parallel_loop3A_517 = arith.addi %parallel_loop3A_515, %parallel_loop3A_516 : i32
        %parallel_loop3A_518 = arith.index_cast %parallel_loop3A_517 : i32 to index
        %parallel_loop3A_519 = arith.constant 0 : index
        %parallel_loop3A_520 = tpu.vector_load %arg14[%parallel_loop3A_518, %parallel_loop3A_519] {strides = array<i32>} : memref<64x128xf32, #tpu.memory_space<vmem>>, vector<1x16xf32>,
        %parallel_loop3A_521 = vector.shape_cast %parallel_loop3A_520 : vector<1x16xf32> to vector<16xf32>
        %parallel_loop3A_522 = arith.index_cast %parallel_loop3A_261 : i32 to index
        %parallel_loop3A_523 = arith.constant 192 : index
        %parallel_loop3A_524 = tpu.vector_load %arg16[%parallel_loop3A_522, %parallel_loop3A_523] {strides = array<i32>} : memref<8x512xf32, #tpu.memory_space<vmem>>, vector<1x16xf32>,
        %parallel_loop3A_525 = vector.shape_cast %parallel_loop3A_524 : vector<1x16xf32> to vector<16xf32>
        %parallel_loop3A_526 = arith.addf %parallel_loop3A_521, %parallel_loop3A_525 : vector<16xf32>
        %parallel_loop3A_527 = arith.constant 0.000000e+00 : f32
        %parallel_loop3A_528 = vector.broadcast %parallel_loop3A_527 : f32 to vector<16xf32>
        %parallel_loop3A_529 = arith.maximumf %parallel_loop3A_526, %parallel_loop3A_528 : vector<16xf32>
        %parallel_loop3A_530 = arith.index_cast %parallel_loop3A_517 : i32 to index
        %parallel_loop3A_531 = arith.constant 0 : index
        %parallel_loop3A_532 = tpu.vector_load %arg14[%parallel_loop3A_530, %parallel_loop3A_531] {strides = array<i32>} : memref<64x128xf32, #tpu.memory_space<vmem>>, vector<1x16xf32>,
        %parallel_loop3A_533 = vector.shape_cast %parallel_loop3A_532 : vector<1x16xf32> to vector<16xf32>
        %parallel_loop3A_534 = vector.shape_cast %parallel_loop3A_529 : vector<16xf32> to vector<1x16xf32>
        tpu.vector_store %arg14[%parallel_loop3A_530, %parallel_loop3A_531], %parallel_loop3A_534 {strides = array<i32>} : memref<64x128xf32, #tpu.memory_space<vmem>>, vector<1x16xf32>,
        %parallel_loop3A_535 = arith.constant 8 : i32
        %parallel_loop3A_536 = arith.muli %parallel_loop3A_261, %parallel_loop3A_535 : i32
        %parallel_loop3A_537 = arith.constant 3 : i32
        %parallel_loop3A_538 = arith.addi %parallel_loop3A_536, %parallel_loop3A_537 : i32
        %parallel_loop3A_539 = arith.index_cast %parallel_loop3A_538 : i32 to index
        %parallel_loop3A_540 = arith.constant 16 : index
        %parallel_loop3A_541 = tpu.vector_load %arg14[%parallel_loop3A_539, %parallel_loop3A_540] {strides = array<i32>} : memref<64x128xf32, #tpu.memory_space<vmem>>, vector<1x16xf32>,
        %parallel_loop3A_542 = vector.shape_cast %parallel_loop3A_541 : vector<1x16xf32> to vector<16xf32>
        %parallel_loop3A_543 = arith.index_cast %parallel_loop3A_261 : i32 to index
        %parallel_loop3A_544 = arith.constant 208 : index
        %parallel_loop3A_545 = tpu.vector_load %arg16[%parallel_loop3A_543, %parallel_loop3A_544] {strides = array<i32>} : memref<8x512xf32, #tpu.memory_space<vmem>>, vector<1x16xf32>,
        %parallel_loop3A_546 = vector.shape_cast %parallel_loop3A_545 : vector<1x16xf32> to vector<16xf32>
        %parallel_loop3A_547 = arith.addf %parallel_loop3A_542, %parallel_loop3A_546 : vector<16xf32>
        %parallel_loop3A_548 = arith.constant 0.000000e+00 : f32
        %parallel_loop3A_549 = vector.broadcast %parallel_loop3A_548 : f32 to vector<16xf32>
        %parallel_loop3A_550 = arith.maximumf %parallel_loop3A_547, %parallel_loop3A_549 : vector<16xf32>
        %parallel_loop3A_551 = arith.index_cast %parallel_loop3A_538 : i32 to index
        %parallel_loop3A_552 = arith.constant 16 : index
        %parallel_loop3A_553 = tpu.vector_load %arg14[%parallel_loop3A_551, %parallel_loop3A_552] {strides = array<i32>} : memref<64x128xf32, #tpu.memory_space<vmem>>, vector<1x16xf32>,
        %parallel_loop3A_554 = vector.shape_cast %parallel_loop3A_553 : vector<1x16xf32> to vector<16xf32>
        %parallel_loop3A_555 = vector.shape_cast %parallel_loop3A_550 : vector<16xf32> to vector<1x16xf32>
        tpu.vector_store %arg14[%parallel_loop3A_551, %parallel_loop3A_552], %parallel_loop3A_555 {strides = array<i32>} : memref<64x128xf32, #tpu.memory_space<vmem>>, vector<1x16xf32>,
        %parallel_loop3A_556 = arith.constant 8 : i32
        %parallel_loop3A_557 = arith.muli %parallel_loop3A_261, %parallel_loop3A_556 : i32
        %parallel_loop3A_558 = arith.constant 3 : i32
        %parallel_loop3A_559 = arith.addi %parallel_loop3A_557, %parallel_loop3A_558 : i32
        %parallel_loop3A_560 = arith.index_cast %parallel_loop3A_559 : i32 to index
        %parallel_loop3A_561 = arith.constant 32 : index
        %parallel_loop3A_562 = tpu.vector_load %arg14[%parallel_loop3A_560, %parallel_loop3A_561] {strides = array<i32>} : memref<64x128xf32, #tpu.memory_space<vmem>>, vector<1x16xf32>,
        %parallel_loop3A_563 = vector.shape_cast %parallel_loop3A_562 : vector<1x16xf32> to vector<16xf32>
        %parallel_loop3A_564 = arith.index_cast %parallel_loop3A_261 : i32 to index
        %parallel_loop3A_565 = arith.constant 224 : index
        %parallel_loop3A_566 = tpu.vector_load %arg16[%parallel_loop3A_564, %parallel_loop3A_565] {strides = array<i32>} : memref<8x512xf32, #tpu.memory_space<vmem>>, vector<1x16xf32>,
        %parallel_loop3A_567 = vector.shape_cast %parallel_loop3A_566 : vector<1x16xf32> to vector<16xf32>
        %parallel_loop3A_568 = arith.addf %parallel_loop3A_563, %parallel_loop3A_567 : vector<16xf32>
        %parallel_loop3A_569 = arith.constant 0.000000e+00 : f32
        %parallel_loop3A_570 = vector.broadcast %parallel_loop3A_569 : f32 to vector<16xf32>
        %parallel_loop3A_571 = arith.maximumf %parallel_loop3A_568, %parallel_loop3A_570 : vector<16xf32>
        %parallel_loop3A_572 = arith.index_cast %parallel_loop3A_559 : i32 to index
        %parallel_loop3A_573 = arith.constant 32 : index
        %parallel_loop3A_574 = tpu.vector_load %arg14[%parallel_loop3A_572, %parallel_loop3A_573] {strides = array<i32>} : memref<64x128xf32, #tpu.memory_space<vmem>>, vector<1x16xf32>,
        %parallel_loop3A_575 = vector.shape_cast %parallel_loop3A_574 : vector<1x16xf32> to vector<16xf32>
        %parallel_loop3A_576 = vector.shape_cast %parallel_loop3A_571 : vector<16xf32> to vector<1x16xf32>
        tpu.vector_store %arg14[%parallel_loop3A_572, %parallel_loop3A_573], %parallel_loop3A_576 {strides = array<i32>} : memref<64x128xf32, #tpu.memory_space<vmem>>, vector<1x16xf32>,
        %parallel_loop3A_577 = arith.constant 8 : i32
        %parallel_loop3A_578 = arith.muli %parallel_loop3A_261, %parallel_loop3A_577 : i32
        %parallel_loop3A_579 = arith.constant 3 : i32
        %parallel_loop3A_580 = arith.addi %parallel_loop3A_578, %parallel_loop3A_579 : i32
        %parallel_loop3A_581 = arith.index_cast %parallel_loop3A_580 : i32 to index
        %parallel_loop3A_582 = arith.constant 48 : index
        %parallel_loop3A_583 = tpu.vector_load %arg14[%parallel_loop3A_581, %parallel_loop3A_582] {strides = array<i32>} : memref<64x128xf32, #tpu.memory_space<vmem>>, vector<1x16xf32>,
        %parallel_loop3A_584 = vector.shape_cast %parallel_loop3A_583 : vector<1x16xf32> to vector<16xf32>
        %parallel_loop3A_585 = arith.index_cast %parallel_loop3A_261 : i32 to index
        %parallel_loop3A_586 = arith.constant 240 : index
        %parallel_loop3A_587 = tpu.vector_load %arg16[%parallel_loop3A_585, %parallel_loop3A_586] {strides = array<i32>} : memref<8x512xf32, #tpu.memory_space<vmem>>, vector<1x16xf32>,
        %parallel_loop3A_588 = vector.shape_cast %parallel_loop3A_587 : vector<1x16xf32> to vector<16xf32>
        %parallel_loop3A_589 = arith.addf %parallel_loop3A_584, %parallel_loop3A_588 : vector<16xf32>
        %parallel_loop3A_590 = arith.constant 0.000000e+00 : f32
        %parallel_loop3A_591 = vector.broadcast %parallel_loop3A_590 : f32 to vector<16xf32>
        %parallel_loop3A_592 = arith.maximumf %parallel_loop3A_589, %parallel_loop3A_591 : vector<16xf32>
        %parallel_loop3A_593 = arith.index_cast %parallel_loop3A_580 : i32 to index
        %parallel_loop3A_594 = arith.constant 48 : index
        %parallel_loop3A_595 = tpu.vector_load %arg14[%parallel_loop3A_593, %parallel_loop3A_594] {strides = array<i32>} : memref<64x128xf32, #tpu.memory_space<vmem>>, vector<1x16xf32>,
        %parallel_loop3A_596 = vector.shape_cast %parallel_loop3A_595 : vector<1x16xf32> to vector<16xf32>
        %parallel_loop3A_597 = vector.shape_cast %parallel_loop3A_592 : vector<16xf32> to vector<1x16xf32>
        tpu.vector_store %arg14[%parallel_loop3A_593, %parallel_loop3A_594], %parallel_loop3A_597 {strides = array<i32>} : memref<64x128xf32, #tpu.memory_space<vmem>>, vector<1x16xf32>,
        %parallel_loop3A_598 = arith.constant 8 : i32
        %parallel_loop3A_599 = arith.muli %parallel_loop3A_261, %parallel_loop3A_598 : i32
        %parallel_loop3A_600 = arith.constant 4 : i32
        %parallel_loop3A_601 = arith.addi %parallel_loop3A_599, %parallel_loop3A_600 : i32
        %parallel_loop3A_602 = arith.index_cast %parallel_loop3A_601 : i32 to index
        %parallel_loop3A_603 = arith.constant 0 : index
        %parallel_loop3A_604 = tpu.vector_load %arg14[%parallel_loop3A_602, %parallel_loop3A_603] {strides = array<i32>} : memref<64x128xf32, #tpu.memory_space<vmem>>, vector<1x16xf32>,
        %parallel_loop3A_605 = vector.shape_cast %parallel_loop3A_604 : vector<1x16xf32> to vector<16xf32>
        %parallel_loop3A_606 = arith.index_cast %parallel_loop3A_261 : i32 to index
        %parallel_loop3A_607 = arith.constant 256 : index
        %parallel_loop3A_608 = tpu.vector_load %arg16[%parallel_loop3A_606, %parallel_loop3A_607] {strides = array<i32>} : memref<8x512xf32, #tpu.memory_space<vmem>>, vector<1x16xf32>,
        %parallel_loop3A_609 = vector.shape_cast %parallel_loop3A_608 : vector<1x16xf32> to vector<16xf32>
        %parallel_loop3A_610 = arith.addf %parallel_loop3A_605, %parallel_loop3A_609 : vector<16xf32>
        %parallel_loop3A_611 = arith.constant 0.000000e+00 : f32
        %parallel_loop3A_612 = vector.broadcast %parallel_loop3A_611 : f32 to vector<16xf32>
        %parallel_loop3A_613 = arith.maximumf %parallel_loop3A_610, %parallel_loop3A_612 : vector<16xf32>
        %parallel_loop3A_614 = arith.index_cast %parallel_loop3A_601 : i32 to index
        %parallel_loop3A_615 = arith.constant 0 : index
        %parallel_loop3A_616 = tpu.vector_load %arg14[%parallel_loop3A_614, %parallel_loop3A_615] {strides = array<i32>} : memref<64x128xf32, #tpu.memory_space<vmem>>, vector<1x16xf32>,
        %parallel_loop3A_617 = vector.shape_cast %parallel_loop3A_616 : vector<1x16xf32> to vector<16xf32>
        %parallel_loop3A_618 = vector.shape_cast %parallel_loop3A_613 : vector<16xf32> to vector<1x16xf32>
        tpu.vector_store %arg14[%parallel_loop3A_614, %parallel_loop3A_615], %parallel_loop3A_618 {strides = array<i32>} : memref<64x128xf32, #tpu.memory_space<vmem>>, vector<1x16xf32>,
        %parallel_loop3A_619 = arith.constant 8 : i32
        %parallel_loop3A_620 = arith.muli %parallel_loop3A_261, %parallel_loop3A_619 : i32
        %parallel_loop3A_621 = arith.constant 4 : i32
        %parallel_loop3A_622 = arith.addi %parallel_loop3A_620, %parallel_loop3A_621 : i32
        %parallel_loop3A_623 = arith.index_cast %parallel_loop3A_622 : i32 to index
        %parallel_loop3A_624 = arith.constant 16 : index
        %parallel_loop3A_625 = tpu.vector_load %arg14[%parallel_loop3A_623, %parallel_loop3A_624] {strides = array<i32>} : memref<64x128xf32, #tpu.memory_space<vmem>>, vector<1x16xf32>,
        %parallel_loop3A_626 = vector.shape_cast %parallel_loop3A_625 : vector<1x16xf32> to vector<16xf32>
        %parallel_loop3A_627 = arith.index_cast %parallel_loop3A_261 : i32 to index
        %parallel_loop3A_628 = arith.constant 272 : index
        %parallel_loop3A_629 = tpu.vector_load %arg16[%parallel_loop3A_627, %parallel_loop3A_628] {strides = array<i32>} : memref<8x512xf32, #tpu.memory_space<vmem>>, vector<1x16xf32>,
        %parallel_loop3A_630 = vector.shape_cast %parallel_loop3A_629 : vector<1x16xf32> to vector<16xf32>
        %parallel_loop3A_631 = arith.addf %parallel_loop3A_626, %parallel_loop3A_630 : vector<16xf32>
        %parallel_loop3A_632 = arith.constant 0.000000e+00 : f32
        %parallel_loop3A_633 = vector.broadcast %parallel_loop3A_632 : f32 to vector<16xf32>
        %parallel_loop3A_634 = arith.maximumf %parallel_loop3A_631, %parallel_loop3A_633 : vector<16xf32>
        %parallel_loop3A_635 = arith.index_cast %parallel_loop3A_622 : i32 to index
        %parallel_loop3A_636 = arith.constant 16 : index
        %parallel_loop3A_637 = tpu.vector_load %arg14[%parallel_loop3A_635, %parallel_loop3A_636] {strides = array<i32>} : memref<64x128xf32, #tpu.memory_space<vmem>>, vector<1x16xf32>,
        %parallel_loop3A_638 = vector.shape_cast %parallel_loop3A_637 : vector<1x16xf32> to vector<16xf32>
        %parallel_loop3A_639 = vector.shape_cast %parallel_loop3A_634 : vector<16xf32> to vector<1x16xf32>
        tpu.vector_store %arg14[%parallel_loop3A_635, %parallel_loop3A_636], %parallel_loop3A_639 {strides = array<i32>} : memref<64x128xf32, #tpu.memory_space<vmem>>, vector<1x16xf32>,
        %parallel_loop3A_640 = arith.constant 8 : i32
        %parallel_loop3A_641 = arith.muli %parallel_loop3A_261, %parallel_loop3A_640 : i32
        %parallel_loop3A_642 = arith.constant 4 : i32
        %parallel_loop3A_643 = arith.addi %parallel_loop3A_641, %parallel_loop3A_642 : i32
        %parallel_loop3A_644 = arith.index_cast %parallel_loop3A_643 : i32 to index
        %parallel_loop3A_645 = arith.constant 32 : index
        %parallel_loop3A_646 = tpu.vector_load %arg14[%parallel_loop3A_644, %parallel_loop3A_645] {strides = array<i32>} : memref<64x128xf32, #tpu.memory_space<vmem>>, vector<1x16xf32>,
        %parallel_loop3A_647 = vector.shape_cast %parallel_loop3A_646 : vector<1x16xf32> to vector<16xf32>
        %parallel_loop3A_648 = arith.index_cast %parallel_loop3A_261 : i32 to index
        %parallel_loop3A_649 = arith.constant 288 : index
        %parallel_loop3A_650 = tpu.vector_load %arg16[%parallel_loop3A_648, %parallel_loop3A_649] {strides = array<i32>} : memref<8x512xf32, #tpu.memory_space<vmem>>, vector<1x16xf32>,
        %parallel_loop3A_651 = vector.shape_cast %parallel_loop3A_650 : vector<1x16xf32> to vector<16xf32>
        %parallel_loop3A_652 = arith.addf %parallel_loop3A_647, %parallel_loop3A_651 : vector<16xf32>
        %parallel_loop3A_653 = arith.constant 0.000000e+00 : f32
        %parallel_loop3A_654 = vector.broadcast %parallel_loop3A_653 : f32 to vector<16xf32>
        %parallel_loop3A_655 = arith.maximumf %parallel_loop3A_652, %parallel_loop3A_654 : vector<16xf32>
        %parallel_loop3A_656 = arith.index_cast %parallel_loop3A_643 : i32 to index
        %parallel_loop3A_657 = arith.constant 32 : index
        %parallel_loop3A_658 = tpu.vector_load %arg14[%parallel_loop3A_656, %parallel_loop3A_657] {strides = array<i32>} : memref<64x128xf32, #tpu.memory_space<vmem>>, vector<1x16xf32>,
        %parallel_loop3A_659 = vector.shape_cast %parallel_loop3A_658 : vector<1x16xf32> to vector<16xf32>
        %parallel_loop3A_660 = vector.shape_cast %parallel_loop3A_655 : vector<16xf32> to vector<1x16xf32>
        tpu.vector_store %arg14[%parallel_loop3A_656, %parallel_loop3A_657], %parallel_loop3A_660 {strides = array<i32>} : memref<64x128xf32, #tpu.memory_space<vmem>>, vector<1x16xf32>,
        %parallel_loop3A_661 = arith.constant 8 : i32
        %parallel_loop3A_662 = arith.muli %parallel_loop3A_261, %parallel_loop3A_661 : i32
        %parallel_loop3A_663 = arith.constant 4 : i32
        %parallel_loop3A_664 = arith.addi %parallel_loop3A_662, %parallel_loop3A_663 : i32
        %parallel_loop3A_665 = arith.index_cast %parallel_loop3A_664 : i32 to index
        %parallel_loop3A_666 = arith.constant 48 : index
        %parallel_loop3A_667 = tpu.vector_load %arg14[%parallel_loop3A_665, %parallel_loop3A_666] {strides = array<i32>} : memref<64x128xf32, #tpu.memory_space<vmem>>, vector<1x16xf32>,
        %parallel_loop3A_668 = vector.shape_cast %parallel_loop3A_667 : vector<1x16xf32> to vector<16xf32>
        %parallel_loop3A_669 = arith.index_cast %parallel_loop3A_261 : i32 to index
        %parallel_loop3A_670 = arith.constant 304 : index
        %parallel_loop3A_671 = tpu.vector_load %arg16[%parallel_loop3A_669, %parallel_loop3A_670] {strides = array<i32>} : memref<8x512xf32, #tpu.memory_space<vmem>>, vector<1x16xf32>,
        %parallel_loop3A_672 = vector.shape_cast %parallel_loop3A_671 : vector<1x16xf32> to vector<16xf32>
        %parallel_loop3A_673 = arith.addf %parallel_loop3A_668, %parallel_loop3A_672 : vector<16xf32>
        %parallel_loop3A_674 = arith.constant 0.000000e+00 : f32
        %parallel_loop3A_675 = vector.broadcast %parallel_loop3A_674 : f32 to vector<16xf32>
        %parallel_loop3A_676 = arith.maximumf %parallel_loop3A_673, %parallel_loop3A_675 : vector<16xf32>
        %parallel_loop3A_677 = arith.index_cast %parallel_loop3A_664 : i32 to index
        %parallel_loop3A_678 = arith.constant 48 : index
        %parallel_loop3A_679 = tpu.vector_load %arg14[%parallel_loop3A_677, %parallel_loop3A_678] {strides = array<i32>} : memref<64x128xf32, #tpu.memory_space<vmem>>, vector<1x16xf32>,
        %parallel_loop3A_680 = vector.shape_cast %parallel_loop3A_679 : vector<1x16xf32> to vector<16xf32>
        %parallel_loop3A_681 = vector.shape_cast %parallel_loop3A_676 : vector<16xf32> to vector<1x16xf32>
        tpu.vector_store %arg14[%parallel_loop3A_677, %parallel_loop3A_678], %parallel_loop3A_681 {strides = array<i32>} : memref<64x128xf32, #tpu.memory_space<vmem>>, vector<1x16xf32>,
        %parallel_loop3A_682 = arith.constant 8 : i32
        %parallel_loop3A_683 = arith.muli %parallel_loop3A_261, %parallel_loop3A_682 : i32
        %parallel_loop3A_684 = arith.constant 5 : i32
        %parallel_loop3A_685 = arith.addi %parallel_loop3A_683, %parallel_loop3A_684 : i32
        %parallel_loop3A_686 = arith.index_cast %parallel_loop3A_685 : i32 to index
        %parallel_loop3A_687 = arith.constant 0 : index
        %parallel_loop3A_688 = tpu.vector_load %arg14[%parallel_loop3A_686, %parallel_loop3A_687] {strides = array<i32>} : memref<64x128xf32, #tpu.memory_space<vmem>>, vector<1x16xf32>,
        %parallel_loop3A_689 = vector.shape_cast %parallel_loop3A_688 : vector<1x16xf32> to vector<16xf32>
        %parallel_loop3A_690 = arith.index_cast %parallel_loop3A_261 : i32 to index
        %parallel_loop3A_691 = arith.constant 320 : index
        %parallel_loop3A_692 = tpu.vector_load %arg16[%parallel_loop3A_690, %parallel_loop3A_691] {strides = array<i32>} : memref<8x512xf32, #tpu.memory_space<vmem>>, vector<1x16xf32>,
        %parallel_loop3A_693 = vector.shape_cast %parallel_loop3A_692 : vector<1x16xf32> to vector<16xf32>
        %parallel_loop3A_694 = arith.addf %parallel_loop3A_689, %parallel_loop3A_693 : vector<16xf32>
        %parallel_loop3A_695 = arith.constant 0.000000e+00 : f32
        %parallel_loop3A_696 = vector.broadcast %parallel_loop3A_695 : f32 to vector<16xf32>
        %parallel_loop3A_697 = arith.maximumf %parallel_loop3A_694, %parallel_loop3A_696 : vector<16xf32>
        %parallel_loop3A_698 = arith.index_cast %parallel_loop3A_685 : i32 to index
        %parallel_loop3A_699 = arith.constant 0 : index
        %parallel_loop3A_700 = tpu.vector_load %arg14[%parallel_loop3A_698, %parallel_loop3A_699] {strides = array<i32>} : memref<64x128xf32, #tpu.memory_space<vmem>>, vector<1x16xf32>,
        %parallel_loop3A_701 = vector.shape_cast %parallel_loop3A_700 : vector<1x16xf32> to vector<16xf32>
        %parallel_loop3A_702 = vector.shape_cast %parallel_loop3A_697 : vector<16xf32> to vector<1x16xf32>
        tpu.vector_store %arg14[%parallel_loop3A_698, %parallel_loop3A_699], %parallel_loop3A_702 {strides = array<i32>} : memref<64x128xf32, #tpu.memory_space<vmem>>, vector<1x16xf32>,
        %parallel_loop3A_703 = arith.constant 8 : i32
        %parallel_loop3A_704 = arith.muli %parallel_loop3A_261, %parallel_loop3A_703 : i32
        %parallel_loop3A_705 = arith.constant 5 : i32
        %parallel_loop3A_706 = arith.addi %parallel_loop3A_704, %parallel_loop3A_705 : i32
        %parallel_loop3A_707 = arith.index_cast %parallel_loop3A_706 : i32 to index
        %parallel_loop3A_708 = arith.constant 16 : index
        %parallel_loop3A_709 = tpu.vector_load %arg14[%parallel_loop3A_707, %parallel_loop3A_708] {strides = array<i32>} : memref<64x128xf32, #tpu.memory_space<vmem>>, vector<1x16xf32>,
        %parallel_loop3A_710 = vector.shape_cast %parallel_loop3A_709 : vector<1x16xf32> to vector<16xf32>
        %parallel_loop3A_711 = arith.index_cast %parallel_loop3A_261 : i32 to index
        %parallel_loop3A_712 = arith.constant 336 : index
        %parallel_loop3A_713 = tpu.vector_load %arg16[%parallel_loop3A_711, %parallel_loop3A_712] {strides = array<i32>} : memref<8x512xf32, #tpu.memory_space<vmem>>, vector<1x16xf32>,
        %parallel_loop3A_714 = vector.shape_cast %parallel_loop3A_713 : vector<1x16xf32> to vector<16xf32>
        %parallel_loop3A_715 = arith.addf %parallel_loop3A_710, %parallel_loop3A_714 : vector<16xf32>
        %parallel_loop3A_716 = arith.constant 0.000000e+00 : f32
        %parallel_loop3A_717 = vector.broadcast %parallel_loop3A_716 : f32 to vector<16xf32>
        %parallel_loop3A_718 = arith.maximumf %parallel_loop3A_715, %parallel_loop3A_717 : vector<16xf32>
        %parallel_loop3A_719 = arith.index_cast %parallel_loop3A_706 : i32 to index
        %parallel_loop3A_720 = arith.constant 16 : index
        %parallel_loop3A_721 = tpu.vector_load %arg14[%parallel_loop3A_719, %parallel_loop3A_720] {strides = array<i32>} : memref<64x128xf32, #tpu.memory_space<vmem>>, vector<1x16xf32>,
        %parallel_loop3A_722 = vector.shape_cast %parallel_loop3A_721 : vector<1x16xf32> to vector<16xf32>
        %parallel_loop3A_723 = vector.shape_cast %parallel_loop3A_718 : vector<16xf32> to vector<1x16xf32>
        tpu.vector_store %arg14[%parallel_loop3A_719, %parallel_loop3A_720], %parallel_loop3A_723 {strides = array<i32>} : memref<64x128xf32, #tpu.memory_space<vmem>>, vector<1x16xf32>,
        %parallel_loop3A_724 = arith.constant 8 : i32
        %parallel_loop3A_725 = arith.muli %parallel_loop3A_261, %parallel_loop3A_724 : i32
        %parallel_loop3A_726 = arith.constant 5 : i32
        %parallel_loop3A_727 = arith.addi %parallel_loop3A_725, %parallel_loop3A_726 : i32
        %parallel_loop3A_728 = arith.index_cast %parallel_loop3A_727 : i32 to index
        %parallel_loop3A_729 = arith.constant 32 : index
        %parallel_loop3A_730 = tpu.vector_load %arg14[%parallel_loop3A_728, %parallel_loop3A_729] {strides = array<i32>} : memref<64x128xf32, #tpu.memory_space<vmem>>, vector<1x16xf32>,
        %parallel_loop3A_731 = vector.shape_cast %parallel_loop3A_730 : vector<1x16xf32> to vector<16xf32>
        %parallel_loop3A_732 = arith.index_cast %parallel_loop3A_261 : i32 to index
        %parallel_loop3A_733 = arith.constant 352 : index
        %parallel_loop3A_734 = tpu.vector_load %arg16[%parallel_loop3A_732, %parallel_loop3A_733] {strides = array<i32>} : memref<8x512xf32, #tpu.memory_space<vmem>>, vector<1x16xf32>,
        %parallel_loop3A_735 = vector.shape_cast %parallel_loop3A_734 : vector<1x16xf32> to vector<16xf32>
        %parallel_loop3A_736 = arith.addf %parallel_loop3A_731, %parallel_loop3A_735 : vector<16xf32>
        %parallel_loop3A_737 = arith.constant 0.000000e+00 : f32
        %parallel_loop3A_738 = vector.broadcast %parallel_loop3A_737 : f32 to vector<16xf32>
        %parallel_loop3A_739 = arith.maximumf %parallel_loop3A_736, %parallel_loop3A_738 : vector<16xf32>
        %parallel_loop3A_740 = arith.index_cast %parallel_loop3A_727 : i32 to index
        %parallel_loop3A_741 = arith.constant 32 : index
        %parallel_loop3A_742 = tpu.vector_load %arg14[%parallel_loop3A_740, %parallel_loop3A_741] {strides = array<i32>} : memref<64x128xf32, #tpu.memory_space<vmem>>, vector<1x16xf32>,
        %parallel_loop3A_743 = vector.shape_cast %parallel_loop3A_742 : vector<1x16xf32> to vector<16xf32>
        %parallel_loop3A_744 = vector.shape_cast %parallel_loop3A_739 : vector<16xf32> to vector<1x16xf32>
        tpu.vector_store %arg14[%parallel_loop3A_740, %parallel_loop3A_741], %parallel_loop3A_744 {strides = array<i32>} : memref<64x128xf32, #tpu.memory_space<vmem>>, vector<1x16xf32>,
        %parallel_loop3A_745 = arith.constant 8 : i32
        %parallel_loop3A_746 = arith.muli %parallel_loop3A_261, %parallel_loop3A_745 : i32
        %parallel_loop3A_747 = arith.constant 5 : i32
        %parallel_loop3A_748 = arith.addi %parallel_loop3A_746, %parallel_loop3A_747 : i32
        %parallel_loop3A_749 = arith.index_cast %parallel_loop3A_748 : i32 to index
        %parallel_loop3A_750 = arith.constant 48 : index
        %parallel_loop3A_751 = tpu.vector_load %arg14[%parallel_loop3A_749, %parallel_loop3A_750] {strides = array<i32>} : memref<64x128xf32, #tpu.memory_space<vmem>>, vector<1x16xf32>,
        %parallel_loop3A_752 = vector.shape_cast %parallel_loop3A_751 : vector<1x16xf32> to vector<16xf32>
        %parallel_loop3A_753 = arith.index_cast %parallel_loop3A_261 : i32 to index
        %parallel_loop3A_754 = arith.constant 368 : index
        %parallel_loop3A_755 = tpu.vector_load %arg16[%parallel_loop3A_753, %parallel_loop3A_754] {strides = array<i32>} : memref<8x512xf32, #tpu.memory_space<vmem>>, vector<1x16xf32>,
        %parallel_loop3A_756 = vector.shape_cast %parallel_loop3A_755 : vector<1x16xf32> to vector<16xf32>
        %parallel_loop3A_757 = arith.addf %parallel_loop3A_752, %parallel_loop3A_756 : vector<16xf32>
        %parallel_loop3A_758 = arith.constant 0.000000e+00 : f32
        %parallel_loop3A_759 = vector.broadcast %parallel_loop3A_758 : f32 to vector<16xf32>
        %parallel_loop3A_760 = arith.maximumf %parallel_loop3A_757, %parallel_loop3A_759 : vector<16xf32>
        %parallel_loop3A_761 = arith.index_cast %parallel_loop3A_748 : i32 to index
        %parallel_loop3A_762 = arith.constant 48 : index
        %parallel_loop3A_763 = tpu.vector_load %arg14[%parallel_loop3A_761, %parallel_loop3A_762] {strides = array<i32>} : memref<64x128xf32, #tpu.memory_space<vmem>>, vector<1x16xf32>,
        %parallel_loop3A_764 = vector.shape_cast %parallel_loop3A_763 : vector<1x16xf32> to vector<16xf32>
        %parallel_loop3A_765 = vector.shape_cast %parallel_loop3A_760 : vector<16xf32> to vector<1x16xf32>
        tpu.vector_store %arg14[%parallel_loop3A_761, %parallel_loop3A_762], %parallel_loop3A_765 {strides = array<i32>} : memref<64x128xf32, #tpu.memory_space<vmem>>, vector<1x16xf32>,
        %parallel_loop3A_766 = arith.constant 8 : i32
        %parallel_loop3A_767 = arith.muli %parallel_loop3A_261, %parallel_loop3A_766 : i32
        %parallel_loop3A_768 = arith.constant 6 : i32
        %parallel_loop3A_769 = arith.addi %parallel_loop3A_767, %parallel_loop3A_768 : i32
        %parallel_loop3A_770 = arith.index_cast %parallel_loop3A_769 : i32 to index
        %parallel_loop3A_771 = arith.constant 0 : index
        %parallel_loop3A_772 = tpu.vector_load %arg14[%parallel_loop3A_770, %parallel_loop3A_771] {strides = array<i32>} : memref<64x128xf32, #tpu.memory_space<vmem>>, vector<1x16xf32>,
        %parallel_loop3A_773 = vector.shape_cast %parallel_loop3A_772 : vector<1x16xf32> to vector<16xf32>
        %parallel_loop3A_774 = arith.index_cast %parallel_loop3A_261 : i32 to index
        %parallel_loop3A_775 = arith.constant 384 : index
        %parallel_loop3A_776 = tpu.vector_load %arg16[%parallel_loop3A_774, %parallel_loop3A_775] {strides = array<i32>} : memref<8x512xf32, #tpu.memory_space<vmem>>, vector<1x16xf32>,
        %parallel_loop3A_777 = vector.shape_cast %parallel_loop3A_776 : vector<1x16xf32> to vector<16xf32>
        %parallel_loop3A_778 = arith.addf %parallel_loop3A_773, %parallel_loop3A_777 : vector<16xf32>
        %parallel_loop3A_779 = arith.constant 0.000000e+00 : f32
        %parallel_loop3A_780 = vector.broadcast %parallel_loop3A_779 : f32 to vector<16xf32>
        %parallel_loop3A_781 = arith.maximumf %parallel_loop3A_778, %parallel_loop3A_780 : vector<16xf32>
        %parallel_loop3A_782 = arith.index_cast %parallel_loop3A_769 : i32 to index
        %parallel_loop3A_783 = arith.constant 0 : index
        %parallel_loop3A_784 = tpu.vector_load %arg14[%parallel_loop3A_782, %parallel_loop3A_783] {strides = array<i32>} : memref<64x128xf32, #tpu.memory_space<vmem>>, vector<1x16xf32>,
        %parallel_loop3A_785 = vector.shape_cast %parallel_loop3A_784 : vector<1x16xf32> to vector<16xf32>
        %parallel_loop3A_786 = vector.shape_cast %parallel_loop3A_781 : vector<16xf32> to vector<1x16xf32>
        tpu.vector_store %arg14[%parallel_loop3A_782, %parallel_loop3A_783], %parallel_loop3A_786 {strides = array<i32>} : memref<64x128xf32, #tpu.memory_space<vmem>>, vector<1x16xf32>,
        %parallel_loop3A_787 = arith.constant 8 : i32
        %parallel_loop3A_788 = arith.muli %parallel_loop3A_261, %parallel_loop3A_787 : i32
        %parallel_loop3A_789 = arith.constant 6 : i32
        %parallel_loop3A_790 = arith.addi %parallel_loop3A_788, %parallel_loop3A_789 : i32
        %parallel_loop3A_791 = arith.index_cast %parallel_loop3A_790 : i32 to index
        %parallel_loop3A_792 = arith.constant 16 : index
        %parallel_loop3A_793 = tpu.vector_load %arg14[%parallel_loop3A_791, %parallel_loop3A_792] {strides = array<i32>} : memref<64x128xf32, #tpu.memory_space<vmem>>, vector<1x16xf32>,
        %parallel_loop3A_794 = vector.shape_cast %parallel_loop3A_793 : vector<1x16xf32> to vector<16xf32>
        %parallel_loop3A_795 = arith.index_cast %parallel_loop3A_261 : i32 to index
        %parallel_loop3A_796 = arith.constant 400 : index
        %parallel_loop3A_797 = tpu.vector_load %arg16[%parallel_loop3A_795, %parallel_loop3A_796] {strides = array<i32>} : memref<8x512xf32, #tpu.memory_space<vmem>>, vector<1x16xf32>,
        %parallel_loop3A_798 = vector.shape_cast %parallel_loop3A_797 : vector<1x16xf32> to vector<16xf32>
        %parallel_loop3A_799 = arith.addf %parallel_loop3A_794, %parallel_loop3A_798 : vector<16xf32>
        %parallel_loop3A_800 = arith.constant 0.000000e+00 : f32
        %parallel_loop3A_801 = vector.broadcast %parallel_loop3A_800 : f32 to vector<16xf32>
        %parallel_loop3A_802 = arith.maximumf %parallel_loop3A_799, %parallel_loop3A_801 : vector<16xf32>
        %parallel_loop3A_803 = arith.index_cast %parallel_loop3A_790 : i32 to index
        %parallel_loop3A_804 = arith.constant 16 : index
        %parallel_loop3A_805 = tpu.vector_load %arg14[%parallel_loop3A_803, %parallel_loop3A_804] {strides = array<i32>} : memref<64x128xf32, #tpu.memory_space<vmem>>, vector<1x16xf32>,
        %parallel_loop3A_806 = vector.shape_cast %parallel_loop3A_805 : vector<1x16xf32> to vector<16xf32>
        %parallel_loop3A_807 = vector.shape_cast %parallel_loop3A_802 : vector<16xf32> to vector<1x16xf32>
        tpu.vector_store %arg14[%parallel_loop3A_803, %parallel_loop3A_804], %parallel_loop3A_807 {strides = array<i32>} : memref<64x128xf32, #tpu.memory_space<vmem>>, vector<1x16xf32>,
        %parallel_loop3A_808 = arith.constant 8 : i32
        %parallel_loop3A_809 = arith.muli %parallel_loop3A_261, %parallel_loop3A_808 : i32
        %parallel_loop3A_810 = arith.constant 6 : i32
        %parallel_loop3A_811 = arith.addi %parallel_loop3A_809, %parallel_loop3A_810 : i32
        %parallel_loop3A_812 = arith.index_cast %parallel_loop3A_811 : i32 to index
        %parallel_loop3A_813 = arith.constant 32 : index
        %parallel_loop3A_814 = tpu.vector_load %arg14[%parallel_loop3A_812, %parallel_loop3A_813] {strides = array<i32>} : memref<64x128xf32, #tpu.memory_space<vmem>>, vector<1x16xf32>,
        %parallel_loop3A_815 = vector.shape_cast %parallel_loop3A_814 : vector<1x16xf32> to vector<16xf32>
        %parallel_loop3A_816 = arith.index_cast %parallel_loop3A_261 : i32 to index
        %parallel_loop3A_817 = arith.constant 416 : index
        %parallel_loop3A_818 = tpu.vector_load %arg16[%parallel_loop3A_816, %parallel_loop3A_817] {strides = array<i32>} : memref<8x512xf32, #tpu.memory_space<vmem>>, vector<1x16xf32>,
        %parallel_loop3A_819 = vector.shape_cast %parallel_loop3A_818 : vector<1x16xf32> to vector<16xf32>
        %parallel_loop3A_820 = arith.addf %parallel_loop3A_815, %parallel_loop3A_819 : vector<16xf32>
        %parallel_loop3A_821 = arith.constant 0.000000e+00 : f32
        %parallel_loop3A_822 = vector.broadcast %parallel_loop3A_821 : f32 to vector<16xf32>
        %parallel_loop3A_823 = arith.maximumf %parallel_loop3A_820, %parallel_loop3A_822 : vector<16xf32>
        %parallel_loop3A_824 = arith.index_cast %parallel_loop3A_811 : i32 to index
        %parallel_loop3A_825 = arith.constant 32 : index
        %parallel_loop3A_826 = tpu.vector_load %arg14[%parallel_loop3A_824, %parallel_loop3A_825] {strides = array<i32>} : memref<64x128xf32, #tpu.memory_space<vmem>>, vector<1x16xf32>,
        %parallel_loop3A_827 = vector.shape_cast %parallel_loop3A_826 : vector<1x16xf32> to vector<16xf32>
        %parallel_loop3A_828 = vector.shape_cast %parallel_loop3A_823 : vector<16xf32> to vector<1x16xf32>
        tpu.vector_store %arg14[%parallel_loop3A_824, %parallel_loop3A_825], %parallel_loop3A_828 {strides = array<i32>} : memref<64x128xf32, #tpu.memory_space<vmem>>, vector<1x16xf32>,
        %parallel_loop3A_829 = arith.constant 8 : i32
        %parallel_loop3A_830 = arith.muli %parallel_loop3A_261, %parallel_loop3A_829 : i32
        %parallel_loop3A_831 = arith.constant 6 : i32
        %parallel_loop3A_832 = arith.addi %parallel_loop3A_830, %parallel_loop3A_831 : i32
        %parallel_loop3A_833 = arith.index_cast %parallel_loop3A_832 : i32 to index
        %parallel_loop3A_834 = arith.constant 48 : index
        %parallel_loop3A_835 = tpu.vector_load %arg14[%parallel_loop3A_833, %parallel_loop3A_834] {strides = array<i32>} : memref<64x128xf32, #tpu.memory_space<vmem>>, vector<1x16xf32>,
        %parallel_loop3A_836 = vector.shape_cast %parallel_loop3A_835 : vector<1x16xf32> to vector<16xf32>
        %parallel_loop3A_837 = arith.index_cast %parallel_loop3A_261 : i32 to index
        %parallel_loop3A_838 = arith.constant 432 : index
        %parallel_loop3A_839 = tpu.vector_load %arg16[%parallel_loop3A_837, %parallel_loop3A_838] {strides = array<i32>} : memref<8x512xf32, #tpu.memory_space<vmem>>, vector<1x16xf32>,
        %parallel_loop3A_840 = vector.shape_cast %parallel_loop3A_839 : vector<1x16xf32> to vector<16xf32>
        %parallel_loop3A_841 = arith.addf %parallel_loop3A_836, %parallel_loop3A_840 : vector<16xf32>
        %parallel_loop3A_842 = arith.constant 0.000000e+00 : f32
        %parallel_loop3A_843 = vector.broadcast %parallel_loop3A_842 : f32 to vector<16xf32>
        %parallel_loop3A_844 = arith.maximumf %parallel_loop3A_841, %parallel_loop3A_843 : vector<16xf32>
        %parallel_loop3A_845 = arith.index_cast %parallel_loop3A_832 : i32 to index
        %parallel_loop3A_846 = arith.constant 48 : index
        %parallel_loop3A_847 = tpu.vector_load %arg14[%parallel_loop3A_845, %parallel_loop3A_846] {strides = array<i32>} : memref<64x128xf32, #tpu.memory_space<vmem>>, vector<1x16xf32>,
        %parallel_loop3A_848 = vector.shape_cast %parallel_loop3A_847 : vector<1x16xf32> to vector<16xf32>
        %parallel_loop3A_849 = vector.shape_cast %parallel_loop3A_844 : vector<16xf32> to vector<1x16xf32>
        tpu.vector_store %arg14[%parallel_loop3A_845, %parallel_loop3A_846], %parallel_loop3A_849 {strides = array<i32>} : memref<64x128xf32, #tpu.memory_space<vmem>>, vector<1x16xf32>,
        %parallel_loop3A_850 = arith.constant 8 : i32
        %parallel_loop3A_851 = arith.muli %parallel_loop3A_261, %parallel_loop3A_850 : i32
        %parallel_loop3A_852 = arith.constant 7 : i32
        %parallel_loop3A_853 = arith.addi %parallel_loop3A_851, %parallel_loop3A_852 : i32
        %parallel_loop3A_854 = arith.index_cast %parallel_loop3A_853 : i32 to index
        %parallel_loop3A_855 = arith.constant 0 : index
        %parallel_loop3A_856 = tpu.vector_load %arg14[%parallel_loop3A_854, %parallel_loop3A_855] {strides = array<i32>} : memref<64x128xf32, #tpu.memory_space<vmem>>, vector<1x16xf32>,
        %parallel_loop3A_857 = vector.shape_cast %parallel_loop3A_856 : vector<1x16xf32> to vector<16xf32>
        %parallel_loop3A_858 = arith.index_cast %parallel_loop3A_261 : i32 to index
        %parallel_loop3A_859 = arith.constant 448 : index
        %parallel_loop3A_860 = tpu.vector_load %arg16[%parallel_loop3A_858, %parallel_loop3A_859] {strides = array<i32>} : memref<8x512xf32, #tpu.memory_space<vmem>>, vector<1x16xf32>,
        %parallel_loop3A_861 = vector.shape_cast %parallel_loop3A_860 : vector<1x16xf32> to vector<16xf32>
        %parallel_loop3A_862 = arith.addf %parallel_loop3A_857, %parallel_loop3A_861 : vector<16xf32>
        %parallel_loop3A_863 = arith.constant 0.000000e+00 : f32
        %parallel_loop3A_864 = vector.broadcast %parallel_loop3A_863 : f32 to vector<16xf32>
        %parallel_loop3A_865 = arith.maximumf %parallel_loop3A_862, %parallel_loop3A_864 : vector<16xf32>
        %parallel_loop3A_866 = arith.index_cast %parallel_loop3A_853 : i32 to index
        %parallel_loop3A_867 = arith.constant 0 : index
        %parallel_loop3A_868 = tpu.vector_load %arg14[%parallel_loop3A_866, %parallel_loop3A_867] {strides = array<i32>} : memref<64x128xf32, #tpu.memory_space<vmem>>, vector<1x16xf32>,
        %parallel_loop3A_869 = vector.shape_cast %parallel_loop3A_868 : vector<1x16xf32> to vector<16xf32>
        %parallel_loop3A_870 = vector.shape_cast %parallel_loop3A_865 : vector<16xf32> to vector<1x16xf32>
        tpu.vector_store %arg14[%parallel_loop3A_866, %parallel_loop3A_867], %parallel_loop3A_870 {strides = array<i32>} : memref<64x128xf32, #tpu.memory_space<vmem>>, vector<1x16xf32>,
        %parallel_loop3A_871 = arith.constant 8 : i32
        %parallel_loop3A_872 = arith.muli %parallel_loop3A_261, %parallel_loop3A_871 : i32
        %parallel_loop3A_873 = arith.constant 7 : i32
        %parallel_loop3A_874 = arith.addi %parallel_loop3A_872, %parallel_loop3A_873 : i32
        %parallel_loop3A_875 = arith.index_cast %parallel_loop3A_874 : i32 to index
        %parallel_loop3A_876 = arith.constant 16 : index
        %parallel_loop3A_877 = tpu.vector_load %arg14[%parallel_loop3A_875, %parallel_loop3A_876] {strides = array<i32>} : memref<64x128xf32, #tpu.memory_space<vmem>>, vector<1x16xf32>,
        %parallel_loop3A_878 = vector.shape_cast %parallel_loop3A_877 : vector<1x16xf32> to vector<16xf32>
        %parallel_loop3A_879 = arith.index_cast %parallel_loop3A_261 : i32 to index
        %parallel_loop3A_880 = arith.constant 464 : index
        %parallel_loop3A_881 = tpu.vector_load %arg16[%parallel_loop3A_879, %parallel_loop3A_880] {strides = array<i32>} : memref<8x512xf32, #tpu.memory_space<vmem>>, vector<1x16xf32>,
        %parallel_loop3A_882 = vector.shape_cast %parallel_loop3A_881 : vector<1x16xf32> to vector<16xf32>
        %parallel_loop3A_883 = arith.addf %parallel_loop3A_878, %parallel_loop3A_882 : vector<16xf32>
        %parallel_loop3A_884 = arith.constant 0.000000e+00 : f32
        %parallel_loop3A_885 = vector.broadcast %parallel_loop3A_884 : f32 to vector<16xf32>
        %parallel_loop3A_886 = arith.maximumf %parallel_loop3A_883, %parallel_loop3A_885 : vector<16xf32>
        %parallel_loop3A_887 = arith.index_cast %parallel_loop3A_874 : i32 to index
        %parallel_loop3A_888 = arith.constant 16 : index
        %parallel_loop3A_889 = tpu.vector_load %arg14[%parallel_loop3A_887, %parallel_loop3A_888] {strides = array<i32>} : memref<64x128xf32, #tpu.memory_space<vmem>>, vector<1x16xf32>,
        %parallel_loop3A_890 = vector.shape_cast %parallel_loop3A_889 : vector<1x16xf32> to vector<16xf32>
        %parallel_loop3A_891 = vector.shape_cast %parallel_loop3A_886 : vector<16xf32> to vector<1x16xf32>
        tpu.vector_store %arg14[%parallel_loop3A_887, %parallel_loop3A_888], %parallel_loop3A_891 {strides = array<i32>} : memref<64x128xf32, #tpu.memory_space<vmem>>, vector<1x16xf32>,
        %parallel_loop3A_892 = arith.constant 8 : i32
        %parallel_loop3A_893 = arith.muli %parallel_loop3A_261, %parallel_loop3A_892 : i32
        %parallel_loop3A_894 = arith.constant 7 : i32
        %parallel_loop3A_895 = arith.addi %parallel_loop3A_893, %parallel_loop3A_894 : i32
        %parallel_loop3A_896 = arith.index_cast %parallel_loop3A_895 : i32 to index
        %parallel_loop3A_897 = arith.constant 32 : index
        %parallel_loop3A_898 = tpu.vector_load %arg14[%parallel_loop3A_896, %parallel_loop3A_897] {strides = array<i32>} : memref<64x128xf32, #tpu.memory_space<vmem>>, vector<1x16xf32>,
        %parallel_loop3A_899 = vector.shape_cast %parallel_loop3A_898 : vector<1x16xf32> to vector<16xf32>
        %parallel_loop3A_900 = arith.index_cast %parallel_loop3A_261 : i32 to index
        %parallel_loop3A_901 = arith.constant 480 : index
        %parallel_loop3A_902 = tpu.vector_load %arg16[%parallel_loop3A_900, %parallel_loop3A_901] {strides = array<i32>} : memref<8x512xf32, #tpu.memory_space<vmem>>, vector<1x16xf32>,
        %parallel_loop3A_903 = vector.shape_cast %parallel_loop3A_902 : vector<1x16xf32> to vector<16xf32>
        %parallel_loop3A_904 = arith.addf %parallel_loop3A_899, %parallel_loop3A_903 : vector<16xf32>
        %parallel_loop3A_905 = arith.constant 0.000000e+00 : f32
        %parallel_loop3A_906 = vector.broadcast %parallel_loop3A_905 : f32 to vector<16xf32>
        %parallel_loop3A_907 = arith.maximumf %parallel_loop3A_904, %parallel_loop3A_906 : vector<16xf32>
        %parallel_loop3A_908 = arith.index_cast %parallel_loop3A_895 : i32 to index
        %parallel_loop3A_909 = arith.constant 32 : index
        %parallel_loop3A_910 = tpu.vector_load %arg14[%parallel_loop3A_908, %parallel_loop3A_909] {strides = array<i32>} : memref<64x128xf32, #tpu.memory_space<vmem>>, vector<1x16xf32>,
        %parallel_loop3A_911 = vector.shape_cast %parallel_loop3A_910 : vector<1x16xf32> to vector<16xf32>
        %parallel_loop3A_912 = vector.shape_cast %parallel_loop3A_907 : vector<16xf32> to vector<1x16xf32>
        tpu.vector_store %arg14[%parallel_loop3A_908, %parallel_loop3A_909], %parallel_loop3A_912 {strides = array<i32>} : memref<64x128xf32, #tpu.memory_space<vmem>>, vector<1x16xf32>,
        %parallel_loop3A_913 = arith.constant 8 : i32
        %parallel_loop3A_914 = arith.muli %parallel_loop3A_261, %parallel_loop3A_913 : i32
        %parallel_loop3A_915 = arith.constant 7 : i32
        %parallel_loop3A_916 = arith.addi %parallel_loop3A_914, %parallel_loop3A_915 : i32
        %parallel_loop3A_917 = arith.index_cast %parallel_loop3A_916 : i32 to index
        %parallel_loop3A_918 = arith.constant 48 : index
        %parallel_loop3A_919 = tpu.vector_load %arg14[%parallel_loop3A_917, %parallel_loop3A_918] {strides = array<i32>} : memref<64x128xf32, #tpu.memory_space<vmem>>, vector<1x16xf32>,
        %parallel_loop3A_920 = vector.shape_cast %parallel_loop3A_919 : vector<1x16xf32> to vector<16xf32>
        %parallel_loop3A_921 = arith.index_cast %parallel_loop3A_261 : i32 to index
        %parallel_loop3A_922 = arith.constant 496 : index
        %parallel_loop3A_923 = tpu.vector_load %arg16[%parallel_loop3A_921, %parallel_loop3A_922] {strides = array<i32>} : memref<8x512xf32, #tpu.memory_space<vmem>>, vector<1x16xf32>,
        %parallel_loop3A_924 = vector.shape_cast %parallel_loop3A_923 : vector<1x16xf32> to vector<16xf32>
        %parallel_loop3A_925 = arith.addf %parallel_loop3A_920, %parallel_loop3A_924 : vector<16xf32>
        %parallel_loop3A_926 = arith.constant 0.000000e+00 : f32
        %parallel_loop3A_927 = vector.broadcast %parallel_loop3A_926 : f32 to vector<16xf32>
        %parallel_loop3A_928 = arith.maximumf %parallel_loop3A_925, %parallel_loop3A_927 : vector<16xf32>
        %parallel_loop3A_929 = arith.index_cast %parallel_loop3A_916 : i32 to index
        %parallel_loop3A_930 = arith.constant 48 : index
        %parallel_loop3A_931 = tpu.vector_load %arg14[%parallel_loop3A_929, %parallel_loop3A_930] {strides = array<i32>} : memref<64x128xf32, #tpu.memory_space<vmem>>, vector<1x16xf32>,
        %parallel_loop3A_932 = vector.shape_cast %parallel_loop3A_931 : vector<1x16xf32> to vector<16xf32>
        %parallel_loop3A_933 = vector.shape_cast %parallel_loop3A_928 : vector<16xf32> to vector<1x16xf32>
        tpu.vector_store %arg14[%parallel_loop3A_929, %parallel_loop3A_930], %parallel_loop3A_933 {strides = array<i32>} : memref<64x128xf32, #tpu.memory_space<vmem>>, vector<1x16xf32>,
      } {sc.loop_unroll_factor = 2 : i64, sc.parallel_access}
      %dma_start3A_187 = arith.constant 0 : i32
      %dma_start3A_188 = arith.constant 0 : i32
      %dma_start3A_189 = tpu.memref_slice %arg14[%dma_start3A_187, %dma_start3A_188] : memref<64x128xf32, #tpu.memory_space<vmem>> -> memref<32x128xf32, #tpu.memory_space<vmem>>
      %dma_start3A_190 = arith.constant 0 : i32
      %dma_start3A_191 = arith.constant 0 : i32
      %dma_start3A_192 = tpu.memref_slice %arg8[%dma_start3A_190, %dma_start3A_191] : memref<10112x128xf32, #tpu.memory_space<vmem_shared>> -> memref<10112x128xf32, #tpu.memory_space<vmem_shared>>
      tpu.enqueue_indirect_dma source(%dma_start3A_189 : memref<32x128xf32, #tpu.memory_space<vmem>>) target(%dma_start3A_192 : memref<10112x128xf32, #tpu.memory_space<vmem_shared>>) offsets(%arg10 : memref<32xi32, #tpu.memory_space<vmem>>) semaphore(%arg28 : memref<!tpu.dma_semaphore, #tpu.memory_space<semaphore_mem>>) {add = true}
      %dma_start3A_193 = arith.constant 32 : i32
      %dma_start3A_194 = arith.constant 0 : i32
      %dma_start3A_195 = tpu.memref_slice %arg14[%dma_start3A_193, %dma_start3A_194] : memref<64x128xf32, #tpu.memory_space<vmem>> -> memref<32x128xf32, #tpu.memory_space<vmem>>
      %dma_start3A_196 = arith.constant 0 : i32
      %dma_start3A_197 = arith.constant 0 : i32
      %dma_start3A_198 = tpu.memref_slice %arg8[%dma_start3A_196, %dma_start3A_197] : memref<10112x128xf32, #tpu.memory_space<vmem_shared>> -> memref<10112x128xf32, #tpu.memory_space<vmem_shared>>
      tpu.enqueue_indirect_dma source(%dma_start3A_195 : memref<32x128xf32, #tpu.memory_space<vmem>>) target(%dma_start3A_198 : memref<10112x128xf32, #tpu.memory_space<vmem_shared>>) offsets(%arg12 : memref<32xi32, #tpu.memory_space<vmem>>) semaphore(%arg30 : memref<!tpu.dma_semaphore, #tpu.memory_space<semaphore_mem>>) {add = true}
      %add3A_199 = arith.constant 0 : i32
      %add3A_200 = arith.addi %mul3A_151, %add3A_199 : i32
      %add3A_201 = arith.constant 2 : i32
      %add3A_202 = arith.addi %add3A_200, %add3A_201 : i32
      %lt3A = arith.constant 157 : i32
      %lt3A_203 = arith.cmpi slt, %add3A_202, %lt3A : i32
      %convert_element_type3A = arith.extui %lt3A_203 : i1 to i32
      %cond3A = arith.constant 0 : i32
      %cond3A_204 = arith.cmpi ne, %convert_element_type3A, %cond3A : i32
      scf.if %cond3A_204 {
        %dma_wait3A_261 = arith.constant 0 : i32
        %dma_wait3A_262 = arith.constant 0 : i32
        %dma_wait3A_263 = tpu.memref_slice %arg14[%dma_wait3A_261, %dma_wait3A_262] : memref<64x128xf32, #tpu.memory_space<vmem>> -> memref<32x128xf32, #tpu.memory_space<vmem>>
        %dma_wait3A_264 = arith.constant 0 : i32
        %dma_wait3A_265 = arith.constant 0 : i32
        %dma_wait3A_266 = tpu.memref_slice %arg8[%dma_wait3A_264, %dma_wait3A_265] : memref<10112x128xf32, #tpu.memory_space<vmem_shared>> -> memref<10112x128xf32, #tpu.memory_space<vmem_shared>>
        tpu.wait_indirect_dma semaphore(%arg28 : memref<!tpu.dma_semaphore, #tpu.memory_space<semaphore_mem>>) src(%dma_wait3A_263 : memref<32x128xf32, #tpu.memory_space<vmem>>) dst(%dma_wait3A_266 : memref<10112x128xf32, #tpu.memory_space<vmem_shared>>)
        %dma_wait3A_267 = arith.constant 32 : i32
        %dma_wait3A_268 = arith.constant 0 : i32
        %dma_wait3A_269 = tpu.memref_slice %arg14[%dma_wait3A_267, %dma_wait3A_268] : memref<64x128xf32, #tpu.memory_space<vmem>> -> memref<32x128xf32, #tpu.memory_space<vmem>>
        %dma_wait3A_270 = arith.constant 0 : i32
        %dma_wait3A_271 = arith.constant 0 : i32
        %dma_wait3A_272 = tpu.memref_slice %arg8[%dma_wait3A_270, %dma_wait3A_271] : memref<10112x128xf32, #tpu.memory_space<vmem_shared>> -> memref<10112x128xf32, #tpu.memory_space<vmem_shared>>
        tpu.wait_indirect_dma semaphore(%arg30 : memref<!tpu.dma_semaphore, #tpu.memory_space<semaphore_mem>>) src(%dma_wait3A_269 : memref<32x128xf32, #tpu.memory_space<vmem>>) dst(%dma_wait3A_272 : memref<10112x128xf32, #tpu.memory_space<vmem_shared>>)
        %add3A_273 = arith.constant 0 : i32
        %add3A_274 = arith.addi %mul3A_151, %add3A_273 : i32
        %add3A_275 = arith.constant 2 : i32
        %add3A_276 = arith.addi %add3A_274, %add3A_275 : i32
        %mul3A_277 = arith.constant 64 : i32
        %mul3A_278 = arith.muli %add3A_276, %mul3A_277 : i32
        %add3A_279 = arith.addi %mul3A_2, %mul3A_278 : i32
        %dma_start3A_280 = tpu.memref_slice %arg5[%add3A_279] : memref<321536xi32, #tpu.memory_space<hbm>> -> memref<32xi32, #tpu.memory_space<hbm>>
        %dma_start3A_281 = tpu.memref_slice %arg5[%add3A_279] : memref<321536xi32, #tpu.memory_space<hbm>> -> memref<32xi32, #tpu.memory_space<hbm>>
        tpu.enqueue_dma source(%dma_start3A_281 : memref<32xi32, #tpu.memory_space<hbm>>) target(%arg10 : memref<32xi32, #tpu.memory_space<vmem>>) target_semaphore(%arg24 : memref<!tpu.dma_semaphore, #tpu.memory_space<semaphore_mem>>)
        %add3A_282 = arith.addi %mul3A_2, %mul3A_278 : i32
        %add3A_283 = arith.constant 32 : i32
        %add3A_284 = arith.addi %add3A_282, %add3A_283 : i32
        %dma_start3A_285 = tpu.memref_slice %arg5[%add3A_284] : memref<321536xi32, #tpu.memory_space<hbm>> -> memref<32xi32, #tpu.memory_space<hbm>>
        %dma_start3A_286 = tpu.memref_slice %arg5[%add3A_284] : memref<321536xi32, #tpu.memory_space<hbm>> -> memref<32xi32, #tpu.memory_space<hbm>>
        tpu.enqueue_dma source(%dma_start3A_286 : memref<32xi32, #tpu.memory_space<hbm>>) target(%arg12 : memref<32xi32, #tpu.memory_space<vmem>>) target_semaphore(%arg26 : memref<!tpu.dma_semaphore, #tpu.memory_space<semaphore_mem>>)
        %mul3A_287 = arith.constant 8 : i32
        %mul3A_288 = arith.muli %add3A_276, %mul3A_287 : i32
        %add3A_289 = arith.addi %mul3A_4, %mul3A_288 : i32
        %dma_start3A_290 = arith.constant 0 : i32
        %dma_start3A_291 = tpu.memref_slice %arg3[%add3A_289, %dma_start3A_290] : memref<40192x512xf32, #tpu.memory_space<hbm>> -> memref<8x512xf32, #tpu.memory_space<hbm>>
        %dma_start3A_292 = arith.constant 0 : i32
        %dma_start3A_293 = tpu.memref_slice %arg3[%add3A_289, %dma_start3A_292] : memref<40192x512xf32, #tpu.memory_space<hbm>> -> memref<8x512xf32, #tpu.memory_space<hbm>>
        tpu.enqueue_dma source(%dma_start3A_293 : memref<8x512xf32, #tpu.memory_space<hbm>>) target(%arg16 : memref<8x512xf32, #tpu.memory_space<vmem>>) target_semaphore(%arg18 : memref<!tpu.dma_semaphore, #tpu.memory_space<semaphore_mem>>)
        %dma_start3A_294 = arith.constant 0 : i32
        %dma_start3A_295 = arith.constant 0 : i32
        %dma_start3A_296 = tpu.memref_slice %arg14[%dma_start3A_294, %dma_start3A_295] : memref<64x128xf32, #tpu.memory_space<vmem>> -> memref<32x128xf32, #tpu.memory_space<vmem>>
        %dma_start3A_297 = tpu.memref_slice %arg9[%mul3A_278] : memref<10048xi32, #tpu.memory_space<vmem>> -> memref<32xi32, #tpu.memory_space<vmem>>
        %dma_start3A_298 = arith.constant 0 : i32
        %dma_start3A_299 = arith.constant 0 : i32
        %dma_start3A_300 = tpu.memref_slice %arg2[%dma_start3A_298, %dma_start3A_299] : memref<10000x128xf32, #tpu.memory_space<hbm>> -> memref<10000x128xf32, #tpu.memory_space<hbm>>
        tpu.enqueue_indirect_dma source(%dma_start3A_300 : memref<10000x128xf32, #tpu.memory_space<hbm>>) target(%dma_start3A_296 : memref<32x128xf32, #tpu.memory_space<vmem>>) offsets(%dma_start3A_297 : memref<32xi32, #tpu.memory_space<vmem>>) semaphore(%arg20 : memref<!tpu.dma_semaphore, #tpu.memory_space<semaphore_mem>>)
        %add3A_301 = arith.constant 32 : i32
        %add3A_302 = arith.addi %mul3A_278, %add3A_301 : i32
        %dma_start3A_303 = arith.constant 32 : i32
        %dma_start3A_304 = arith.constant 0 : i32
        %dma_start3A_305 = tpu.memref_slice %arg14[%dma_start3A_303, %dma_start3A_304] : memref<64x128xf32, #tpu.memory_space<vmem>> -> memref<32x128xf32, #tpu.memory_space<vmem>>
        %dma_start3A_306 = tpu.memref_slice %arg9[%add3A_302] : memref<10048xi32, #tpu.memory_space<vmem>> -> memref<32xi32, #tpu.memory_space<vmem>>
        %dma_start3A_307 = arith.constant 0 : i32
        %dma_start3A_308 = arith.constant 0 : i32
        %dma_start3A_309 = tpu.memref_slice %arg2[%dma_start3A_307, %dma_start3A_308] : memref<10000x128xf32, #tpu.memory_space<hbm>> -> memref<10000x128xf32, #tpu.memory_space<hbm>>
        tpu.enqueue_indirect_dma source(%dma_start3A_309 : memref<10000x128xf32, #tpu.memory_space<hbm>>) target(%dma_start3A_305 : memref<32x128xf32, #tpu.memory_space<vmem>>) offsets(%dma_start3A_306 : memref<32xi32, #tpu.memory_space<vmem>>) semaphore(%arg22 : memref<!tpu.dma_semaphore, #tpu.memory_space<semaphore_mem>>)
      } else {
      }
      %add3A_205 = arith.constant 1 : i32
      %add3A_206 = arith.addi %mul3A_151, %add3A_205 : i32
      %dma_wait3A_207 = arith.constant 0 : i32
      %dma_wait3A_208 = arith.constant 0 : i32
      %dma_wait3A_209 = tpu.memref_slice %arg3[%dma_wait3A_207, %dma_wait3A_208] : memref<40192x512xf32, #tpu.memory_space<hbm>> -> memref<8x512xf32, #tpu.memory_space<hbm>>
      %dma_wait3A_210 = arith.constant 0 : i32
      %dma_wait3A_211 = arith.constant 0 : i32
      %dma_wait3A_212 = tpu.memref_slice %arg3[%dma_wait3A_210, %dma_wait3A_211] : memref<40192x512xf32, #tpu.memory_space<hbm>> -> memref<8x512xf32, #tpu.memory_space<hbm>>
      tpu.wait_dma2 semaphore(%arg19 : memref<!tpu.dma_semaphore, #tpu.memory_space<semaphore_mem>>) src(%dma_wait3A_212 : memref<8x512xf32, #tpu.memory_space<hbm>>) dst(%arg17 : memref<8x512xf32, #tpu.memory_space<vmem>>)
      %dma_wait3A_213 = arith.constant 0 : i32
      %dma_wait3A_214 = arith.constant 0 : i32
      %dma_wait3A_215 = tpu.memref_slice %arg15[%dma_wait3A_213, %dma_wait3A_214] : memref<64x128xf32, #tpu.memory_space<vmem>> -> memref<32x128xf32, #tpu.memory_space<vmem>>
      %dma_wait3A_216 = arith.constant 0 : i32
      %dma_wait3A_217 = tpu.memref_slice %arg9[%dma_wait3A_216] : memref<10048xi32, #tpu.memory_space<vmem>> -> memref<32xi32, #tpu.memory_space<vmem>>
      %dma_wait3A_218 = arith.constant 0 : i32
      %dma_wait3A_219 = arith.constant 0 : i32
      %dma_wait3A_220 = tpu.memref_slice %arg2[%dma_wait3A_218, %dma_wait3A_219] : memref<10000x128xf32, #tpu.memory_space<hbm>> -> memref<10000x128xf32, #tpu.memory_space<hbm>>
      tpu.wait_indirect_dma semaphore(%arg21 : memref<!tpu.dma_semaphore, #tpu.memory_space<semaphore_mem>>) src(%dma_wait3A_220 : memref<10000x128xf32, #tpu.memory_space<hbm>>) dst(%dma_wait3A_215 : memref<32x128xf32, #tpu.memory_space<vmem>>)
      %dma_wait3A_221 = arith.constant 32 : i32
      %dma_wait3A_222 = arith.constant 0 : i32
      %dma_wait3A_223 = tpu.memref_slice %arg15[%dma_wait3A_221, %dma_wait3A_222] : memref<64x128xf32, #tpu.memory_space<vmem>> -> memref<32x128xf32, #tpu.memory_space<vmem>>
      %dma_wait3A_224 = arith.constant 0 : i32
      %dma_wait3A_225 = tpu.memref_slice %arg9[%dma_wait3A_224] : memref<10048xi32, #tpu.memory_space<vmem>> -> memref<32xi32, #tpu.memory_space<vmem>>
      %dma_wait3A_226 = arith.constant 0 : i32
      %dma_wait3A_227 = arith.constant 0 : i32
      %dma_wait3A_228 = tpu.memref_slice %arg2[%dma_wait3A_226, %dma_wait3A_227] : memref<10000x128xf32, #tpu.memory_space<hbm>> -> memref<10000x128xf32, #tpu.memory_space<hbm>>
      tpu.wait_indirect_dma semaphore(%arg23 : memref<!tpu.dma_semaphore, #tpu.memory_space<semaphore_mem>>) src(%dma_wait3A_228 : memref<10000x128xf32, #tpu.memory_space<hbm>>) dst(%dma_wait3A_223 : memref<32x128xf32, #tpu.memory_space<vmem>>)
      %dma_wait3A_229 = arith.constant 0 : i32
      %dma_wait3A_230 = tpu.memref_slice %arg5[%dma_wait3A_229] : memref<321536xi32, #tpu.memory_space<hbm>> -> memref<32xi32, #tpu.memory_space<hbm>>
      %dma_wait3A_231 = arith.constant 0 : i32
      %dma_wait3A_232 = tpu.memref_slice %arg5[%dma_wait3A_231] : memref<321536xi32, #tpu.memory_space<hbm>> -> memref<32xi32, #tpu.memory_space<hbm>>
      tpu.wait_dma2 semaphore(%arg25 : memref<!tpu.dma_semaphore, #tpu.memory_space<semaphore_mem>>) src(%dma_wait3A_232 : memref<32xi32, #tpu.memory_space<hbm>>) dst(%arg11 : memref<32xi32, #tpu.memory_space<vmem>>)
      %dma_wait3A_233 = arith.constant 0 : i32
      %dma_wait3A_234 = tpu.memref_slice %arg5[%dma_wait3A_233] : memref<321536xi32, #tpu.memory_space<hbm>> -> memref<32xi32, #tpu.memory_space<hbm>>
      %dma_wait3A_235 = arith.constant 0 : i32
      %dma_wait3A_236 = tpu.memref_slice %arg5[%dma_wait3A_235] : memref<321536xi32, #tpu.memory_space<hbm>> -> memref<32xi32, #tpu.memory_space<hbm>>
      tpu.wait_dma2 semaphore(%arg27 : memref<!tpu.dma_semaphore, #tpu.memory_space<semaphore_mem>>) src(%dma_wait3A_236 : memref<32xi32, #tpu.memory_space<hbm>>) dst(%arg13 : memref<32xi32, #tpu.memory_space<vmem>>)
      %parallel_loop3A_237 = arith.constant 0 : i32
      %parallel_loop3A_238 = arith.constant 8 : i32
      %parallel_loop3A_239 = arith.constant 1 : i32
      scf.for %parallel_loop3A_261 = %parallel_loop3A_237 to %parallel_loop3A_238 step %parallel_loop3A_239  : i32 {
        %parallel_loop3A_262 = arith.constant 8 : i32
        %parallel_loop3A_263 = arith.muli %parallel_loop3A_261, %parallel_loop3A_262 : i32
        %parallel_loop3A_264 = arith.constant 0 : i32
        %parallel_loop3A_265 = arith.addi %parallel_loop3A_263, %parallel_loop3A_264 : i32
        %parallel_loop3A_266 = arith.index_cast %parallel_loop3A_265 : i32 to index
        %parallel_loop3A_267 = arith.constant 0 : index
        %parallel_loop3A_268 = tpu.vector_load %arg15[%parallel_loop3A_266, %parallel_loop3A_267] {strides = array<i32>} : memref<64x128xf32, #tpu.memory_space<vmem>>, vector<1x16xf32>,
        %parallel_loop3A_269 = vector.shape_cast %parallel_loop3A_268 : vector<1x16xf32> to vector<16xf32>
        %parallel_loop3A_270 = arith.index_cast %parallel_loop3A_261 : i32 to index
        %parallel_loop3A_271 = arith.constant 0 : index
        %parallel_loop3A_272 = tpu.vector_load %arg17[%parallel_loop3A_270, %parallel_loop3A_271] {strides = array<i32>} : memref<8x512xf32, #tpu.memory_space<vmem>>, vector<1x16xf32>,
        %parallel_loop3A_273 = vector.shape_cast %parallel_loop3A_272 : vector<1x16xf32> to vector<16xf32>
        %parallel_loop3A_274 = arith.addf %parallel_loop3A_269, %parallel_loop3A_273 : vector<16xf32>
        %parallel_loop3A_275 = arith.constant 0.000000e+00 : f32
        %parallel_loop3A_276 = vector.broadcast %parallel_loop3A_275 : f32 to vector<16xf32>
        %parallel_loop3A_277 = arith.maximumf %parallel_loop3A_274, %parallel_loop3A_276 : vector<16xf32>
        %parallel_loop3A_278 = arith.index_cast %parallel_loop3A_265 : i32 to index
        %parallel_loop3A_279 = arith.constant 0 : index
        %parallel_loop3A_280 = tpu.vector_load %arg15[%parallel_loop3A_278, %parallel_loop3A_279] {strides = array<i32>} : memref<64x128xf32, #tpu.memory_space<vmem>>, vector<1x16xf32>,
        %parallel_loop3A_281 = vector.shape_cast %parallel_loop3A_280 : vector<1x16xf32> to vector<16xf32>
        %parallel_loop3A_282 = vector.shape_cast %parallel_loop3A_277 : vector<16xf32> to vector<1x16xf32>
        tpu.vector_store %arg15[%parallel_loop3A_278, %parallel_loop3A_279], %parallel_loop3A_282 {strides = array<i32>} : memref<64x128xf32, #tpu.memory_space<vmem>>, vector<1x16xf32>,
        %parallel_loop3A_283 = arith.constant 8 : i32
        %parallel_loop3A_284 = arith.muli %parallel_loop3A_261, %parallel_loop3A_283 : i32
        %parallel_loop3A_285 = arith.constant 0 : i32
        %parallel_loop3A_286 = arith.addi %parallel_loop3A_284, %parallel_loop3A_285 : i32
        %parallel_loop3A_287 = arith.index_cast %parallel_loop3A_286 : i32 to index
        %parallel_loop3A_288 = arith.constant 16 : index
        %parallel_loop3A_289 = tpu.vector_load %arg15[%parallel_loop3A_287, %parallel_loop3A_288] {strides = array<i32>} : memref<64x128xf32, #tpu.memory_space<vmem>>, vector<1x16xf32>,
        %parallel_loop3A_290 = vector.shape_cast %parallel_loop3A_289 : vector<1x16xf32> to vector<16xf32>
        %parallel_loop3A_291 = arith.index_cast %parallel_loop3A_261 : i32 to index
        %parallel_loop3A_292 = arith.constant 16 : index
        %parallel_loop3A_293 = tpu.vector_load %arg17[%parallel_loop3A_291, %parallel_loop3A_292] {strides = array<i32>} : memref<8x512xf32, #tpu.memory_space<vmem>>, vector<1x16xf32>,
        %parallel_loop3A_294 = vector.shape_cast %parallel_loop3A_293 : vector<1x16xf32> to vector<16xf32>
        %parallel_loop3A_295 = arith.addf %parallel_loop3A_290, %parallel_loop3A_294 : vector<16xf32>
        %parallel_loop3A_296 = arith.constant 0.000000e+00 : f32
        %parallel_loop3A_297 = vector.broadcast %parallel_loop3A_296 : f32 to vector<16xf32>
        %parallel_loop3A_298 = arith.maximumf %parallel_loop3A_295, %parallel_loop3A_297 : vector<16xf32>
        %parallel_loop3A_299 = arith.index_cast %parallel_loop3A_286 : i32 to index
        %parallel_loop3A_300 = arith.constant 16 : index
        %parallel_loop3A_301 = tpu.vector_load %arg15[%parallel_loop3A_299, %parallel_loop3A_300] {strides = array<i32>} : memref<64x128xf32, #tpu.memory_space<vmem>>, vector<1x16xf32>,
        %parallel_loop3A_302 = vector.shape_cast %parallel_loop3A_301 : vector<1x16xf32> to vector<16xf32>
        %parallel_loop3A_303 = vector.shape_cast %parallel_loop3A_298 : vector<16xf32> to vector<1x16xf32>
        tpu.vector_store %arg15[%parallel_loop3A_299, %parallel_loop3A_300], %parallel_loop3A_303 {strides = array<i32>} : memref<64x128xf32, #tpu.memory_space<vmem>>, vector<1x16xf32>,
        %parallel_loop3A_304 = arith.constant 8 : i32
        %parallel_loop3A_305 = arith.muli %parallel_loop3A_261, %parallel_loop3A_304 : i32
        %parallel_loop3A_306 = arith.constant 0 : i32
        %parallel_loop3A_307 = arith.addi %parallel_loop3A_305, %parallel_loop3A_306 : i32
        %parallel_loop3A_308 = arith.index_cast %parallel_loop3A_307 : i32 to index
        %parallel_loop3A_309 = arith.constant 32 : index
        %parallel_loop3A_310 = tpu.vector_load %arg15[%parallel_loop3A_308, %parallel_loop3A_309] {strides = array<i32>} : memref<64x128xf32, #tpu.memory_space<vmem>>, vector<1x16xf32>,
        %parallel_loop3A_311 = vector.shape_cast %parallel_loop3A_310 : vector<1x16xf32> to vector<16xf32>
        %parallel_loop3A_312 = arith.index_cast %parallel_loop3A_261 : i32 to index
        %parallel_loop3A_313 = arith.constant 32 : index
        %parallel_loop3A_314 = tpu.vector_load %arg17[%parallel_loop3A_312, %parallel_loop3A_313] {strides = array<i32>} : memref<8x512xf32, #tpu.memory_space<vmem>>, vector<1x16xf32>,
        %parallel_loop3A_315 = vector.shape_cast %parallel_loop3A_314 : vector<1x16xf32> to vector<16xf32>
        %parallel_loop3A_316 = arith.addf %parallel_loop3A_311, %parallel_loop3A_315 : vector<16xf32>
        %parallel_loop3A_317 = arith.constant 0.000000e+00 : f32
        %parallel_loop3A_318 = vector.broadcast %parallel_loop3A_317 : f32 to vector<16xf32>
        %parallel_loop3A_319 = arith.maximumf %parallel_loop3A_316, %parallel_loop3A_318 : vector<16xf32>
        %parallel_loop3A_320 = arith.index_cast %parallel_loop3A_307 : i32 to index
        %parallel_loop3A_321 = arith.constant 32 : index
        %parallel_loop3A_322 = tpu.vector_load %arg15[%parallel_loop3A_320, %parallel_loop3A_321] {strides = array<i32>} : memref<64x128xf32, #tpu.memory_space<vmem>>, vector<1x16xf32>,
        %parallel_loop3A_323 = vector.shape_cast %parallel_loop3A_322 : vector<1x16xf32> to vector<16xf32>
        %parallel_loop3A_324 = vector.shape_cast %parallel_loop3A_319 : vector<16xf32> to vector<1x16xf32>
        tpu.vector_store %arg15[%parallel_loop3A_320, %parallel_loop3A_321], %parallel_loop3A_324 {strides = array<i32>} : memref<64x128xf32, #tpu.memory_space<vmem>>, vector<1x16xf32>,
        %parallel_loop3A_325 = arith.constant 8 : i32
        %parallel_loop3A_326 = arith.muli %parallel_loop3A_261, %parallel_loop3A_325 : i32
        %parallel_loop3A_327 = arith.constant 0 : i32
        %parallel_loop3A_328 = arith.addi %parallel_loop3A_326, %parallel_loop3A_327 : i32
        %parallel_loop3A_329 = arith.index_cast %parallel_loop3A_328 : i32 to index
        %parallel_loop3A_330 = arith.constant 48 : index
        %parallel_loop3A_331 = tpu.vector_load %arg15[%parallel_loop3A_329, %parallel_loop3A_330] {strides = array<i32>} : memref<64x128xf32, #tpu.memory_space<vmem>>, vector<1x16xf32>,
        %parallel_loop3A_332 = vector.shape_cast %parallel_loop3A_331 : vector<1x16xf32> to vector<16xf32>
        %parallel_loop3A_333 = arith.index_cast %parallel_loop3A_261 : i32 to index
        %parallel_loop3A_334 = arith.constant 48 : index
        %parallel_loop3A_335 = tpu.vector_load %arg17[%parallel_loop3A_333, %parallel_loop3A_334] {strides = array<i32>} : memref<8x512xf32, #tpu.memory_space<vmem>>, vector<1x16xf32>,
        %parallel_loop3A_336 = vector.shape_cast %parallel_loop3A_335 : vector<1x16xf32> to vector<16xf32>
        %parallel_loop3A_337 = arith.addf %parallel_loop3A_332, %parallel_loop3A_336 : vector<16xf32>
        %parallel_loop3A_338 = arith.constant 0.000000e+00 : f32
        %parallel_loop3A_339 = vector.broadcast %parallel_loop3A_338 : f32 to vector<16xf32>
        %parallel_loop3A_340 = arith.maximumf %parallel_loop3A_337, %parallel_loop3A_339 : vector<16xf32>
        %parallel_loop3A_341 = arith.index_cast %parallel_loop3A_328 : i32 to index
        %parallel_loop3A_342 = arith.constant 48 : index
        %parallel_loop3A_343 = tpu.vector_load %arg15[%parallel_loop3A_341, %parallel_loop3A_342] {strides = array<i32>} : memref<64x128xf32, #tpu.memory_space<vmem>>, vector<1x16xf32>,
        %parallel_loop3A_344 = vector.shape_cast %parallel_loop3A_343 : vector<1x16xf32> to vector<16xf32>
        %parallel_loop3A_345 = vector.shape_cast %parallel_loop3A_340 : vector<16xf32> to vector<1x16xf32>
        tpu.vector_store %arg15[%parallel_loop3A_341, %parallel_loop3A_342], %parallel_loop3A_345 {strides = array<i32>} : memref<64x128xf32, #tpu.memory_space<vmem>>, vector<1x16xf32>,
        %parallel_loop3A_346 = arith.constant 8 : i32
        %parallel_loop3A_347 = arith.muli %parallel_loop3A_261, %parallel_loop3A_346 : i32
        %parallel_loop3A_348 = arith.constant 1 : i32
        %parallel_loop3A_349 = arith.addi %parallel_loop3A_347, %parallel_loop3A_348 : i32
        %parallel_loop3A_350 = arith.index_cast %parallel_loop3A_349 : i32 to index
        %parallel_loop3A_351 = arith.constant 0 : index
        %parallel_loop3A_352 = tpu.vector_load %arg15[%parallel_loop3A_350, %parallel_loop3A_351] {strides = array<i32>} : memref<64x128xf32, #tpu.memory_space<vmem>>, vector<1x16xf32>,
        %parallel_loop3A_353 = vector.shape_cast %parallel_loop3A_352 : vector<1x16xf32> to vector<16xf32>
        %parallel_loop3A_354 = arith.index_cast %parallel_loop3A_261 : i32 to index
        %parallel_loop3A_355 = arith.constant 64 : index
        %parallel_loop3A_356 = tpu.vector_load %arg17[%parallel_loop3A_354, %parallel_loop3A_355] {strides = array<i32>} : memref<8x512xf32, #tpu.memory_space<vmem>>, vector<1x16xf32>,
        %parallel_loop3A_357 = vector.shape_cast %parallel_loop3A_356 : vector<1x16xf32> to vector<16xf32>
        %parallel_loop3A_358 = arith.addf %parallel_loop3A_353, %parallel_loop3A_357 : vector<16xf32>
        %parallel_loop3A_359 = arith.constant 0.000000e+00 : f32
        %parallel_loop3A_360 = vector.broadcast %parallel_loop3A_359 : f32 to vector<16xf32>
        %parallel_loop3A_361 = arith.maximumf %parallel_loop3A_358, %parallel_loop3A_360 : vector<16xf32>
        %parallel_loop3A_362 = arith.index_cast %parallel_loop3A_349 : i32 to index
        %parallel_loop3A_363 = arith.constant 0 : index
        %parallel_loop3A_364 = tpu.vector_load %arg15[%parallel_loop3A_362, %parallel_loop3A_363] {strides = array<i32>} : memref<64x128xf32, #tpu.memory_space<vmem>>, vector<1x16xf32>,
        %parallel_loop3A_365 = vector.shape_cast %parallel_loop3A_364 : vector<1x16xf32> to vector<16xf32>
        %parallel_loop3A_366 = vector.shape_cast %parallel_loop3A_361 : vector<16xf32> to vector<1x16xf32>
        tpu.vector_store %arg15[%parallel_loop3A_362, %parallel_loop3A_363], %parallel_loop3A_366 {strides = array<i32>} : memref<64x128xf32, #tpu.memory_space<vmem>>, vector<1x16xf32>,
        %parallel_loop3A_367 = arith.constant 8 : i32
        %parallel_loop3A_368 = arith.muli %parallel_loop3A_261, %parallel_loop3A_367 : i32
        %parallel_loop3A_369 = arith.constant 1 : i32
        %parallel_loop3A_370 = arith.addi %parallel_loop3A_368, %parallel_loop3A_369 : i32
        %parallel_loop3A_371 = arith.index_cast %parallel_loop3A_370 : i32 to index
        %parallel_loop3A_372 = arith.constant 16 : index
        %parallel_loop3A_373 = tpu.vector_load %arg15[%parallel_loop3A_371, %parallel_loop3A_372] {strides = array<i32>} : memref<64x128xf32, #tpu.memory_space<vmem>>, vector<1x16xf32>,
        %parallel_loop3A_374 = vector.shape_cast %parallel_loop3A_373 : vector<1x16xf32> to vector<16xf32>
        %parallel_loop3A_375 = arith.index_cast %parallel_loop3A_261 : i32 to index
        %parallel_loop3A_376 = arith.constant 80 : index
        %parallel_loop3A_377 = tpu.vector_load %arg17[%parallel_loop3A_375, %parallel_loop3A_376] {strides = array<i32>} : memref<8x512xf32, #tpu.memory_space<vmem>>, vector<1x16xf32>,
        %parallel_loop3A_378 = vector.shape_cast %parallel_loop3A_377 : vector<1x16xf32> to vector<16xf32>
        %parallel_loop3A_379 = arith.addf %parallel_loop3A_374, %parallel_loop3A_378 : vector<16xf32>
        %parallel_loop3A_380 = arith.constant 0.000000e+00 : f32
        %parallel_loop3A_381 = vector.broadcast %parallel_loop3A_380 : f32 to vector<16xf32>
        %parallel_loop3A_382 = arith.maximumf %parallel_loop3A_379, %parallel_loop3A_381 : vector<16xf32>
        %parallel_loop3A_383 = arith.index_cast %parallel_loop3A_370 : i32 to index
        %parallel_loop3A_384 = arith.constant 16 : index
        %parallel_loop3A_385 = tpu.vector_load %arg15[%parallel_loop3A_383, %parallel_loop3A_384] {strides = array<i32>} : memref<64x128xf32, #tpu.memory_space<vmem>>, vector<1x16xf32>,
        %parallel_loop3A_386 = vector.shape_cast %parallel_loop3A_385 : vector<1x16xf32> to vector<16xf32>
        %parallel_loop3A_387 = vector.shape_cast %parallel_loop3A_382 : vector<16xf32> to vector<1x16xf32>
        tpu.vector_store %arg15[%parallel_loop3A_383, %parallel_loop3A_384], %parallel_loop3A_387 {strides = array<i32>} : memref<64x128xf32, #tpu.memory_space<vmem>>, vector<1x16xf32>,
        %parallel_loop3A_388 = arith.constant 8 : i32
        %parallel_loop3A_389 = arith.muli %parallel_loop3A_261, %parallel_loop3A_388 : i32
        %parallel_loop3A_390 = arith.constant 1 : i32
        %parallel_loop3A_391 = arith.addi %parallel_loop3A_389, %parallel_loop3A_390 : i32
        %parallel_loop3A_392 = arith.index_cast %parallel_loop3A_391 : i32 to index
        %parallel_loop3A_393 = arith.constant 32 : index
        %parallel_loop3A_394 = tpu.vector_load %arg15[%parallel_loop3A_392, %parallel_loop3A_393] {strides = array<i32>} : memref<64x128xf32, #tpu.memory_space<vmem>>, vector<1x16xf32>,
        %parallel_loop3A_395 = vector.shape_cast %parallel_loop3A_394 : vector<1x16xf32> to vector<16xf32>
        %parallel_loop3A_396 = arith.index_cast %parallel_loop3A_261 : i32 to index
        %parallel_loop3A_397 = arith.constant 96 : index
        %parallel_loop3A_398 = tpu.vector_load %arg17[%parallel_loop3A_396, %parallel_loop3A_397] {strides = array<i32>} : memref<8x512xf32, #tpu.memory_space<vmem>>, vector<1x16xf32>,
        %parallel_loop3A_399 = vector.shape_cast %parallel_loop3A_398 : vector<1x16xf32> to vector<16xf32>
        %parallel_loop3A_400 = arith.addf %parallel_loop3A_395, %parallel_loop3A_399 : vector<16xf32>
        %parallel_loop3A_401 = arith.constant 0.000000e+00 : f32
        %parallel_loop3A_402 = vector.broadcast %parallel_loop3A_401 : f32 to vector<16xf32>
        %parallel_loop3A_403 = arith.maximumf %parallel_loop3A_400, %parallel_loop3A_402 : vector<16xf32>
        %parallel_loop3A_404 = arith.index_cast %parallel_loop3A_391 : i32 to index
        %parallel_loop3A_405 = arith.constant 32 : index
        %parallel_loop3A_406 = tpu.vector_load %arg15[%parallel_loop3A_404, %parallel_loop3A_405] {strides = array<i32>} : memref<64x128xf32, #tpu.memory_space<vmem>>, vector<1x16xf32>,
        %parallel_loop3A_407 = vector.shape_cast %parallel_loop3A_406 : vector<1x16xf32> to vector<16xf32>
        %parallel_loop3A_408 = vector.shape_cast %parallel_loop3A_403 : vector<16xf32> to vector<1x16xf32>
        tpu.vector_store %arg15[%parallel_loop3A_404, %parallel_loop3A_405], %parallel_loop3A_408 {strides = array<i32>} : memref<64x128xf32, #tpu.memory_space<vmem>>, vector<1x16xf32>,
        %parallel_loop3A_409 = arith.constant 8 : i32
        %parallel_loop3A_410 = arith.muli %parallel_loop3A_261, %parallel_loop3A_409 : i32
        %parallel_loop3A_411 = arith.constant 1 : i32
        %parallel_loop3A_412 = arith.addi %parallel_loop3A_410, %parallel_loop3A_411 : i32
        %parallel_loop3A_413 = arith.index_cast %parallel_loop3A_412 : i32 to index
        %parallel_loop3A_414 = arith.constant 48 : index
        %parallel_loop3A_415 = tpu.vector_load %arg15[%parallel_loop3A_413, %parallel_loop3A_414] {strides = array<i32>} : memref<64x128xf32, #tpu.memory_space<vmem>>, vector<1x16xf32>,
        %parallel_loop3A_416 = vector.shape_cast %parallel_loop3A_415 : vector<1x16xf32> to vector<16xf32>
        %parallel_loop3A_417 = arith.index_cast %parallel_loop3A_261 : i32 to index
        %parallel_loop3A_418 = arith.constant 112 : index
        %parallel_loop3A_419 = tpu.vector_load %arg17[%parallel_loop3A_417, %parallel_loop3A_418] {strides = array<i32>} : memref<8x512xf32, #tpu.memory_space<vmem>>, vector<1x16xf32>,
        %parallel_loop3A_420 = vector.shape_cast %parallel_loop3A_419 : vector<1x16xf32> to vector<16xf32>
        %parallel_loop3A_421 = arith.addf %parallel_loop3A_416, %parallel_loop3A_420 : vector<16xf32>
        %parallel_loop3A_422 = arith.constant 0.000000e+00 : f32
        %parallel_loop3A_423 = vector.broadcast %parallel_loop3A_422 : f32 to vector<16xf32>
        %parallel_loop3A_424 = arith.maximumf %parallel_loop3A_421, %parallel_loop3A_423 : vector<16xf32>
        %parallel_loop3A_425 = arith.index_cast %parallel_loop3A_412 : i32 to index
        %parallel_loop3A_426 = arith.constant 48 : index
        %parallel_loop3A_427 = tpu.vector_load %arg15[%parallel_loop3A_425, %parallel_loop3A_426] {strides = array<i32>} : memref<64x128xf32, #tpu.memory_space<vmem>>, vector<1x16xf32>,
        %parallel_loop3A_428 = vector.shape_cast %parallel_loop3A_427 : vector<1x16xf32> to vector<16xf32>
        %parallel_loop3A_429 = vector.shape_cast %parallel_loop3A_424 : vector<16xf32> to vector<1x16xf32>
        tpu.vector_store %arg15[%parallel_loop3A_425, %parallel_loop3A_426], %parallel_loop3A_429 {strides = array<i32>} : memref<64x128xf32, #tpu.memory_space<vmem>>, vector<1x16xf32>,
        %parallel_loop3A_430 = arith.constant 8 : i32
        %parallel_loop3A_431 = arith.muli %parallel_loop3A_261, %parallel_loop3A_430 : i32
        %parallel_loop3A_432 = arith.constant 2 : i32
        %parallel_loop3A_433 = arith.addi %parallel_loop3A_431, %parallel_loop3A_432 : i32
        %parallel_loop3A_434 = arith.index_cast %parallel_loop3A_433 : i32 to index
        %parallel_loop3A_435 = arith.constant 0 : index
        %parallel_loop3A_436 = tpu.vector_load %arg15[%parallel_loop3A_434, %parallel_loop3A_435] {strides = array<i32>} : memref<64x128xf32, #tpu.memory_space<vmem>>, vector<1x16xf32>,
        %parallel_loop3A_437 = vector.shape_cast %parallel_loop3A_436 : vector<1x16xf32> to vector<16xf32>
        %parallel_loop3A_438 = arith.index_cast %parallel_loop3A_261 : i32 to index
        %parallel_loop3A_439 = arith.constant 128 : index
        %parallel_loop3A_440 = tpu.vector_load %arg17[%parallel_loop3A_438, %parallel_loop3A_439] {strides = array<i32>} : memref<8x512xf32, #tpu.memory_space<vmem>>, vector<1x16xf32>,
        %parallel_loop3A_441 = vector.shape_cast %parallel_loop3A_440 : vector<1x16xf32> to vector<16xf32>
        %parallel_loop3A_442 = arith.addf %parallel_loop3A_437, %parallel_loop3A_441 : vector<16xf32>
        %parallel_loop3A_443 = arith.constant 0.000000e+00 : f32
        %parallel_loop3A_444 = vector.broadcast %parallel_loop3A_443 : f32 to vector<16xf32>
        %parallel_loop3A_445 = arith.maximumf %parallel_loop3A_442, %parallel_loop3A_444 : vector<16xf32>
        %parallel_loop3A_446 = arith.index_cast %parallel_loop3A_433 : i32 to index
        %parallel_loop3A_447 = arith.constant 0 : index
        %parallel_loop3A_448 = tpu.vector_load %arg15[%parallel_loop3A_446, %parallel_loop3A_447] {strides = array<i32>} : memref<64x128xf32, #tpu.memory_space<vmem>>, vector<1x16xf32>,
        %parallel_loop3A_449 = vector.shape_cast %parallel_loop3A_448 : vector<1x16xf32> to vector<16xf32>
        %parallel_loop3A_450 = vector.shape_cast %parallel_loop3A_445 : vector<16xf32> to vector<1x16xf32>
        tpu.vector_store %arg15[%parallel_loop3A_446, %parallel_loop3A_447], %parallel_loop3A_450 {strides = array<i32>} : memref<64x128xf32, #tpu.memory_space<vmem>>, vector<1x16xf32>,
        %parallel_loop3A_451 = arith.constant 8 : i32
        %parallel_loop3A_452 = arith.muli %parallel_loop3A_261, %parallel_loop3A_451 : i32
        %parallel_loop3A_453 = arith.constant 2 : i32
        %parallel_loop3A_454 = arith.addi %parallel_loop3A_452, %parallel_loop3A_453 : i32
        %parallel_loop3A_455 = arith.index_cast %parallel_loop3A_454 : i32 to index
        %parallel_loop3A_456 = arith.constant 16 : index
        %parallel_loop3A_457 = tpu.vector_load %arg15[%parallel_loop3A_455, %parallel_loop3A_456] {strides = array<i32>} : memref<64x128xf32, #tpu.memory_space<vmem>>, vector<1x16xf32>,
        %parallel_loop3A_458 = vector.shape_cast %parallel_loop3A_457 : vector<1x16xf32> to vector<16xf32>
        %parallel_loop3A_459 = arith.index_cast %parallel_loop3A_261 : i32 to index
        %parallel_loop3A_460 = arith.constant 144 : index
        %parallel_loop3A_461 = tpu.vector_load %arg17[%parallel_loop3A_459, %parallel_loop3A_460] {strides = array<i32>} : memref<8x512xf32, #tpu.memory_space<vmem>>, vector<1x16xf32>,
        %parallel_loop3A_462 = vector.shape_cast %parallel_loop3A_461 : vector<1x16xf32> to vector<16xf32>
        %parallel_loop3A_463 = arith.addf %parallel_loop3A_458, %parallel_loop3A_462 : vector<16xf32>
        %parallel_loop3A_464 = arith.constant 0.000000e+00 : f32
        %parallel_loop3A_465 = vector.broadcast %parallel_loop3A_464 : f32 to vector<16xf32>
        %parallel_loop3A_466 = arith.maximumf %parallel_loop3A_463, %parallel_loop3A_465 : vector<16xf32>
        %parallel_loop3A_467 = arith.index_cast %parallel_loop3A_454 : i32 to index
        %parallel_loop3A_468 = arith.constant 16 : index
        %parallel_loop3A_469 = tpu.vector_load %arg15[%parallel_loop3A_467, %parallel_loop3A_468] {strides = array<i32>} : memref<64x128xf32, #tpu.memory_space<vmem>>, vector<1x16xf32>,
        %parallel_loop3A_470 = vector.shape_cast %parallel_loop3A_469 : vector<1x16xf32> to vector<16xf32>
        %parallel_loop3A_471 = vector.shape_cast %parallel_loop3A_466 : vector<16xf32> to vector<1x16xf32>
        tpu.vector_store %arg15[%parallel_loop3A_467, %parallel_loop3A_468], %parallel_loop3A_471 {strides = array<i32>} : memref<64x128xf32, #tpu.memory_space<vmem>>, vector<1x16xf32>,
        %parallel_loop3A_472 = arith.constant 8 : i32
        %parallel_loop3A_473 = arith.muli %parallel_loop3A_261, %parallel_loop3A_472 : i32
        %parallel_loop3A_474 = arith.constant 2 : i32
        %parallel_loop3A_475 = arith.addi %parallel_loop3A_473, %parallel_loop3A_474 : i32
        %parallel_loop3A_476 = arith.index_cast %parallel_loop3A_475 : i32 to index
        %parallel_loop3A_477 = arith.constant 32 : index
        %parallel_loop3A_478 = tpu.vector_load %arg15[%parallel_loop3A_476, %parallel_loop3A_477] {strides = array<i32>} : memref<64x128xf32, #tpu.memory_space<vmem>>, vector<1x16xf32>,
        %parallel_loop3A_479 = vector.shape_cast %parallel_loop3A_478 : vector<1x16xf32> to vector<16xf32>
        %parallel_loop3A_480 = arith.index_cast %parallel_loop3A_261 : i32 to index
        %parallel_loop3A_481 = arith.constant 160 : index
        %parallel_loop3A_482 = tpu.vector_load %arg17[%parallel_loop3A_480, %parallel_loop3A_481] {strides = array<i32>} : memref<8x512xf32, #tpu.memory_space<vmem>>, vector<1x16xf32>,
        %parallel_loop3A_483 = vector.shape_cast %parallel_loop3A_482 : vector<1x16xf32> to vector<16xf32>
        %parallel_loop3A_484 = arith.addf %parallel_loop3A_479, %parallel_loop3A_483 : vector<16xf32>
        %parallel_loop3A_485 = arith.constant 0.000000e+00 : f32
        %parallel_loop3A_486 = vector.broadcast %parallel_loop3A_485 : f32 to vector<16xf32>
        %parallel_loop3A_487 = arith.maximumf %parallel_loop3A_484, %parallel_loop3A_486 : vector<16xf32>
        %parallel_loop3A_488 = arith.index_cast %parallel_loop3A_475 : i32 to index
        %parallel_loop3A_489 = arith.constant 32 : index
        %parallel_loop3A_490 = tpu.vector_load %arg15[%parallel_loop3A_488, %parallel_loop3A_489] {strides = array<i32>} : memref<64x128xf32, #tpu.memory_space<vmem>>, vector<1x16xf32>,
        %parallel_loop3A_491 = vector.shape_cast %parallel_loop3A_490 : vector<1x16xf32> to vector<16xf32>
        %parallel_loop3A_492 = vector.shape_cast %parallel_loop3A_487 : vector<16xf32> to vector<1x16xf32>
        tpu.vector_store %arg15[%parallel_loop3A_488, %parallel_loop3A_489], %parallel_loop3A_492 {strides = array<i32>} : memref<64x128xf32, #tpu.memory_space<vmem>>, vector<1x16xf32>,
        %parallel_loop3A_493 = arith.constant 8 : i32
        %parallel_loop3A_494 = arith.muli %parallel_loop3A_261, %parallel_loop3A_493 : i32
        %parallel_loop3A_495 = arith.constant 2 : i32
        %parallel_loop3A_496 = arith.addi %parallel_loop3A_494, %parallel_loop3A_495 : i32
        %parallel_loop3A_497 = arith.index_cast %parallel_loop3A_496 : i32 to index
        %parallel_loop3A_498 = arith.constant 48 : index
        %parallel_loop3A_499 = tpu.vector_load %arg15[%parallel_loop3A_497, %parallel_loop3A_498] {strides = array<i32>} : memref<64x128xf32, #tpu.memory_space<vmem>>, vector<1x16xf32>,
        %parallel_loop3A_500 = vector.shape_cast %parallel_loop3A_499 : vector<1x16xf32> to vector<16xf32>
        %parallel_loop3A_501 = arith.index_cast %parallel_loop3A_261 : i32 to index
        %parallel_loop3A_502 = arith.constant 176 : index
        %parallel_loop3A_503 = tpu.vector_load %arg17[%parallel_loop3A_501, %parallel_loop3A_502] {strides = array<i32>} : memref<8x512xf32, #tpu.memory_space<vmem>>, vector<1x16xf32>,
        %parallel_loop3A_504 = vector.shape_cast %parallel_loop3A_503 : vector<1x16xf32> to vector<16xf32>
        %parallel_loop3A_505 = arith.addf %parallel_loop3A_500, %parallel_loop3A_504 : vector<16xf32>
        %parallel_loop3A_506 = arith.constant 0.000000e+00 : f32
        %parallel_loop3A_507 = vector.broadcast %parallel_loop3A_506 : f32 to vector<16xf32>
        %parallel_loop3A_508 = arith.maximumf %parallel_loop3A_505, %parallel_loop3A_507 : vector<16xf32>
        %parallel_loop3A_509 = arith.index_cast %parallel_loop3A_496 : i32 to index
        %parallel_loop3A_510 = arith.constant 48 : index
        %parallel_loop3A_511 = tpu.vector_load %arg15[%parallel_loop3A_509, %parallel_loop3A_510] {strides = array<i32>} : memref<64x128xf32, #tpu.memory_space<vmem>>, vector<1x16xf32>,
        %parallel_loop3A_512 = vector.shape_cast %parallel_loop3A_511 : vector<1x16xf32> to vector<16xf32>
        %parallel_loop3A_513 = vector.shape_cast %parallel_loop3A_508 : vector<16xf32> to vector<1x16xf32>
        tpu.vector_store %arg15[%parallel_loop3A_509, %parallel_loop3A_510], %parallel_loop3A_513 {strides = array<i32>} : memref<64x128xf32, #tpu.memory_space<vmem>>, vector<1x16xf32>,
        %parallel_loop3A_514 = arith.constant 8 : i32
        %parallel_loop3A_515 = arith.muli %parallel_loop3A_261, %parallel_loop3A_514 : i32
        %parallel_loop3A_516 = arith.constant 3 : i32
        %parallel_loop3A_517 = arith.addi %parallel_loop3A_515, %parallel_loop3A_516 : i32
        %parallel_loop3A_518 = arith.index_cast %parallel_loop3A_517 : i32 to index
        %parallel_loop3A_519 = arith.constant 0 : index
        %parallel_loop3A_520 = tpu.vector_load %arg15[%parallel_loop3A_518, %parallel_loop3A_519] {strides = array<i32>} : memref<64x128xf32, #tpu.memory_space<vmem>>, vector<1x16xf32>,
        %parallel_loop3A_521 = vector.shape_cast %parallel_loop3A_520 : vector<1x16xf32> to vector<16xf32>
        %parallel_loop3A_522 = arith.index_cast %parallel_loop3A_261 : i32 to index
        %parallel_loop3A_523 = arith.constant 192 : index
        %parallel_loop3A_524 = tpu.vector_load %arg17[%parallel_loop3A_522, %parallel_loop3A_523] {strides = array<i32>} : memref<8x512xf32, #tpu.memory_space<vmem>>, vector<1x16xf32>,
        %parallel_loop3A_525 = vector.shape_cast %parallel_loop3A_524 : vector<1x16xf32> to vector<16xf32>
        %parallel_loop3A_526 = arith.addf %parallel_loop3A_521, %parallel_loop3A_525 : vector<16xf32>
        %parallel_loop3A_527 = arith.constant 0.000000e+00 : f32
        %parallel_loop3A_528 = vector.broadcast %parallel_loop3A_527 : f32 to vector<16xf32>
        %parallel_loop3A_529 = arith.maximumf %parallel_loop3A_526, %parallel_loop3A_528 : vector<16xf32>
        %parallel_loop3A_530 = arith.index_cast %parallel_loop3A_517 : i32 to index
        %parallel_loop3A_531 = arith.constant 0 : index
        %parallel_loop3A_532 = tpu.vector_load %arg15[%parallel_loop3A_530, %parallel_loop3A_531] {strides = array<i32>} : memref<64x128xf32, #tpu.memory_space<vmem>>, vector<1x16xf32>,
        %parallel_loop3A_533 = vector.shape_cast %parallel_loop3A_532 : vector<1x16xf32> to vector<16xf32>
        %parallel_loop3A_534 = vector.shape_cast %parallel_loop3A_529 : vector<16xf32> to vector<1x16xf32>
        tpu.vector_store %arg15[%parallel_loop3A_530, %parallel_loop3A_531], %parallel_loop3A_534 {strides = array<i32>} : memref<64x128xf32, #tpu.memory_space<vmem>>, vector<1x16xf32>,
        %parallel_loop3A_535 = arith.constant 8 : i32
        %parallel_loop3A_536 = arith.muli %parallel_loop3A_261, %parallel_loop3A_535 : i32
        %parallel_loop3A_537 = arith.constant 3 : i32
        %parallel_loop3A_538 = arith.addi %parallel_loop3A_536, %parallel_loop3A_537 : i32
        %parallel_loop3A_539 = arith.index_cast %parallel_loop3A_538 : i32 to index
        %parallel_loop3A_540 = arith.constant 16 : index
        %parallel_loop3A_541 = tpu.vector_load %arg15[%parallel_loop3A_539, %parallel_loop3A_540] {strides = array<i32>} : memref<64x128xf32, #tpu.memory_space<vmem>>, vector<1x16xf32>,
        %parallel_loop3A_542 = vector.shape_cast %parallel_loop3A_541 : vector<1x16xf32> to vector<16xf32>
        %parallel_loop3A_543 = arith.index_cast %parallel_loop3A_261 : i32 to index
        %parallel_loop3A_544 = arith.constant 208 : index
        %parallel_loop3A_545 = tpu.vector_load %arg17[%parallel_loop3A_543, %parallel_loop3A_544] {strides = array<i32>} : memref<8x512xf32, #tpu.memory_space<vmem>>, vector<1x16xf32>,
        %parallel_loop3A_546 = vector.shape_cast %parallel_loop3A_545 : vector<1x16xf32> to vector<16xf32>
        %parallel_loop3A_547 = arith.addf %parallel_loop3A_542, %parallel_loop3A_546 : vector<16xf32>
        %parallel_loop3A_548 = arith.constant 0.000000e+00 : f32
        %parallel_loop3A_549 = vector.broadcast %parallel_loop3A_548 : f32 to vector<16xf32>
        %parallel_loop3A_550 = arith.maximumf %parallel_loop3A_547, %parallel_loop3A_549 : vector<16xf32>
        %parallel_loop3A_551 = arith.index_cast %parallel_loop3A_538 : i32 to index
        %parallel_loop3A_552 = arith.constant 16 : index
        %parallel_loop3A_553 = tpu.vector_load %arg15[%parallel_loop3A_551, %parallel_loop3A_552] {strides = array<i32>} : memref<64x128xf32, #tpu.memory_space<vmem>>, vector<1x16xf32>,
        %parallel_loop3A_554 = vector.shape_cast %parallel_loop3A_553 : vector<1x16xf32> to vector<16xf32>
        %parallel_loop3A_555 = vector.shape_cast %parallel_loop3A_550 : vector<16xf32> to vector<1x16xf32>
        tpu.vector_store %arg15[%parallel_loop3A_551, %parallel_loop3A_552], %parallel_loop3A_555 {strides = array<i32>} : memref<64x128xf32, #tpu.memory_space<vmem>>, vector<1x16xf32>,
        %parallel_loop3A_556 = arith.constant 8 : i32
        %parallel_loop3A_557 = arith.muli %parallel_loop3A_261, %parallel_loop3A_556 : i32
        %parallel_loop3A_558 = arith.constant 3 : i32
        %parallel_loop3A_559 = arith.addi %parallel_loop3A_557, %parallel_loop3A_558 : i32
        %parallel_loop3A_560 = arith.index_cast %parallel_loop3A_559 : i32 to index
        %parallel_loop3A_561 = arith.constant 32 : index
        %parallel_loop3A_562 = tpu.vector_load %arg15[%parallel_loop3A_560, %parallel_loop3A_561] {strides = array<i32>} : memref<64x128xf32, #tpu.memory_space<vmem>>, vector<1x16xf32>,
        %parallel_loop3A_563 = vector.shape_cast %parallel_loop3A_562 : vector<1x16xf32> to vector<16xf32>
        %parallel_loop3A_564 = arith.index_cast %parallel_loop3A_261 : i32 to index
        %parallel_loop3A_565 = arith.constant 224 : index
        %parallel_loop3A_566 = tpu.vector_load %arg17[%parallel_loop3A_564, %parallel_loop3A_565] {strides = array<i32>} : memref<8x512xf32, #tpu.memory_space<vmem>>, vector<1x16xf32>,
        %parallel_loop3A_567 = vector.shape_cast %parallel_loop3A_566 : vector<1x16xf32> to vector<16xf32>
        %parallel_loop3A_568 = arith.addf %parallel_loop3A_563, %parallel_loop3A_567 : vector<16xf32>
        %parallel_loop3A_569 = arith.constant 0.000000e+00 : f32
        %parallel_loop3A_570 = vector.broadcast %parallel_loop3A_569 : f32 to vector<16xf32>
        %parallel_loop3A_571 = arith.maximumf %parallel_loop3A_568, %parallel_loop3A_570 : vector<16xf32>
        %parallel_loop3A_572 = arith.index_cast %parallel_loop3A_559 : i32 to index
        %parallel_loop3A_573 = arith.constant 32 : index
        %parallel_loop3A_574 = tpu.vector_load %arg15[%parallel_loop3A_572, %parallel_loop3A_573] {strides = array<i32>} : memref<64x128xf32, #tpu.memory_space<vmem>>, vector<1x16xf32>,
        %parallel_loop3A_575 = vector.shape_cast %parallel_loop3A_574 : vector<1x16xf32> to vector<16xf32>
        %parallel_loop3A_576 = vector.shape_cast %parallel_loop3A_571 : vector<16xf32> to vector<1x16xf32>
        tpu.vector_store %arg15[%parallel_loop3A_572, %parallel_loop3A_573], %parallel_loop3A_576 {strides = array<i32>} : memref<64x128xf32, #tpu.memory_space<vmem>>, vector<1x16xf32>,
        %parallel_loop3A_577 = arith.constant 8 : i32
        %parallel_loop3A_578 = arith.muli %parallel_loop3A_261, %parallel_loop3A_577 : i32
        %parallel_loop3A_579 = arith.constant 3 : i32
        %parallel_loop3A_580 = arith.addi %parallel_loop3A_578, %parallel_loop3A_579 : i32
        %parallel_loop3A_581 = arith.index_cast %parallel_loop3A_580 : i32 to index
        %parallel_loop3A_582 = arith.constant 48 : index
        %parallel_loop3A_583 = tpu.vector_load %arg15[%parallel_loop3A_581, %parallel_loop3A_582] {strides = array<i32>} : memref<64x128xf32, #tpu.memory_space<vmem>>, vector<1x16xf32>,
        %parallel_loop3A_584 = vector.shape_cast %parallel_loop3A_583 : vector<1x16xf32> to vector<16xf32>
        %parallel_loop3A_585 = arith.index_cast %parallel_loop3A_261 : i32 to index
        %parallel_loop3A_586 = arith.constant 240 : index
        %parallel_loop3A_587 = tpu.vector_load %arg17[%parallel_loop3A_585, %parallel_loop3A_586] {strides = array<i32>} : memref<8x512xf32, #tpu.memory_space<vmem>>, vector<1x16xf32>,
        %parallel_loop3A_588 = vector.shape_cast %parallel_loop3A_587 : vector<1x16xf32> to vector<16xf32>
        %parallel_loop3A_589 = arith.addf %parallel_loop3A_584, %parallel_loop3A_588 : vector<16xf32>
        %parallel_loop3A_590 = arith.constant 0.000000e+00 : f32
        %parallel_loop3A_591 = vector.broadcast %parallel_loop3A_590 : f32 to vector<16xf32>
        %parallel_loop3A_592 = arith.maximumf %parallel_loop3A_589, %parallel_loop3A_591 : vector<16xf32>
        %parallel_loop3A_593 = arith.index_cast %parallel_loop3A_580 : i32 to index
        %parallel_loop3A_594 = arith.constant 48 : index
        %parallel_loop3A_595 = tpu.vector_load %arg15[%parallel_loop3A_593, %parallel_loop3A_594] {strides = array<i32>} : memref<64x128xf32, #tpu.memory_space<vmem>>, vector<1x16xf32>,
        %parallel_loop3A_596 = vector.shape_cast %parallel_loop3A_595 : vector<1x16xf32> to vector<16xf32>
        %parallel_loop3A_597 = vector.shape_cast %parallel_loop3A_592 : vector<16xf32> to vector<1x16xf32>
        tpu.vector_store %arg15[%parallel_loop3A_593, %parallel_loop3A_594], %parallel_loop3A_597 {strides = array<i32>} : memref<64x128xf32, #tpu.memory_space<vmem>>, vector<1x16xf32>,
        %parallel_loop3A_598 = arith.constant 8 : i32
        %parallel_loop3A_599 = arith.muli %parallel_loop3A_261, %parallel_loop3A_598 : i32
        %parallel_loop3A_600 = arith.constant 4 : i32
        %parallel_loop3A_601 = arith.addi %parallel_loop3A_599, %parallel_loop3A_600 : i32
        %parallel_loop3A_602 = arith.index_cast %parallel_loop3A_601 : i32 to index
        %parallel_loop3A_603 = arith.constant 0 : index
        %parallel_loop3A_604 = tpu.vector_load %arg15[%parallel_loop3A_602, %parallel_loop3A_603] {strides = array<i32>} : memref<64x128xf32, #tpu.memory_space<vmem>>, vector<1x16xf32>,
        %parallel_loop3A_605 = vector.shape_cast %parallel_loop3A_604 : vector<1x16xf32> to vector<16xf32>
        %parallel_loop3A_606 = arith.index_cast %parallel_loop3A_261 : i32 to index
        %parallel_loop3A_607 = arith.constant 256 : index
        %parallel_loop3A_608 = tpu.vector_load %arg17[%parallel_loop3A_606, %parallel_loop3A_607] {strides = array<i32>} : memref<8x512xf32, #tpu.memory_space<vmem>>, vector<1x16xf32>,
        %parallel_loop3A_609 = vector.shape_cast %parallel_loop3A_608 : vector<1x16xf32> to vector<16xf32>
        %parallel_loop3A_610 = arith.addf %parallel_loop3A_605, %parallel_loop3A_609 : vector<16xf32>
        %parallel_loop3A_611 = arith.constant 0.000000e+00 : f32
        %parallel_loop3A_612 = vector.broadcast %parallel_loop3A_611 : f32 to vector<16xf32>
        %parallel_loop3A_613 = arith.maximumf %parallel_loop3A_610, %parallel_loop3A_612 : vector<16xf32>
        %parallel_loop3A_614 = arith.index_cast %parallel_loop3A_601 : i32 to index
        %parallel_loop3A_615 = arith.constant 0 : index
        %parallel_loop3A_616 = tpu.vector_load %arg15[%parallel_loop3A_614, %parallel_loop3A_615] {strides = array<i32>} : memref<64x128xf32, #tpu.memory_space<vmem>>, vector<1x16xf32>,
        %parallel_loop3A_617 = vector.shape_cast %parallel_loop3A_616 : vector<1x16xf32> to vector<16xf32>
        %parallel_loop3A_618 = vector.shape_cast %parallel_loop3A_613 : vector<16xf32> to vector<1x16xf32>
        tpu.vector_store %arg15[%parallel_loop3A_614, %parallel_loop3A_615], %parallel_loop3A_618 {strides = array<i32>} : memref<64x128xf32, #tpu.memory_space<vmem>>, vector<1x16xf32>,
        %parallel_loop3A_619 = arith.constant 8 : i32
        %parallel_loop3A_620 = arith.muli %parallel_loop3A_261, %parallel_loop3A_619 : i32
        %parallel_loop3A_621 = arith.constant 4 : i32
        %parallel_loop3A_622 = arith.addi %parallel_loop3A_620, %parallel_loop3A_621 : i32
        %parallel_loop3A_623 = arith.index_cast %parallel_loop3A_622 : i32 to index
        %parallel_loop3A_624 = arith.constant 16 : index
        %parallel_loop3A_625 = tpu.vector_load %arg15[%parallel_loop3A_623, %parallel_loop3A_624] {strides = array<i32>} : memref<64x128xf32, #tpu.memory_space<vmem>>, vector<1x16xf32>,
        %parallel_loop3A_626 = vector.shape_cast %parallel_loop3A_625 : vector<1x16xf32> to vector<16xf32>
        %parallel_loop3A_627 = arith.index_cast %parallel_loop3A_261 : i32 to index
        %parallel_loop3A_628 = arith.constant 272 : index
        %parallel_loop3A_629 = tpu.vector_load %arg17[%parallel_loop3A_627, %parallel_loop3A_628] {strides = array<i32>} : memref<8x512xf32, #tpu.memory_space<vmem>>, vector<1x16xf32>,
        %parallel_loop3A_630 = vector.shape_cast %parallel_loop3A_629 : vector<1x16xf32> to vector<16xf32>
        %parallel_loop3A_631 = arith.addf %parallel_loop3A_626, %parallel_loop3A_630 : vector<16xf32>
        %parallel_loop3A_632 = arith.constant 0.000000e+00 : f32
        %parallel_loop3A_633 = vector.broadcast %parallel_loop3A_632 : f32 to vector<16xf32>
        %parallel_loop3A_634 = arith.maximumf %parallel_loop3A_631, %parallel_loop3A_633 : vector<16xf32>
        %parallel_loop3A_635 = arith.index_cast %parallel_loop3A_622 : i32 to index
        %parallel_loop3A_636 = arith.constant 16 : index
        %parallel_loop3A_637 = tpu.vector_load %arg15[%parallel_loop3A_635, %parallel_loop3A_636] {strides = array<i32>} : memref<64x128xf32, #tpu.memory_space<vmem>>, vector<1x16xf32>,
        %parallel_loop3A_638 = vector.shape_cast %parallel_loop3A_637 : vector<1x16xf32> to vector<16xf32>
        %parallel_loop3A_639 = vector.shape_cast %parallel_loop3A_634 : vector<16xf32> to vector<1x16xf32>
        tpu.vector_store %arg15[%parallel_loop3A_635, %parallel_loop3A_636], %parallel_loop3A_639 {strides = array<i32>} : memref<64x128xf32, #tpu.memory_space<vmem>>, vector<1x16xf32>,
        %parallel_loop3A_640 = arith.constant 8 : i32
        %parallel_loop3A_641 = arith.muli %parallel_loop3A_261, %parallel_loop3A_640 : i32
        %parallel_loop3A_642 = arith.constant 4 : i32
        %parallel_loop3A_643 = arith.addi %parallel_loop3A_641, %parallel_loop3A_642 : i32
        %parallel_loop3A_644 = arith.index_cast %parallel_loop3A_643 : i32 to index
        %parallel_loop3A_645 = arith.constant 32 : index
        %parallel_loop3A_646 = tpu.vector_load %arg15[%parallel_loop3A_644, %parallel_loop3A_645] {strides = array<i32>} : memref<64x128xf32, #tpu.memory_space<vmem>>, vector<1x16xf32>,
        %parallel_loop3A_647 = vector.shape_cast %parallel_loop3A_646 : vector<1x16xf32> to vector<16xf32>
        %parallel_loop3A_648 = arith.index_cast %parallel_loop3A_261 : i32 to index
        %parallel_loop3A_649 = arith.constant 288 : index
        %parallel_loop3A_650 = tpu.vector_load %arg17[%parallel_loop3A_648, %parallel_loop3A_649] {strides = array<i32>} : memref<8x512xf32, #tpu.memory_space<vmem>>, vector<1x16xf32>,
        %parallel_loop3A_651 = vector.shape_cast %parallel_loop3A_650 : vector<1x16xf32> to vector<16xf32>
        %parallel_loop3A_652 = arith.addf %parallel_loop3A_647, %parallel_loop3A_651 : vector<16xf32>
        %parallel_loop3A_653 = arith.constant 0.000000e+00 : f32
        %parallel_loop3A_654 = vector.broadcast %parallel_loop3A_653 : f32 to vector<16xf32>
        %parallel_loop3A_655 = arith.maximumf %parallel_loop3A_652, %parallel_loop3A_654 : vector<16xf32>
        %parallel_loop3A_656 = arith.index_cast %parallel_loop3A_643 : i32 to index
        %parallel_loop3A_657 = arith.constant 32 : index
        %parallel_loop3A_658 = tpu.vector_load %arg15[%parallel_loop3A_656, %parallel_loop3A_657] {strides = array<i32>} : memref<64x128xf32, #tpu.memory_space<vmem>>, vector<1x16xf32>,
        %parallel_loop3A_659 = vector.shape_cast %parallel_loop3A_658 : vector<1x16xf32> to vector<16xf32>
        %parallel_loop3A_660 = vector.shape_cast %parallel_loop3A_655 : vector<16xf32> to vector<1x16xf32>
        tpu.vector_store %arg15[%parallel_loop3A_656, %parallel_loop3A_657], %parallel_loop3A_660 {strides = array<i32>} : memref<64x128xf32, #tpu.memory_space<vmem>>, vector<1x16xf32>,
        %parallel_loop3A_661 = arith.constant 8 : i32
        %parallel_loop3A_662 = arith.muli %parallel_loop3A_261, %parallel_loop3A_661 : i32
        %parallel_loop3A_663 = arith.constant 4 : i32
        %parallel_loop3A_664 = arith.addi %parallel_loop3A_662, %parallel_loop3A_663 : i32
        %parallel_loop3A_665 = arith.index_cast %parallel_loop3A_664 : i32 to index
        %parallel_loop3A_666 = arith.constant 48 : index
        %parallel_loop3A_667 = tpu.vector_load %arg15[%parallel_loop3A_665, %parallel_loop3A_666] {strides = array<i32>} : memref<64x128xf32, #tpu.memory_space<vmem>>, vector<1x16xf32>,
        %parallel_loop3A_668 = vector.shape_cast %parallel_loop3A_667 : vector<1x16xf32> to vector<16xf32>
        %parallel_loop3A_669 = arith.index_cast %parallel_loop3A_261 : i32 to index
        %parallel_loop3A_670 = arith.constant 304 : index
        %parallel_loop3A_671 = tpu.vector_load %arg17[%parallel_loop3A_669, %parallel_loop3A_670] {strides = array<i32>} : memref<8x512xf32, #tpu.memory_space<vmem>>, vector<1x16xf32>,
        %parallel_loop3A_672 = vector.shape_cast %parallel_loop3A_671 : vector<1x16xf32> to vector<16xf32>
        %parallel_loop3A_673 = arith.addf %parallel_loop3A_668, %parallel_loop3A_672 : vector<16xf32>
        %parallel_loop3A_674 = arith.constant 0.000000e+00 : f32
        %parallel_loop3A_675 = vector.broadcast %parallel_loop3A_674 : f32 to vector<16xf32>
        %parallel_loop3A_676 = arith.maximumf %parallel_loop3A_673, %parallel_loop3A_675 : vector<16xf32>
        %parallel_loop3A_677 = arith.index_cast %parallel_loop3A_664 : i32 to index
        %parallel_loop3A_678 = arith.constant 48 : index
        %parallel_loop3A_679 = tpu.vector_load %arg15[%parallel_loop3A_677, %parallel_loop3A_678] {strides = array<i32>} : memref<64x128xf32, #tpu.memory_space<vmem>>, vector<1x16xf32>,
        %parallel_loop3A_680 = vector.shape_cast %parallel_loop3A_679 : vector<1x16xf32> to vector<16xf32>
        %parallel_loop3A_681 = vector.shape_cast %parallel_loop3A_676 : vector<16xf32> to vector<1x16xf32>
        tpu.vector_store %arg15[%parallel_loop3A_677, %parallel_loop3A_678], %parallel_loop3A_681 {strides = array<i32>} : memref<64x128xf32, #tpu.memory_space<vmem>>, vector<1x16xf32>,
        %parallel_loop3A_682 = arith.constant 8 : i32
        %parallel_loop3A_683 = arith.muli %parallel_loop3A_261, %parallel_loop3A_682 : i32
        %parallel_loop3A_684 = arith.constant 5 : i32
        %parallel_loop3A_685 = arith.addi %parallel_loop3A_683, %parallel_loop3A_684 : i32
        %parallel_loop3A_686 = arith.index_cast %parallel_loop3A_685 : i32 to index
        %parallel_loop3A_687 = arith.constant 0 : index
        %parallel_loop3A_688 = tpu.vector_load %arg15[%parallel_loop3A_686, %parallel_loop3A_687] {strides = array<i32>} : memref<64x128xf32, #tpu.memory_space<vmem>>, vector<1x16xf32>,
        %parallel_loop3A_689 = vector.shape_cast %parallel_loop3A_688 : vector<1x16xf32> to vector<16xf32>
        %parallel_loop3A_690 = arith.index_cast %parallel_loop3A_261 : i32 to index
        %parallel_loop3A_691 = arith.constant 320 : index
        %parallel_loop3A_692 = tpu.vector_load %arg17[%parallel_loop3A_690, %parallel_loop3A_691] {strides = array<i32>} : memref<8x512xf32, #tpu.memory_space<vmem>>, vector<1x16xf32>,
        %parallel_loop3A_693 = vector.shape_cast %parallel_loop3A_692 : vector<1x16xf32> to vector<16xf32>
        %parallel_loop3A_694 = arith.addf %parallel_loop3A_689, %parallel_loop3A_693 : vector<16xf32>
        %parallel_loop3A_695 = arith.constant 0.000000e+00 : f32
        %parallel_loop3A_696 = vector.broadcast %parallel_loop3A_695 : f32 to vector<16xf32>
        %parallel_loop3A_697 = arith.maximumf %parallel_loop3A_694, %parallel_loop3A_696 : vector<16xf32>
        %parallel_loop3A_698 = arith.index_cast %parallel_loop3A_685 : i32 to index
        %parallel_loop3A_699 = arith.constant 0 : index
        %parallel_loop3A_700 = tpu.vector_load %arg15[%parallel_loop3A_698, %parallel_loop3A_699] {strides = array<i32>} : memref<64x128xf32, #tpu.memory_space<vmem>>, vector<1x16xf32>,
        %parallel_loop3A_701 = vector.shape_cast %parallel_loop3A_700 : vector<1x16xf32> to vector<16xf32>
        %parallel_loop3A_702 = vector.shape_cast %parallel_loop3A_697 : vector<16xf32> to vector<1x16xf32>
        tpu.vector_store %arg15[%parallel_loop3A_698, %parallel_loop3A_699], %parallel_loop3A_702 {strides = array<i32>} : memref<64x128xf32, #tpu.memory_space<vmem>>, vector<1x16xf32>,
        %parallel_loop3A_703 = arith.constant 8 : i32
        %parallel_loop3A_704 = arith.muli %parallel_loop3A_261, %parallel_loop3A_703 : i32
        %parallel_loop3A_705 = arith.constant 5 : i32
        %parallel_loop3A_706 = arith.addi %parallel_loop3A_704, %parallel_loop3A_705 : i32
        %parallel_loop3A_707 = arith.index_cast %parallel_loop3A_706 : i32 to index
        %parallel_loop3A_708 = arith.constant 16 : index
        %parallel_loop3A_709 = tpu.vector_load %arg15[%parallel_loop3A_707, %parallel_loop3A_708] {strides = array<i32>} : memref<64x128xf32, #tpu.memory_space<vmem>>, vector<1x16xf32>,
        %parallel_loop3A_710 = vector.shape_cast %parallel_loop3A_709 : vector<1x16xf32> to vector<16xf32>
        %parallel_loop3A_711 = arith.index_cast %parallel_loop3A_261 : i32 to index
        %parallel_loop3A_712 = arith.constant 336 : index
        %parallel_loop3A_713 = tpu.vector_load %arg17[%parallel_loop3A_711, %parallel_loop3A_712] {strides = array<i32>} : memref<8x512xf32, #tpu.memory_space<vmem>>, vector<1x16xf32>,
        %parallel_loop3A_714 = vector.shape_cast %parallel_loop3A_713 : vector<1x16xf32> to vector<16xf32>
        %parallel_loop3A_715 = arith.addf %parallel_loop3A_710, %parallel_loop3A_714 : vector<16xf32>
        %parallel_loop3A_716 = arith.constant 0.000000e+00 : f32
        %parallel_loop3A_717 = vector.broadcast %parallel_loop3A_716 : f32 to vector<16xf32>
        %parallel_loop3A_718 = arith.maximumf %parallel_loop3A_715, %parallel_loop3A_717 : vector<16xf32>
        %parallel_loop3A_719 = arith.index_cast %parallel_loop3A_706 : i32 to index
        %parallel_loop3A_720 = arith.constant 16 : index
        %parallel_loop3A_721 = tpu.vector_load %arg15[%parallel_loop3A_719, %parallel_loop3A_720] {strides = array<i32>} : memref<64x128xf32, #tpu.memory_space<vmem>>, vector<1x16xf32>,
        %parallel_loop3A_722 = vector.shape_cast %parallel_loop3A_721 : vector<1x16xf32> to vector<16xf32>
        %parallel_loop3A_723 = vector.shape_cast %parallel_loop3A_718 : vector<16xf32> to vector<1x16xf32>
        tpu.vector_store %arg15[%parallel_loop3A_719, %parallel_loop3A_720], %parallel_loop3A_723 {strides = array<i32>} : memref<64x128xf32, #tpu.memory_space<vmem>>, vector<1x16xf32>,
        %parallel_loop3A_724 = arith.constant 8 : i32
        %parallel_loop3A_725 = arith.muli %parallel_loop3A_261, %parallel_loop3A_724 : i32
        %parallel_loop3A_726 = arith.constant 5 : i32
        %parallel_loop3A_727 = arith.addi %parallel_loop3A_725, %parallel_loop3A_726 : i32
        %parallel_loop3A_728 = arith.index_cast %parallel_loop3A_727 : i32 to index
        %parallel_loop3A_729 = arith.constant 32 : index
        %parallel_loop3A_730 = tpu.vector_load %arg15[%parallel_loop3A_728, %parallel_loop3A_729] {strides = array<i32>} : memref<64x128xf32, #tpu.memory_space<vmem>>, vector<1x16xf32>,
        %parallel_loop3A_731 = vector.shape_cast %parallel_loop3A_730 : vector<1x16xf32> to vector<16xf32>
        %parallel_loop3A_732 = arith.index_cast %parallel_loop3A_261 : i32 to index
        %parallel_loop3A_733 = arith.constant 352 : index
        %parallel_loop3A_734 = tpu.vector_load %arg17[%parallel_loop3A_732, %parallel_loop3A_733] {strides = array<i32>} : memref<8x512xf32, #tpu.memory_space<vmem>>, vector<1x16xf32>,
        %parallel_loop3A_735 = vector.shape_cast %parallel_loop3A_734 : vector<1x16xf32> to vector<16xf32>
        %parallel_loop3A_736 = arith.addf %parallel_loop3A_731, %parallel_loop3A_735 : vector<16xf32>
        %parallel_loop3A_737 = arith.constant 0.000000e+00 : f32
        %parallel_loop3A_738 = vector.broadcast %parallel_loop3A_737 : f32 to vector<16xf32>
        %parallel_loop3A_739 = arith.maximumf %parallel_loop3A_736, %parallel_loop3A_738 : vector<16xf32>
        %parallel_loop3A_740 = arith.index_cast %parallel_loop3A_727 : i32 to index
        %parallel_loop3A_741 = arith.constant 32 : index
        %parallel_loop3A_742 = tpu.vector_load %arg15[%parallel_loop3A_740, %parallel_loop3A_741] {strides = array<i32>} : memref<64x128xf32, #tpu.memory_space<vmem>>, vector<1x16xf32>,
        %parallel_loop3A_743 = vector.shape_cast %parallel_loop3A_742 : vector<1x16xf32> to vector<16xf32>
        %parallel_loop3A_744 = vector.shape_cast %parallel_loop3A_739 : vector<16xf32> to vector<1x16xf32>
        tpu.vector_store %arg15[%parallel_loop3A_740, %parallel_loop3A_741], %parallel_loop3A_744 {strides = array<i32>} : memref<64x128xf32, #tpu.memory_space<vmem>>, vector<1x16xf32>,
        %parallel_loop3A_745 = arith.constant 8 : i32
        %parallel_loop3A_746 = arith.muli %parallel_loop3A_261, %parallel_loop3A_745 : i32
        %parallel_loop3A_747 = arith.constant 5 : i32
        %parallel_loop3A_748 = arith.addi %parallel_loop3A_746, %parallel_loop3A_747 : i32
        %parallel_loop3A_749 = arith.index_cast %parallel_loop3A_748 : i32 to index
        %parallel_loop3A_750 = arith.constant 48 : index
        %parallel_loop3A_751 = tpu.vector_load %arg15[%parallel_loop3A_749, %parallel_loop3A_750] {strides = array<i32>} : memref<64x128xf32, #tpu.memory_space<vmem>>, vector<1x16xf32>,
        %parallel_loop3A_752 = vector.shape_cast %parallel_loop3A_751 : vector<1x16xf32> to vector<16xf32>
        %parallel_loop3A_753 = arith.index_cast %parallel_loop3A_261 : i32 to index
        %parallel_loop3A_754 = arith.constant 368 : index
        %parallel_loop3A_755 = tpu.vector_load %arg17[%parallel_loop3A_753, %parallel_loop3A_754] {strides = array<i32>} : memref<8x512xf32, #tpu.memory_space<vmem>>, vector<1x16xf32>,
        %parallel_loop3A_756 = vector.shape_cast %parallel_loop3A_755 : vector<1x16xf32> to vector<16xf32>
        %parallel_loop3A_757 = arith.addf %parallel_loop3A_752, %parallel_loop3A_756 : vector<16xf32>
        %parallel_loop3A_758 = arith.constant 0.000000e+00 : f32
        %parallel_loop3A_759 = vector.broadcast %parallel_loop3A_758 : f32 to vector<16xf32>
        %parallel_loop3A_760 = arith.maximumf %parallel_loop3A_757, %parallel_loop3A_759 : vector<16xf32>
        %parallel_loop3A_761 = arith.index_cast %parallel_loop3A_748 : i32 to index
        %parallel_loop3A_762 = arith.constant 48 : index
        %parallel_loop3A_763 = tpu.vector_load %arg15[%parallel_loop3A_761, %parallel_loop3A_762] {strides = array<i32>} : memref<64x128xf32, #tpu.memory_space<vmem>>, vector<1x16xf32>,
        %parallel_loop3A_764 = vector.shape_cast %parallel_loop3A_763 : vector<1x16xf32> to vector<16xf32>
        %parallel_loop3A_765 = vector.shape_cast %parallel_loop3A_760 : vector<16xf32> to vector<1x16xf32>
        tpu.vector_store %arg15[%parallel_loop3A_761, %parallel_loop3A_762], %parallel_loop3A_765 {strides = array<i32>} : memref<64x128xf32, #tpu.memory_space<vmem>>, vector<1x16xf32>,
        %parallel_loop3A_766 = arith.constant 8 : i32
        %parallel_loop3A_767 = arith.muli %parallel_loop3A_261, %parallel_loop3A_766 : i32
        %parallel_loop3A_768 = arith.constant 6 : i32
        %parallel_loop3A_769 = arith.addi %parallel_loop3A_767, %parallel_loop3A_768 : i32
        %parallel_loop3A_770 = arith.index_cast %parallel_loop3A_769 : i32 to index
        %parallel_loop3A_771 = arith.constant 0 : index
        %parallel_loop3A_772 = tpu.vector_load %arg15[%parallel_loop3A_770, %parallel_loop3A_771] {strides = array<i32>} : memref<64x128xf32, #tpu.memory_space<vmem>>, vector<1x16xf32>,
        %parallel_loop3A_773 = vector.shape_cast %parallel_loop3A_772 : vector<1x16xf32> to vector<16xf32>
        %parallel_loop3A_774 = arith.index_cast %parallel_loop3A_261 : i32 to index
        %parallel_loop3A_775 = arith.constant 384 : index
        %parallel_loop3A_776 = tpu.vector_load %arg17[%parallel_loop3A_774, %parallel_loop3A_775] {strides = array<i32>} : memref<8x512xf32, #tpu.memory_space<vmem>>, vector<1x16xf32>,
        %parallel_loop3A_777 = vector.shape_cast %parallel_loop3A_776 : vector<1x16xf32> to vector<16xf32>
        %parallel_loop3A_778 = arith.addf %parallel_loop3A_773, %parallel_loop3A_777 : vector<16xf32>
        %parallel_loop3A_779 = arith.constant 0.000000e+00 : f32
        %parallel_loop3A_780 = vector.broadcast %parallel_loop3A_779 : f32 to vector<16xf32>
        %parallel_loop3A_781 = arith.maximumf %parallel_loop3A_778, %parallel_loop3A_780 : vector<16xf32>
        %parallel_loop3A_782 = arith.index_cast %parallel_loop3A_769 : i32 to index
        %parallel_loop3A_783 = arith.constant 0 : index
        %parallel_loop3A_784 = tpu.vector_load %arg15[%parallel_loop3A_782, %parallel_loop3A_783] {strides = array<i32>} : memref<64x128xf32, #tpu.memory_space<vmem>>, vector<1x16xf32>,
        %parallel_loop3A_785 = vector.shape_cast %parallel_loop3A_784 : vector<1x16xf32> to vector<16xf32>
        %parallel_loop3A_786 = vector.shape_cast %parallel_loop3A_781 : vector<16xf32> to vector<1x16xf32>
        tpu.vector_store %arg15[%parallel_loop3A_782, %parallel_loop3A_783], %parallel_loop3A_786 {strides = array<i32>} : memref<64x128xf32, #tpu.memory_space<vmem>>, vector<1x16xf32>,
        %parallel_loop3A_787 = arith.constant 8 : i32
        %parallel_loop3A_788 = arith.muli %parallel_loop3A_261, %parallel_loop3A_787 : i32
        %parallel_loop3A_789 = arith.constant 6 : i32
        %parallel_loop3A_790 = arith.addi %parallel_loop3A_788, %parallel_loop3A_789 : i32
        %parallel_loop3A_791 = arith.index_cast %parallel_loop3A_790 : i32 to index
        %parallel_loop3A_792 = arith.constant 16 : index
        %parallel_loop3A_793 = tpu.vector_load %arg15[%parallel_loop3A_791, %parallel_loop3A_792] {strides = array<i32>} : memref<64x128xf32, #tpu.memory_space<vmem>>, vector<1x16xf32>,
        %parallel_loop3A_794 = vector.shape_cast %parallel_loop3A_793 : vector<1x16xf32> to vector<16xf32>
        %parallel_loop3A_795 = arith.index_cast %parallel_loop3A_261 : i32 to index
        %parallel_loop3A_796 = arith.constant 400 : index
        %parallel_loop3A_797 = tpu.vector_load %arg17[%parallel_loop3A_795, %parallel_loop3A_796] {strides = array<i32>} : memref<8x512xf32, #tpu.memory_space<vmem>>, vector<1x16xf32>,
        %parallel_loop3A_798 = vector.shape_cast %parallel_loop3A_797 : vector<1x16xf32> to vector<16xf32>
        %parallel_loop3A_799 = arith.addf %parallel_loop3A_794, %parallel_loop3A_798 : vector<16xf32>
        %parallel_loop3A_800 = arith.constant 0.000000e+00 : f32
        %parallel_loop3A_801 = vector.broadcast %parallel_loop3A_800 : f32 to vector<16xf32>
        %parallel_loop3A_802 = arith.maximumf %parallel_loop3A_799, %parallel_loop3A_801 : vector<16xf32>
        %parallel_loop3A_803 = arith.index_cast %parallel_loop3A_790 : i32 to index
        %parallel_loop3A_804 = arith.constant 16 : index
        %parallel_loop3A_805 = tpu.vector_load %arg15[%parallel_loop3A_803, %parallel_loop3A_804] {strides = array<i32>} : memref<64x128xf32, #tpu.memory_space<vmem>>, vector<1x16xf32>,
        %parallel_loop3A_806 = vector.shape_cast %parallel_loop3A_805 : vector<1x16xf32> to vector<16xf32>
        %parallel_loop3A_807 = vector.shape_cast %parallel_loop3A_802 : vector<16xf32> to vector<1x16xf32>
        tpu.vector_store %arg15[%parallel_loop3A_803, %parallel_loop3A_804], %parallel_loop3A_807 {strides = array<i32>} : memref<64x128xf32, #tpu.memory_space<vmem>>, vector<1x16xf32>,
        %parallel_loop3A_808 = arith.constant 8 : i32
        %parallel_loop3A_809 = arith.muli %parallel_loop3A_261, %parallel_loop3A_808 : i32
        %parallel_loop3A_810 = arith.constant 6 : i32
        %parallel_loop3A_811 = arith.addi %parallel_loop3A_809, %parallel_loop3A_810 : i32
        %parallel_loop3A_812 = arith.index_cast %parallel_loop3A_811 : i32 to index
        %parallel_loop3A_813 = arith.constant 32 : index
        %parallel_loop3A_814 = tpu.vector_load %arg15[%parallel_loop3A_812, %parallel_loop3A_813] {strides = array<i32>} : memref<64x128xf32, #tpu.memory_space<vmem>>, vector<1x16xf32>,
        %parallel_loop3A_815 = vector.shape_cast %parallel_loop3A_814 : vector<1x16xf32> to vector<16xf32>
        %parallel_loop3A_816 = arith.index_cast %parallel_loop3A_261 : i32 to index
        %parallel_loop3A_817 = arith.constant 416 : index
        %parallel_loop3A_818 = tpu.vector_load %arg17[%parallel_loop3A_816, %parallel_loop3A_817] {strides = array<i32>} : memref<8x512xf32, #tpu.memory_space<vmem>>, vector<1x16xf32>,
        %parallel_loop3A_819 = vector.shape_cast %parallel_loop3A_818 : vector<1x16xf32> to vector<16xf32>
        %parallel_loop3A_820 = arith.addf %parallel_loop3A_815, %parallel_loop3A_819 : vector<16xf32>
        %parallel_loop3A_821 = arith.constant 0.000000e+00 : f32
        %parallel_loop3A_822 = vector.broadcast %parallel_loop3A_821 : f32 to vector<16xf32>
        %parallel_loop3A_823 = arith.maximumf %parallel_loop3A_820, %parallel_loop3A_822 : vector<16xf32>
        %parallel_loop3A_824 = arith.index_cast %parallel_loop3A_811 : i32 to index
        %parallel_loop3A_825 = arith.constant 32 : index
        %parallel_loop3A_826 = tpu.vector_load %arg15[%parallel_loop3A_824, %parallel_loop3A_825] {strides = array<i32>} : memref<64x128xf32, #tpu.memory_space<vmem>>, vector<1x16xf32>,
        %parallel_loop3A_827 = vector.shape_cast %parallel_loop3A_826 : vector<1x16xf32> to vector<16xf32>
        %parallel_loop3A_828 = vector.shape_cast %parallel_loop3A_823 : vector<16xf32> to vector<1x16xf32>
        tpu.vector_store %arg15[%parallel_loop3A_824, %parallel_loop3A_825], %parallel_loop3A_828 {strides = array<i32>} : memref<64x128xf32, #tpu.memory_space<vmem>>, vector<1x16xf32>,
        %parallel_loop3A_829 = arith.constant 8 : i32
        %parallel_loop3A_830 = arith.muli %parallel_loop3A_261, %parallel_loop3A_829 : i32
        %parallel_loop3A_831 = arith.constant 6 : i32
        %parallel_loop3A_832 = arith.addi %parallel_loop3A_830, %parallel_loop3A_831 : i32
        %parallel_loop3A_833 = arith.index_cast %parallel_loop3A_832 : i32 to index
        %parallel_loop3A_834 = arith.constant 48 : index
        %parallel_loop3A_835 = tpu.vector_load %arg15[%parallel_loop3A_833, %parallel_loop3A_834] {strides = array<i32>} : memref<64x128xf32, #tpu.memory_space<vmem>>, vector<1x16xf32>,
        %parallel_loop3A_836 = vector.shape_cast %parallel_loop3A_835 : vector<1x16xf32> to vector<16xf32>
        %parallel_loop3A_837 = arith.index_cast %parallel_loop3A_261 : i32 to index
        %parallel_loop3A_838 = arith.constant 432 : index
        %parallel_loop3A_839 = tpu.vector_load %arg17[%parallel_loop3A_837, %parallel_loop3A_838] {strides = array<i32>} : memref<8x512xf32, #tpu.memory_space<vmem>>, vector<1x16xf32>,
        %parallel_loop3A_840 = vector.shape_cast %parallel_loop3A_839 : vector<1x16xf32> to vector<16xf32>
        %parallel_loop3A_841 = arith.addf %parallel_loop3A_836, %parallel_loop3A_840 : vector<16xf32>
        %parallel_loop3A_842 = arith.constant 0.000000e+00 : f32
        %parallel_loop3A_843 = vector.broadcast %parallel_loop3A_842 : f32 to vector<16xf32>
        %parallel_loop3A_844 = arith.maximumf %parallel_loop3A_841, %parallel_loop3A_843 : vector<16xf32>
        %parallel_loop3A_845 = arith.index_cast %parallel_loop3A_832 : i32 to index
        %parallel_loop3A_846 = arith.constant 48 : index
        %parallel_loop3A_847 = tpu.vector_load %arg15[%parallel_loop3A_845, %parallel_loop3A_846] {strides = array<i32>} : memref<64x128xf32, #tpu.memory_space<vmem>>, vector<1x16xf32>,
        %parallel_loop3A_848 = vector.shape_cast %parallel_loop3A_847 : vector<1x16xf32> to vector<16xf32>
        %parallel_loop3A_849 = vector.shape_cast %parallel_loop3A_844 : vector<16xf32> to vector<1x16xf32>
        tpu.vector_store %arg15[%parallel_loop3A_845, %parallel_loop3A_846], %parallel_loop3A_849 {strides = array<i32>} : memref<64x128xf32, #tpu.memory_space<vmem>>, vector<1x16xf32>,
        %parallel_loop3A_850 = arith.constant 8 : i32
        %parallel_loop3A_851 = arith.muli %parallel_loop3A_261, %parallel_loop3A_850 : i32
        %parallel_loop3A_852 = arith.constant 7 : i32
        %parallel_loop3A_853 = arith.addi %parallel_loop3A_851, %parallel_loop3A_852 : i32
        %parallel_loop3A_854 = arith.index_cast %parallel_loop3A_853 : i32 to index
        %parallel_loop3A_855 = arith.constant 0 : index
        %parallel_loop3A_856 = tpu.vector_load %arg15[%parallel_loop3A_854, %parallel_loop3A_855] {strides = array<i32>} : memref<64x128xf32, #tpu.memory_space<vmem>>, vector<1x16xf32>,
        %parallel_loop3A_857 = vector.shape_cast %parallel_loop3A_856 : vector<1x16xf32> to vector<16xf32>
        %parallel_loop3A_858 = arith.index_cast %parallel_loop3A_261 : i32 to index
        %parallel_loop3A_859 = arith.constant 448 : index
        %parallel_loop3A_860 = tpu.vector_load %arg17[%parallel_loop3A_858, %parallel_loop3A_859] {strides = array<i32>} : memref<8x512xf32, #tpu.memory_space<vmem>>, vector<1x16xf32>,
        %parallel_loop3A_861 = vector.shape_cast %parallel_loop3A_860 : vector<1x16xf32> to vector<16xf32>
        %parallel_loop3A_862 = arith.addf %parallel_loop3A_857, %parallel_loop3A_861 : vector<16xf32>
        %parallel_loop3A_863 = arith.constant 0.000000e+00 : f32
        %parallel_loop3A_864 = vector.broadcast %parallel_loop3A_863 : f32 to vector<16xf32>
        %parallel_loop3A_865 = arith.maximumf %parallel_loop3A_862, %parallel_loop3A_864 : vector<16xf32>
        %parallel_loop3A_866 = arith.index_cast %parallel_loop3A_853 : i32 to index
        %parallel_loop3A_867 = arith.constant 0 : index
        %parallel_loop3A_868 = tpu.vector_load %arg15[%parallel_loop3A_866, %parallel_loop3A_867] {strides = array<i32>} : memref<64x128xf32, #tpu.memory_space<vmem>>, vector<1x16xf32>,
        %parallel_loop3A_869 = vector.shape_cast %parallel_loop3A_868 : vector<1x16xf32> to vector<16xf32>
        %parallel_loop3A_870 = vector.shape_cast %parallel_loop3A_865 : vector<16xf32> to vector<1x16xf32>
        tpu.vector_store %arg15[%parallel_loop3A_866, %parallel_loop3A_867], %parallel_loop3A_870 {strides = array<i32>} : memref<64x128xf32, #tpu.memory_space<vmem>>, vector<1x16xf32>,
        %parallel_loop3A_871 = arith.constant 8 : i32
        %parallel_loop3A_872 = arith.muli %parallel_loop3A_261, %parallel_loop3A_871 : i32
        %parallel_loop3A_873 = arith.constant 7 : i32
        %parallel_loop3A_874 = arith.addi %parallel_loop3A_872, %parallel_loop3A_873 : i32
        %parallel_loop3A_875 = arith.index_cast %parallel_loop3A_874 : i32 to index
        %parallel_loop3A_876 = arith.constant 16 : index
        %parallel_loop3A_877 = tpu.vector_load %arg15[%parallel_loop3A_875, %parallel_loop3A_876] {strides = array<i32>} : memref<64x128xf32, #tpu.memory_space<vmem>>, vector<1x16xf32>,
        %parallel_loop3A_878 = vector.shape_cast %parallel_loop3A_877 : vector<1x16xf32> to vector<16xf32>
        %parallel_loop3A_879 = arith.index_cast %parallel_loop3A_261 : i32 to index
        %parallel_loop3A_880 = arith.constant 464 : index
        %parallel_loop3A_881 = tpu.vector_load %arg17[%parallel_loop3A_879, %parallel_loop3A_880] {strides = array<i32>} : memref<8x512xf32, #tpu.memory_space<vmem>>, vector<1x16xf32>,
        %parallel_loop3A_882 = vector.shape_cast %parallel_loop3A_881 : vector<1x16xf32> to vector<16xf32>
        %parallel_loop3A_883 = arith.addf %parallel_loop3A_878, %parallel_loop3A_882 : vector<16xf32>
        %parallel_loop3A_884 = arith.constant 0.000000e+00 : f32
        %parallel_loop3A_885 = vector.broadcast %parallel_loop3A_884 : f32 to vector<16xf32>
        %parallel_loop3A_886 = arith.maximumf %parallel_loop3A_883, %parallel_loop3A_885 : vector<16xf32>
        %parallel_loop3A_887 = arith.index_cast %parallel_loop3A_874 : i32 to index
        %parallel_loop3A_888 = arith.constant 16 : index
        %parallel_loop3A_889 = tpu.vector_load %arg15[%parallel_loop3A_887, %parallel_loop3A_888] {strides = array<i32>} : memref<64x128xf32, #tpu.memory_space<vmem>>, vector<1x16xf32>,
        %parallel_loop3A_890 = vector.shape_cast %parallel_loop3A_889 : vector<1x16xf32> to vector<16xf32>
        %parallel_loop3A_891 = vector.shape_cast %parallel_loop3A_886 : vector<16xf32> to vector<1x16xf32>
        tpu.vector_store %arg15[%parallel_loop3A_887, %parallel_loop3A_888], %parallel_loop3A_891 {strides = array<i32>} : memref<64x128xf32, #tpu.memory_space<vmem>>, vector<1x16xf32>,
        %parallel_loop3A_892 = arith.constant 8 : i32
        %parallel_loop3A_893 = arith.muli %parallel_loop3A_261, %parallel_loop3A_892 : i32
        %parallel_loop3A_894 = arith.constant 7 : i32
        %parallel_loop3A_895 = arith.addi %parallel_loop3A_893, %parallel_loop3A_894 : i32
        %parallel_loop3A_896 = arith.index_cast %parallel_loop3A_895 : i32 to index
        %parallel_loop3A_897 = arith.constant 32 : index
        %parallel_loop3A_898 = tpu.vector_load %arg15[%parallel_loop3A_896, %parallel_loop3A_897] {strides = array<i32>} : memref<64x128xf32, #tpu.memory_space<vmem>>, vector<1x16xf32>,
        %parallel_loop3A_899 = vector.shape_cast %parallel_loop3A_898 : vector<1x16xf32> to vector<16xf32>
        %parallel_loop3A_900 = arith.index_cast %parallel_loop3A_261 : i32 to index
        %parallel_loop3A_901 = arith.constant 480 : index
        %parallel_loop3A_902 = tpu.vector_load %arg17[%parallel_loop3A_900, %parallel_loop3A_901] {strides = array<i32>} : memref<8x512xf32, #tpu.memory_space<vmem>>, vector<1x16xf32>,
        %parallel_loop3A_903 = vector.shape_cast %parallel_loop3A_902 : vector<1x16xf32> to vector<16xf32>
        %parallel_loop3A_904 = arith.addf %parallel_loop3A_899, %parallel_loop3A_903 : vector<16xf32>
        %parallel_loop3A_905 = arith.constant 0.000000e+00 : f32
        %parallel_loop3A_906 = vector.broadcast %parallel_loop3A_905 : f32 to vector<16xf32>
        %parallel_loop3A_907 = arith.maximumf %parallel_loop3A_904, %parallel_loop3A_906 : vector<16xf32>
        %parallel_loop3A_908 = arith.index_cast %parallel_loop3A_895 : i32 to index
        %parallel_loop3A_909 = arith.constant 32 : index
        %parallel_loop3A_910 = tpu.vector_load %arg15[%parallel_loop3A_908, %parallel_loop3A_909] {strides = array<i32>} : memref<64x128xf32, #tpu.memory_space<vmem>>, vector<1x16xf32>,
        %parallel_loop3A_911 = vector.shape_cast %parallel_loop3A_910 : vector<1x16xf32> to vector<16xf32>
        %parallel_loop3A_912 = vector.shape_cast %parallel_loop3A_907 : vector<16xf32> to vector<1x16xf32>
        tpu.vector_store %arg15[%parallel_loop3A_908, %parallel_loop3A_909], %parallel_loop3A_912 {strides = array<i32>} : memref<64x128xf32, #tpu.memory_space<vmem>>, vector<1x16xf32>,
        %parallel_loop3A_913 = arith.constant 8 : i32
        %parallel_loop3A_914 = arith.muli %parallel_loop3A_261, %parallel_loop3A_913 : i32
        %parallel_loop3A_915 = arith.constant 7 : i32
        %parallel_loop3A_916 = arith.addi %parallel_loop3A_914, %parallel_loop3A_915 : i32
        %parallel_loop3A_917 = arith.index_cast %parallel_loop3A_916 : i32 to index
        %parallel_loop3A_918 = arith.constant 48 : index
        %parallel_loop3A_919 = tpu.vector_load %arg15[%parallel_loop3A_917, %parallel_loop3A_918] {strides = array<i32>} : memref<64x128xf32, #tpu.memory_space<vmem>>, vector<1x16xf32>,
        %parallel_loop3A_920 = vector.shape_cast %parallel_loop3A_919 : vector<1x16xf32> to vector<16xf32>
        %parallel_loop3A_921 = arith.index_cast %parallel_loop3A_261 : i32 to index
        %parallel_loop3A_922 = arith.constant 496 : index
        %parallel_loop3A_923 = tpu.vector_load %arg17[%parallel_loop3A_921, %parallel_loop3A_922] {strides = array<i32>} : memref<8x512xf32, #tpu.memory_space<vmem>>, vector<1x16xf32>,
        %parallel_loop3A_924 = vector.shape_cast %parallel_loop3A_923 : vector<1x16xf32> to vector<16xf32>
        %parallel_loop3A_925 = arith.addf %parallel_loop3A_920, %parallel_loop3A_924 : vector<16xf32>
        %parallel_loop3A_926 = arith.constant 0.000000e+00 : f32
        %parallel_loop3A_927 = vector.broadcast %parallel_loop3A_926 : f32 to vector<16xf32>
        %parallel_loop3A_928 = arith.maximumf %parallel_loop3A_925, %parallel_loop3A_927 : vector<16xf32>
        %parallel_loop3A_929 = arith.index_cast %parallel_loop3A_916 : i32 to index
        %parallel_loop3A_930 = arith.constant 48 : index
        %parallel_loop3A_931 = tpu.vector_load %arg15[%parallel_loop3A_929, %parallel_loop3A_930] {strides = array<i32>} : memref<64x128xf32, #tpu.memory_space<vmem>>, vector<1x16xf32>,
        %parallel_loop3A_932 = vector.shape_cast %parallel_loop3A_931 : vector<1x16xf32> to vector<16xf32>
        %parallel_loop3A_933 = vector.shape_cast %parallel_loop3A_928 : vector<16xf32> to vector<1x16xf32>
        tpu.vector_store %arg15[%parallel_loop3A_929, %parallel_loop3A_930], %parallel_loop3A_933 {strides = array<i32>} : memref<64x128xf32, #tpu.memory_space<vmem>>, vector<1x16xf32>,
      } {sc.loop_unroll_factor = 2 : i64, sc.parallel_access}
      %dma_start3A_240 = arith.constant 0 : i32
      %dma_start3A_241 = arith.constant 0 : i32
      %dma_start3A_242 = tpu.memref_slice %arg15[%dma_start3A_240, %dma_start3A_241] : memref<64x128xf32, #tpu.memory_space<vmem>> -> memref<32x128xf32, #tpu.memory_space<vmem>>
      %dma_start3A_243 = arith.constant 0 : i32
      %dma_start3A_244 = arith.constant 0 : i32
      %dma_start3A_245 = tpu.memref_slice %arg8[%dma_start3A_243, %dma_start3A_244] : memref<10112x128xf32, #tpu.memory_space<vmem_shared>> -> memref<10112x128xf32, #tpu.memory_space<vmem_shared>>
      tpu.enqueue_indirect_dma source(%dma_start3A_242 : memref<32x128xf32, #tpu.memory_space<vmem>>) target(%dma_start3A_245 : memref<10112x128xf32, #tpu.memory_space<vmem_shared>>) offsets(%arg11 : memref<32xi32, #tpu.memory_space<vmem>>) semaphore(%arg29 : memref<!tpu.dma_semaphore, #tpu.memory_space<semaphore_mem>>) {add = true}
      %dma_start3A_246 = arith.constant 32 : i32
      %dma_start3A_247 = arith.constant 0 : i32
      %dma_start3A_248 = tpu.memref_slice %arg15[%dma_start3A_246, %dma_start3A_247] : memref<64x128xf32, #tpu.memory_space<vmem>> -> memref<32x128xf32, #tpu.memory_space<vmem>>
      %dma_start3A_249 = arith.constant 0 : i32
      %dma_start3A_250 = arith.constant 0 : i32
      %dma_start3A_251 = tpu.memref_slice %arg8[%dma_start3A_249, %dma_start3A_250] : memref<10112x128xf32, #tpu.memory_space<vmem_shared>> -> memref<10112x128xf32, #tpu.memory_space<vmem_shared>>
      tpu.enqueue_indirect_dma source(%dma_start3A_248 : memref<32x128xf32, #tpu.memory_space<vmem>>) target(%dma_start3A_251 : memref<10112x128xf32, #tpu.memory_space<vmem_shared>>) offsets(%arg13 : memref<32xi32, #tpu.memory_space<vmem>>) semaphore(%arg31 : memref<!tpu.dma_semaphore, #tpu.memory_space<semaphore_mem>>) {add = true}
      %add3A_252 = arith.constant 1 : i32
      %add3A_253 = arith.addi %mul3A_151, %add3A_252 : i32
      %add3A_254 = arith.constant 2 : i32
      %add3A_255 = arith.addi %add3A_253, %add3A_254 : i32
      %lt3A_256 = arith.constant 157 : i32
      %lt3A_257 = arith.cmpi slt, %add3A_255, %lt3A_256 : i32
      %convert_element_type3A_258 = arith.extui %lt3A_257 : i1 to i32
      %cond3A_259 = arith.constant 0 : i32
      %cond3A_260 = arith.cmpi ne, %convert_element_type3A_258, %cond3A_259 : i32
      scf.if %cond3A_260 {
        %dma_wait3A_261 = arith.constant 0 : i32
        %dma_wait3A_262 = arith.constant 0 : i32
        %dma_wait3A_263 = tpu.memref_slice %arg15[%dma_wait3A_261, %dma_wait3A_262] : memref<64x128xf32, #tpu.memory_space<vmem>> -> memref<32x128xf32, #tpu.memory_space<vmem>>
        %dma_wait3A_264 = arith.constant 0 : i32
        %dma_wait3A_265 = arith.constant 0 : i32
        %dma_wait3A_266 = tpu.memref_slice %arg8[%dma_wait3A_264, %dma_wait3A_265] : memref<10112x128xf32, #tpu.memory_space<vmem_shared>> -> memref<10112x128xf32, #tpu.memory_space<vmem_shared>>
        tpu.wait_indirect_dma semaphore(%arg29 : memref<!tpu.dma_semaphore, #tpu.memory_space<semaphore_mem>>) src(%dma_wait3A_263 : memref<32x128xf32, #tpu.memory_space<vmem>>) dst(%dma_wait3A_266 : memref<10112x128xf32, #tpu.memory_space<vmem_shared>>)
        %dma_wait3A_267 = arith.constant 32 : i32
        %dma_wait3A_268 = arith.constant 0 : i32
        %dma_wait3A_269 = tpu.memref_slice %arg15[%dma_wait3A_267, %dma_wait3A_268] : memref<64x128xf32, #tpu.memory_space<vmem>> -> memref<32x128xf32, #tpu.memory_space<vmem>>
        %dma_wait3A_270 = arith.constant 0 : i32
        %dma_wait3A_271 = arith.constant 0 : i32
        %dma_wait3A_272 = tpu.memref_slice %arg8[%dma_wait3A_270, %dma_wait3A_271] : memref<10112x128xf32, #tpu.memory_space<vmem_shared>> -> memref<10112x128xf32, #tpu.memory_space<vmem_shared>>
        tpu.wait_indirect_dma semaphore(%arg31 : memref<!tpu.dma_semaphore, #tpu.memory_space<semaphore_mem>>) src(%dma_wait3A_269 : memref<32x128xf32, #tpu.memory_space<vmem>>) dst(%dma_wait3A_272 : memref<10112x128xf32, #tpu.memory_space<vmem_shared>>)
        %add3A_273 = arith.constant 1 : i32
        %add3A_274 = arith.addi %mul3A_151, %add3A_273 : i32
        %add3A_275 = arith.constant 2 : i32
        %add3A_276 = arith.addi %add3A_274, %add3A_275 : i32
        %mul3A_277 = arith.constant 64 : i32
        %mul3A_278 = arith.muli %add3A_276, %mul3A_277 : i32
        %add3A_279 = arith.addi %mul3A_2, %mul3A_278 : i32
        %dma_start3A_280 = tpu.memref_slice %arg5[%add3A_279] : memref<321536xi32, #tpu.memory_space<hbm>> -> memref<32xi32, #tpu.memory_space<hbm>>
        %dma_start3A_281 = tpu.memref_slice %arg5[%add3A_279] : memref<321536xi32, #tpu.memory_space<hbm>> -> memref<32xi32, #tpu.memory_space<hbm>>
        tpu.enqueue_dma source(%dma_start3A_281 : memref<32xi32, #tpu.memory_space<hbm>>) target(%arg11 : memref<32xi32, #tpu.memory_space<vmem>>) target_semaphore(%arg25 : memref<!tpu.dma_semaphore, #tpu.memory_space<semaphore_mem>>)
        %add3A_282 = arith.addi %mul3A_2, %mul3A_278 : i32
        %add3A_283 = arith.constant 32 : i32
        %add3A_284 = arith.addi %add3A_282, %add3A_283 : i32
        %dma_start3A_285 = tpu.memref_slice %arg5[%add3A_284] : memref<321536xi32, #tpu.memory_space<hbm>> -> memref<32xi32, #tpu.memory_space<hbm>>
        %dma_start3A_286 = tpu.memref_slice %arg5[%add3A_284] : memref<321536xi32, #tpu.memory_space<hbm>> -> memref<32xi32, #tpu.memory_space<hbm>>
        tpu.enqueue_dma source(%dma_start3A_286 : memref<32xi32, #tpu.memory_space<hbm>>) target(%arg13 : memref<32xi32, #tpu.memory_space<vmem>>) target_semaphore(%arg27 : memref<!tpu.dma_semaphore, #tpu.memory_space<semaphore_mem>>)
        %mul3A_287 = arith.constant 8 : i32
        %mul3A_288 = arith.muli %add3A_276, %mul3A_287 : i32
        %add3A_289 = arith.addi %mul3A_4, %mul3A_288 : i32
        %dma_start3A_290 = arith.constant 0 : i32
        %dma_start3A_291 = tpu.memref_slice %arg3[%add3A_289, %dma_start3A_290] : memref<40192x512xf32, #tpu.memory_space<hbm>> -> memref<8x512xf32, #tpu.memory_space<hbm>>
        %dma_start3A_292 = arith.constant 0 : i32
        %dma_start3A_293 = tpu.memref_slice %arg3[%add3A_289, %dma_start3A_292] : memref<40192x512xf32, #tpu.memory_space<hbm>> -> memref<8x512xf32, #tpu.memory_space<hbm>>
        tpu.enqueue_dma source(%dma_start3A_293 : memref<8x512xf32, #tpu.memory_space<hbm>>) target(%arg17 : memref<8x512xf32, #tpu.memory_space<vmem>>) target_semaphore(%arg19 : memref<!tpu.dma_semaphore, #tpu.memory_space<semaphore_mem>>)
        %dma_start3A_294 = arith.constant 0 : i32
        %dma_start3A_295 = arith.constant 0 : i32
        %dma_start3A_296 = tpu.memref_slice %arg15[%dma_start3A_294, %dma_start3A_295] : memref<64x128xf32, #tpu.memory_space<vmem>> -> memref<32x128xf32, #tpu.memory_space<vmem>>
        %dma_start3A_297 = tpu.memref_slice %arg9[%mul3A_278] : memref<10048xi32, #tpu.memory_space<vmem>> -> memref<32xi32, #tpu.memory_space<vmem>>
        %dma_start3A_298 = arith.constant 0 : i32
        %dma_start3A_299 = arith.constant 0 : i32
        %dma_start3A_300 = tpu.memref_slice %arg2[%dma_start3A_298, %dma_start3A_299] : memref<10000x128xf32, #tpu.memory_space<hbm>> -> memref<10000x128xf32, #tpu.memory_space<hbm>>
        tpu.enqueue_indirect_dma source(%dma_start3A_300 : memref<10000x128xf32, #tpu.memory_space<hbm>>) target(%dma_start3A_296 : memref<32x128xf32, #tpu.memory_space<vmem>>) offsets(%dma_start3A_297 : memref<32xi32, #tpu.memory_space<vmem>>) semaphore(%arg21 : memref<!tpu.dma_semaphore, #tpu.memory_space<semaphore_mem>>)
        %add3A_301 = arith.constant 32 : i32
        %add3A_302 = arith.addi %mul3A_278, %add3A_301 : i32
        %dma_start3A_303 = arith.constant 32 : i32
        %dma_start3A_304 = arith.constant 0 : i32
        %dma_start3A_305 = tpu.memref_slice %arg15[%dma_start3A_303, %dma_start3A_304] : memref<64x128xf32, #tpu.memory_space<vmem>> -> memref<32x128xf32, #tpu.memory_space<vmem>>
        %dma_start3A_306 = tpu.memref_slice %arg9[%add3A_302] : memref<10048xi32, #tpu.memory_space<vmem>> -> memref<32xi32, #tpu.memory_space<vmem>>
        %dma_start3A_307 = arith.constant 0 : i32
        %dma_start3A_308 = arith.constant 0 : i32
        %dma_start3A_309 = tpu.memref_slice %arg2[%dma_start3A_307, %dma_start3A_308] : memref<10000x128xf32, #tpu.memory_space<hbm>> -> memref<10000x128xf32, #tpu.memory_space<hbm>>
        tpu.enqueue_indirect_dma source(%dma_start3A_309 : memref<10000x128xf32, #tpu.memory_space<hbm>>) target(%dma_start3A_305 : memref<32x128xf32, #tpu.memory_space<vmem>>) offsets(%dma_start3A_306 : memref<32xi32, #tpu.memory_space<vmem>>) semaphore(%arg23 : memref<!tpu.dma_semaphore, #tpu.memory_space<semaphore_mem>>)
      } else {
      }
    }
    %scan3A_76 = arith.constant 78 : i32
    %dma_wait3A = arith.constant 0 : i32
    %dma_wait3A_77 = arith.constant 0 : i32
    %dma_wait3A_78 = tpu.memref_slice %arg3[%dma_wait3A, %dma_wait3A_77] : memref<40192x512xf32, #tpu.memory_space<hbm>> -> memref<8x512xf32, #tpu.memory_space<hbm>>
    %dma_wait3A_79 = arith.constant 0 : i32
    %dma_wait3A_80 = arith.constant 0 : i32
    %dma_wait3A_81 = tpu.memref_slice %arg3[%dma_wait3A_79, %dma_wait3A_80] : memref<40192x512xf32, #tpu.memory_space<hbm>> -> memref<8x512xf32, #tpu.memory_space<hbm>>
    tpu.wait_dma2 semaphore(%arg18 : memref<!tpu.dma_semaphore, #tpu.memory_space<semaphore_mem>>) src(%dma_wait3A_81 : memref<8x512xf32, #tpu.memory_space<hbm>>) dst(%arg16 : memref<8x512xf32, #tpu.memory_space<vmem>>)
    %dma_wait3A_82 = arith.constant 0 : i32
    %dma_wait3A_83 = arith.constant 0 : i32
    %dma_wait3A_84 = tpu.memref_slice %arg14[%dma_wait3A_82, %dma_wait3A_83] : memref<64x128xf32, #tpu.memory_space<vmem>> -> memref<32x128xf32, #tpu.memory_space<vmem>>
    %dma_wait3A_85 = arith.constant 0 : i32
    %dma_wait3A_86 = tpu.memref_slice %arg9[%dma_wait3A_85] : memref<10048xi32, #tpu.memory_space<vmem>> -> memref<32xi32, #tpu.memory_space<vmem>>
    %dma_wait3A_87 = arith.constant 0 : i32
    %dma_wait3A_88 = arith.constant 0 : i32
    %dma_wait3A_89 = tpu.memref_slice %arg2[%dma_wait3A_87, %dma_wait3A_88] : memref<10000x128xf32, #tpu.memory_space<hbm>> -> memref<10000x128xf32, #tpu.memory_space<hbm>>
    tpu.wait_indirect_dma semaphore(%arg20 : memref<!tpu.dma_semaphore, #tpu.memory_space<semaphore_mem>>) src(%dma_wait3A_89 : memref<10000x128xf32, #tpu.memory_space<hbm>>) dst(%dma_wait3A_84 : memref<32x128xf32, #tpu.memory_space<vmem>>)
    %dma_wait3A_90 = arith.constant 32 : i32
    %dma_wait3A_91 = arith.constant 0 : i32
    %dma_wait3A_92 = tpu.memref_slice %arg14[%dma_wait3A_90, %dma_wait3A_91] : memref<64x128xf32, #tpu.memory_space<vmem>> -> memref<32x128xf32, #tpu.memory_space<vmem>>
    %dma_wait3A_93 = arith.constant 0 : i32
    %dma_wait3A_94 = tpu.memref_slice %arg9[%dma_wait3A_93] : memref<10048xi32, #tpu.memory_space<vmem>> -> memref<32xi32, #tpu.memory_space<vmem>>
    %dma_wait3A_95 = arith.constant 0 : i32
    %dma_wait3A_96 = arith.constant 0 : i32
    %dma_wait3A_97 = tpu.memref_slice %arg2[%dma_wait3A_95, %dma_wait3A_96] : memref<10000x128xf32, #tpu.memory_space<hbm>> -> memref<10000x128xf32, #tpu.memory_space<hbm>>
    tpu.wait_indirect_dma semaphore(%arg22 : memref<!tpu.dma_semaphore, #tpu.memory_space<semaphore_mem>>) src(%dma_wait3A_97 : memref<10000x128xf32, #tpu.memory_space<hbm>>) dst(%dma_wait3A_92 : memref<32x128xf32, #tpu.memory_space<vmem>>)
    %dma_wait3A_98 = arith.constant 0 : i32
    %dma_wait3A_99 = tpu.memref_slice %arg5[%dma_wait3A_98] : memref<321536xi32, #tpu.memory_space<hbm>> -> memref<32xi32, #tpu.memory_space<hbm>>
    %dma_wait3A_100 = arith.constant 0 : i32
    %dma_wait3A_101 = tpu.memref_slice %arg5[%dma_wait3A_100] : memref<321536xi32, #tpu.memory_space<hbm>> -> memref<32xi32, #tpu.memory_space<hbm>>
    tpu.wait_dma2 semaphore(%arg24 : memref<!tpu.dma_semaphore, #tpu.memory_space<semaphore_mem>>) src(%dma_wait3A_101 : memref<32xi32, #tpu.memory_space<hbm>>) dst(%arg10 : memref<32xi32, #tpu.memory_space<vmem>>)
    %dma_wait3A_102 = arith.constant 0 : i32
    %dma_wait3A_103 = tpu.memref_slice %arg5[%dma_wait3A_102] : memref<321536xi32, #tpu.memory_space<hbm>> -> memref<32xi32, #tpu.memory_space<hbm>>
    %dma_wait3A_104 = arith.constant 0 : i32
    %dma_wait3A_105 = tpu.memref_slice %arg5[%dma_wait3A_104] : memref<321536xi32, #tpu.memory_space<hbm>> -> memref<32xi32, #tpu.memory_space<hbm>>
    tpu.wait_dma2 semaphore(%arg26 : memref<!tpu.dma_semaphore, #tpu.memory_space<semaphore_mem>>) src(%dma_wait3A_105 : memref<32xi32, #tpu.memory_space<hbm>>) dst(%arg12 : memref<32xi32, #tpu.memory_space<vmem>>)
    %parallel_loop3A = arith.constant 0 : i32
    %parallel_loop3A_106 = arith.constant 8 : i32
    %parallel_loop3A_107 = arith.constant 1 : i32
    scf.for %parallel_loop3A_149 = %parallel_loop3A to %parallel_loop3A_106 step %parallel_loop3A_107  : i32 {
      %parallel_loop3A_150 = arith.constant 8 : i32
      %parallel_loop3A_151 = arith.muli %parallel_loop3A_149, %parallel_loop3A_150 : i32
      %parallel_loop3A_152 = arith.constant 0 : i32
      %parallel_loop3A_153 = arith.addi %parallel_loop3A_151, %parallel_loop3A_152 : i32
      %parallel_loop3A_154 = arith.index_cast %parallel_loop3A_153 : i32 to index
      %parallel_loop3A_155 = arith.constant 0 : index
      %parallel_loop3A_156 = tpu.vector_load %arg14[%parallel_loop3A_154, %parallel_loop3A_155] {strides = array<i32>} : memref<64x128xf32, #tpu.memory_space<vmem>>, vector<1x16xf32>,
      %parallel_loop3A_157 = vector.shape_cast %parallel_loop3A_156 : vector<1x16xf32> to vector<16xf32>
      %parallel_loop3A_158 = arith.index_cast %parallel_loop3A_149 : i32 to index
      %parallel_loop3A_159 = arith.constant 0 : index
      %parallel_loop3A_160 = tpu.vector_load %arg16[%parallel_loop3A_158, %parallel_loop3A_159] {strides = array<i32>} : memref<8x512xf32, #tpu.memory_space<vmem>>, vector<1x16xf32>,
      %parallel_loop3A_161 = vector.shape_cast %parallel_loop3A_160 : vector<1x16xf32> to vector<16xf32>
      %parallel_loop3A_162 = arith.addf %parallel_loop3A_157, %parallel_loop3A_161 : vector<16xf32>
      %parallel_loop3A_163 = arith.constant 0.000000e+00 : f32
      %parallel_loop3A_164 = vector.broadcast %parallel_loop3A_163 : f32 to vector<16xf32>
      %parallel_loop3A_165 = arith.maximumf %parallel_loop3A_162, %parallel_loop3A_164 : vector<16xf32>
      %parallel_loop3A_166 = arith.index_cast %parallel_loop3A_153 : i32 to index
      %parallel_loop3A_167 = arith.constant 0 : index
      %parallel_loop3A_168 = tpu.vector_load %arg14[%parallel_loop3A_166, %parallel_loop3A_167] {strides = array<i32>} : memref<64x128xf32, #tpu.memory_space<vmem>>, vector<1x16xf32>,
      %parallel_loop3A_169 = vector.shape_cast %parallel_loop3A_168 : vector<1x16xf32> to vector<16xf32>
      %parallel_loop3A_170 = vector.shape_cast %parallel_loop3A_165 : vector<16xf32> to vector<1x16xf32>
      tpu.vector_store %arg14[%parallel_loop3A_166, %parallel_loop3A_167], %parallel_loop3A_170 {strides = array<i32>} : memref<64x128xf32, #tpu.memory_space<vmem>>, vector<1x16xf32>,
      %parallel_loop3A_171 = arith.constant 8 : i32
      %parallel_loop3A_172 = arith.muli %parallel_loop3A_149, %parallel_loop3A_171 : i32
      %parallel_loop3A_173 = arith.constant 0 : i32
      %parallel_loop3A_174 = arith.addi %parallel_loop3A_172, %parallel_loop3A_173 : i32
      %parallel_loop3A_175 = arith.index_cast %parallel_loop3A_174 : i32 to index
      %parallel_loop3A_176 = arith.constant 16 : index
      %parallel_loop3A_177 = tpu.vector_load %arg14[%parallel_loop3A_175, %parallel_loop3A_176] {strides = array<i32>} : memref<64x128xf32, #tpu.memory_space<vmem>>, vector<1x16xf32>,
      %parallel_loop3A_178 = vector.shape_cast %parallel_loop3A_177 : vector<1x16xf32> to vector<16xf32>
      %parallel_loop3A_179 = arith.index_cast %parallel_loop3A_149 : i32 to index
      %parallel_loop3A_180 = arith.constant 16 : index
      %parallel_loop3A_181 = tpu.vector_load %arg16[%parallel_loop3A_179, %parallel_loop3A_180] {strides = array<i32>} : memref<8x512xf32, #tpu.memory_space<vmem>>, vector<1x16xf32>,
      %parallel_loop3A_182 = vector.shape_cast %parallel_loop3A_181 : vector<1x16xf32> to vector<16xf32>
      %parallel_loop3A_183 = arith.addf %parallel_loop3A_178, %parallel_loop3A_182 : vector<16xf32>
      %parallel_loop3A_184 = arith.constant 0.000000e+00 : f32
      %parallel_loop3A_185 = vector.broadcast %parallel_loop3A_184 : f32 to vector<16xf32>
      %parallel_loop3A_186 = arith.maximumf %parallel_loop3A_183, %parallel_loop3A_185 : vector<16xf32>
      %parallel_loop3A_187 = arith.index_cast %parallel_loop3A_174 : i32 to index
      %parallel_loop3A_188 = arith.constant 16 : index
      %parallel_loop3A_189 = tpu.vector_load %arg14[%parallel_loop3A_187, %parallel_loop3A_188] {strides = array<i32>} : memref<64x128xf32, #tpu.memory_space<vmem>>, vector<1x16xf32>,
      %parallel_loop3A_190 = vector.shape_cast %parallel_loop3A_189 : vector<1x16xf32> to vector<16xf32>
      %parallel_loop3A_191 = vector.shape_cast %parallel_loop3A_186 : vector<16xf32> to vector<1x16xf32>
      tpu.vector_store %arg14[%parallel_loop3A_187, %parallel_loop3A_188], %parallel_loop3A_191 {strides = array<i32>} : memref<64x128xf32, #tpu.memory_space<vmem>>, vector<1x16xf32>,
      %parallel_loop3A_192 = arith.constant 8 : i32
      %parallel_loop3A_193 = arith.muli %parallel_loop3A_149, %parallel_loop3A_192 : i32
      %parallel_loop3A_194 = arith.constant 0 : i32
      %parallel_loop3A_195 = arith.addi %parallel_loop3A_193, %parallel_loop3A_194 : i32
      %parallel_loop3A_196 = arith.index_cast %parallel_loop3A_195 : i32 to index
      %parallel_loop3A_197 = arith.constant 32 : index
      %parallel_loop3A_198 = tpu.vector_load %arg14[%parallel_loop3A_196, %parallel_loop3A_197] {strides = array<i32>} : memref<64x128xf32, #tpu.memory_space<vmem>>, vector<1x16xf32>,
      %parallel_loop3A_199 = vector.shape_cast %parallel_loop3A_198 : vector<1x16xf32> to vector<16xf32>
      %parallel_loop3A_200 = arith.index_cast %parallel_loop3A_149 : i32 to index
      %parallel_loop3A_201 = arith.constant 32 : index
      %parallel_loop3A_202 = tpu.vector_load %arg16[%parallel_loop3A_200, %parallel_loop3A_201] {strides = array<i32>} : memref<8x512xf32, #tpu.memory_space<vmem>>, vector<1x16xf32>,
      %parallel_loop3A_203 = vector.shape_cast %parallel_loop3A_202 : vector<1x16xf32> to vector<16xf32>
      %parallel_loop3A_204 = arith.addf %parallel_loop3A_199, %parallel_loop3A_203 : vector<16xf32>
      %parallel_loop3A_205 = arith.constant 0.000000e+00 : f32
      %parallel_loop3A_206 = vector.broadcast %parallel_loop3A_205 : f32 to vector<16xf32>
      %parallel_loop3A_207 = arith.maximumf %parallel_loop3A_204, %parallel_loop3A_206 : vector<16xf32>
      %parallel_loop3A_208 = arith.index_cast %parallel_loop3A_195 : i32 to index
      %parallel_loop3A_209 = arith.constant 32 : index
      %parallel_loop3A_210 = tpu.vector_load %arg14[%parallel_loop3A_208, %parallel_loop3A_209] {strides = array<i32>} : memref<64x128xf32, #tpu.memory_space<vmem>>, vector<1x16xf32>,
      %parallel_loop3A_211 = vector.shape_cast %parallel_loop3A_210 : vector<1x16xf32> to vector<16xf32>
      %parallel_loop3A_212 = vector.shape_cast %parallel_loop3A_207 : vector<16xf32> to vector<1x16xf32>
      tpu.vector_store %arg14[%parallel_loop3A_208, %parallel_loop3A_209], %parallel_loop3A_212 {strides = array<i32>} : memref<64x128xf32, #tpu.memory_space<vmem>>, vector<1x16xf32>,
      %parallel_loop3A_213 = arith.constant 8 : i32
      %parallel_loop3A_214 = arith.muli %parallel_loop3A_149, %parallel_loop3A_213 : i32
      %parallel_loop3A_215 = arith.constant 0 : i32
      %parallel_loop3A_216 = arith.addi %parallel_loop3A_214, %parallel_loop3A_215 : i32
      %parallel_loop3A_217 = arith.index_cast %parallel_loop3A_216 : i32 to index
      %parallel_loop3A_218 = arith.constant 48 : index
      %parallel_loop3A_219 = tpu.vector_load %arg14[%parallel_loop3A_217, %parallel_loop3A_218] {strides = array<i32>} : memref<64x128xf32, #tpu.memory_space<vmem>>, vector<1x16xf32>,
      %parallel_loop3A_220 = vector.shape_cast %parallel_loop3A_219 : vector<1x16xf32> to vector<16xf32>
      %parallel_loop3A_221 = arith.index_cast %parallel_loop3A_149 : i32 to index
      %parallel_loop3A_222 = arith.constant 48 : index
      %parallel_loop3A_223 = tpu.vector_load %arg16[%parallel_loop3A_221, %parallel_loop3A_222] {strides = array<i32>} : memref<8x512xf32, #tpu.memory_space<vmem>>, vector<1x16xf32>,
      %parallel_loop3A_224 = vector.shape_cast %parallel_loop3A_223 : vector<1x16xf32> to vector<16xf32>
      %parallel_loop3A_225 = arith.addf %parallel_loop3A_220, %parallel_loop3A_224 : vector<16xf32>
      %parallel_loop3A_226 = arith.constant 0.000000e+00 : f32
      %parallel_loop3A_227 = vector.broadcast %parallel_loop3A_226 : f32 to vector<16xf32>
      %parallel_loop3A_228 = arith.maximumf %parallel_loop3A_225, %parallel_loop3A_227 : vector<16xf32>
      %parallel_loop3A_229 = arith.index_cast %parallel_loop3A_216 : i32 to index
      %parallel_loop3A_230 = arith.constant 48 : index
      %parallel_loop3A_231 = tpu.vector_load %arg14[%parallel_loop3A_229, %parallel_loop3A_230] {strides = array<i32>} : memref<64x128xf32, #tpu.memory_space<vmem>>, vector<1x16xf32>,
      %parallel_loop3A_232 = vector.shape_cast %parallel_loop3A_231 : vector<1x16xf32> to vector<16xf32>
      %parallel_loop3A_233 = vector.shape_cast %parallel_loop3A_228 : vector<16xf32> to vector<1x16xf32>
      tpu.vector_store %arg14[%parallel_loop3A_229, %parallel_loop3A_230], %parallel_loop3A_233 {strides = array<i32>} : memref<64x128xf32, #tpu.memory_space<vmem>>, vector<1x16xf32>,
      %parallel_loop3A_234 = arith.constant 8 : i32
      %parallel_loop3A_235 = arith.muli %parallel_loop3A_149, %parallel_loop3A_234 : i32
      %parallel_loop3A_236 = arith.constant 1 : i32
      %parallel_loop3A_237 = arith.addi %parallel_loop3A_235, %parallel_loop3A_236 : i32
      %parallel_loop3A_238 = arith.index_cast %parallel_loop3A_237 : i32 to index
      %parallel_loop3A_239 = arith.constant 0 : index
      %parallel_loop3A_240 = tpu.vector_load %arg14[%parallel_loop3A_238, %parallel_loop3A_239] {strides = array<i32>} : memref<64x128xf32, #tpu.memory_space<vmem>>, vector<1x16xf32>,
      %parallel_loop3A_241 = vector.shape_cast %parallel_loop3A_240 : vector<1x16xf32> to vector<16xf32>
      %parallel_loop3A_242 = arith.index_cast %parallel_loop3A_149 : i32 to index
      %parallel_loop3A_243 = arith.constant 64 : index
      %parallel_loop3A_244 = tpu.vector_load %arg16[%parallel_loop3A_242, %parallel_loop3A_243] {strides = array<i32>} : memref<8x512xf32, #tpu.memory_space<vmem>>, vector<1x16xf32>,
      %parallel_loop3A_245 = vector.shape_cast %parallel_loop3A_244 : vector<1x16xf32> to vector<16xf32>
      %parallel_loop3A_246 = arith.addf %parallel_loop3A_241, %parallel_loop3A_245 : vector<16xf32>
      %parallel_loop3A_247 = arith.constant 0.000000e+00 : f32
      %parallel_loop3A_248 = vector.broadcast %parallel_loop3A_247 : f32 to vector<16xf32>
      %parallel_loop3A_249 = arith.maximumf %parallel_loop3A_246, %parallel_loop3A_248 : vector<16xf32>
      %parallel_loop3A_250 = arith.index_cast %parallel_loop3A_237 : i32 to index
      %parallel_loop3A_251 = arith.constant 0 : index
      %parallel_loop3A_252 = tpu.vector_load %arg14[%parallel_loop3A_250, %parallel_loop3A_251] {strides = array<i32>} : memref<64x128xf32, #tpu.memory_space<vmem>>, vector<1x16xf32>,
      %parallel_loop3A_253 = vector.shape_cast %parallel_loop3A_252 : vector<1x16xf32> to vector<16xf32>
      %parallel_loop3A_254 = vector.shape_cast %parallel_loop3A_249 : vector<16xf32> to vector<1x16xf32>
      tpu.vector_store %arg14[%parallel_loop3A_250, %parallel_loop3A_251], %parallel_loop3A_254 {strides = array<i32>} : memref<64x128xf32, #tpu.memory_space<vmem>>, vector<1x16xf32>,
      %parallel_loop3A_255 = arith.constant 8 : i32
      %parallel_loop3A_256 = arith.muli %parallel_loop3A_149, %parallel_loop3A_255 : i32
      %parallel_loop3A_257 = arith.constant 1 : i32
      %parallel_loop3A_258 = arith.addi %parallel_loop3A_256, %parallel_loop3A_257 : i32
      %parallel_loop3A_259 = arith.index_cast %parallel_loop3A_258 : i32 to index
      %parallel_loop3A_260 = arith.constant 16 : index
      %parallel_loop3A_261 = tpu.vector_load %arg14[%parallel_loop3A_259, %parallel_loop3A_260] {strides = array<i32>} : memref<64x128xf32, #tpu.memory_space<vmem>>, vector<1x16xf32>,
      %parallel_loop3A_262 = vector.shape_cast %parallel_loop3A_261 : vector<1x16xf32> to vector<16xf32>
      %parallel_loop3A_263 = arith.index_cast %parallel_loop3A_149 : i32 to index
      %parallel_loop3A_264 = arith.constant 80 : index
      %parallel_loop3A_265 = tpu.vector_load %arg16[%parallel_loop3A_263, %parallel_loop3A_264] {strides = array<i32>} : memref<8x512xf32, #tpu.memory_space<vmem>>, vector<1x16xf32>,
      %parallel_loop3A_266 = vector.shape_cast %parallel_loop3A_265 : vector<1x16xf32> to vector<16xf32>
      %parallel_loop3A_267 = arith.addf %parallel_loop3A_262, %parallel_loop3A_266 : vector<16xf32>
      %parallel_loop3A_268 = arith.constant 0.000000e+00 : f32
      %parallel_loop3A_269 = vector.broadcast %parallel_loop3A_268 : f32 to vector<16xf32>
      %parallel_loop3A_270 = arith.maximumf %parallel_loop3A_267, %parallel_loop3A_269 : vector<16xf32>
      %parallel_loop3A_271 = arith.index_cast %parallel_loop3A_258 : i32 to index
      %parallel_loop3A_272 = arith.constant 16 : index
      %parallel_loop3A_273 = tpu.vector_load %arg14[%parallel_loop3A_271, %parallel_loop3A_272] {strides = array<i32>} : memref<64x128xf32, #tpu.memory_space<vmem>>, vector<1x16xf32>,
      %parallel_loop3A_274 = vector.shape_cast %parallel_loop3A_273 : vector<1x16xf32> to vector<16xf32>
      %parallel_loop3A_275 = vector.shape_cast %parallel_loop3A_270 : vector<16xf32> to vector<1x16xf32>
      tpu.vector_store %arg14[%parallel_loop3A_271, %parallel_loop3A_272], %parallel_loop3A_275 {strides = array<i32>} : memref<64x128xf32, #tpu.memory_space<vmem>>, vector<1x16xf32>,
      %parallel_loop3A_276 = arith.constant 8 : i32
      %parallel_loop3A_277 = arith.muli %parallel_loop3A_149, %parallel_loop3A_276 : i32
      %parallel_loop3A_278 = arith.constant 1 : i32
      %parallel_loop3A_279 = arith.addi %parallel_loop3A_277, %parallel_loop3A_278 : i32
      %parallel_loop3A_280 = arith.index_cast %parallel_loop3A_279 : i32 to index
      %parallel_loop3A_281 = arith.constant 32 : index
      %parallel_loop3A_282 = tpu.vector_load %arg14[%parallel_loop3A_280, %parallel_loop3A_281] {strides = array<i32>} : memref<64x128xf32, #tpu.memory_space<vmem>>, vector<1x16xf32>,
      %parallel_loop3A_283 = vector.shape_cast %parallel_loop3A_282 : vector<1x16xf32> to vector<16xf32>
      %parallel_loop3A_284 = arith.index_cast %parallel_loop3A_149 : i32 to index
      %parallel_loop3A_285 = arith.constant 96 : index
      %parallel_loop3A_286 = tpu.vector_load %arg16[%parallel_loop3A_284, %parallel_loop3A_285] {strides = array<i32>} : memref<8x512xf32, #tpu.memory_space<vmem>>, vector<1x16xf32>,
      %parallel_loop3A_287 = vector.shape_cast %parallel_loop3A_286 : vector<1x16xf32> to vector<16xf32>
      %parallel_loop3A_288 = arith.addf %parallel_loop3A_283, %parallel_loop3A_287 : vector<16xf32>
      %parallel_loop3A_289 = arith.constant 0.000000e+00 : f32
      %parallel_loop3A_290 = vector.broadcast %parallel_loop3A_289 : f32 to vector<16xf32>
      %parallel_loop3A_291 = arith.maximumf %parallel_loop3A_288, %parallel_loop3A_290 : vector<16xf32>
      %parallel_loop3A_292 = arith.index_cast %parallel_loop3A_279 : i32 to index
      %parallel_loop3A_293 = arith.constant 32 : index
      %parallel_loop3A_294 = tpu.vector_load %arg14[%parallel_loop3A_292, %parallel_loop3A_293] {strides = array<i32>} : memref<64x128xf32, #tpu.memory_space<vmem>>, vector<1x16xf32>,
      %parallel_loop3A_295 = vector.shape_cast %parallel_loop3A_294 : vector<1x16xf32> to vector<16xf32>
      %parallel_loop3A_296 = vector.shape_cast %parallel_loop3A_291 : vector<16xf32> to vector<1x16xf32>
      tpu.vector_store %arg14[%parallel_loop3A_292, %parallel_loop3A_293], %parallel_loop3A_296 {strides = array<i32>} : memref<64x128xf32, #tpu.memory_space<vmem>>, vector<1x16xf32>,
      %parallel_loop3A_297 = arith.constant 8 : i32
      %parallel_loop3A_298 = arith.muli %parallel_loop3A_149, %parallel_loop3A_297 : i32
      %parallel_loop3A_299 = arith.constant 1 : i32
      %parallel_loop3A_300 = arith.addi %parallel_loop3A_298, %parallel_loop3A_299 : i32
      %parallel_loop3A_301 = arith.index_cast %parallel_loop3A_300 : i32 to index
      %parallel_loop3A_302 = arith.constant 48 : index
      %parallel_loop3A_303 = tpu.vector_load %arg14[%parallel_loop3A_301, %parallel_loop3A_302] {strides = array<i32>} : memref<64x128xf32, #tpu.memory_space<vmem>>, vector<1x16xf32>,
      %parallel_loop3A_304 = vector.shape_cast %parallel_loop3A_303 : vector<1x16xf32> to vector<16xf32>
      %parallel_loop3A_305 = arith.index_cast %parallel_loop3A_149 : i32 to index
      %parallel_loop3A_306 = arith.constant 112 : index
      %parallel_loop3A_307 = tpu.vector_load %arg16[%parallel_loop3A_305, %parallel_loop3A_306] {strides = array<i32>} : memref<8x512xf32, #tpu.memory_space<vmem>>, vector<1x16xf32>,
      %parallel_loop3A_308 = vector.shape_cast %parallel_loop3A_307 : vector<1x16xf32> to vector<16xf32>
      %parallel_loop3A_309 = arith.addf %parallel_loop3A_304, %parallel_loop3A_308 : vector<16xf32>
      %parallel_loop3A_310 = arith.constant 0.000000e+00 : f32
      %parallel_loop3A_311 = vector.broadcast %parallel_loop3A_310 : f32 to vector<16xf32>
      %parallel_loop3A_312 = arith.maximumf %parallel_loop3A_309, %parallel_loop3A_311 : vector<16xf32>
      %parallel_loop3A_313 = arith.index_cast %parallel_loop3A_300 : i32 to index
      %parallel_loop3A_314 = arith.constant 48 : index
      %parallel_loop3A_315 = tpu.vector_load %arg14[%parallel_loop3A_313, %parallel_loop3A_314] {strides = array<i32>} : memref<64x128xf32, #tpu.memory_space<vmem>>, vector<1x16xf32>,
      %parallel_loop3A_316 = vector.shape_cast %parallel_loop3A_315 : vector<1x16xf32> to vector<16xf32>
      %parallel_loop3A_317 = vector.shape_cast %parallel_loop3A_312 : vector<16xf32> to vector<1x16xf32>
      tpu.vector_store %arg14[%parallel_loop3A_313, %parallel_loop3A_314], %parallel_loop3A_317 {strides = array<i32>} : memref<64x128xf32, #tpu.memory_space<vmem>>, vector<1x16xf32>,
      %parallel_loop3A_318 = arith.constant 8 : i32
      %parallel_loop3A_319 = arith.muli %parallel_loop3A_149, %parallel_loop3A_318 : i32
      %parallel_loop3A_320 = arith.constant 2 : i32
      %parallel_loop3A_321 = arith.addi %parallel_loop3A_319, %parallel_loop3A_320 : i32
      %parallel_loop3A_322 = arith.index_cast %parallel_loop3A_321 : i32 to index
      %parallel_loop3A_323 = arith.constant 0 : index
      %parallel_loop3A_324 = tpu.vector_load %arg14[%parallel_loop3A_322, %parallel_loop3A_323] {strides = array<i32>} : memref<64x128xf32, #tpu.memory_space<vmem>>, vector<1x16xf32>,
      %parallel_loop3A_325 = vector.shape_cast %parallel_loop3A_324 : vector<1x16xf32> to vector<16xf32>
      %parallel_loop3A_326 = arith.index_cast %parallel_loop3A_149 : i32 to index
      %parallel_loop3A_327 = arith.constant 128 : index
      %parallel_loop3A_328 = tpu.vector_load %arg16[%parallel_loop3A_326, %parallel_loop3A_327] {strides = array<i32>} : memref<8x512xf32, #tpu.memory_space<vmem>>, vector<1x16xf32>,
      %parallel_loop3A_329 = vector.shape_cast %parallel_loop3A_328 : vector<1x16xf32> to vector<16xf32>
      %parallel_loop3A_330 = arith.addf %parallel_loop3A_325, %parallel_loop3A_329 : vector<16xf32>
      %parallel_loop3A_331 = arith.constant 0.000000e+00 : f32
      %parallel_loop3A_332 = vector.broadcast %parallel_loop3A_331 : f32 to vector<16xf32>
      %parallel_loop3A_333 = arith.maximumf %parallel_loop3A_330, %parallel_loop3A_332 : vector<16xf32>
      %parallel_loop3A_334 = arith.index_cast %parallel_loop3A_321 : i32 to index
      %parallel_loop3A_335 = arith.constant 0 : index
      %parallel_loop3A_336 = tpu.vector_load %arg14[%parallel_loop3A_334, %parallel_loop3A_335] {strides = array<i32>} : memref<64x128xf32, #tpu.memory_space<vmem>>, vector<1x16xf32>,
      %parallel_loop3A_337 = vector.shape_cast %parallel_loop3A_336 : vector<1x16xf32> to vector<16xf32>
      %parallel_loop3A_338 = vector.shape_cast %parallel_loop3A_333 : vector<16xf32> to vector<1x16xf32>
      tpu.vector_store %arg14[%parallel_loop3A_334, %parallel_loop3A_335], %parallel_loop3A_338 {strides = array<i32>} : memref<64x128xf32, #tpu.memory_space<vmem>>, vector<1x16xf32>,
      %parallel_loop3A_339 = arith.constant 8 : i32
      %parallel_loop3A_340 = arith.muli %parallel_loop3A_149, %parallel_loop3A_339 : i32
      %parallel_loop3A_341 = arith.constant 2 : i32
      %parallel_loop3A_342 = arith.addi %parallel_loop3A_340, %parallel_loop3A_341 : i32
      %parallel_loop3A_343 = arith.index_cast %parallel_loop3A_342 : i32 to index
      %parallel_loop3A_344 = arith.constant 16 : index
      %parallel_loop3A_345 = tpu.vector_load %arg14[%parallel_loop3A_343, %parallel_loop3A_344] {strides = array<i32>} : memref<64x128xf32, #tpu.memory_space<vmem>>, vector<1x16xf32>,
      %parallel_loop3A_346 = vector.shape_cast %parallel_loop3A_345 : vector<1x16xf32> to vector<16xf32>
      %parallel_loop3A_347 = arith.index_cast %parallel_loop3A_149 : i32 to index
      %parallel_loop3A_348 = arith.constant 144 : index
      %parallel_loop3A_349 = tpu.vector_load %arg16[%parallel_loop3A_347, %parallel_loop3A_348] {strides = array<i32>} : memref<8x512xf32, #tpu.memory_space<vmem>>, vector<1x16xf32>,
      %parallel_loop3A_350 = vector.shape_cast %parallel_loop3A_349 : vector<1x16xf32> to vector<16xf32>
      %parallel_loop3A_351 = arith.addf %parallel_loop3A_346, %parallel_loop3A_350 : vector<16xf32>
      %parallel_loop3A_352 = arith.constant 0.000000e+00 : f32
      %parallel_loop3A_353 = vector.broadcast %parallel_loop3A_352 : f32 to vector<16xf32>
      %parallel_loop3A_354 = arith.maximumf %parallel_loop3A_351, %parallel_loop3A_353 : vector<16xf32>
      %parallel_loop3A_355 = arith.index_cast %parallel_loop3A_342 : i32 to index
      %parallel_loop3A_356 = arith.constant 16 : index
      %parallel_loop3A_357 = tpu.vector_load %arg14[%parallel_loop3A_355, %parallel_loop3A_356] {strides = array<i32>} : memref<64x128xf32, #tpu.memory_space<vmem>>, vector<1x16xf32>,
      %parallel_loop3A_358 = vector.shape_cast %parallel_loop3A_357 : vector<1x16xf32> to vector<16xf32>
      %parallel_loop3A_359 = vector.shape_cast %parallel_loop3A_354 : vector<16xf32> to vector<1x16xf32>
      tpu.vector_store %arg14[%parallel_loop3A_355, %parallel_loop3A_356], %parallel_loop3A_359 {strides = array<i32>} : memref<64x128xf32, #tpu.memory_space<vmem>>, vector<1x16xf32>,
      %parallel_loop3A_360 = arith.constant 8 : i32
      %parallel_loop3A_361 = arith.muli %parallel_loop3A_149, %parallel_loop3A_360 : i32
      %parallel_loop3A_362 = arith.constant 2 : i32
      %parallel_loop3A_363 = arith.addi %parallel_loop3A_361, %parallel_loop3A_362 : i32
      %parallel_loop3A_364 = arith.index_cast %parallel_loop3A_363 : i32 to index
      %parallel_loop3A_365 = arith.constant 32 : index
      %parallel_loop3A_366 = tpu.vector_load %arg14[%parallel_loop3A_364, %parallel_loop3A_365] {strides = array<i32>} : memref<64x128xf32, #tpu.memory_space<vmem>>, vector<1x16xf32>,
      %parallel_loop3A_367 = vector.shape_cast %parallel_loop3A_366 : vector<1x16xf32> to vector<16xf32>
      %parallel_loop3A_368 = arith.index_cast %parallel_loop3A_149 : i32 to index
      %parallel_loop3A_369 = arith.constant 160 : index
      %parallel_loop3A_370 = tpu.vector_load %arg16[%parallel_loop3A_368, %parallel_loop3A_369] {strides = array<i32>} : memref<8x512xf32, #tpu.memory_space<vmem>>, vector<1x16xf32>,
      %parallel_loop3A_371 = vector.shape_cast %parallel_loop3A_370 : vector<1x16xf32> to vector<16xf32>
      %parallel_loop3A_372 = arith.addf %parallel_loop3A_367, %parallel_loop3A_371 : vector<16xf32>
      %parallel_loop3A_373 = arith.constant 0.000000e+00 : f32
      %parallel_loop3A_374 = vector.broadcast %parallel_loop3A_373 : f32 to vector<16xf32>
      %parallel_loop3A_375 = arith.maximumf %parallel_loop3A_372, %parallel_loop3A_374 : vector<16xf32>
      %parallel_loop3A_376 = arith.index_cast %parallel_loop3A_363 : i32 to index
      %parallel_loop3A_377 = arith.constant 32 : index
      %parallel_loop3A_378 = tpu.vector_load %arg14[%parallel_loop3A_376, %parallel_loop3A_377] {strides = array<i32>} : memref<64x128xf32, #tpu.memory_space<vmem>>, vector<1x16xf32>,
      %parallel_loop3A_379 = vector.shape_cast %parallel_loop3A_378 : vector<1x16xf32> to vector<16xf32>
      %parallel_loop3A_380 = vector.shape_cast %parallel_loop3A_375 : vector<16xf32> to vector<1x16xf32>
      tpu.vector_store %arg14[%parallel_loop3A_376, %parallel_loop3A_377], %parallel_loop3A_380 {strides = array<i32>} : memref<64x128xf32, #tpu.memory_space<vmem>>, vector<1x16xf32>,
      %parallel_loop3A_381 = arith.constant 8 : i32
      %parallel_loop3A_382 = arith.muli %parallel_loop3A_149, %parallel_loop3A_381 : i32
      %parallel_loop3A_383 = arith.constant 2 : i32
      %parallel_loop3A_384 = arith.addi %parallel_loop3A_382, %parallel_loop3A_383 : i32
      %parallel_loop3A_385 = arith.index_cast %parallel_loop3A_384 : i32 to index
      %parallel_loop3A_386 = arith.constant 48 : index
      %parallel_loop3A_387 = tpu.vector_load %arg14[%parallel_loop3A_385, %parallel_loop3A_386] {strides = array<i32>} : memref<64x128xf32, #tpu.memory_space<vmem>>, vector<1x16xf32>,
      %parallel_loop3A_388 = vector.shape_cast %parallel_loop3A_387 : vector<1x16xf32> to vector<16xf32>
      %parallel_loop3A_389 = arith.index_cast %parallel_loop3A_149 : i32 to index
      %parallel_loop3A_390 = arith.constant 176 : index
      %parallel_loop3A_391 = tpu.vector_load %arg16[%parallel_loop3A_389, %parallel_loop3A_390] {strides = array<i32>} : memref<8x512xf32, #tpu.memory_space<vmem>>, vector<1x16xf32>,
      %parallel_loop3A_392 = vector.shape_cast %parallel_loop3A_391 : vector<1x16xf32> to vector<16xf32>
      %parallel_loop3A_393 = arith.addf %parallel_loop3A_388, %parallel_loop3A_392 : vector<16xf32>
      %parallel_loop3A_394 = arith.constant 0.000000e+00 : f32
      %parallel_loop3A_395 = vector.broadcast %parallel_loop3A_394 : f32 to vector<16xf32>
      %parallel_loop3A_396 = arith.maximumf %parallel_loop3A_393, %parallel_loop3A_395 : vector<16xf32>
      %parallel_loop3A_397 = arith.index_cast %parallel_loop3A_384 : i32 to index
      %parallel_loop3A_398 = arith.constant 48 : index
      %parallel_loop3A_399 = tpu.vector_load %arg14[%parallel_loop3A_397, %parallel_loop3A_398] {strides = array<i32>} : memref<64x128xf32, #tpu.memory_space<vmem>>, vector<1x16xf32>,
      %parallel_loop3A_400 = vector.shape_cast %parallel_loop3A_399 : vector<1x16xf32> to vector<16xf32>
      %parallel_loop3A_401 = vector.shape_cast %parallel_loop3A_396 : vector<16xf32> to vector<1x16xf32>
      tpu.vector_store %arg14[%parallel_loop3A_397, %parallel_loop3A_398], %parallel_loop3A_401 {strides = array<i32>} : memref<64x128xf32, #tpu.memory_space<vmem>>, vector<1x16xf32>,
      %parallel_loop3A_402 = arith.constant 8 : i32
      %parallel_loop3A_403 = arith.muli %parallel_loop3A_149, %parallel_loop3A_402 : i32
      %parallel_loop3A_404 = arith.constant 3 : i32
      %parallel_loop3A_405 = arith.addi %parallel_loop3A_403, %parallel_loop3A_404 : i32
      %parallel_loop3A_406 = arith.index_cast %parallel_loop3A_405 : i32 to index
      %parallel_loop3A_407 = arith.constant 0 : index
      %parallel_loop3A_408 = tpu.vector_load %arg14[%parallel_loop3A_406, %parallel_loop3A_407] {strides = array<i32>} : memref<64x128xf32, #tpu.memory_space<vmem>>, vector<1x16xf32>,
      %parallel_loop3A_409 = vector.shape_cast %parallel_loop3A_408 : vector<1x16xf32> to vector<16xf32>
      %parallel_loop3A_410 = arith.index_cast %parallel_loop3A_149 : i32 to index
      %parallel_loop3A_411 = arith.constant 192 : index
      %parallel_loop3A_412 = tpu.vector_load %arg16[%parallel_loop3A_410, %parallel_loop3A_411] {strides = array<i32>} : memref<8x512xf32, #tpu.memory_space<vmem>>, vector<1x16xf32>,
      %parallel_loop3A_413 = vector.shape_cast %parallel_loop3A_412 : vector<1x16xf32> to vector<16xf32>
      %parallel_loop3A_414 = arith.addf %parallel_loop3A_409, %parallel_loop3A_413 : vector<16xf32>
      %parallel_loop3A_415 = arith.constant 0.000000e+00 : f32
      %parallel_loop3A_416 = vector.broadcast %parallel_loop3A_415 : f32 to vector<16xf32>
      %parallel_loop3A_417 = arith.maximumf %parallel_loop3A_414, %parallel_loop3A_416 : vector<16xf32>
      %parallel_loop3A_418 = arith.index_cast %parallel_loop3A_405 : i32 to index
      %parallel_loop3A_419 = arith.constant 0 : index
      %parallel_loop3A_420 = tpu.vector_load %arg14[%parallel_loop3A_418, %parallel_loop3A_419] {strides = array<i32>} : memref<64x128xf32, #tpu.memory_space<vmem>>, vector<1x16xf32>,
      %parallel_loop3A_421 = vector.shape_cast %parallel_loop3A_420 : vector<1x16xf32> to vector<16xf32>
      %parallel_loop3A_422 = vector.shape_cast %parallel_loop3A_417 : vector<16xf32> to vector<1x16xf32>
      tpu.vector_store %arg14[%parallel_loop3A_418, %parallel_loop3A_419], %parallel_loop3A_422 {strides = array<i32>} : memref<64x128xf32, #tpu.memory_space<vmem>>, vector<1x16xf32>,
      %parallel_loop3A_423 = arith.constant 8 : i32
      %parallel_loop3A_424 = arith.muli %parallel_loop3A_149, %parallel_loop3A_423 : i32
      %parallel_loop3A_425 = arith.constant 3 : i32
      %parallel_loop3A_426 = arith.addi %parallel_loop3A_424, %parallel_loop3A_425 : i32
      %parallel_loop3A_427 = arith.index_cast %parallel_loop3A_426 : i32 to index
      %parallel_loop3A_428 = arith.constant 16 : index
      %parallel_loop3A_429 = tpu.vector_load %arg14[%parallel_loop3A_427, %parallel_loop3A_428] {strides = array<i32>} : memref<64x128xf32, #tpu.memory_space<vmem>>, vector<1x16xf32>,
      %parallel_loop3A_430 = vector.shape_cast %parallel_loop3A_429 : vector<1x16xf32> to vector<16xf32>
      %parallel_loop3A_431 = arith.index_cast %parallel_loop3A_149 : i32 to index
      %parallel_loop3A_432 = arith.constant 208 : index
      %parallel_loop3A_433 = tpu.vector_load %arg16[%parallel_loop3A_431, %parallel_loop3A_432] {strides = array<i32>} : memref<8x512xf32, #tpu.memory_space<vmem>>, vector<1x16xf32>,
      %parallel_loop3A_434 = vector.shape_cast %parallel_loop3A_433 : vector<1x16xf32> to vector<16xf32>
      %parallel_loop3A_435 = arith.addf %parallel_loop3A_430, %parallel_loop3A_434 : vector<16xf32>
      %parallel_loop3A_436 = arith.constant 0.000000e+00 : f32
      %parallel_loop3A_437 = vector.broadcast %parallel_loop3A_436 : f32 to vector<16xf32>
      %parallel_loop3A_438 = arith.maximumf %parallel_loop3A_435, %parallel_loop3A_437 : vector<16xf32>
      %parallel_loop3A_439 = arith.index_cast %parallel_loop3A_426 : i32 to index
      %parallel_loop3A_440 = arith.constant 16 : index
      %parallel_loop3A_441 = tpu.vector_load %arg14[%parallel_loop3A_439, %parallel_loop3A_440] {strides = array<i32>} : memref<64x128xf32, #tpu.memory_space<vmem>>, vector<1x16xf32>,
      %parallel_loop3A_442 = vector.shape_cast %parallel_loop3A_441 : vector<1x16xf32> to vector<16xf32>
      %parallel_loop3A_443 = vector.shape_cast %parallel_loop3A_438 : vector<16xf32> to vector<1x16xf32>
      tpu.vector_store %arg14[%parallel_loop3A_439, %parallel_loop3A_440], %parallel_loop3A_443 {strides = array<i32>} : memref<64x128xf32, #tpu.memory_space<vmem>>, vector<1x16xf32>,
      %parallel_loop3A_444 = arith.constant 8 : i32
      %parallel_loop3A_445 = arith.muli %parallel_loop3A_149, %parallel_loop3A_444 : i32
      %parallel_loop3A_446 = arith.constant 3 : i32
      %parallel_loop3A_447 = arith.addi %parallel_loop3A_445, %parallel_loop3A_446 : i32
      %parallel_loop3A_448 = arith.index_cast %parallel_loop3A_447 : i32 to index
      %parallel_loop3A_449 = arith.constant 32 : index
      %parallel_loop3A_450 = tpu.vector_load %arg14[%parallel_loop3A_448, %parallel_loop3A_449] {strides = array<i32>} : memref<64x128xf32, #tpu.memory_space<vmem>>, vector<1x16xf32>,
      %parallel_loop3A_451 = vector.shape_cast %parallel_loop3A_450 : vector<1x16xf32> to vector<16xf32>
      %parallel_loop3A_452 = arith.index_cast %parallel_loop3A_149 : i32 to index
      %parallel_loop3A_453 = arith.constant 224 : index
      %parallel_loop3A_454 = tpu.vector_load %arg16[%parallel_loop3A_452, %parallel_loop3A_453] {strides = array<i32>} : memref<8x512xf32, #tpu.memory_space<vmem>>, vector<1x16xf32>,
      %parallel_loop3A_455 = vector.shape_cast %parallel_loop3A_454 : vector<1x16xf32> to vector<16xf32>
      %parallel_loop3A_456 = arith.addf %parallel_loop3A_451, %parallel_loop3A_455 : vector<16xf32>
      %parallel_loop3A_457 = arith.constant 0.000000e+00 : f32
      %parallel_loop3A_458 = vector.broadcast %parallel_loop3A_457 : f32 to vector<16xf32>
      %parallel_loop3A_459 = arith.maximumf %parallel_loop3A_456, %parallel_loop3A_458 : vector<16xf32>
      %parallel_loop3A_460 = arith.index_cast %parallel_loop3A_447 : i32 to index
      %parallel_loop3A_461 = arith.constant 32 : index
      %parallel_loop3A_462 = tpu.vector_load %arg14[%parallel_loop3A_460, %parallel_loop3A_461] {strides = array<i32>} : memref<64x128xf32, #tpu.memory_space<vmem>>, vector<1x16xf32>,
      %parallel_loop3A_463 = vector.shape_cast %parallel_loop3A_462 : vector<1x16xf32> to vector<16xf32>
      %parallel_loop3A_464 = vector.shape_cast %parallel_loop3A_459 : vector<16xf32> to vector<1x16xf32>
      tpu.vector_store %arg14[%parallel_loop3A_460, %parallel_loop3A_461], %parallel_loop3A_464 {strides = array<i32>} : memref<64x128xf32, #tpu.memory_space<vmem>>, vector<1x16xf32>,
      %parallel_loop3A_465 = arith.constant 8 : i32
      %parallel_loop3A_466 = arith.muli %parallel_loop3A_149, %parallel_loop3A_465 : i32
      %parallel_loop3A_467 = arith.constant 3 : i32
      %parallel_loop3A_468 = arith.addi %parallel_loop3A_466, %parallel_loop3A_467 : i32
      %parallel_loop3A_469 = arith.index_cast %parallel_loop3A_468 : i32 to index
      %parallel_loop3A_470 = arith.constant 48 : index
      %parallel_loop3A_471 = tpu.vector_load %arg14[%parallel_loop3A_469, %parallel_loop3A_470] {strides = array<i32>} : memref<64x128xf32, #tpu.memory_space<vmem>>, vector<1x16xf32>,
      %parallel_loop3A_472 = vector.shape_cast %parallel_loop3A_471 : vector<1x16xf32> to vector<16xf32>
      %parallel_loop3A_473 = arith.index_cast %parallel_loop3A_149 : i32 to index
      %parallel_loop3A_474 = arith.constant 240 : index
      %parallel_loop3A_475 = tpu.vector_load %arg16[%parallel_loop3A_473, %parallel_loop3A_474] {strides = array<i32>} : memref<8x512xf32, #tpu.memory_space<vmem>>, vector<1x16xf32>,
      %parallel_loop3A_476 = vector.shape_cast %parallel_loop3A_475 : vector<1x16xf32> to vector<16xf32>
      %parallel_loop3A_477 = arith.addf %parallel_loop3A_472, %parallel_loop3A_476 : vector<16xf32>
      %parallel_loop3A_478 = arith.constant 0.000000e+00 : f32
      %parallel_loop3A_479 = vector.broadcast %parallel_loop3A_478 : f32 to vector<16xf32>
      %parallel_loop3A_480 = arith.maximumf %parallel_loop3A_477, %parallel_loop3A_479 : vector<16xf32>
      %parallel_loop3A_481 = arith.index_cast %parallel_loop3A_468 : i32 to index
      %parallel_loop3A_482 = arith.constant 48 : index
      %parallel_loop3A_483 = tpu.vector_load %arg14[%parallel_loop3A_481, %parallel_loop3A_482] {strides = array<i32>} : memref<64x128xf32, #tpu.memory_space<vmem>>, vector<1x16xf32>,
      %parallel_loop3A_484 = vector.shape_cast %parallel_loop3A_483 : vector<1x16xf32> to vector<16xf32>
      %parallel_loop3A_485 = vector.shape_cast %parallel_loop3A_480 : vector<16xf32> to vector<1x16xf32>
      tpu.vector_store %arg14[%parallel_loop3A_481, %parallel_loop3A_482], %parallel_loop3A_485 {strides = array<i32>} : memref<64x128xf32, #tpu.memory_space<vmem>>, vector<1x16xf32>,
      %parallel_loop3A_486 = arith.constant 8 : i32
      %parallel_loop3A_487 = arith.muli %parallel_loop3A_149, %parallel_loop3A_486 : i32
      %parallel_loop3A_488 = arith.constant 4 : i32
      %parallel_loop3A_489 = arith.addi %parallel_loop3A_487, %parallel_loop3A_488 : i32
      %parallel_loop3A_490 = arith.index_cast %parallel_loop3A_489 : i32 to index
      %parallel_loop3A_491 = arith.constant 0 : index
      %parallel_loop3A_492 = tpu.vector_load %arg14[%parallel_loop3A_490, %parallel_loop3A_491] {strides = array<i32>} : memref<64x128xf32, #tpu.memory_space<vmem>>, vector<1x16xf32>,
      %parallel_loop3A_493 = vector.shape_cast %parallel_loop3A_492 : vector<1x16xf32> to vector<16xf32>
      %parallel_loop3A_494 = arith.index_cast %parallel_loop3A_149 : i32 to index
      %parallel_loop3A_495 = arith.constant 256 : index
      %parallel_loop3A_496 = tpu.vector_load %arg16[%parallel_loop3A_494, %parallel_loop3A_495] {strides = array<i32>} : memref<8x512xf32, #tpu.memory_space<vmem>>, vector<1x16xf32>,
      %parallel_loop3A_497 = vector.shape_cast %parallel_loop3A_496 : vector<1x16xf32> to vector<16xf32>
      %parallel_loop3A_498 = arith.addf %parallel_loop3A_493, %parallel_loop3A_497 : vector<16xf32>
      %parallel_loop3A_499 = arith.constant 0.000000e+00 : f32
      %parallel_loop3A_500 = vector.broadcast %parallel_loop3A_499 : f32 to vector<16xf32>
      %parallel_loop3A_501 = arith.maximumf %parallel_loop3A_498, %parallel_loop3A_500 : vector<16xf32>
      %parallel_loop3A_502 = arith.index_cast %parallel_loop3A_489 : i32 to index
      %parallel_loop3A_503 = arith.constant 0 : index
      %parallel_loop3A_504 = tpu.vector_load %arg14[%parallel_loop3A_502, %parallel_loop3A_503] {strides = array<i32>} : memref<64x128xf32, #tpu.memory_space<vmem>>, vector<1x16xf32>,
      %parallel_loop3A_505 = vector.shape_cast %parallel_loop3A_504 : vector<1x16xf32> to vector<16xf32>
      %parallel_loop3A_506 = vector.shape_cast %parallel_loop3A_501 : vector<16xf32> to vector<1x16xf32>
      tpu.vector_store %arg14[%parallel_loop3A_502, %parallel_loop3A_503], %parallel_loop3A_506 {strides = array<i32>} : memref<64x128xf32, #tpu.memory_space<vmem>>, vector<1x16xf32>,
      %parallel_loop3A_507 = arith.constant 8 : i32
      %parallel_loop3A_508 = arith.muli %parallel_loop3A_149, %parallel_loop3A_507 : i32
      %parallel_loop3A_509 = arith.constant 4 : i32
      %parallel_loop3A_510 = arith.addi %parallel_loop3A_508, %parallel_loop3A_509 : i32
      %parallel_loop3A_511 = arith.index_cast %parallel_loop3A_510 : i32 to index
      %parallel_loop3A_512 = arith.constant 16 : index
      %parallel_loop3A_513 = tpu.vector_load %arg14[%parallel_loop3A_511, %parallel_loop3A_512] {strides = array<i32>} : memref<64x128xf32, #tpu.memory_space<vmem>>, vector<1x16xf32>,
      %parallel_loop3A_514 = vector.shape_cast %parallel_loop3A_513 : vector<1x16xf32> to vector<16xf32>
      %parallel_loop3A_515 = arith.index_cast %parallel_loop3A_149 : i32 to index
      %parallel_loop3A_516 = arith.constant 272 : index
      %parallel_loop3A_517 = tpu.vector_load %arg16[%parallel_loop3A_515, %parallel_loop3A_516] {strides = array<i32>} : memref<8x512xf32, #tpu.memory_space<vmem>>, vector<1x16xf32>,
      %parallel_loop3A_518 = vector.shape_cast %parallel_loop3A_517 : vector<1x16xf32> to vector<16xf32>
      %parallel_loop3A_519 = arith.addf %parallel_loop3A_514, %parallel_loop3A_518 : vector<16xf32>
      %parallel_loop3A_520 = arith.constant 0.000000e+00 : f32
      %parallel_loop3A_521 = vector.broadcast %parallel_loop3A_520 : f32 to vector<16xf32>
      %parallel_loop3A_522 = arith.maximumf %parallel_loop3A_519, %parallel_loop3A_521 : vector<16xf32>
      %parallel_loop3A_523 = arith.index_cast %parallel_loop3A_510 : i32 to index
      %parallel_loop3A_524 = arith.constant 16 : index
      %parallel_loop3A_525 = tpu.vector_load %arg14[%parallel_loop3A_523, %parallel_loop3A_524] {strides = array<i32>} : memref<64x128xf32, #tpu.memory_space<vmem>>, vector<1x16xf32>,
      %parallel_loop3A_526 = vector.shape_cast %parallel_loop3A_525 : vector<1x16xf32> to vector<16xf32>
      %parallel_loop3A_527 = vector.shape_cast %parallel_loop3A_522 : vector<16xf32> to vector<1x16xf32>
      tpu.vector_store %arg14[%parallel_loop3A_523, %parallel_loop3A_524], %parallel_loop3A_527 {strides = array<i32>} : memref<64x128xf32, #tpu.memory_space<vmem>>, vector<1x16xf32>,
      %parallel_loop3A_528 = arith.constant 8 : i32
      %parallel_loop3A_529 = arith.muli %parallel_loop3A_149, %parallel_loop3A_528 : i32
      %parallel_loop3A_530 = arith.constant 4 : i32
      %parallel_loop3A_531 = arith.addi %parallel_loop3A_529, %parallel_loop3A_530 : i32
      %parallel_loop3A_532 = arith.index_cast %parallel_loop3A_531 : i32 to index
      %parallel_loop3A_533 = arith.constant 32 : index
      %parallel_loop3A_534 = tpu.vector_load %arg14[%parallel_loop3A_532, %parallel_loop3A_533] {strides = array<i32>} : memref<64x128xf32, #tpu.memory_space<vmem>>, vector<1x16xf32>,
      %parallel_loop3A_535 = vector.shape_cast %parallel_loop3A_534 : vector<1x16xf32> to vector<16xf32>
      %parallel_loop3A_536 = arith.index_cast %parallel_loop3A_149 : i32 to index
      %parallel_loop3A_537 = arith.constant 288 : index
      %parallel_loop3A_538 = tpu.vector_load %arg16[%parallel_loop3A_536, %parallel_loop3A_537] {strides = array<i32>} : memref<8x512xf32, #tpu.memory_space<vmem>>, vector<1x16xf32>,
      %parallel_loop3A_539 = vector.shape_cast %parallel_loop3A_538 : vector<1x16xf32> to vector<16xf32>
      %parallel_loop3A_540 = arith.addf %parallel_loop3A_535, %parallel_loop3A_539 : vector<16xf32>
      %parallel_loop3A_541 = arith.constant 0.000000e+00 : f32
      %parallel_loop3A_542 = vector.broadcast %parallel_loop3A_541 : f32 to vector<16xf32>
      %parallel_loop3A_543 = arith.maximumf %parallel_loop3A_540, %parallel_loop3A_542 : vector<16xf32>
      %parallel_loop3A_544 = arith.index_cast %parallel_loop3A_531 : i32 to index
      %parallel_loop3A_545 = arith.constant 32 : index
      %parallel_loop3A_546 = tpu.vector_load %arg14[%parallel_loop3A_544, %parallel_loop3A_545] {strides = array<i32>} : memref<64x128xf32, #tpu.memory_space<vmem>>, vector<1x16xf32>,
      %parallel_loop3A_547 = vector.shape_cast %parallel_loop3A_546 : vector<1x16xf32> to vector<16xf32>
      %parallel_loop3A_548 = vector.shape_cast %parallel_loop3A_543 : vector<16xf32> to vector<1x16xf32>
      tpu.vector_store %arg14[%parallel_loop3A_544, %parallel_loop3A_545], %parallel_loop3A_548 {strides = array<i32>} : memref<64x128xf32, #tpu.memory_space<vmem>>, vector<1x16xf32>,
      %parallel_loop3A_549 = arith.constant 8 : i32
      %parallel_loop3A_550 = arith.muli %parallel_loop3A_149, %parallel_loop3A_549 : i32
      %parallel_loop3A_551 = arith.constant 4 : i32
      %parallel_loop3A_552 = arith.addi %parallel_loop3A_550, %parallel_loop3A_551 : i32
      %parallel_loop3A_553 = arith.index_cast %parallel_loop3A_552 : i32 to index
      %parallel_loop3A_554 = arith.constant 48 : index
      %parallel_loop3A_555 = tpu.vector_load %arg14[%parallel_loop3A_553, %parallel_loop3A_554] {strides = array<i32>} : memref<64x128xf32, #tpu.memory_space<vmem>>, vector<1x16xf32>,
      %parallel_loop3A_556 = vector.shape_cast %parallel_loop3A_555 : vector<1x16xf32> to vector<16xf32>
      %parallel_loop3A_557 = arith.index_cast %parallel_loop3A_149 : i32 to index
      %parallel_loop3A_558 = arith.constant 304 : index
      %parallel_loop3A_559 = tpu.vector_load %arg16[%parallel_loop3A_557, %parallel_loop3A_558] {strides = array<i32>} : memref<8x512xf32, #tpu.memory_space<vmem>>, vector<1x16xf32>,
      %parallel_loop3A_560 = vector.shape_cast %parallel_loop3A_559 : vector<1x16xf32> to vector<16xf32>
      %parallel_loop3A_561 = arith.addf %parallel_loop3A_556, %parallel_loop3A_560 : vector<16xf32>
      %parallel_loop3A_562 = arith.constant 0.000000e+00 : f32
      %parallel_loop3A_563 = vector.broadcast %parallel_loop3A_562 : f32 to vector<16xf32>
      %parallel_loop3A_564 = arith.maximumf %parallel_loop3A_561, %parallel_loop3A_563 : vector<16xf32>
      %parallel_loop3A_565 = arith.index_cast %parallel_loop3A_552 : i32 to index
      %parallel_loop3A_566 = arith.constant 48 : index
      %parallel_loop3A_567 = tpu.vector_load %arg14[%parallel_loop3A_565, %parallel_loop3A_566] {strides = array<i32>} : memref<64x128xf32, #tpu.memory_space<vmem>>, vector<1x16xf32>,
      %parallel_loop3A_568 = vector.shape_cast %parallel_loop3A_567 : vector<1x16xf32> to vector<16xf32>
      %parallel_loop3A_569 = vector.shape_cast %parallel_loop3A_564 : vector<16xf32> to vector<1x16xf32>
      tpu.vector_store %arg14[%parallel_loop3A_565, %parallel_loop3A_566], %parallel_loop3A_569 {strides = array<i32>} : memref<64x128xf32, #tpu.memory_space<vmem>>, vector<1x16xf32>,
      %parallel_loop3A_570 = arith.constant 8 : i32
      %parallel_loop3A_571 = arith.muli %parallel_loop3A_149, %parallel_loop3A_570 : i32
      %parallel_loop3A_572 = arith.constant 5 : i32
      %parallel_loop3A_573 = arith.addi %parallel_loop3A_571, %parallel_loop3A_572 : i32
      %parallel_loop3A_574 = arith.index_cast %parallel_loop3A_573 : i32 to index
      %parallel_loop3A_575 = arith.constant 0 : index
      %parallel_loop3A_576 = tpu.vector_load %arg14[%parallel_loop3A_574, %parallel_loop3A_575] {strides = array<i32>} : memref<64x128xf32, #tpu.memory_space<vmem>>, vector<1x16xf32>,
      %parallel_loop3A_577 = vector.shape_cast %parallel_loop3A_576 : vector<1x16xf32> to vector<16xf32>
      %parallel_loop3A_578 = arith.index_cast %parallel_loop3A_149 : i32 to index
      %parallel_loop3A_579 = arith.constant 320 : index
      %parallel_loop3A_580 = tpu.vector_load %arg16[%parallel_loop3A_578, %parallel_loop3A_579] {strides = array<i32>} : memref<8x512xf32, #tpu.memory_space<vmem>>, vector<1x16xf32>,
      %parallel_loop3A_581 = vector.shape_cast %parallel_loop3A_580 : vector<1x16xf32> to vector<16xf32>
      %parallel_loop3A_582 = arith.addf %parallel_loop3A_577, %parallel_loop3A_581 : vector<16xf32>
      %parallel_loop3A_583 = arith.constant 0.000000e+00 : f32
      %parallel_loop3A_584 = vector.broadcast %parallel_loop3A_583 : f32 to vector<16xf32>
      %parallel_loop3A_585 = arith.maximumf %parallel_loop3A_582, %parallel_loop3A_584 : vector<16xf32>
      %parallel_loop3A_586 = arith.index_cast %parallel_loop3A_573 : i32 to index
      %parallel_loop3A_587 = arith.constant 0 : index
      %parallel_loop3A_588 = tpu.vector_load %arg14[%parallel_loop3A_586, %parallel_loop3A_587] {strides = array<i32>} : memref<64x128xf32, #tpu.memory_space<vmem>>, vector<1x16xf32>,
      %parallel_loop3A_589 = vector.shape_cast %parallel_loop3A_588 : vector<1x16xf32> to vector<16xf32>
      %parallel_loop3A_590 = vector.shape_cast %parallel_loop3A_585 : vector<16xf32> to vector<1x16xf32>
      tpu.vector_store %arg14[%parallel_loop3A_586, %parallel_loop3A_587], %parallel_loop3A_590 {strides = array<i32>} : memref<64x128xf32, #tpu.memory_space<vmem>>, vector<1x16xf32>,
      %parallel_loop3A_591 = arith.constant 8 : i32
      %parallel_loop3A_592 = arith.muli %parallel_loop3A_149, %parallel_loop3A_591 : i32
      %parallel_loop3A_593 = arith.constant 5 : i32
      %parallel_loop3A_594 = arith.addi %parallel_loop3A_592, %parallel_loop3A_593 : i32
      %parallel_loop3A_595 = arith.index_cast %parallel_loop3A_594 : i32 to index
      %parallel_loop3A_596 = arith.constant 16 : index
      %parallel_loop3A_597 = tpu.vector_load %arg14[%parallel_loop3A_595, %parallel_loop3A_596] {strides = array<i32>} : memref<64x128xf32, #tpu.memory_space<vmem>>, vector<1x16xf32>,
      %parallel_loop3A_598 = vector.shape_cast %parallel_loop3A_597 : vector<1x16xf32> to vector<16xf32>
      %parallel_loop3A_599 = arith.index_cast %parallel_loop3A_149 : i32 to index
      %parallel_loop3A_600 = arith.constant 336 : index
      %parallel_loop3A_601 = tpu.vector_load %arg16[%parallel_loop3A_599, %parallel_loop3A_600] {strides = array<i32>} : memref<8x512xf32, #tpu.memory_space<vmem>>, vector<1x16xf32>,
      %parallel_loop3A_602 = vector.shape_cast %parallel_loop3A_601 : vector<1x16xf32> to vector<16xf32>
      %parallel_loop3A_603 = arith.addf %parallel_loop3A_598, %parallel_loop3A_602 : vector<16xf32>
      %parallel_loop3A_604 = arith.constant 0.000000e+00 : f32
      %parallel_loop3A_605 = vector.broadcast %parallel_loop3A_604 : f32 to vector<16xf32>
      %parallel_loop3A_606 = arith.maximumf %parallel_loop3A_603, %parallel_loop3A_605 : vector<16xf32>
      %parallel_loop3A_607 = arith.index_cast %parallel_loop3A_594 : i32 to index
      %parallel_loop3A_608 = arith.constant 16 : index
      %parallel_loop3A_609 = tpu.vector_load %arg14[%parallel_loop3A_607, %parallel_loop3A_608] {strides = array<i32>} : memref<64x128xf32, #tpu.memory_space<vmem>>, vector<1x16xf32>,
      %parallel_loop3A_610 = vector.shape_cast %parallel_loop3A_609 : vector<1x16xf32> to vector<16xf32>
      %parallel_loop3A_611 = vector.shape_cast %parallel_loop3A_606 : vector<16xf32> to vector<1x16xf32>
      tpu.vector_store %arg14[%parallel_loop3A_607, %parallel_loop3A_608], %parallel_loop3A_611 {strides = array<i32>} : memref<64x128xf32, #tpu.memory_space<vmem>>, vector<1x16xf32>,
      %parallel_loop3A_612 = arith.constant 8 : i32
      %parallel_loop3A_613 = arith.muli %parallel_loop3A_149, %parallel_loop3A_612 : i32
      %parallel_loop3A_614 = arith.constant 5 : i32
      %parallel_loop3A_615 = arith.addi %parallel_loop3A_613, %parallel_loop3A_614 : i32
      %parallel_loop3A_616 = arith.index_cast %parallel_loop3A_615 : i32 to index
      %parallel_loop3A_617 = arith.constant 32 : index
      %parallel_loop3A_618 = tpu.vector_load %arg14[%parallel_loop3A_616, %parallel_loop3A_617] {strides = array<i32>} : memref<64x128xf32, #tpu.memory_space<vmem>>, vector<1x16xf32>,
      %parallel_loop3A_619 = vector.shape_cast %parallel_loop3A_618 : vector<1x16xf32> to vector<16xf32>
      %parallel_loop3A_620 = arith.index_cast %parallel_loop3A_149 : i32 to index
      %parallel_loop3A_621 = arith.constant 352 : index
      %parallel_loop3A_622 = tpu.vector_load %arg16[%parallel_loop3A_620, %parallel_loop3A_621] {strides = array<i32>} : memref<8x512xf32, #tpu.memory_space<vmem>>, vector<1x16xf32>,
      %parallel_loop3A_623 = vector.shape_cast %parallel_loop3A_622 : vector<1x16xf32> to vector<16xf32>
      %parallel_loop3A_624 = arith.addf %parallel_loop3A_619, %parallel_loop3A_623 : vector<16xf32>
      %parallel_loop3A_625 = arith.constant 0.000000e+00 : f32
      %parallel_loop3A_626 = vector.broadcast %parallel_loop3A_625 : f32 to vector<16xf32>
      %parallel_loop3A_627 = arith.maximumf %parallel_loop3A_624, %parallel_loop3A_626 : vector<16xf32>
      %parallel_loop3A_628 = arith.index_cast %parallel_loop3A_615 : i32 to index
      %parallel_loop3A_629 = arith.constant 32 : index
      %parallel_loop3A_630 = tpu.vector_load %arg14[%parallel_loop3A_628, %parallel_loop3A_629] {strides = array<i32>} : memref<64x128xf32, #tpu.memory_space<vmem>>, vector<1x16xf32>,
      %parallel_loop3A_631 = vector.shape_cast %parallel_loop3A_630 : vector<1x16xf32> to vector<16xf32>
      %parallel_loop3A_632 = vector.shape_cast %parallel_loop3A_627 : vector<16xf32> to vector<1x16xf32>
      tpu.vector_store %arg14[%parallel_loop3A_628, %parallel_loop3A_629], %parallel_loop3A_632 {strides = array<i32>} : memref<64x128xf32, #tpu.memory_space<vmem>>, vector<1x16xf32>,
      %parallel_loop3A_633 = arith.constant 8 : i32
      %parallel_loop3A_634 = arith.muli %parallel_loop3A_149, %parallel_loop3A_633 : i32
      %parallel_loop3A_635 = arith.constant 5 : i32
      %parallel_loop3A_636 = arith.addi %parallel_loop3A_634, %parallel_loop3A_635 : i32
      %parallel_loop3A_637 = arith.index_cast %parallel_loop3A_636 : i32 to index
      %parallel_loop3A_638 = arith.constant 48 : index
      %parallel_loop3A_639 = tpu.vector_load %arg14[%parallel_loop3A_637, %parallel_loop3A_638] {strides = array<i32>} : memref<64x128xf32, #tpu.memory_space<vmem>>, vector<1x16xf32>,
      %parallel_loop3A_640 = vector.shape_cast %parallel_loop3A_639 : vector<1x16xf32> to vector<16xf32>
      %parallel_loop3A_641 = arith.index_cast %parallel_loop3A_149 : i32 to index
      %parallel_loop3A_642 = arith.constant 368 : index
      %parallel_loop3A_643 = tpu.vector_load %arg16[%parallel_loop3A_641, %parallel_loop3A_642] {strides = array<i32>} : memref<8x512xf32, #tpu.memory_space<vmem>>, vector<1x16xf32>,
      %parallel_loop3A_644 = vector.shape_cast %parallel_loop3A_643 : vector<1x16xf32> to vector<16xf32>
      %parallel_loop3A_645 = arith.addf %parallel_loop3A_640, %parallel_loop3A_644 : vector<16xf32>
      %parallel_loop3A_646 = arith.constant 0.000000e+00 : f32
      %parallel_loop3A_647 = vector.broadcast %parallel_loop3A_646 : f32 to vector<16xf32>
      %parallel_loop3A_648 = arith.maximumf %parallel_loop3A_645, %parallel_loop3A_647 : vector<16xf32>
      %parallel_loop3A_649 = arith.index_cast %parallel_loop3A_636 : i32 to index
      %parallel_loop3A_650 = arith.constant 48 : index
      %parallel_loop3A_651 = tpu.vector_load %arg14[%parallel_loop3A_649, %parallel_loop3A_650] {strides = array<i32>} : memref<64x128xf32, #tpu.memory_space<vmem>>, vector<1x16xf32>,
      %parallel_loop3A_652 = vector.shape_cast %parallel_loop3A_651 : vector<1x16xf32> to vector<16xf32>
      %parallel_loop3A_653 = vector.shape_cast %parallel_loop3A_648 : vector<16xf32> to vector<1x16xf32>
      tpu.vector_store %arg14[%parallel_loop3A_649, %parallel_loop3A_650], %parallel_loop3A_653 {strides = array<i32>} : memref<64x128xf32, #tpu.memory_space<vmem>>, vector<1x16xf32>,
      %parallel_loop3A_654 = arith.constant 8 : i32
      %parallel_loop3A_655 = arith.muli %parallel_loop3A_149, %parallel_loop3A_654 : i32
      %parallel_loop3A_656 = arith.constant 6 : i32
      %parallel_loop3A_657 = arith.addi %parallel_loop3A_655, %parallel_loop3A_656 : i32
      %parallel_loop3A_658 = arith.index_cast %parallel_loop3A_657 : i32 to index
      %parallel_loop3A_659 = arith.constant 0 : index
      %parallel_loop3A_660 = tpu.vector_load %arg14[%parallel_loop3A_658, %parallel_loop3A_659] {strides = array<i32>} : memref<64x128xf32, #tpu.memory_space<vmem>>, vector<1x16xf32>,
      %parallel_loop3A_661 = vector.shape_cast %parallel_loop3A_660 : vector<1x16xf32> to vector<16xf32>
      %parallel_loop3A_662 = arith.index_cast %parallel_loop3A_149 : i32 to index
      %parallel_loop3A_663 = arith.constant 384 : index
      %parallel_loop3A_664 = tpu.vector_load %arg16[%parallel_loop3A_662, %parallel_loop3A_663] {strides = array<i32>} : memref<8x512xf32, #tpu.memory_space<vmem>>, vector<1x16xf32>,
      %parallel_loop3A_665 = vector.shape_cast %parallel_loop3A_664 : vector<1x16xf32> to vector<16xf32>
      %parallel_loop3A_666 = arith.addf %parallel_loop3A_661, %parallel_loop3A_665 : vector<16xf32>
      %parallel_loop3A_667 = arith.constant 0.000000e+00 : f32
      %parallel_loop3A_668 = vector.broadcast %parallel_loop3A_667 : f32 to vector<16xf32>
      %parallel_loop3A_669 = arith.maximumf %parallel_loop3A_666, %parallel_loop3A_668 : vector<16xf32>
      %parallel_loop3A_670 = arith.index_cast %parallel_loop3A_657 : i32 to index
      %parallel_loop3A_671 = arith.constant 0 : index
      %parallel_loop3A_672 = tpu.vector_load %arg14[%parallel_loop3A_670, %parallel_loop3A_671] {strides = array<i32>} : memref<64x128xf32, #tpu.memory_space<vmem>>, vector<1x16xf32>,
      %parallel_loop3A_673 = vector.shape_cast %parallel_loop3A_672 : vector<1x16xf32> to vector<16xf32>
      %parallel_loop3A_674 = vector.shape_cast %parallel_loop3A_669 : vector<16xf32> to vector<1x16xf32>
      tpu.vector_store %arg14[%parallel_loop3A_670, %parallel_loop3A_671], %parallel_loop3A_674 {strides = array<i32>} : memref<64x128xf32, #tpu.memory_space<vmem>>, vector<1x16xf32>,
      %parallel_loop3A_675 = arith.constant 8 : i32
      %parallel_loop3A_676 = arith.muli %parallel_loop3A_149, %parallel_loop3A_675 : i32
      %parallel_loop3A_677 = arith.constant 6 : i32
      %parallel_loop3A_678 = arith.addi %parallel_loop3A_676, %parallel_loop3A_677 : i32
      %parallel_loop3A_679 = arith.index_cast %parallel_loop3A_678 : i32 to index
      %parallel_loop3A_680 = arith.constant 16 : index
      %parallel_loop3A_681 = tpu.vector_load %arg14[%parallel_loop3A_679, %parallel_loop3A_680] {strides = array<i32>} : memref<64x128xf32, #tpu.memory_space<vmem>>, vector<1x16xf32>,
      %parallel_loop3A_682 = vector.shape_cast %parallel_loop3A_681 : vector<1x16xf32> to vector<16xf32>
      %parallel_loop3A_683 = arith.index_cast %parallel_loop3A_149 : i32 to index
      %parallel_loop3A_684 = arith.constant 400 : index
      %parallel_loop3A_685 = tpu.vector_load %arg16[%parallel_loop3A_683, %parallel_loop3A_684] {strides = array<i32>} : memref<8x512xf32, #tpu.memory_space<vmem>>, vector<1x16xf32>,
      %parallel_loop3A_686 = vector.shape_cast %parallel_loop3A_685 : vector<1x16xf32> to vector<16xf32>
      %parallel_loop3A_687 = arith.addf %parallel_loop3A_682, %parallel_loop3A_686 : vector<16xf32>
      %parallel_loop3A_688 = arith.constant 0.000000e+00 : f32
      %parallel_loop3A_689 = vector.broadcast %parallel_loop3A_688 : f32 to vector<16xf32>
      %parallel_loop3A_690 = arith.maximumf %parallel_loop3A_687, %parallel_loop3A_689 : vector<16xf32>
      %parallel_loop3A_691 = arith.index_cast %parallel_loop3A_678 : i32 to index
      %parallel_loop3A_692 = arith.constant 16 : index
      %parallel_loop3A_693 = tpu.vector_load %arg14[%parallel_loop3A_691, %parallel_loop3A_692] {strides = array<i32>} : memref<64x128xf32, #tpu.memory_space<vmem>>, vector<1x16xf32>,
      %parallel_loop3A_694 = vector.shape_cast %parallel_loop3A_693 : vector<1x16xf32> to vector<16xf32>
      %parallel_loop3A_695 = vector.shape_cast %parallel_loop3A_690 : vector<16xf32> to vector<1x16xf32>
      tpu.vector_store %arg14[%parallel_loop3A_691, %parallel_loop3A_692], %parallel_loop3A_695 {strides = array<i32>} : memref<64x128xf32, #tpu.memory_space<vmem>>, vector<1x16xf32>,
      %parallel_loop3A_696 = arith.constant 8 : i32
      %parallel_loop3A_697 = arith.muli %parallel_loop3A_149, %parallel_loop3A_696 : i32
      %parallel_loop3A_698 = arith.constant 6 : i32
      %parallel_loop3A_699 = arith.addi %parallel_loop3A_697, %parallel_loop3A_698 : i32
      %parallel_loop3A_700 = arith.index_cast %parallel_loop3A_699 : i32 to index
      %parallel_loop3A_701 = arith.constant 32 : index
      %parallel_loop3A_702 = tpu.vector_load %arg14[%parallel_loop3A_700, %parallel_loop3A_701] {strides = array<i32>} : memref<64x128xf32, #tpu.memory_space<vmem>>, vector<1x16xf32>,
      %parallel_loop3A_703 = vector.shape_cast %parallel_loop3A_702 : vector<1x16xf32> to vector<16xf32>
      %parallel_loop3A_704 = arith.index_cast %parallel_loop3A_149 : i32 to index
      %parallel_loop3A_705 = arith.constant 416 : index
      %parallel_loop3A_706 = tpu.vector_load %arg16[%parallel_loop3A_704, %parallel_loop3A_705] {strides = array<i32>} : memref<8x512xf32, #tpu.memory_space<vmem>>, vector<1x16xf32>,
      %parallel_loop3A_707 = vector.shape_cast %parallel_loop3A_706 : vector<1x16xf32> to vector<16xf32>
      %parallel_loop3A_708 = arith.addf %parallel_loop3A_703, %parallel_loop3A_707 : vector<16xf32>
      %parallel_loop3A_709 = arith.constant 0.000000e+00 : f32
      %parallel_loop3A_710 = vector.broadcast %parallel_loop3A_709 : f32 to vector<16xf32>
      %parallel_loop3A_711 = arith.maximumf %parallel_loop3A_708, %parallel_loop3A_710 : vector<16xf32>
      %parallel_loop3A_712 = arith.index_cast %parallel_loop3A_699 : i32 to index
      %parallel_loop3A_713 = arith.constant 32 : index
      %parallel_loop3A_714 = tpu.vector_load %arg14[%parallel_loop3A_712, %parallel_loop3A_713] {strides = array<i32>} : memref<64x128xf32, #tpu.memory_space<vmem>>, vector<1x16xf32>,
      %parallel_loop3A_715 = vector.shape_cast %parallel_loop3A_714 : vector<1x16xf32> to vector<16xf32>
      %parallel_loop3A_716 = vector.shape_cast %parallel_loop3A_711 : vector<16xf32> to vector<1x16xf32>
      tpu.vector_store %arg14[%parallel_loop3A_712, %parallel_loop3A_713], %parallel_loop3A_716 {strides = array<i32>} : memref<64x128xf32, #tpu.memory_space<vmem>>, vector<1x16xf32>,
      %parallel_loop3A_717 = arith.constant 8 : i32
      %parallel_loop3A_718 = arith.muli %parallel_loop3A_149, %parallel_loop3A_717 : i32
      %parallel_loop3A_719 = arith.constant 6 : i32
      %parallel_loop3A_720 = arith.addi %parallel_loop3A_718, %parallel_loop3A_719 : i32
      %parallel_loop3A_721 = arith.index_cast %parallel_loop3A_720 : i32 to index
      %parallel_loop3A_722 = arith.constant 48 : index
      %parallel_loop3A_723 = tpu.vector_load %arg14[%parallel_loop3A_721, %parallel_loop3A_722] {strides = array<i32>} : memref<64x128xf32, #tpu.memory_space<vmem>>, vector<1x16xf32>,
      %parallel_loop3A_724 = vector.shape_cast %parallel_loop3A_723 : vector<1x16xf32> to vector<16xf32>
      %parallel_loop3A_725 = arith.index_cast %parallel_loop3A_149 : i32 to index
      %parallel_loop3A_726 = arith.constant 432 : index
      %parallel_loop3A_727 = tpu.vector_load %arg16[%parallel_loop3A_725, %parallel_loop3A_726] {strides = array<i32>} : memref<8x512xf32, #tpu.memory_space<vmem>>, vector<1x16xf32>,
      %parallel_loop3A_728 = vector.shape_cast %parallel_loop3A_727 : vector<1x16xf32> to vector<16xf32>
      %parallel_loop3A_729 = arith.addf %parallel_loop3A_724, %parallel_loop3A_728 : vector<16xf32>
      %parallel_loop3A_730 = arith.constant 0.000000e+00 : f32
      %parallel_loop3A_731 = vector.broadcast %parallel_loop3A_730 : f32 to vector<16xf32>
      %parallel_loop3A_732 = arith.maximumf %parallel_loop3A_729, %parallel_loop3A_731 : vector<16xf32>
      %parallel_loop3A_733 = arith.index_cast %parallel_loop3A_720 : i32 to index
      %parallel_loop3A_734 = arith.constant 48 : index
      %parallel_loop3A_735 = tpu.vector_load %arg14[%parallel_loop3A_733, %parallel_loop3A_734] {strides = array<i32>} : memref<64x128xf32, #tpu.memory_space<vmem>>, vector<1x16xf32>,
      %parallel_loop3A_736 = vector.shape_cast %parallel_loop3A_735 : vector<1x16xf32> to vector<16xf32>
      %parallel_loop3A_737 = vector.shape_cast %parallel_loop3A_732 : vector<16xf32> to vector<1x16xf32>
      tpu.vector_store %arg14[%parallel_loop3A_733, %parallel_loop3A_734], %parallel_loop3A_737 {strides = array<i32>} : memref<64x128xf32, #tpu.memory_space<vmem>>, vector<1x16xf32>,
      %parallel_loop3A_738 = arith.constant 8 : i32
      %parallel_loop3A_739 = arith.muli %parallel_loop3A_149, %parallel_loop3A_738 : i32
      %parallel_loop3A_740 = arith.constant 7 : i32
      %parallel_loop3A_741 = arith.addi %parallel_loop3A_739, %parallel_loop3A_740 : i32
      %parallel_loop3A_742 = arith.index_cast %parallel_loop3A_741 : i32 to index
      %parallel_loop3A_743 = arith.constant 0 : index
      %parallel_loop3A_744 = tpu.vector_load %arg14[%parallel_loop3A_742, %parallel_loop3A_743] {strides = array<i32>} : memref<64x128xf32, #tpu.memory_space<vmem>>, vector<1x16xf32>,
      %parallel_loop3A_745 = vector.shape_cast %parallel_loop3A_744 : vector<1x16xf32> to vector<16xf32>
      %parallel_loop3A_746 = arith.index_cast %parallel_loop3A_149 : i32 to index
      %parallel_loop3A_747 = arith.constant 448 : index
      %parallel_loop3A_748 = tpu.vector_load %arg16[%parallel_loop3A_746, %parallel_loop3A_747] {strides = array<i32>} : memref<8x512xf32, #tpu.memory_space<vmem>>, vector<1x16xf32>,
      %parallel_loop3A_749 = vector.shape_cast %parallel_loop3A_748 : vector<1x16xf32> to vector<16xf32>
      %parallel_loop3A_750 = arith.addf %parallel_loop3A_745, %parallel_loop3A_749 : vector<16xf32>
      %parallel_loop3A_751 = arith.constant 0.000000e+00 : f32
      %parallel_loop3A_752 = vector.broadcast %parallel_loop3A_751 : f32 to vector<16xf32>
      %parallel_loop3A_753 = arith.maximumf %parallel_loop3A_750, %parallel_loop3A_752 : vector<16xf32>
      %parallel_loop3A_754 = arith.index_cast %parallel_loop3A_741 : i32 to index
      %parallel_loop3A_755 = arith.constant 0 : index
      %parallel_loop3A_756 = tpu.vector_load %arg14[%parallel_loop3A_754, %parallel_loop3A_755] {strides = array<i32>} : memref<64x128xf32, #tpu.memory_space<vmem>>, vector<1x16xf32>,
      %parallel_loop3A_757 = vector.shape_cast %parallel_loop3A_756 : vector<1x16xf32> to vector<16xf32>
      %parallel_loop3A_758 = vector.shape_cast %parallel_loop3A_753 : vector<16xf32> to vector<1x16xf32>
      tpu.vector_store %arg14[%parallel_loop3A_754, %parallel_loop3A_755], %parallel_loop3A_758 {strides = array<i32>} : memref<64x128xf32, #tpu.memory_space<vmem>>, vector<1x16xf32>,
      %parallel_loop3A_759 = arith.constant 8 : i32
      %parallel_loop3A_760 = arith.muli %parallel_loop3A_149, %parallel_loop3A_759 : i32
      %parallel_loop3A_761 = arith.constant 7 : i32
      %parallel_loop3A_762 = arith.addi %parallel_loop3A_760, %parallel_loop3A_761 : i32
      %parallel_loop3A_763 = arith.index_cast %parallel_loop3A_762 : i32 to index
      %parallel_loop3A_764 = arith.constant 16 : index
      %parallel_loop3A_765 = tpu.vector_load %arg14[%parallel_loop3A_763, %parallel_loop3A_764] {strides = array<i32>} : memref<64x128xf32, #tpu.memory_space<vmem>>, vector<1x16xf32>,
      %parallel_loop3A_766 = vector.shape_cast %parallel_loop3A_765 : vector<1x16xf32> to vector<16xf32>
      %parallel_loop3A_767 = arith.index_cast %parallel_loop3A_149 : i32 to index
      %parallel_loop3A_768 = arith.constant 464 : index
      %parallel_loop3A_769 = tpu.vector_load %arg16[%parallel_loop3A_767, %parallel_loop3A_768] {strides = array<i32>} : memref<8x512xf32, #tpu.memory_space<vmem>>, vector<1x16xf32>,
      %parallel_loop3A_770 = vector.shape_cast %parallel_loop3A_769 : vector<1x16xf32> to vector<16xf32>
      %parallel_loop3A_771 = arith.addf %parallel_loop3A_766, %parallel_loop3A_770 : vector<16xf32>
      %parallel_loop3A_772 = arith.constant 0.000000e+00 : f32
      %parallel_loop3A_773 = vector.broadcast %parallel_loop3A_772 : f32 to vector<16xf32>
      %parallel_loop3A_774 = arith.maximumf %parallel_loop3A_771, %parallel_loop3A_773 : vector<16xf32>
      %parallel_loop3A_775 = arith.index_cast %parallel_loop3A_762 : i32 to index
      %parallel_loop3A_776 = arith.constant 16 : index
      %parallel_loop3A_777 = tpu.vector_load %arg14[%parallel_loop3A_775, %parallel_loop3A_776] {strides = array<i32>} : memref<64x128xf32, #tpu.memory_space<vmem>>, vector<1x16xf32>,
      %parallel_loop3A_778 = vector.shape_cast %parallel_loop3A_777 : vector<1x16xf32> to vector<16xf32>
      %parallel_loop3A_779 = vector.shape_cast %parallel_loop3A_774 : vector<16xf32> to vector<1x16xf32>
      tpu.vector_store %arg14[%parallel_loop3A_775, %parallel_loop3A_776], %parallel_loop3A_779 {strides = array<i32>} : memref<64x128xf32, #tpu.memory_space<vmem>>, vector<1x16xf32>,
      %parallel_loop3A_780 = arith.constant 8 : i32
      %parallel_loop3A_781 = arith.muli %parallel_loop3A_149, %parallel_loop3A_780 : i32
      %parallel_loop3A_782 = arith.constant 7 : i32
      %parallel_loop3A_783 = arith.addi %parallel_loop3A_781, %parallel_loop3A_782 : i32
      %parallel_loop3A_784 = arith.index_cast %parallel_loop3A_783 : i32 to index
      %parallel_loop3A_785 = arith.constant 32 : index
      %parallel_loop3A_786 = tpu.vector_load %arg14[%parallel_loop3A_784, %parallel_loop3A_785] {strides = array<i32>} : memref<64x128xf32, #tpu.memory_space<vmem>>, vector<1x16xf32>,
      %parallel_loop3A_787 = vector.shape_cast %parallel_loop3A_786 : vector<1x16xf32> to vector<16xf32>
      %parallel_loop3A_788 = arith.index_cast %parallel_loop3A_149 : i32 to index
      %parallel_loop3A_789 = arith.constant 480 : index
      %parallel_loop3A_790 = tpu.vector_load %arg16[%parallel_loop3A_788, %parallel_loop3A_789] {strides = array<i32>} : memref<8x512xf32, #tpu.memory_space<vmem>>, vector<1x16xf32>,
      %parallel_loop3A_791 = vector.shape_cast %parallel_loop3A_790 : vector<1x16xf32> to vector<16xf32>
      %parallel_loop3A_792 = arith.addf %parallel_loop3A_787, %parallel_loop3A_791 : vector<16xf32>
      %parallel_loop3A_793 = arith.constant 0.000000e+00 : f32
      %parallel_loop3A_794 = vector.broadcast %parallel_loop3A_793 : f32 to vector<16xf32>
      %parallel_loop3A_795 = arith.maximumf %parallel_loop3A_792, %parallel_loop3A_794 : vector<16xf32>
      %parallel_loop3A_796 = arith.index_cast %parallel_loop3A_783 : i32 to index
      %parallel_loop3A_797 = arith.constant 32 : index
      %parallel_loop3A_798 = tpu.vector_load %arg14[%parallel_loop3A_796, %parallel_loop3A_797] {strides = array<i32>} : memref<64x128xf32, #tpu.memory_space<vmem>>, vector<1x16xf32>,
      %parallel_loop3A_799 = vector.shape_cast %parallel_loop3A_798 : vector<1x16xf32> to vector<16xf32>
      %parallel_loop3A_800 = vector.shape_cast %parallel_loop3A_795 : vector<16xf32> to vector<1x16xf32>
      tpu.vector_store %arg14[%parallel_loop3A_796, %parallel_loop3A_797], %parallel_loop3A_800 {strides = array<i32>} : memref<64x128xf32, #tpu.memory_space<vmem>>, vector<1x16xf32>,
      %parallel_loop3A_801 = arith.constant 8 : i32
      %parallel_loop3A_802 = arith.muli %parallel_loop3A_149, %parallel_loop3A_801 : i32
      %parallel_loop3A_803 = arith.constant 7 : i32
      %parallel_loop3A_804 = arith.addi %parallel_loop3A_802, %parallel_loop3A_803 : i32
      %parallel_loop3A_805 = arith.index_cast %parallel_loop3A_804 : i32 to index
      %parallel_loop3A_806 = arith.constant 48 : index
      %parallel_loop3A_807 = tpu.vector_load %arg14[%parallel_loop3A_805, %parallel_loop3A_806] {strides = array<i32>} : memref<64x128xf32, #tpu.memory_space<vmem>>, vector<1x16xf32>,
      %parallel_loop3A_808 = vector.shape_cast %parallel_loop3A_807 : vector<1x16xf32> to vector<16xf32>
      %parallel_loop3A_809 = arith.index_cast %parallel_loop3A_149 : i32 to index
      %parallel_loop3A_810 = arith.constant 496 : index
      %parallel_loop3A_811 = tpu.vector_load %arg16[%parallel_loop3A_809, %parallel_loop3A_810] {strides = array<i32>} : memref<8x512xf32, #tpu.memory_space<vmem>>, vector<1x16xf32>,
      %parallel_loop3A_812 = vector.shape_cast %parallel_loop3A_811 : vector<1x16xf32> to vector<16xf32>
      %parallel_loop3A_813 = arith.addf %parallel_loop3A_808, %parallel_loop3A_812 : vector<16xf32>
      %parallel_loop3A_814 = arith.constant 0.000000e+00 : f32
      %parallel_loop3A_815 = vector.broadcast %parallel_loop3A_814 : f32 to vector<16xf32>
      %parallel_loop3A_816 = arith.maximumf %parallel_loop3A_813, %parallel_loop3A_815 : vector<16xf32>
      %parallel_loop3A_817 = arith.index_cast %parallel_loop3A_804 : i32 to index
      %parallel_loop3A_818 = arith.constant 48 : index
      %parallel_loop3A_819 = tpu.vector_load %arg14[%parallel_loop3A_817, %parallel_loop3A_818] {strides = array<i32>} : memref<64x128xf32, #tpu.memory_space<vmem>>, vector<1x16xf32>,
      %parallel_loop3A_820 = vector.shape_cast %parallel_loop3A_819 : vector<1x16xf32> to vector<16xf32>
      %parallel_loop3A_821 = vector.shape_cast %parallel_loop3A_816 : vector<16xf32> to vector<1x16xf32>
      tpu.vector_store %arg14[%parallel_loop3A_817, %parallel_loop3A_818], %parallel_loop3A_821 {strides = array<i32>} : memref<64x128xf32, #tpu.memory_space<vmem>>, vector<1x16xf32>,
    } {sc.loop_unroll_factor = 2 : i64, sc.parallel_access}
    %dma_start3A_108 = arith.constant 0 : i32
    %dma_start3A_109 = arith.constant 0 : i32
    %dma_start3A_110 = tpu.memref_slice %arg14[%dma_start3A_108, %dma_start3A_109] : memref<64x128xf32, #tpu.memory_space<vmem>> -> memref<32x128xf32, #tpu.memory_space<vmem>>
    %dma_start3A_111 = arith.constant 0 : i32
    %dma_start3A_112 = arith.constant 0 : i32
    %dma_start3A_113 = tpu.memref_slice %arg8[%dma_start3A_111, %dma_start3A_112] : memref<10112x128xf32, #tpu.memory_space<vmem_shared>> -> memref<10112x128xf32, #tpu.memory_space<vmem_shared>>
    tpu.enqueue_indirect_dma source(%dma_start3A_110 : memref<32x128xf32, #tpu.memory_space<vmem>>) target(%dma_start3A_113 : memref<10112x128xf32, #tpu.memory_space<vmem_shared>>) offsets(%arg10 : memref<32xi32, #tpu.memory_space<vmem>>) semaphore(%arg28 : memref<!tpu.dma_semaphore, #tpu.memory_space<semaphore_mem>>) {add = true}
    %dma_start3A_114 = arith.constant 32 : i32
    %dma_start3A_115 = arith.constant 0 : i32
    %dma_start3A_116 = tpu.memref_slice %arg14[%dma_start3A_114, %dma_start3A_115] : memref<64x128xf32, #tpu.memory_space<vmem>> -> memref<32x128xf32, #tpu.memory_space<vmem>>
    %dma_start3A_117 = arith.constant 0 : i32
    %dma_start3A_118 = arith.constant 0 : i32
    %dma_start3A_119 = tpu.memref_slice %arg8[%dma_start3A_117, %dma_start3A_118] : memref<10112x128xf32, #tpu.memory_space<vmem_shared>> -> memref<10112x128xf32, #tpu.memory_space<vmem_shared>>
    tpu.enqueue_indirect_dma source(%dma_start3A_116 : memref<32x128xf32, #tpu.memory_space<vmem>>) target(%dma_start3A_119 : memref<10112x128xf32, #tpu.memory_space<vmem_shared>>) offsets(%arg12 : memref<32xi32, #tpu.memory_space<vmem>>) semaphore(%arg30 : memref<!tpu.dma_semaphore, #tpu.memory_space<semaphore_mem>>) {add = true}
    %dma_wait3A_120 = arith.constant 0 : i32
    %dma_wait3A_121 = arith.constant 0 : i32
    %dma_wait3A_122 = tpu.memref_slice %arg14[%dma_wait3A_120, %dma_wait3A_121] : memref<64x128xf32, #tpu.memory_space<vmem>> -> memref<32x128xf32, #tpu.memory_space<vmem>>
    %dma_wait3A_123 = arith.constant 0 : i32
    %dma_wait3A_124 = arith.constant 0 : i32
    %dma_wait3A_125 = tpu.memref_slice %arg8[%dma_wait3A_123, %dma_wait3A_124] : memref<10112x128xf32, #tpu.memory_space<vmem_shared>> -> memref<10112x128xf32, #tpu.memory_space<vmem_shared>>
    tpu.wait_indirect_dma semaphore(%arg28 : memref<!tpu.dma_semaphore, #tpu.memory_space<semaphore_mem>>) src(%dma_wait3A_122 : memref<32x128xf32, #tpu.memory_space<vmem>>) dst(%dma_wait3A_125 : memref<10112x128xf32, #tpu.memory_space<vmem_shared>>)
    %dma_wait3A_126 = arith.constant 32 : i32
    %dma_wait3A_127 = arith.constant 0 : i32
    %dma_wait3A_128 = tpu.memref_slice %arg14[%dma_wait3A_126, %dma_wait3A_127] : memref<64x128xf32, #tpu.memory_space<vmem>> -> memref<32x128xf32, #tpu.memory_space<vmem>>
    %dma_wait3A_129 = arith.constant 0 : i32
    %dma_wait3A_130 = arith.constant 0 : i32
    %dma_wait3A_131 = tpu.memref_slice %arg8[%dma_wait3A_129, %dma_wait3A_130] : memref<10112x128xf32, #tpu.memory_space<vmem_shared>> -> memref<10112x128xf32, #tpu.memory_space<vmem_shared>>
    tpu.wait_indirect_dma semaphore(%arg30 : memref<!tpu.dma_semaphore, #tpu.memory_space<semaphore_mem>>) src(%dma_wait3A_128 : memref<32x128xf32, #tpu.memory_space<vmem>>) dst(%dma_wait3A_131 : memref<10112x128xf32, #tpu.memory_space<vmem_shared>>)
    %dma_wait3A_132 = arith.constant 0 : i32
    %dma_wait3A_133 = arith.constant 0 : i32
    %dma_wait3A_134 = tpu.memref_slice %arg15[%dma_wait3A_132, %dma_wait3A_133] : memref<64x128xf32, #tpu.memory_space<vmem>> -> memref<32x128xf32, #tpu.memory_space<vmem>>
    %dma_wait3A_135 = arith.constant 0 : i32
    %dma_wait3A_136 = arith.constant 0 : i32
    %dma_wait3A_137 = tpu.memref_slice %arg8[%dma_wait3A_135, %dma_wait3A_136] : memref<10112x128xf32, #tpu.memory_space<vmem_shared>> -> memref<10112x128xf32, #tpu.memory_space<vmem_shared>>
    tpu.wait_indirect_dma semaphore(%arg29 : memref<!tpu.dma_semaphore, #tpu.memory_space<semaphore_mem>>) src(%dma_wait3A_134 : memref<32x128xf32, #tpu.memory_space<vmem>>) dst(%dma_wait3A_137 : memref<10112x128xf32, #tpu.memory_space<vmem_shared>>)
    %dma_wait3A_138 = arith.constant 32 : i32
    %dma_wait3A_139 = arith.constant 0 : i32
    %dma_wait3A_140 = tpu.memref_slice %arg15[%dma_wait3A_138, %dma_wait3A_139] : memref<64x128xf32, #tpu.memory_space<vmem>> -> memref<32x128xf32, #tpu.memory_space<vmem>>
    %dma_wait3A_141 = arith.constant 0 : i32
    %dma_wait3A_142 = arith.constant 0 : i32
    %dma_wait3A_143 = tpu.memref_slice %arg8[%dma_wait3A_141, %dma_wait3A_142] : memref<10112x128xf32, #tpu.memory_space<vmem_shared>> -> memref<10112x128xf32, #tpu.memory_space<vmem_shared>>
    tpu.wait_indirect_dma semaphore(%arg31 : memref<!tpu.dma_semaphore, #tpu.memory_space<semaphore_mem>>) src(%dma_wait3A_140 : memref<32x128xf32, #tpu.memory_space<vmem>>) dst(%dma_wait3A_143 : memref<10112x128xf32, #tpu.memory_space<vmem_shared>>)
    %barrier3A_144 = arith.constant 0 : index
    tpu.barrier barrier_id(%barrier3A_144)
    %mul3A_145 = arith.constant 632 : i32
    %mul3A_146 = arith.muli %arg1, %mul3A_145 : i32
    %mul3A_147 = arith.constant 632 : i32
    %mul3A_148 = arith.muli %arg1, %mul3A_147 : i32
    "tpu.region"() ({
      %run_scoped3A = tpu.sem_alloc : memref<!tpu.dma_semaphore, #tpu.memory_space<semaphore_mem>>
      %dma_start3A_149 = arith.constant 0 : i32
      %dma_start3A_150 = tpu.memref_slice %arg7[%arg0, %mul3A_148, %dma_start3A_149] : memref<2x10112x128xf32, #tpu.memory_space<hbm>> -> memref<1x632x128xf32, #tpu.memory_space<hbm>>
      %dma_start3A_151 = tpu.memref_squeeze %dma_start3A_150 : memref<1x632x128xf32, #tpu.memory_space<hbm>> -> memref<632x128xf32, #tpu.memory_space<hbm>>
      %dma_start3A_152 = arith.constant 0 : i32
      %dma_start3A_153 = tpu.memref_slice %arg8[%mul3A_146, %dma_start3A_152] : memref<10112x128xf32, #tpu.memory_space<vmem_shared>> -> memref<632x128xf32, #tpu.memory_space<vmem_shared>>
      tpu.enqueue_dma source(%dma_start3A_153 : memref<632x128xf32, #tpu.memory_space<vmem_shared>>) target(%dma_start3A_151 : memref<632x128xf32, #tpu.memory_space<hbm>>) target_semaphore(%run_scoped3A : memref<!tpu.dma_semaphore, #tpu.memory_space<semaphore_mem>>)
      %dma_wait3A_154 = arith.constant 0 : i32
      %dma_wait3A_155 = tpu.memref_slice %arg7[%arg0, %mul3A_148, %dma_wait3A_154] : memref<2x10112x128xf32, #tpu.memory_space<hbm>> -> memref<1x632x128xf32, #tpu.memory_space<hbm>>
      %dma_wait3A_156 = tpu.memref_squeeze %dma_wait3A_155 : memref<1x632x128xf32, #tpu.memory_space<hbm>> -> memref<632x128xf32, #tpu.memory_space<hbm>>
      %dma_wait3A_157 = arith.constant 0 : i32
      %dma_wait3A_158 = tpu.memref_slice %arg8[%mul3A_146, %dma_wait3A_157] : memref<10112x128xf32, #tpu.memory_space<vmem_shared>> -> memref<632x128xf32, #tpu.memory_space<vmem_shared>>
      tpu.wait_dma2 semaphore(%run_scoped3A : memref<!tpu.dma_semaphore, #tpu.memory_space<semaphore_mem>>) src(%dma_wait3A_158 : memref<632x128xf32, #tpu.memory_space<vmem_shared>>) dst(%dma_wait3A_156 : memref<632x128xf32, #tpu.memory_space<hbm>>)
      tpu.yield
    }) : () -> ()
    return
  }
}

module attributes {stable_mosaic.version = 14 : i64} {
  func.func @_mm_bias_kernel(%arg0: i32, %arg1: memref<2512x128xbf16, #tpu.memory_space<vmem>>, %arg2: memref<128x512xbf16, #tpu.memory_space<vmem>>, %arg3: memref<1x512xf32, #tpu.memory_space<vmem>>, %arg4: memref<2512x512xf32, #tpu.memory_space<vmem>>) attributes {dimension_semantics = [#tpu.dimension_semantics<arbitrary>], iteration_bounds = array<i64: 16>, scalar_prefetch = 0 : i64, scratch_operands = 0 : i64, tpu.core_type = #tpu.core_type<tc>, window_params = [{transform_indices = @transform_0, window_bounds = array<i64: 2512, 128>}, {pipeline_mode = #tpu.pipeline_mode<synchronous>, transform_indices = @transform_1, window_bounds = array<i64: 128, 512>}, {pipeline_mode = #tpu.pipeline_mode<synchronous>, transform_indices = @transform_2, window_bounds = array<i64: 1, 512>}, {transform_indices = @transform_3, window_bounds = array<i64: 2512, 512>}]} {
    %get3A = arith.constant 0 : index
    %get3A_0 = arith.constant 0 : index
    %get3A_1 = vector.load %arg1[%get3A, %get3A_0] : memref<2512x128xbf16, #tpu.memory_space<vmem>>, vector<2512x128xbf16>
    %get3A_2 = arith.constant 0 : index
    %get3A_3 = arith.constant 0 : index
    %get3A_4 = vector.load %arg2[%get3A_2, %get3A_3] : memref<128x512xbf16, #tpu.memory_space<vmem>>, vector<128x512xbf16>
    %dot_general3A = arith.constant dense<0.000000e+00> : vector<2512x512xf32>
    %dot_general3A_5 = tpu.matmul %get3A_1, %get3A_4, %dot_general3A {dimension_numbers = #tpu.dot_dimension_numbers<[1], [0], [0], [1], [0, 0, 1, 1], [], []>, transpose_lhs_hint = false} : vector<2512x128xbf16>, vector<128x512xbf16>, vector<2512x512xf32> -> vector<2512x512xf32>
    %get3A_6 = arith.constant 0 : index
    %get3A_7 = arith.constant 0 : index
    %get3A_8 = vector.load %arg3[%get3A_6, %get3A_7] : memref<1x512xf32, #tpu.memory_space<vmem>>, vector<1x512xf32>
    %add3A = vector.broadcast %get3A_8 : vector<1x512xf32> to vector<2512x512xf32>
    %add3A_9 = arith.addf %dot_general3A_5, %add3A : vector<2512x512xf32>
    %swap3A = arith.constant 0 : index
    %swap3A_10 = arith.constant 0 : index
    %swap3A_11 = vector.load %arg4[%swap3A, %swap3A_10] : memref<2512x512xf32, #tpu.memory_space<vmem>>, vector<2512x512xf32>
    tpu.vector_store %arg4[%swap3A, %swap3A_10], %add3A_9 {strides = array<i32>} : memref<2512x512xf32, #tpu.memory_space<vmem>>, vector<2512x512xf32>,
    return
  }
  func.func @transform_0(%arg0: i32) -> (i32, i32) {
    %c0_i32 = arith.constant 0 : i32
    %c0_i32_0 = arith.constant 0 : i32
    return %arg0, %c0_i32 : i32, i32
  }
  func.func @transform_1(%arg0: i32) -> (i32, i32) {
    %c0_i32 = arith.constant 0 : i32
    %c0_i32_0 = arith.constant 0 : i32
    %c0_i32_1 = arith.constant 0 : i32
    return %c0_i32, %c0_i32_0 : i32, i32
  }
  func.func @transform_2(%arg0: i32) -> (i32, i32) {
    %c0_i32 = arith.constant 0 : i32
    %c0_i32_0 = arith.constant 0 : i32
    %c0_i32_1 = arith.constant 0 : i32
    return %c0_i32, %c0_i32_0 : i32, i32
  }
  func.func @transform_3(%arg0: i32) -> (i32, i32) {
    %c0_i32 = arith.constant 0 : i32
    %c0_i32_0 = arith.constant 0 : i32
    return %arg0, %c0_i32 : i32, i32
  }
}

module attributes {stable_mosaic.version = 14 : i64} {
  func.func @_mm_bias_kernel(%arg0: i32, %arg1: memref<2000x128xf32, #tpu.memory_space<vmem>>, %arg2: memref<128x128xf32, #tpu.memory_space<vmem>>, %arg3: memref<1x128xf32, #tpu.memory_space<vmem>>, %arg4: memref<2000x128xf32, #tpu.memory_space<vmem>>) attributes {dimension_semantics = [#tpu.dimension_semantics<arbitrary>], iteration_bounds = array<i64: 5>, scalar_prefetch = 0 : i64, scratch_operands = 0 : i64, tpu.core_type = #tpu.core_type<tc>, window_params = [{transform_indices = @transform_0, window_bounds = array<i64: 2000, 128>}, {pipeline_mode = #tpu.pipeline_mode<synchronous>, transform_indices = @transform_1, window_bounds = array<i64: 128, 128>}, {pipeline_mode = #tpu.pipeline_mode<synchronous>, transform_indices = @transform_2, window_bounds = array<i64: 1, 128>}, {transform_indices = @transform_3, window_bounds = array<i64: 2000, 128>}]} {
    %get3A = arith.constant 0 : index
    %get3A_0 = arith.constant 0 : index
    %get3A_1 = vector.load %arg1[%get3A, %get3A_0] : memref<2000x128xf32, #tpu.memory_space<vmem>>, vector<2000x128xf32>
    %get3A_2 = arith.constant 0 : index
    %get3A_3 = arith.constant 0 : index
    %get3A_4 = vector.load %arg2[%get3A_2, %get3A_3] : memref<128x128xf32, #tpu.memory_space<vmem>>, vector<128x128xf32>
    %dot_general3A = arith.constant dense<0.000000e+00> : vector<2000x128xf32>
    %dot_general3A_5 = tpu.matmul %get3A_1, %get3A_4, %dot_general3A {dimension_numbers = #tpu.dot_dimension_numbers<[1], [0], [0], [1], [0, 0, 1, 1], [], []>, transpose_lhs_hint = false} : vector<2000x128xf32>, vector<128x128xf32>, vector<2000x128xf32> -> vector<2000x128xf32>
    %get3A_6 = arith.constant 0 : index
    %get3A_7 = arith.constant 0 : index
    %get3A_8 = vector.load %arg3[%get3A_6, %get3A_7] : memref<1x128xf32, #tpu.memory_space<vmem>>, vector<1x128xf32>
    %add3A = vector.broadcast %get3A_8 : vector<1x128xf32> to vector<2000x128xf32>
    %add3A_9 = arith.addf %dot_general3A_5, %add3A : vector<2000x128xf32>
    %swap3A = arith.constant 0 : index
    %swap3A_10 = arith.constant 0 : index
    %swap3A_11 = vector.load %arg4[%swap3A, %swap3A_10] : memref<2000x128xf32, #tpu.memory_space<vmem>>, vector<2000x128xf32>
    tpu.vector_store %arg4[%swap3A, %swap3A_10], %add3A_9 {strides = array<i32>} : memref<2000x128xf32, #tpu.memory_space<vmem>>, vector<2000x128xf32>,
    return
  }
  func.func @transform_0(%arg0: i32) -> (i32, i32) {
    %c0_i32 = arith.constant 0 : i32
    %c0_i32_0 = arith.constant 0 : i32
    return %arg0, %c0_i32 : i32, i32
  }
  func.func @transform_1(%arg0: i32) -> (i32, i32) {
    %c0_i32 = arith.constant 0 : i32
    %c0_i32_0 = arith.constant 0 : i32
    %c0_i32_1 = arith.constant 0 : i32
    return %c0_i32, %c0_i32_0 : i32, i32
  }
  func.func @transform_2(%arg0: i32) -> (i32, i32) {
    %c0_i32 = arith.constant 0 : i32
    %c0_i32_0 = arith.constant 0 : i32
    %c0_i32_1 = arith.constant 0 : i32
    return %c0_i32, %c0_i32_0 : i32, i32
  }
  func.func @transform_3(%arg0: i32) -> (i32, i32) {
    %c0_i32 = arith.constant 0 : i32
    %c0_i32_0 = arith.constant 0 : i32
    return %arg0, %c0_i32 : i32, i32
  }
}

module attributes {stable_mosaic.version = 14 : i64} {
  func.func @_final_kernel(%arg0: i32, %arg1: memref<2000x128xf32, #tpu.memory_space<vmem>>, %arg2: memref<2x2000x128xf32, #tpu.memory_space<vmem>>, %arg3: memref<2000x1xi32, #tpu.memory_space<vmem>>, %arg4: memref<16x16xf32, #tpu.memory_space<vmem>>, %arg5: memref<128x128xf32, #tpu.memory_space<vmem>>, %arg6: memref<64x128xf32, #tpu.memory_space<vmem>>, %arg7: memref<16x128xf32, #tpu.memory_space<vmem>>, %arg8: memref<1x128xf32, #tpu.memory_space<vmem>>, %arg9: memref<2000x128xf32, #tpu.memory_space<vmem>>) attributes {dimension_semantics = [#tpu.dimension_semantics<arbitrary>], iteration_bounds = array<i64: 5>, scalar_prefetch = 0 : i64, scratch_operands = 0 : i64, tpu.core_type = #tpu.core_type<tc>, window_params = [{transform_indices = @transform_0, window_bounds = array<i64: 2000, 128>}, {transform_indices = @transform_1, window_bounds = array<i64: 2, 2000, 128>}, {transform_indices = @transform_2, window_bounds = array<i64: 2000, 1>}, {pipeline_mode = #tpu.pipeline_mode<synchronous>, transform_indices = @transform_3, window_bounds = array<i64: 16, 16>}, {pipeline_mode = #tpu.pipeline_mode<synchronous>, transform_indices = @transform_4, window_bounds = array<i64: 128, 128>}, {pipeline_mode = #tpu.pipeline_mode<synchronous>, transform_indices = @transform_5, window_bounds = array<i64: 64, 128>}, {pipeline_mode = #tpu.pipeline_mode<synchronous>, transform_indices = @transform_6, window_bounds = array<i64: 16, 128>}, {pipeline_mode = #tpu.pipeline_mode<synchronous>, transform_indices = @transform_7, window_bounds = array<i64: 1, 128>}, {transform_indices = @transform_8, window_bounds = array<i64: 2000, 128>}]} {
    %get3A = arith.constant 0 : index
    %get3A_0 = arith.constant 0 : index
    %get3A_1 = arith.constant 0 : index
    %get3A_2 = vector.load %arg2[%get3A, %get3A_0, %get3A_1] : memref<2x2000x128xf32, #tpu.memory_space<vmem>>, vector<1x2000x128xf32>
    %get3A_3 = vector.shape_cast %get3A_2 : vector<1x2000x128xf32> to vector<2000x128xf32>
    %get3A_4 = arith.constant 1 : index
    %get3A_5 = arith.constant 0 : index
    %get3A_6 = arith.constant 0 : index
    %get3A_7 = vector.load %arg2[%get3A_4, %get3A_5, %get3A_6] : memref<2x2000x128xf32, #tpu.memory_space<vmem>>, vector<1x2000x128xf32>
    %get3A_8 = vector.shape_cast %get3A_7 : vector<1x2000x128xf32> to vector<2000x128xf32>
    %add3A = arith.addf %get3A_3, %get3A_8 : vector<2000x128xf32>
    %slice3A = vector.extract_strided_slice %add3A {offsets = [0, 64], sizes = [2000, 1], strides = [1, 1]} : vector<2000x128xf32> to vector<2000x1xf32>
    %slice3A_9 = vector.extract_strided_slice %add3A {offsets = [0, 0], sizes = [2000, 64], strides = [1, 1]} : vector<2000x128xf32> to vector<2000x64xf32>
    %max3A = arith.constant 1.000000e+00 : f32
    %max3A_10 = vector.broadcast %max3A : f32 to vector<2000x1xf32>
    %max3A_11 = arith.maximumf %slice3A, %max3A_10 : vector<2000x1xf32>
    %div3A = vector.broadcast %max3A_11 : vector<2000x1xf32> to vector<2000x64xf32>
    %div3A_12 = arith.divf %slice3A_9, %div3A : vector<2000x64xf32>
    %get3A_13 = arith.constant 0 : index
    %get3A_14 = arith.constant 0 : index
    %get3A_15 = vector.load %arg4[%get3A_13, %get3A_14] : memref<16x16xf32, #tpu.memory_space<vmem>>, vector<16x16xf32>
    %get3A_16 = arith.constant 0 : index
    %get3A_17 = arith.constant 0 : index
    %get3A_18 = vector.load %arg7[%get3A_16, %get3A_17] : memref<16x128xf32, #tpu.memory_space<vmem>>, vector<16x128xf32>
    %dot_general3A = arith.constant dense<0.000000e+00> : vector<16x128xf32>
    %dot_general3A_19 = tpu.matmul %get3A_15, %get3A_18, %dot_general3A {dimension_numbers = #tpu.dot_dimension_numbers<[1], [0], [0], [1], [0, 0, 1, 1], [], []>, transpose_lhs_hint = false} : vector<16x16xf32>, vector<16x128xf32>, vector<16x128xf32> -> vector<16x128xf32>
    %get3A_20 = arith.constant 0 : index
    %get3A_21 = arith.constant 0 : index
    %get3A_22 = vector.load %arg3[%get3A_20, %get3A_21] : memref<2000x1xi32, #tpu.memory_space<vmem>>, vector<2000x1xi32>
    %iota3A = tpu.iota {dimensions = array<i32: 1>} : vector<2000x16xi32>
    %eq3A = vector.broadcast %get3A_22 : vector<2000x1xi32> to vector<2000x16xi32>
    %eq3A_23 = arith.cmpi eq, %eq3A, %iota3A : vector<2000x16xi32>
    %get3A_24 = arith.constant 0 : index
    %get3A_25 = arith.constant 0 : index
    %get3A_26 = vector.load %arg1[%get3A_24, %get3A_25] : memref<2000x128xf32, #tpu.memory_space<vmem>>, vector<2000x128xf32>
    %get3A_27 = arith.constant 0 : index
    %get3A_28 = arith.constant 0 : index
    %get3A_29 = vector.load %arg5[%get3A_27, %get3A_28] : memref<128x128xf32, #tpu.memory_space<vmem>>, vector<128x128xf32>
    %dot_general3A_30 = arith.constant dense<0.000000e+00> : vector<2000x128xf32>
    %dot_general3A_31 = tpu.matmul %get3A_26, %get3A_29, %dot_general3A_30 {dimension_numbers = #tpu.dot_dimension_numbers<[1], [0], [0], [1], [0, 0, 1, 1], [], []>, transpose_lhs_hint = false} : vector<2000x128xf32>, vector<128x128xf32>, vector<2000x128xf32> -> vector<2000x128xf32>
    %get3A_32 = arith.constant 0 : index
    %get3A_33 = arith.constant 0 : index
    %get3A_34 = vector.load %arg6[%get3A_32, %get3A_33] : memref<64x128xf32, #tpu.memory_space<vmem>>, vector<64x128xf32>
    %dot_general3A_35 = arith.constant dense<0.000000e+00> : vector<2000x128xf32>
    %dot_general3A_36 = tpu.matmul %div3A_12, %get3A_34, %dot_general3A_35 {dimension_numbers = #tpu.dot_dimension_numbers<[1], [0], [0], [1], [0, 0, 1, 1], [], []>, transpose_lhs_hint = false} : vector<2000x64xf32>, vector<64x128xf32>, vector<2000x128xf32> -> vector<2000x128xf32>
    %add3A_37 = arith.addf %dot_general3A_31, %dot_general3A_36 : vector<2000x128xf32>
    %convert_element_type3A = arith.extui %eq3A_23 : vector<2000x16xi1> to vector<2000x16xi32>
    %convert_element_type3A_38 = arith.sitofp %convert_element_type3A : vector<2000x16xi32> to vector<2000x16xf32>
    %dot_general3A_39 = arith.constant dense<0.000000e+00> : vector<2000x128xf32>
    %dot_general3A_40 = tpu.matmul %convert_element_type3A_38, %dot_general3A_19, %dot_general3A_39 {dimension_numbers = #tpu.dot_dimension_numbers<[1], [0], [0], [1], [0, 0, 1, 1], [], []>, transpose_lhs_hint = false} : vector<2000x16xf32>, vector<16x128xf32>, vector<2000x128xf32> -> vector<2000x128xf32>
    %add3A_41 = arith.addf %add3A_37, %dot_general3A_40 : vector<2000x128xf32>
    %get3A_42 = arith.constant 0 : index
    %get3A_43 = arith.constant 0 : index
    %get3A_44 = vector.load %arg8[%get3A_42, %get3A_43] : memref<1x128xf32, #tpu.memory_space<vmem>>, vector<1x128xf32>
    %add3A_45 = vector.broadcast %get3A_44 : vector<1x128xf32> to vector<2000x128xf32>
    %add3A_46 = arith.addf %add3A_41, %add3A_45 : vector<2000x128xf32>
    %max3A_47 = arith.constant 0.000000e+00 : f32
    %max3A_48 = vector.broadcast %max3A_47 : f32 to vector<2000x128xf32>
    %max3A_49 = arith.maximumf %add3A_46, %max3A_48 : vector<2000x128xf32>
    %swap3A = arith.constant 0 : index
    %swap3A_50 = arith.constant 0 : index
    %swap3A_51 = vector.load %arg9[%swap3A, %swap3A_50] : memref<2000x128xf32, #tpu.memory_space<vmem>>, vector<2000x128xf32>
    tpu.vector_store %arg9[%swap3A, %swap3A_50], %max3A_49 {strides = array<i32>} : memref<2000x128xf32, #tpu.memory_space<vmem>>, vector<2000x128xf32>,
    return
  }
  func.func @transform_0(%arg0: i32) -> (i32, i32) {
    %c0_i32 = arith.constant 0 : i32
    %c0_i32_0 = arith.constant 0 : i32
    return %arg0, %c0_i32 : i32, i32
  }
  func.func @transform_1(%arg0: i32) -> (i32, i32, i32) {
    %c0_i32 = arith.constant 0 : i32
    %c0_i32_0 = arith.constant 0 : i32
    %c0_i32_1 = arith.constant 0 : i32
    return %c0_i32, %arg0, %c0_i32_0 : i32, i32, i32
  }
  func.func @transform_2(%arg0: i32) -> (i32, i32) {
    %c0_i32 = arith.constant 0 : i32
    %c0_i32_0 = arith.constant 0 : i32
    return %arg0, %c0_i32 : i32, i32
  }
  func.func @transform_3(%arg0: i32) -> (i32, i32) {
    %c0_i32 = arith.constant 0 : i32
    %c0_i32_0 = arith.constant 0 : i32
    %c0_i32_1 = arith.constant 0 : i32
    return %c0_i32, %c0_i32_0 : i32, i32
  }
  func.func @transform_4(%arg0: i32) -> (i32, i32) {
    %c0_i32 = arith.constant 0 : i32
    %c0_i32_0 = arith.constant 0 : i32
    %c0_i32_1 = arith.constant 0 : i32
    return %c0_i32, %c0_i32_0 : i32, i32
  }
  func.func @transform_5(%arg0: i32) -> (i32, i32) {
    %c0_i32 = arith.constant 0 : i32
    %c0_i32_0 = arith.constant 0 : i32
    %c0_i32_1 = arith.constant 0 : i32
    return %c0_i32, %c0_i32_0 : i32, i32
  }
  func.func @transform_6(%arg0: i32) -> (i32, i32) {
    %c0_i32 = arith.constant 0 : i32
    %c0_i32_0 = arith.constant 0 : i32
    %c0_i32_1 = arith.constant 0 : i32
    return %c0_i32, %c0_i32_0 : i32, i32
  }
  func.func @transform_7(%arg0: i32) -> (i32, i32) {
    %c0_i32 = arith.constant 0 : i32
    %c0_i32_0 = arith.constant 0 : i32
    %c0_i32_1 = arith.constant 0 : i32
    return %c0_i32, %c0_i32_0 : i32, i32
  }
  func.func @transform_8(%arg0: i32) -> (i32, i32) {
    %c0_i32 = arith.constant 0 : i32
    %c0_i32_0 = arith.constant 0 : i32
    return %arg0, %c0_i32 : i32, i32
  }
}

</mosaic_0001>

<sc_bundles>
// kernel: kernel.6.cloned.1.call-start
scs
__scs_entry_jumppad:
0x0: {  	(pc) =	sbr.rel $0x88, $3  }
0x1: {  	(tag) =	ssettag $0x0;
	lr =	simm.s32 $0x1  }
0x2: {  	[smem:$0x3F98] =	sst lr;
	_ =	strace $0xD0000000  }
0x3: {  	_ = 	snop  }
0x4: {  	_ = 	snop  }
0x5: {  	_ = 	snop  }
0x6: {  	_ = 	snop  }
0x7: {  	_ = 	snop  }
__scs_overlays_trampoline_lowered:
0x8: {  	[smem:$0x3FA7] =	sst s0  }
0x9: {  	[smem:$0x3FA8] =	sst s1  }
0xa: {  	[smem:$0x3FA9] =	sst s2  }
0xb: {  	[smem:$0x3FAA] =	sst s3  }
0xc: {  	[smem:$0x3FAB] =	sst s4  }
0xd: {  	[smem:$0x3FAC] =	sst s5  }
0xe: {  	[smem:$0x3FAD] =	sst s6  }
0xf: {  	[smem:$0x3FAE] =	sst s7  }
0x10: {  	[smem:$0x3FAF] =	sst s8  }
0x11: {  	[smem:$0x3FB0] =	sst s9;
	s0 =	simm.s32 @!p0 $0x0  }
0x12: {  	s1 =	sld [smem:$0x3F96];
	s0 =	simm.s32 @p0 $0x1  }
0x13: {  	[smem:$0x3FB1] =	sst s0;
	s0 =	simm.s32 @!p1 $0x0  }
0x14: {  	s2 =	sld [smem:$0x3F95];
	s0 =	simm.s32 @p1 $0x1  }
0x15: {  	[smem:$0x3FB2] =	sst s0;
	s0 =	simm.s32 @!p2 $0x0  }
0x16: {  	s3 =	sld [smem:$0x3FDB];
	s0 =	simm.s32 @p2 $0x1  }
0x17: {  	s4 =	simm.s32 $0x1BF5;
	[smem:$0x3FB4] =	sst s0  }
0x18: {  	s0 =	sld [smem:$0x3F97];
	_ =	swait.ge [sflag:s4], $0x0  }
0x19: {  	s7 =	sld [smem:$0x3F98]  }
0x1a: {  	s8 =	sadd.s32 $0xFFFFE003, lr  }
0x1b: {  	s9 =	sadd.s32 $0xFFFFFEF7, lr;
	s5 =	simm.s32 $0xFFFFFFFF;
	p2 =	slt.u32 s8, $0xFFFFF086  }
0x1c: {  	p1 =	slt.u32 s9, $0xF7A;
	s5 =	simm.s32 @!p2 $0x0  }
0x1d: {  	s5 =	simm.s32 @p1 $0x1;
	p0 =	seq.s32 s7, s2  }
0x1e: {  	s7 =	smul.u32 @!p0 $0xF7A, s2;
	p2 =	seq.s32 @!p0 s5, $0x0  }
0x1f: {  	s9 =	smul.u32 $0xF7A, s1;
	s8 =	simm.s32 @!p0 $0x1BF5;
	p2 =	por !p2, p0  }
0x20: {  	[sflag:s8] =	ssyncset.s32 @!p0 $0xFFFFF086;
	s6 =	sadd.s32 @!p0 s3, s7;
	s7 =	simm.s32 @!p0 $0x108  }
0x21: {  	s3 =	sadd.s32 s3, s9;
	s6 =	sadd.s32 @!p0 $0x88, s6;
	s7 =	simm.s32 @p2 $0x1082  }
0x22: {  	[simem:s7], [sflag:s8] =	dma.local @!p0 [hbm:s6], $0xF7A  }
0x23: {  	s9 =	sor.u32 $0xD0000000, s2;
	s6 =	simm.s32 $0x108;
	_ =	swait.ge @!p0 [sflag:s8], $0x0  }
0x24: {  	s3 =	sadd.s32 $0x88, s3;
	s6 =	simm.s32 @!p1 $0x1082;
	[sflag:s4] =	ssyncset.s32 $0xFFFFF086  }
0x25: {  	[simem:s6], [sflag:s4] =	dma.local [hbm:s3], $0xF7A  }
0x26: {  	[smem:$0x3F98] =	sst s1;
	(tag) =	ssettag s2;
	_ =	strace s9  }
0x27: {  	s1 =	sld [smem:$0x3FA8]  }
0x28: {  	s2 =	sld [smem:$0x3FA9]  }
0x29: {  	s4 =	sld [smem:$0x3FAB]  }
0x2a: {  	p0 =	seq.s32 s5, $0x0;
	s5 =	sld [smem:$0x3FAC]  }
0x2b: {  	s6 =	sld [smem:$0x3FAD]  }
0x2c: {  	s7 =	sld [smem:$0x3FAE]  }
0x2d: {  	s3 =	simm.s32 $0x108;
	s8 =	sld [smem:$0x3FAF]  }
0x2e: {  	s3 =	simm.s32 @!p0 $0x1082;
	s9 =	sld [smem:$0x3FB0]  }
0x2f: {  	lr =	sadd.s32 s0, s3;
	s0 =	sld [smem:$0x3FA7]  }
0x30: {  	s3 =	sld [smem:$0x3FAA]  }
0x31: {  	[smem:$0x3FB3] =	sst s10  }
0x32: {  	s10 =	sld [smem:$0x3FB1];
	_ =	sdelay $0x3  }
0x33: {  	p0 =	seq.s32 s10, $0x1;
	s10 =	sld [smem:$0x3FB3];
	_ =	sdelay $0x3  }
0x34: {  	[smem:$0x3FB3] =	sst s10  }
0x35: {  	s10 =	sld [smem:$0x3FB2];
	_ =	sdelay $0x3  }
0x36: {  	p1 =	seq.s32 s10, $0x1;
	s10 =	sld [smem:$0x3FB3];
	_ =	sdelay $0x3  }
0x37: {  	[smem:$0x3FB3] =	sst s10  }
0x38: {  	s10 =	sld [smem:$0x3FB4]  }
0x39: {  	_ = 	snop;
	(pc) =	sbr.ind lr, $3  }
0x3a: {  	_ = 	snop  }
0x3b: {  	_ = 	snop  }
0x3c: {  	p2 =	seq.s32 s10, $0x1;
	s10 =	sld [smem:$0x3FB3]  }
0x3d: {  	_ =	shalt  }
0x3e: {  	_ =	shalt  }
0x3f: {  	_ =	shalt  }
0x40: {  	_ =	shalt  }
0x41: {  	_ =	shalt  }
0x42: {  	_ =	shalt  }
0x43: {  	_ =	shalt  }
0x44: {  	_ =	shalt  }
0x45: {  	_ =	shalt  }
0x46: {  	_ =	shalt  }
0x47: {  	_ =	shalt  }
0x48: {  	_ =	shalt  }
0x49: {  	_ =	shalt  }
0x4a: {  	_ =	shalt  }
0x4b: {  	_ =	shalt  }
0x4c: {  	_ =	shalt  }
0x4d: {  	_ =	shalt  }
0x4e: {  	_ =	shalt  }
0x4f: {  	_ =	shalt  }
0x50: {  	_ =	shalt  }
0x51: {  	_ =	shalt  }
0x52: {  	_ =	shalt  }
0x53: {  	_ =	shalt  }
0x54: {  	_ =	shalt  }
0x55: {  	_ =	shalt  }
0x56: {  	_ =	shalt  }
0x57: {  	_ =	shalt  }
0x58: {  	_ =	shalt  }
0x59: {  	_ =	shalt  }
0x5a: {  	_ =	shalt  }
0x5b: {  	_ =	shalt  }
0x5c: {  	_ =	shalt  }
0x5d: {  	_ =	shalt  }
0x5e: {  	_ =	shalt  }
0x5f: {  	_ =	shalt  }
0x60: {  	_ =	shalt  }
0x61: {  	_ =	shalt  }
0x62: {  	_ =	shalt  }
0x63: {  	_ =	shalt  }
0x64: {  	_ =	shalt  }
0x65: {  	_ =	shalt  }
0x66: {  	_ =	shalt  }
0x67: {  	_ =	shalt  }
0x68: {  	_ =	shalt  }
0x69: {  	_ =	shalt  }
0x6a: {  	_ =	shalt  }
0x6b: {  	_ =	shalt  }
0x6c: {  	_ =	shalt  }
0x6d: {  	_ =	shalt  }
0x6e: {  	_ =	shalt  }
0x6f: {  	_ =	shalt  }
0x70: {  	_ =	shalt  }
0x71: {  	_ =	shalt  }
0x72: {  	_ =	shalt  }
0x73: {  	_ =	shalt  }
0x74: {  	_ =	shalt  }
0x75: {  	_ =	shalt  }
0x76: {  	_ =	shalt  }
0x77: {  	_ =	shalt  }
0x78: {  	_ =	shalt  }
0x79: {  	_ =	shalt  }
0x7a: {  	_ =	shalt  }
0x7b: {  	_ =	shalt  }
0x7c: {  	_ =	shalt  }
0x7d: {  	_ =	shalt  }
0x7e: {  	_ =	shalt  }
0x7f: {  	_ =	shalt  }
0x80: {  	_ =	shalt  }
0x81: {  	_ =	shalt  }
0x82: {  	_ =	shalt  }
0x83: {  	_ =	shalt  }
0x84: {  	_ =	shalt  }
0x85: {  	_ =	shalt  }
0x86: {  	_ =	shalt  }
0x87: {  	_ =	shalt  }
.Lfunc_end0:
.L_simem_size_0:
called_computation_lowered:
.L_overlay_start_0:
0x88: {  	s2 =	sld [smem:$0x3FD9]  }
0x89: {  	s3 =	sld [smem:$0x3FFE];
	_ =	sdelay $0x1  }
0x8a: {  	s1 =	srdreg.scid  }
0x8b: {  	s0 =	sand.u32 $0x1, s1  }
0x8c: {  	s17 =	sshll.u32 s0, $0xA;
	s2 =	sadd.s32 s3, s2  }
0x8d: {  	s2 =	sadd.s32 s2, s17  }
0x8e: {  	[smem:$0x3FBF] =	sst s2  }
0x8f: {  	_ = 	snop  }
0x90: {  	s2 =	sld [smem:$0x3FD0];
	(tm) =	ssettm $0x1  }
0x91: {  	s18 =	sld [smem:$0x3FFB];
	_ =	sdelay $0x3  }
0x92: {  	_ =	strace s18  }
0x93: {  	s3 =	sld [smem:$0x3FFC];
	_ =	sdelay $0x3  }
0x94: {  	_ =	strace s3  }
0x95: {  	s3 =	sld [smem:$0x3FFD];
	_ =	sdelay $0x3  }
0x96: {  	_ =	strace s3  }
0x97: {  	_ =	strace $0x8FFFFFFF  }
0x98: {  	s19 =	sld [smem:$0x3FDB];
	_ =	sdelay $0x1  }
0x99: {  	s4 =	simm.s32 $_scs_section_size  }
0x9a: {  	s5 =	simm.s32 $_size__tile_overlayer_lowered;
	s6 =	simm.s32 $_tile_overlayer_lowered  }
0x9b: {  	s22 =	simm.s32 $0x1BFF;
	s21 =	sshll.u32 s6, $0x1;
	s3 =	sadd.s32 s4, s19  }
0x9c: {  	s7 =	simm.s32 $0x0;
	s20 =	sshll.u32 s5, $0x1;
	s5 =	sadd.s32 s21, s3  }
0x9d: {  	[timem:s7], [sflag:s22] =	dma.local [hbm:s5], s20  }
0x9e: {  	_ =	swait.ge [sflag:s22], s20  }
0x9f: {  	s4 =	ssub.s32 $0x0, s20;
	[sflag:s22] =	ssyncset.done $0x0  }
0xa0: {  	[sflag:s22] =	ssyncadd.s32 s4;
	_ =	sdelay $0x1  }
0xa1: {  	s23 =	simm.s32 $0x1B8B  }
0xa2: {  	_ =	swait.ge [sflag:s23], $0x1  }
0xa3: {  	[sflag:s23] =	ssyncset.done $0x0  }
0xa4: {  	s25 =	simm.s32 $0x1B8E;
	s24 =	sld [smem:$0x3FFE];
	[sflag:s23] =	ssyncadd.s32 $0xFFFFFFFF  }
0xa5: {  	s26 =	simm.s32 $execute0_lowered;
	[smem:$0x3FD2] =	sst s25  }
0xa6: {  	s5 =	sshll.u32 s26, $0x1;
	_ =	strace $0x80000046;
	[dreg:$0x1] =	wrdreg $0xFFFFFFFF  }
0xa7: {  	s28 =	simm.s32 $_size_execute0_lowered;
	s3 =	sadd.s32 s3, s5;
	[dreg:$0x0] =	wrdreg $0x0  }
0xa8: {  	s5 =	sshll.u32 s28, $0x1;
	[dreg:$0x2] =	wrdreg s3  }
0xa9: {  	[dreg:$0x3] =	wrdreg s5  }
0xaa: {  	[dreg:$0x4] =	wrdreg $0xC0  }
0xab: {  	_ =	task [dreg:s7], $0x5FFFF  }
0xac: {  	[dreg:$0x1] =	wrdreg $0xFFFFFFFF  }
0xad: {  	[dreg:$0x0] =	wrdreg $0x60  }
0xae: {  	[dreg:$0x2] =	wrdreg s2  }
0xaf: {  	[dreg:$0x3] =	wrdreg s24  }
0xb0: {  	[dreg:$0x4] =	wrdreg $0x0  }
0xb1: {  	[dreg:$0x5] =	wrdreg $0x9  }
0xb2: {  	_ =	task.clear_ibuf [dreg:s7], $0x6FFFF;
	_ =	strace $0x90000046  }
0xb3: {  	s29 =	simm.s32 $0x9;
	_ =	strace $0x80000048  }
0xb4: {  	_ =	swait.ge [sflag:s29], $0x1  }
0xb5: {  	[sflag:s29] =	ssyncadd.s32 $0xFFFFFFFF  }
0xb6: {  	_ =	strace $0x90000048  }
0xb7: {  	_ =	sfence  }
0xb8: {  	s30 =	sld [smem:$0x0];
	_ =	sdelay $0x2  }
0xb9: {  	s31 =	sshll.u32 s1, $0xD;
	s1 =	sshrl.u32 s1, $0x2  }
0xba: {  	s3 =	sand.u32 $0x4000, s31;
	s1 =	sadd.s32 s1, s30  }
0xbb: {  	s0 =	sor.u32 s3, s0;
	s1 =	sshll.u32 s1, $0x11  }
0xbc: {  	s0 =	sor.u32 s1, s0  }
0xbd: {  	s0 =	sadd.s32 $0x8F2B, s0  }
0xbe: {  	[sflag:s0] =	ssyncadd.remote.s32 $0x1  }
0xbf: {  	_ =	sfence.sel $0xFFFF  }
0xc0: {  	[dreg:$0x0] =	wrdreg $0xFFFFFFFF;
	(pc) =	sbr.abs _section_cstart, $3  }
0xc1: {  	[dreg:$0x1] =	wrdreg $0xFFFFFFFF  }
0xc2: {  	_ =	task.clear_ibuf [dreg:s7], $0x2FFFF;
	_ =	strace $0x9FFFFFFF  }
0xc3: {  	(tm) =	ssettm $0x7FFFFFFF  }
tec
execute0_lowered:
.L_overlay_start_1:
0x0: {  	(tag) =	ssettag $0x1  }
0x1: {  	s0 =	rddreg [dreg:$0x0]  }
0x2: {  	s1 =	srdreg.scid;
	s2 =	rddreg [dreg:$0x1]  }
0x3: {  	s3 =	rddreg [dreg:$0x2];
	s15 =	stileid.u32  }
0x4: {  	s4 =	simm.s32 $0x0;
	s28 =	simm.s32 $0x20;
	s29 =	simm.s32 $0x16580  }
0x5: {  	s31 =	simm.s32 $0x17580;
	s30 =	simm.s32 $0xC;
	s1 =	sand.u32 $0x1, s1  }
0x6: {  	[smem:$0x7FF] =	sst s4;
	s9 =	smul.u32 $0x13C00, s15;
	s6 =	sadd.s32 $0x15200, s2  }
0x7: {  	s7 =	sadd.s32 $0x1400, s2;
	s26 =	smul.u32 $0x4F000, s15;
	s5 =	sshll.u32 s1, $0x4  }
0x8: {  	_ =	strace $0x80000047;
	s10 =	smul.u32 $0x13C000, s1;
	s1 =	ssub.s32 $0x2, s1  }
0x9: {  	s8 =	sor.u32 s15, s5;
	s13 =	sshrl.u32 s9, $0x3;
	s14 =	sshrl.u32 s1, $0x1  }
0xa: {  	s5 =	smul.u32 $0x2740, s8;
	s9 =	sadd.s32 s9, s10;
	s13 =	sadd.s32 s13, s2  }
0xb: {  	s1 =	ssub.s32 s1, s14;
	s10 =	sshrl.u32 s26, $0x2;
	s17 =	smul.u32 $0x9D000, s8  }
0xc: {  	s19 =	smul.u32 $0x13A00, s8;
	s26 =	sshll.u32 s15, $0x6;
	s14 =	simm.s32 $0x7  }
0xd: {  	s15 =	simm.s32 $0x9;
	s9 =	sshrl.u32 s9, $0x3;
	s16 =	sadd.s32 s10, s3  }
0xe: {  	s18 =	sadd.s32 $0x289200, s13;
	s10 =	sadd.s32 $0x1404, s2;
	s1 =	smax.u32 s1, $0x1  }
0xf: {  	s13 =	simm.s32 $0x5;
	s11 =	sshrl.u32 s5, $0x3;
	s9 =	sadd.s32 s9, s2  }
0x10: {  	[dreg:$0x5] =	wrdreg s18;
	s21 =	sshrl.u32 s17, $0x3;
	s17 =	smul.u32 $0x9D, s8  }
0x11: {  	[dreg:$0xd] =	wrdreg s1;
	s8 =	simm.s32 $0xF;
	s18 =	simm.s32 $0xD  }
0x12: {  	s12 =	sadd.s32 s11, s2;
	s20 =	sadd.s32 s7, s11;
	s11 =	sadd.s32 s11, s10  }
0x13: {  	s2 =	sadd.s32 s6, s19;
	s23 =	sadd.s32 s6, s21;
	[dreg:$0x7] =	wrdreg s11  }
0x14: {  	s25 =	sadd.s32 $0x2B0A00, s9;
	s19 =	sor.u32 $0x1C0F, s26;
	[dreg:$0x8] =	wrdreg s2  }
0x15: {  	s9 =	simm.s32 $0x1;
	s21 =	simm.s32 $0xA;
	[dreg:$0x6] =	wrdreg s20  }
0x16: {  	s26 =	simm.s32 $0xE;
	s12 =	sadd.s32 $0xB200, s12;
	[dreg:$0xc] =	wrdreg s25  }
0x17: {  	s22 =	sadd.s32 $0x8, s20;
	s24 =	sadd.s32 $0xC, s20;
	[dreg:$0xe] =	wrdreg s19  }
0x18: {  	s2 =	sadd.s32 $0x200, s23;
	s20 =	sshrl.u32 s16, $0x3;
	[dreg:$0x4] =	wrdreg s12  }
0x19: {  	s25 =	simm.s32 $0x16480;
	s11 =	simm.s32 $0x16400;
	[dreg:$0x9] =	wrdreg s22  }
0x1a: {  	s16 =	simm.s32 $0xB;
	s23 =	simm.s32 $0x8;
	[dreg:$0xa] =	wrdreg s24  }
0x1b: {  	[dreg:$0xb] =	wrdreg s2;
	s24 =	simm.s32 $0x16380;
	s12 =	simm.s32 $0x3  }
0x1c: {  	s22 =	simm.s32 $0x6;
	s2 =	simm.s32 $0x0;
	[dreg:$0xf] =	wrdreg s20  }
.LBB2_1:
0x1d: {  	[dreg:$0x10] =	wrdreg s2  }
0x1e: {  	s1 =	rddreg [dreg:$0x4];
	s2 =	simm.s32 $0x13C00  }
0x1f: {  	[tilespmem:s2], [sflag:$0xF] =	stream.linear.gather [hbm4b:s1+s4], $0x2740, $0x38;
	[tilespmem:$0x1C580] =	vst v63  }
0x20: {  	_ =	swait.ge [sflag:s8], $0x2740  }
0x21: {  	[sflag:s8] =	ssyncset.done $0x0  }
0x22: {  	s1 =	rddreg [dreg:$0x5];
	[sflag:s8] =	ssyncadd.s32 $0xFFFFD8C0  }
0x23: {  	[spmem:s20], [sflag:s19] =	dma.local [hbm:s1], $0x2780  }
0x24: {  	_ =	swait.ge [sflag:s8], $0x2780  }
0x25: {  	[sflag:s8] =	ssyncset.done $0x0  }
0x26: {  	[sflag:s8] =	ssyncadd.s32 $0xFFFFD880  }
0x27: {  	[bflag:$0x0] =	sbarrier.arrive $0xFFFF  }
0x28: {  	s19 =	rddreg [dreg:$0x6]  }
0x29: {  	[tilespmem:s24], [sflag:$0x7] =	stream.linear.gather [hbm4b:s19+s4], $0x20, $0x38;
	[tilespmem:$0x1C580] =	vst v63  }
0x2a: {  	s20 =	rddreg [dreg:$0x7]  }
0x2b: {  	[tilespmem:s25], [sflag:$0x9] =	stream.linear.gather [hbm4b:s20+s4], $0x20, $0x38;
	[tilespmem:$0x1C580] =	vst v63  }
0x2c: {  	s24 =	rddreg [dreg:$0x8];
	s25 =	simm.s32 $0x1A580  }
0x2d: {  	[tilespmem:s25], [sflag:$0x1] =	stream.linear.gather [hbm4b:s24+s4], $0x1000, $0x38;
	[tilespmem:$0x1C580] =	vst v63  }
0x2e: {  	_ = 	snop  }
0x2f: {  	[tilespmem:s29], [sflag:$0x3] =	stream.indirect.gather [hbm4b:s0+s28], $0x80, s2, s28, $0xb8;
	[tilespmem:$0x1C580] =	vst v63  }
0x30: {  	s29 =	simm.s32 $0x13C20  }
0x31: {  	[tilespmem:s31], [sflag:$0x5] =	stream.indirect.gather [hbm4b:s0+s28], $0x80, s29, s28, $0xb8;
	[tilespmem:$0x1C580] =	vst v63  }
0x32: {  	s2 =	rddreg [dreg:$0x9]  }
0x33: {  	[tilespmem:s11], [sflag:$0x8] =	stream.linear.gather [hbm4b:s2+s4], $0x20, $0x38;
	[tilespmem:$0x1C580] =	vst v63  }
0x34: {  	s8 =	rddreg [dreg:$0xa];
	s11 =	simm.s32 $0x16500  }
0x35: {  	[tilespmem:s11], [sflag:$0xA] =	stream.linear.gather [hbm4b:s8+s4], $0x20, $0x38;
	[tilespmem:$0x1C580] =	vst v63  }
0x36: {  	s19 =	rddreg [dreg:$0xb];
	s20 =	simm.s32 $0x1B580  }
0x37: {  	[tilespmem:s20], [sflag:$0x2] =	stream.linear.gather [hbm4b:s19+s4], $0x1000, $0x38;
	[tilespmem:$0x1C580] =	vst v63  }
0x38: {  	s24 =	simm.s32 $0x13C40;
	s25 =	simm.s32 $0x18580  }
0x39: {  	[tilespmem:s25], [sflag:$0x4] =	stream.indirect.gather [hbm4b:s0+s28], $0x80, s24, s28, $0xb8;
	[tilespmem:$0x1C580] =	vst v63  }
0x3a: {  	s1 =	simm.s32 $0x0;
	s29 =	simm.s32 $0x13C60;
	s31 =	simm.s32 $0x19580  }
0x3b: {  	[tilespmem:s31], [sflag:$0x6] =	stream.indirect.gather [hbm4b:s0+s28], $0x80, s29, s28, $0xb8;
	[tilespmem:$0x1C580] =	vst v63  }
.LBB2_2:
0x3c: {  	_ =	swait.ge [sflag:s9], $0x1000  }
0x3d: {  	[sflag:s9] =	ssyncset.done $0x0  }
0x3e: {  	[sflag:s9] =	ssyncadd.s32 $0xFFFFF000  }
0x3f: {  	_ =	swait.ge [sflag:s12], $0x1000  }
0x40: {  	[sflag:s12] =	ssyncset.done $0x0  }
0x41: {  	[sflag:s12] =	ssyncadd.s32 $0xFFFFF000  }
0x42: {  	_ =	swait.ge [sflag:s13], $0x1000  }
0x43: {  	[sflag:s13] =	ssyncset.done $0x0  }
0x44: {  	[sflag:s13] =	ssyncadd.s32 $0xFFFFF000  }
0x45: {  	_ =	swait.ge [sflag:s14], $0x20  }
0x46: {  	[sflag:s14] =	ssyncset.done $0x0  }
0x47: {  	[sflag:s14] =	ssyncadd.s32 $0xFFFFFFE0  }
0x48: {  	_ =	swait.ge [sflag:s15], $0x20  }
0x49: {  	[sflag:s15] =	ssyncset.done $0x0  }
0x4a: {  	s20 =	simm.s32 $0x16980;
	[sflag:s15] =	ssyncadd.s32 $0xFFFFFFE0  }
0x4b: {  	s25 =	simm.s32 $0x1AD80;
	v0 =	vld [tilespmem:s20+$0xFFFFFC00]  }
0x4c: {  	v1 =	vld [tilespmem:s25+$0xFFFFF880]  }
0x4d: {  	v2 =	vld [tilespmem:s20+$0x0]  }
0x4e: {  	v3 =	vld [tilespmem:s25+$0xFFFFF800];
	_ =	sdelay $0x3  }
0x4f: {  	v1 =	vadd.f32 v1, v2  }
0x50: {  	v0 =	vadd.f32 v3, v0  }
0x51: {  	v2 =	vld [tilespmem:s20+$0x10];
	v1 =	vmax.f32 v1, $0.0e+00  }
0x52: {  	v3 =	vld [tilespmem:s20+$0xFFFFFC10];
	v0 =	vmax.f32 v0, $0.0e+00;
	[tilespmem:s20+$0x0] =	vst v1  }
0x53: {  	[tilespmem:s20+$0xFFFFFC00] =	vst v0;
	v0 =	vld [tilespmem:s25+$0xFFFFF890]  }
0x54: {  	v1 =	vld [tilespmem:s25+$0xFFFFF810];
	_ =	sdelay $0x3  }
0x55: {  	v0 =	vadd.f32 v0, v2  }
0x56: {  	v1 =	vadd.f32 v1, v3  }
0x57: {  	v2 =	vld [tilespmem:s20+$0x20];
	v0 =	vmax.f32 v0, $0.0e+00  }
0x58: {  	v3 =	vld [tilespmem:s20+$0xFFFFFC20];
	v1 =	vmax.f32 v1, $0.0e+00;
	[tilespmem:s20+$0x10] =	vst v0  }
0x59: {  	[tilespmem:s20+$0xFFFFFC10] =	vst v1;
	v0 =	vld [tilespmem:s25+$0xFFFFF8A0]  }
0x5a: {  	v1 =	vld [tilespmem:s25+$0xFFFFF820];
	_ =	sdelay $0x3  }
0x5b: {  	v0 =	vadd.f32 v0, v2  }
0x5c: {  	v1 =	vadd.f32 v1, v3  }
0x5d: {  	v2 =	vld [tilespmem:s20+$0x30];
	v0 =	vmax.f32 v0, $0.0e+00  }
0x5e: {  	v3 =	vld [tilespmem:s20+$0xFFFFFC30];
	v1 =	vmax.f32 v1, $0.0e+00;
	[tilespmem:s20+$0x20] =	vst v0  }
0x5f: {  	[tilespmem:s20+$0xFFFFFC20] =	vst v1;
	v0 =	vld [tilespmem:s25+$0xFFFFF8B0]  }
0x60: {  	v1 =	vld [tilespmem:s25+$0xFFFFF830];
	_ =	sdelay $0x3  }
0x61: {  	v0 =	vadd.f32 v0, v2  }
0x62: {  	v1 =	vadd.f32 v1, v3  }
0x63: {  	v2 =	vld [tilespmem:s20+$0x80];
	v0 =	vmax.f32 v0, $0.0e+00  }
0x64: {  	v3 =	vld [tilespmem:s20+$0xFFFFFC80];
	v1 =	vmax.f32 v1, $0.0e+00;
	[tilespmem:s20+$0x30] =	vst v0  }
0x65: {  	[tilespmem:s20+$0xFFFFFC30] =	vst v1;
	v0 =	vld [tilespmem:s25+$0xFFFFF8C0]  }
0x66: {  	v1 =	vld [tilespmem:s25+$0xFFFFF840];
	_ =	sdelay $0x3  }
0x67: {  	v0 =	vadd.f32 v0, v2  }
0x68: {  	v1 =	vadd.f32 v1, v3  }
0x69: {  	v2 =	vld [tilespmem:s20+$0x90];
	v0 =	vmax.f32 v0, $0.0e+00  }
0x6a: {  	v3 =	vld [tilespmem:s20+$0xFFFFFC90];
	v1 =	vmax.f32 v1, $0.0e+00;
	[tilespmem:s20+$0x80] =	vst v0  }
0x6b: {  	[tilespmem:s20+$0xFFFFFC80] =	vst v1;
	v0 =	vld [tilespmem:s25+$0xFFFFF8D0]  }
0x6c: {  	v1 =	vld [tilespmem:s25+$0xFFFFF850];
	_ =	sdelay $0x3  }
0x6d: {  	v0 =	vadd.f32 v0, v2  }
0x6e: {  	v1 =	vadd.f32 v1, v3  }
0x6f: {  	v2 =	vld [tilespmem:s20+$0xA0];
	v0 =	vmax.f32 v0, $0.0e+00  }
0x70: {  	v3 =	vld [tilespmem:s20+$0xFFFFFCA0];
	v1 =	vmax.f32 v1, $0.0e+00;
	[tilespmem:s20+$0x90] =	vst v0  }
0x71: {  	[tilespmem:s20+$0xFFFFFC90] =	vst v1;
	v0 =	vld [tilespmem:s25+$0xFFFFF8E0]  }
0x72: {  	v1 =	vld [tilespmem:s25+$0xFFFFF860];
	_ =	sdelay $0x3  }
0x73: {  	v0 =	vadd.f32 v0, v2  }
0x74: {  	v1 =	vadd.f32 v1, v3  }
0x75: {  	v2 =	vld [tilespmem:s20+$0xB0];
	v0 =	vmax.f32 v0, $0.0e+00  }
0x76: {  	v3 =	vld [tilespmem:s20+$0xFFFFFCB0];
	v1 =	vmax.f32 v1, $0.0e+00;
	[tilespmem:s20+$0xA0] =	vst v0  }
0x77: {  	[tilespmem:s20+$0xFFFFFCA0] =	vst v1;
	v0 =	vld [tilespmem:s25+$0xFFFFF8F0]  }
0x78: {  	v1 =	vld [tilespmem:s25+$0xFFFFF870];
	_ =	sdelay $0x3  }
0x79: {  	v0 =	vadd.f32 v0, v2  }
0x7a: {  	v1 =	vadd.f32 v1, v3  }
0x7b: {  	v2 =	vld [tilespmem:s20+$0x100];
	v0 =	vmax.f32 v0, $0.0e+00  }
0x7c: {  	v3 =	vld [tilespmem:s20+$0xFFFFFD00];
	v1 =	vmax.f32 v1, $0.0e+00;
	[tilespmem:s20+$0xB0] =	vst v0  }
0x7d: {  	[tilespmem:s20+$0xFFFFFCB0] =	vst v1;
	v0 =	vld [tilespmem:s25+$0xFFFFFC80]  }
0x7e: {  	v1 =	vld [tilespmem:s25+$0xFFFFFC00];
	_ =	sdelay $0x3  }
0x7f: {  	v0 =	vadd.f32 v0, v2  }
0x80: {  	v1 =	vadd.f32 v1, v3  }
0x81: {  	v2 =	vld [tilespmem:s20+$0x110];
	v0 =	vmax.f32 v0, $0.0e+00  }
0x82: {  	v3 =	vld [tilespmem:s20+$0xFFFFFD10];
	v1 =	vmax.f32 v1, $0.0e+00;
	[tilespmem:s20+$0x100] =	vst v0  }
0x83: {  	[tilespmem:s20+$0xFFFFFD00] =	vst v1;
	v0 =	vld [tilespmem:s25+$0xFFFFFC90]  }
0x84: {  	v1 =	vld [tilespmem:s25+$0xFFFFFC10];
	_ =	sdelay $0x3  }
0x85: {  	v0 =	vadd.f32 v0, v2  }
0x86: {  	v1 =	vadd.f32 v1, v3  }
0x87: {  	v2 =	vld [tilespmem:s20+$0x120];
	v0 =	vmax.f32 v0, $0.0e+00  }
0x88: {  	v3 =	vld [tilespmem:s20+$0xFFFFFD20];
	v1 =	vmax.f32 v1, $0.0e+00;
	[tilespmem:s20+$0x110] =	vst v0  }
0x89: {  	[tilespmem:s20+$0xFFFFFD10] =	vst v1;
	v0 =	vld [tilespmem:s25+$0xFFFFFCA0]  }
0x8a: {  	v1 =	vld [tilespmem:s25+$0xFFFFFC20];
	_ =	sdelay $0x3  }
0x8b: {  	v0 =	vadd.f32 v0, v2  }
0x8c: {  	v1 =	vadd.f32 v1, v3  }
0x8d: {  	v2 =	vld [tilespmem:s20+$0x130];
	v0 =	vmax.f32 v0, $0.0e+00  }
0x8e: {  	v3 =	vld [tilespmem:s20+$0xFFFFFD30];
	v1 =	vmax.f32 v1, $0.0e+00;
	[tilespmem:s20+$0x120] =	vst v0  }
0x8f: {  	[tilespmem:s20+$0xFFFFFD20] =	vst v1;
	v0 =	vld [tilespmem:s25+$0xFFFFFCB0]  }
0x90: {  	v1 =	vld [tilespmem:s25+$0xFFFFFC30];
	_ =	sdelay $0x3  }
0x91: {  	v0 =	vadd.f32 v0, v2  }
0x92: {  	v1 =	vadd.f32 v1, v3  }
0x93: {  	v2 =	vld [tilespmem:s20+$0x180];
	v0 =	vmax.f32 v0, $0.0e+00  }
0x94: {  	v3 =	vld [tilespmem:s20+$0xFFFFFD80];
	v1 =	vmax.f32 v1, $0.0e+00;
	[tilespmem:s20+$0x130] =	vst v0  }
0x95: {  	[tilespmem:s20+$0xFFFFFD30] =	vst v1;
	v0 =	vld [tilespmem:s25+$0xFFFFFCC0]  }
0x96: {  	v1 =	vld [tilespmem:s25+$0xFFFFFC40];
	_ =	sdelay $0x3  }
0x97: {  	v0 =	vadd.f32 v0, v2  }
0x98: {  	v1 =	vadd.f32 v1, v3  }
0x99: {  	v5 =	vld [tilespmem:s20+$0xFFFFFD90];
	v0 =	vmax.f32 v0, $0.0e+00  }
0x9a: {  	v3 =	vld [tilespmem:s20+$0x190];
	v1 =	vmax.f32 v1, $0.0e+00;
	[tilespmem:s20+$0x180] =	vst v0  }
0x9b: {  	[tilespmem:s20+$0xFFFFFD80] =	vst v1;
	v0 =	vld [tilespmem:s25+$0xFFFFFCD0]  }
0x9c: {  	v1 =	vld [tilespmem:s25+$0xFFFFFC50];
	_ =	sdelay $0x3  }
0x9d: {  	s8 =	simm.s32 $0x1AE80;
	v7 =	vld [tilespmem:s20+$0xFFFFFDA0];
	v0 =	vadd.f32 v0, v3  }
0x9e: {  	s2 =	simm.s32 $0x17180;
	v8 =	vld [tilespmem:s8+$0xFFFFF880];
	v1 =	vadd.f32 v1, v5  }
0x9f: {  	v9 =	vld [tilespmem:s2+$0x0];
	v0 =	vmax.f32 v0, $0.0e+00  }
0xa0: {  	v3 =	vld [tilespmem:s20+$0x1A0];
	v1 =	vmax.f32 v1, $0.0e+00;
	[tilespmem:s20+$0x190] =	vst v0  }
0xa1: {  	[tilespmem:s20+$0xFFFFFD90] =	vst v1;
	v0 =	vld [tilespmem:s25+$0xFFFFFCE0]  }
0xa2: {  	v1 =	vld [tilespmem:s25+$0xFFFFFC60]  }
0xa3: {  	v10 =	vld [tilespmem:s8+$0xFFFFF800]  }
0xa4: {  	v5 =	vld [tilespmem:s2+$0xFFFFFC00];
	_ =	sdelay $0x1  }
0xa5: {  	v6 =	vld [tilespmem:s20+$0xFFFFFDB0];
	v0 =	vadd.f32 v0, v3  }
0xa6: {  	v8 =	vadd.f32 v8, v9;
	v9 =	vld [tilespmem:s2+$0x10];
	v1 =	vadd.f32 v1, v7  }
0xa7: {  	v3 =	vld [tilespmem:s20+$0x1B0];
	v0 =	vmax.f32 v0, $0.0e+00  }
0xa8: {  	v5 =	vadd.f32 v10, v5;
	v7 =	vld [tilespmem:s2+$0xFFFFFC10];
	v1 =	vmax.f32 v1, $0.0e+00;
	[tilespmem:s20+$0x1A0] =	vst v0  }
0xa9: {  	v0 =	vmax.f32 v8, $0.0e+00;
	[tilespmem:s20+$0xFFFFFDA0] =	vst v1;
	v1 =	vld [tilespmem:s25+$0xFFFFFCF0]  }
0xaa: {  	v5 =	vmax.f32 v5, $0.0e+00;
	[tilespmem:s2+$0x0] =	vst v0;
	v0 =	vld [tilespmem:s25+$0xFFFFFC70]  }
0xab: {  	[tilespmem:s2+$0xFFFFFC00] =	vst v5;
	v5 =	vld [tilespmem:s8+$0xFFFFF890]  }
0xac: {  	v8 =	vld [tilespmem:s8+$0xFFFFF810];
	_ =	sdelay $0x1  }
0xad: {  	v2 =	vld [tilespmem:s20+$0xFFFFFE00];
	v1 =	vadd.f32 v1, v3  }
0xae: {  	v3 =	vld [tilespmem:s20+$0x200];
	v0 =	vadd.f32 v0, v6  }
0xaf: {  	v6 =	vld [tilespmem:s2+$0xFFFFFC20];
	v5 =	vadd.f32 v5, v9;
	v1 =	vmax.f32 v1, $0.0e+00  }
0xb0: {  	v7 =	vadd.f32 v8, v7;
	v9 =	vld [tilespmem:s2+$0x20];
	v0 =	vmax.f32 v0, $0.0e+00;
	[tilespmem:s20+$0x1B0] =	vst v1  }
0xb1: {  	v1 =	vmax.f32 v5, $0.0e+00;
	[tilespmem:s20+$0xFFFFFDB0] =	vst v0;
	v0 =	vld [tilespmem:s25+$0x80]  }
0xb2: {  	v5 =	vmax.f32 v7, $0.0e+00;
	[tilespmem:s2+$0x10] =	vst v1;
	v1 =	vld [tilespmem:s25+$0x0]  }
0xb3: {  	[tilespmem:s2+$0xFFFFFC10] =	vst v5;
	v5 =	vld [tilespmem:s8+$0xFFFFF8A0]  }
0xb4: {  	v7 =	vld [tilespmem:s8+$0xFFFFF820];
	_ =	sdelay $0x1  }
0xb5: {  	v4 =	vld [tilespmem:s20+$0xFFFFFE10];
	v0 =	vadd.f32 v0, v3  }
0xb6: {  	v8 =	vld [tilespmem:s2+$0x30];
	v1 =	vadd.f32 v1, v2  }
0xb7: {  	v3 =	vld [tilespmem:s20+$0x210];
	v5 =	vadd.f32 v5, v9;
	v0 =	vmax.f32 v0, $0.0e+00  }
0xb8: {  	v2 =	vld [tilespmem:s2+$0xFFFFFC30];
	v6 =	vadd.f32 v7, v6;
	v1 =	vmax.f32 v1, $0.0e+00;
	[tilespmem:s20+$0x200] =	vst v0  }
0xb9: {  	v0 =	vmax.f32 v5, $0.0e+00;
	[tilespmem:s20+$0xFFFFFE00] =	vst v1;
	v5 =	vld [tilespmem:s25+$0x90]  }
0xba: {  	v1 =	vmax.f32 v6, $0.0e+00;
	[tilespmem:s2+$0x20] =	vst v0;
	v0 =	vld [tilespmem:s25+$0x10]  }
0xbb: {  	[tilespmem:s2+$0xFFFFFC20] =	vst v1;
	v6 =	vld [tilespmem:s8+$0xFFFFF8B0]  }
0xbc: {  	v7 =	vld [tilespmem:s8+$0xFFFFF830]  }
0xbd: {  	v11 =	vld [tilespmem:s20+$0xFFFFFE80]  }
0xbe: {  	v9 =	vld [tilespmem:s20+$0xFFFFFE20];
	v3 =	vadd.f32 v5, v3  }
0xbf: {  	v0 =	vadd.f32 v0, v4;
	v4 =	vld [tilespmem:s20+$0x220]  }
0xc0: {  	v5 =	vld [tilespmem:s2+$0xFFFFFC80];
	v6 =	vadd.f32 v6, v8;
	v3 =	vmax.f32 v3, $0.0e+00  }
0xc1: {  	v2 =	vadd.f32 v7, v2;
	v7 =	vld [tilespmem:s2+$0x80];
	v0 =	vmax.f32 v0, $0.0e+00;
	[tilespmem:s20+$0x210] =	vst v3  }
0xc2: {  	v3 =	vmax.f32 v6, $0.0e+00;
	[tilespmem:s20+$0xFFFFFE10] =	vst v0;
	v6 =	vld [tilespmem:s25+$0xA0]  }
0xc3: {  	v0 =	vmax.f32 v2, $0.0e+00;
	[tilespmem:s2+$0x30] =	vst v3;
	v2 =	vld [tilespmem:s25+$0x20]  }
0xc4: {  	[tilespmem:s2+$0xFFFFFC30] =	vst v0;
	v3 =	vld [tilespmem:s8+$0xFFFFF8C0]  }
0xc5: {  	v8 =	vld [tilespmem:s8+$0xFFFFF840]  }
0xc6: {  	v37 =	vld [tilespmem:s2+$0xFFFFFD00]  }
0xc7: {  	v10 =	vld [tilespmem:s20+$0xFFFFFE30];
	v4 =	vadd.f32 v6, v4  }
0xc8: {  	v2 =	vadd.f32 v2, v9;
	v6 =	vld [tilespmem:s20+$0x230]  }
0xc9: {  	v9 =	vld [tilespmem:s2+$0xFFFFFC90];
	v3 =	vadd.f32 v3, v7;
	v4 =	vmax.f32 v4, $0.0e+00  }
0xca: {  	v5 =	vadd.f32 v8, v5;
	v7 =	vld [tilespmem:s2+$0x90];
	v2 =	vmax.f32 v2, $0.0e+00;
	[tilespmem:s20+$0x220] =	vst v4  }
0xcb: {  	v3 =	vmax.f32 v3, $0.0e+00;
	[tilespmem:s20+$0xFFFFFE20] =	vst v2;
	v4 =	vld [tilespmem:s25+$0xB0]  }
0xcc: {  	v2 =	vmax.f32 v5, $0.0e+00;
	[tilespmem:s2+$0x80] =	vst v3;
	v3 =	vld [tilespmem:s25+$0x30]  }
0xcd: {  	[tilespmem:s2+$0xFFFFFC80] =	vst v2;
	v5 =	vld [tilespmem:s8+$0xFFFFF8D0]  }
0xce: {  	v8 =	vld [tilespmem:s8+$0xFFFFF850]  }
0xcf: {  	v38 =	vld [tilespmem:s2+$0xFFFFFD10]  }
0xd0: {  	v40 =	vld [tilespmem:s2+$0xFFFFFD20];
	v4 =	vadd.f32 v4, v6  }
0xd1: {  	v3 =	vadd.f32 v3, v10;
	v6 =	vld [tilespmem:s20+$0x280]  }
0xd2: {  	v10 =	vld [tilespmem:s2+$0xFFFFFCA0];
	v5 =	vadd.f32 v5, v7;
	v4 =	vmax.f32 v4, $0.0e+00  }
0xd3: {  	v7 =	vadd.f32 v8, v9;
	v8 =	vld [tilespmem:s2+$0xA0];
	v3 =	vmax.f32 v3, $0.0e+00;
	[tilespmem:s20+$0x230] =	vst v4  }
0xd4: {  	v4 =	vmax.f32 v5, $0.0e+00;
	[tilespmem:s20+$0xFFFFFE30] =	vst v3;
	v5 =	vld [tilespmem:s25+$0xC0]  }
0xd5: {  	v3 =	vmax.f32 v7, $0.0e+00;
	[tilespmem:s2+$0x90] =	vst v4;
	v4 =	vld [tilespmem:s25+$0x40]  }
0xd6: {  	[tilespmem:s2+$0xFFFFFC90] =	vst v3;
	v7 =	vld [tilespmem:s8+$0xFFFFF8E0]  }
0xd7: {  	v9 =	vld [tilespmem:s8+$0xFFFFF860]  }
0xd8: {  	v42 =	vld [tilespmem:s2+$0xFFFFFD30]  }
0xd9: {  	v12 =	vld [tilespmem:s20+$0xFFFFFE90];
	v5 =	vadd.f32 v5, v6  }
0xda: {  	v4 =	vadd.f32 v4, v11;
	v6 =	vld [tilespmem:s20+$0x290]  }
0xdb: {  	v11 =	vld [tilespmem:s2+$0xFFFFFCB0];
	v7 =	vadd.f32 v7, v8;
	v5 =	vmax.f32 v5, $0.0e+00  }
0xdc: {  	v8 =	vadd.f32 v9, v10;
	v9 =	vld [tilespmem:s2+$0xB0];
	v4 =	vmax.f32 v4, $0.0e+00;
	[tilespmem:s20+$0x280] =	vst v5  }
0xdd: {  	v5 =	vmax.f32 v7, $0.0e+00;
	[tilespmem:s20+$0xFFFFFE80] =	vst v4;
	v7 =	vld [tilespmem:s25+$0xD0]  }
0xde: {  	v4 =	vmax.f32 v8, $0.0e+00;
	[tilespmem:s2+$0xA0] =	vst v5;
	v5 =	vld [tilespmem:s25+$0x50]  }
0xdf: {  	[tilespmem:s2+$0xFFFFFCA0] =	vst v4;
	v8 =	vld [tilespmem:s8+$0xFFFFF8F0]  }
0xe0: {  	v10 =	vld [tilespmem:s8+$0xFFFFF870]  }
0xe1: {  	v44 =	vld [tilespmem:s2+$0xFFFFFD80]  }
0xe2: {  	v46 =	vld [tilespmem:s2+$0xFFFFFD90];
	v6 =	vadd.f32 v7, v6  }
0xe3: {  	v13 =	vld [tilespmem:s20+$0xFFFFFEA0];
	v5 =	vadd.f32 v5, v12  }
0xe4: {  	v7 =	vld [tilespmem:s20+$0x2A0];
	v8 =	vadd.f32 v8, v9;
	v6 =	vmax.f32 v6, $0.0e+00  }
0xe5: {  	v9 =	vadd.f32 v10, v11;
	v10 =	vld [tilespmem:s2+$0x100];
	v5 =	vmax.f32 v5, $0.0e+00;
	[tilespmem:s20+$0x290] =	vst v6  }
0xe6: {  	v6 =	vmax.f32 v8, $0.0e+00;
	[tilespmem:s20+$0xFFFFFE90] =	vst v5;
	v8 =	vld [tilespmem:s25+$0xE0]  }
0xe7: {  	v5 =	vmax.f32 v9, $0.0e+00;
	[tilespmem:s2+$0xB0] =	vst v6;
	v6 =	vld [tilespmem:s25+$0x60]  }
0xe8: {  	[tilespmem:s2+$0xFFFFFCB0] =	vst v5;
	v9 =	vld [tilespmem:s8+$0xFFFFFC80]  }
0xe9: {  	v11 =	vld [tilespmem:s8+$0xFFFFFC00]  }
0xea: {  	v47 =	vld [tilespmem:s2+$0x190]  }
0xeb: {  	v48 =	vld [tilespmem:s2+$0xFFFFFDB0];
	v7 =	vadd.f32 v8, v7  }
0xec: {  	v14 =	vld [tilespmem:s20+$0xFFFFFEB0];
	v6 =	vadd.f32 v6, v13  }
0xed: {  	v8 =	vld [tilespmem:s20+$0x2B0];
	v9 =	vadd.f32 v9, v10;
	v7 =	vmax.f32 v7, $0.0e+00  }
0xee: {  	v10 =	vadd.f32 v11, v37;
	v11 =	vld [tilespmem:s2+$0x110];
	v6 =	vmax.f32 v6, $0.0e+00;
	[tilespmem:s20+$0x2A0] =	vst v7  }
0xef: {  	v7 =	vmax.f32 v9, $0.0e+00;
	[tilespmem:s20+$0xFFFFFEA0] =	vst v6;
	v6 =	vld [tilespmem:s25+$0xF0]  }
0xf0: {  	v9 =	vmax.f32 v10, $0.0e+00;
	[tilespmem:s2+$0x100] =	vst v7;
	v7 =	vld [tilespmem:s25+$0x70]  }
0xf1: {  	[tilespmem:s2+$0xFFFFFD00] =	vst v9;
	v9 =	vld [tilespmem:s8+$0xFFFFFC90]  }
0xf2: {  	v10 =	vld [tilespmem:s8+$0xFFFFFC10]  }
0xf3: {  	v19 =	vld [tilespmem:s2+$0xFFFFFDA0]  }
0xf4: {  	v49 =	vld [tilespmem:s2+$0x1A0];
	v6 =	vadd.f32 v6, v8  }
0xf5: {  	v15 =	vld [tilespmem:s20+$0xFFFFFF00];
	v7 =	vadd.f32 v7, v14  }
0xf6: {  	v8 =	vld [tilespmem:s20+$0x300];
	v9 =	vadd.f32 v9, v11;
	v6 =	vmax.f32 v6, $0.0e+00  }
0xf7: {  	v10 =	vadd.f32 v10, v38;
	v11 =	vld [tilespmem:s2+$0x120];
	v7 =	vmax.f32 v7, $0.0e+00;
	[tilespmem:s20+$0x2B0] =	vst v6  }
0xf8: {  	v6 =	vmax.f32 v9, $0.0e+00;
	[tilespmem:s20+$0xFFFFFEB0] =	vst v7;
	v7 =	vld [tilespmem:s25+$0x480]  }
0xf9: {  	v9 =	vmax.f32 v10, $0.0e+00;
	[tilespmem:s2+$0x110] =	vst v6;
	v6 =	vld [tilespmem:s25+$0x400]  }
0xfa: {  	[tilespmem:s2+$0xFFFFFD10] =	vst v9;
	v9 =	vld [tilespmem:s8+$0xFFFFFCA0]  }
0xfb: {  	s24 =	simm.s32 $0x17980;
	v10 =	vld [tilespmem:s8+$0xFFFFFC20]  }
0xfc: {  	s29 =	simm.s32 $0x1AF80;
	v50 =	vld [tilespmem:s24+$0xFFFFFC00]  }
0xfd: {  	v51 =	vld [tilespmem:s29+$0xFFFFF880];
	v7 =	vadd.f32 v7, v8  }
0xfe: {  	v16 =	vld [tilespmem:s20+$0xFFFFFF10];
	v6 =	vadd.f32 v6, v15  }
0xff: {  	v8 =	vld [tilespmem:s20+$0x310];
	v9 =	vadd.f32 v9, v11;
	v7 =	vmax.f32 v7, $0.0e+00  }
0x100: {  	v10 =	vadd.f32 v10, v40;
	v11 =	vld [tilespmem:s2+$0x130];
	v6 =	vmax.f32 v6, $0.0e+00;
	[tilespmem:s20+$0x300] =	vst v7  }
0x101: {  	v7 =	vmax.f32 v9, $0.0e+00;
	[tilespmem:s20+$0xFFFFFF00] =	vst v6;
	v6 =	vld [tilespmem:s25+$0x490]  }
0x102: {  	v9 =	vmax.f32 v10, $0.0e+00;
	[tilespmem:s2+$0x120] =	vst v7;
	v7 =	vld [tilespmem:s25+$0x410]  }
0x103: {  	[tilespmem:s2+$0xFFFFFD20] =	vst v9;
	v9 =	vld [tilespmem:s8+$0xFFFFFCB0]  }
0x104: {  	v10 =	vld [tilespmem:s8+$0xFFFFFC30]  }
0x105: {  	v52 =	vld [tilespmem:s24+$0x0]  }
0x106: {  	v20 =	vld [tilespmem:s29+$0xFFFFF800];
	v6 =	vadd.f32 v6, v8  }
0x107: {  	v17 =	vld [tilespmem:s20+$0xFFFFFF20];
	v7 =	vadd.f32 v7, v16  }
0x108: {  	v8 =	vld [tilespmem:s20+$0x320];
	v9 =	vadd.f32 v9, v11;
	v6 =	vmax.f32 v6, $0.0e+00  }
0x109: {  	v10 =	vadd.f32 v10, v42;
	v11 =	vld [tilespmem:s2+$0x180];
	v7 =	vmax.f32 v7, $0.0e+00;
	[tilespmem:s20+$0x310] =	vst v6  }
0x10a: {  	v6 =	vmax.f32 v9, $0.0e+00;
	[tilespmem:s20+$0xFFFFFF10] =	vst v7;
	v7 =	vld [tilespmem:s25+$0x4A0]  }
0x10b: {  	v9 =	vmax.f32 v10, $0.0e+00;
	[tilespmem:s2+$0x130] =	vst v6;
	v10 =	vld [tilespmem:s25+$0x420]  }
0x10c: {  	[tilespmem:s2+$0xFFFFFD30] =	vst v9;
	v9 =	vld [tilespmem:s8+$0xFFFFFCC0]  }
0x10d: {  	v45 =	vld [tilespmem:s8+$0xFFFFFC40]  }
0x10e: {  	v54 =	vld [tilespmem:s24+$0xFFFFFC10]  }
0x10f: {  	v55 =	vld [tilespmem:s24+$0x10];
	v7 =	vadd.f32 v7, v8  }
0x110: {  	v58 =	vld [tilespmem:s24+$0x20];
	v10 =	vadd.f32 v10, v17  }
0x111: {  	v43 =	vld [tilespmem:s20+$0xFFFFFF30];
	v9 =	vadd.f32 v9, v11;
	v7 =	vmax.f32 v7, $0.0e+00  }
0x112: {  	v18 =	vld [tilespmem:s20+$0x330];
	v11 =	vadd.f32 v45, v44;
	v10 =	vmax.f32 v10, $0.0e+00;
	[tilespmem:s20+$0x320] =	vst v7  }
0x113: {  	v7 =	vmax.f32 v9, $0.0e+00;
	[tilespmem:s20+$0xFFFFFF20] =	vst v10;
	v9 =	vld [tilespmem:s25+$0x4B0]  }
0x114: {  	v10 =	vmax.f32 v11, $0.0e+00;
	[tilespmem:s2+$0x180] =	vst v7;
	v7 =	vld [tilespmem:s25+$0x430]  }
0x115: {  	[tilespmem:s2+$0xFFFFFD80] =	vst v10;
	v10 =	vld [tilespmem:s8+$0xFFFFFCD0]  }
0x116: {  	v11 =	vld [tilespmem:s8+$0xFFFFFC50]  }
0x117: {  	v39 =	vld [tilespmem:s20+$0xFFFFFF80]  }
0x118: {  	v41 =	vld [tilespmem:s20+$0x380];
	v9 =	vadd.f32 v9, v18  }
0x119: {  	v53 =	vld [tilespmem:s2+$0x1B0];
	v7 =	vadd.f32 v7, v43  }
0x11a: {  	v1 =	vld [tilespmem:s20+$0xFFFFFFB0];
	v10 =	vadd.f32 v10, v47;
	v9 =	vmax.f32 v9, $0.0e+00  }
0x11b: {  	v0 =	vld [tilespmem:s20+$0x3B0];
	v11 =	vadd.f32 v11, v46;
	v7 =	vmax.f32 v7, $0.0e+00;
	[tilespmem:s20+$0x330] =	vst v9  }
0x11c: {  	v9 =	vmax.f32 v10, $0.0e+00;
	[tilespmem:s20+$0xFFFFFF30] =	vst v7;
	v7 =	vld [tilespmem:s25+$0x4C0]  }
0x11d: {  	v10 =	vmax.f32 v11, $0.0e+00;
	[tilespmem:s2+$0x190] =	vst v9;
	v9 =	vld [tilespmem:s25+$0x440]  }
0x11e: {  	v14 =	vadd.f32 v20, v50;
	[tilespmem:s2+$0xFFFFFD90] =	vst v10;
	v10 =	vld [tilespmem:s8+$0xFFFFFCE0]  }
0x11f: {  	v11 =	vld [tilespmem:s8+$0xFFFFFC60]  }
0x120: {  	v61 =	vld [tilespmem:s2+$0x210];
	v14 =	vmax.f32 v14, $0.0e+00  }
0x121: {  	v2 =	vld [tilespmem:s20+$0xFFFFFFA0];
	[tilespmem:s24+$0xFFFFFC00] =	vst v14;
	v7 =	vadd.f32 v7, v41  }
0x122: {  	v57 =	vld [tilespmem:s29+$0xFFFFF810];
	v9 =	vadd.f32 v9, v39  }
0x123: {  	v4 =	vld [tilespmem:s20+$0xFFFFFF90];
	v10 =	vadd.f32 v10, v49;
	v7 =	vmax.f32 v7, $0.0e+00  }
0x124: {  	v5 =	vld [tilespmem:s20+$0x390];
	v11 =	vadd.f32 v11, v19;
	v9 =	vmax.f32 v9, $0.0e+00;
	[tilespmem:s20+$0x380] =	vst v7  }
0x125: {  	v7 =	vadd.f32 v51, v52;
	v10 =	vmax.f32 v10, $0.0e+00;
	[tilespmem:s20+$0xFFFFFF80] =	vst v9;
	v9 =	vld [tilespmem:s25+$0x4D0]  }
0x126: {  	v11 =	vmax.f32 v11, $0.0e+00;
	[tilespmem:s2+$0x1A0] =	vst v10;
	v10 =	vld [tilespmem:s25+$0x450]  }
0x127: {  	v12 =	vadd.f32 v57, v54;
	[tilespmem:s2+$0xFFFFFDA0] =	vst v11;
	v7 =	vmax.f32 v7, $0.0e+00;
	v11 =	vld [tilespmem:s8+$0xFFFFFCF0]  }
0x128: {  	[tilespmem:s24+$0x0] =	vst v7;
	v7 =	vld [tilespmem:s8+$0xFFFFFC70]  }
0x129: {  	v12 =	vmax.f32 v12, $0.0e+00;
	v56 =	vld [tilespmem:s29+$0xFFFFF890]  }
0x12a: {  	v3 =	vld [tilespmem:s20+$0x3A0];
	[tilespmem:s24+$0xFFFFFC10] =	vst v12;
	v5 =	vadd.f32 v9, v5  }
0x12b: {  	v60 =	vld [tilespmem:s29+$0xFFFFF820];
	v4 =	vadd.f32 v10, v4  }
0x12c: {  	v8 =	vld [tilespmem:s2+$0xFFFFFE00];
	v11 =	vadd.f32 v11, v53;
	v5 =	vmax.f32 v5, $0.0e+00  }
0x12d: {  	v9 =	vld [tilespmem:s2+$0x200];
	v7 =	vadd.f32 v7, v48;
	v4 =	vmax.f32 v4, $0.0e+00;
	[tilespmem:s20+$0x390] =	vst v5  }
0x12e: {  	v5 =	vadd.f32 v56, v55;
	v11 =	vmax.f32 v11, $0.0e+00;
	[tilespmem:s20+$0xFFFFFF90] =	vst v4;
	v4 =	vld [tilespmem:s25+$0x4E0]  }
0x12f: {  	v7 =	vmax.f32 v7, $0.0e+00;
	[tilespmem:s2+$0x1B0] =	vst v11;
	v11 =	vld [tilespmem:s25+$0x460]  }
0x130: {  	v5 =	vmax.f32 v5, $0.0e+00;
	[tilespmem:s2+$0xFFFFFDB0] =	vst v7;
	v7 =	vld [tilespmem:s8+$0x80]  }
0x131: {  	[tilespmem:s24+$0x10] =	vst v5;
	v5 =	vld [tilespmem:s8+$0x0]  }
0x132: {  	v59 =	vld [tilespmem:s29+$0xFFFFF8A0]  }
0x133: {  	v10 =	vld [tilespmem:s24+$0xFFFFFC20];
	v3 =	vadd.f32 v4, v3  }
0x134: {  	v6 =	vld [tilespmem:s2+$0xFFFFFE10];
	v4 =	vadd.f32 v11, v2  }
0x135: {  	v2 =	vld [tilespmem:s24+$0xFFFFFC30];
	v7 =	vadd.f32 v7, v9;
	v9 =	vmax.f32 v3, $0.0e+00  }
0x136: {  	v3 =	vld [tilespmem:s24+$0x30];
	v5 =	vadd.f32 v5, v8;
	v4 =	vmax.f32 v4, $0.0e+00;
	[tilespmem:s20+$0x3A0] =	vst v9  }
0x137: {  	v8 =	vadd.f32 v59, v58;
	v7 =	vmax.f32 v7, $0.0e+00;
	[tilespmem:s20+$0xFFFFFFA0] =	vst v4;
	v4 =	vld [tilespmem:s25+$0x4F0]  }
0x138: {  	v9 =	vadd.f32 v60, v10;
	v5 =	vmax.f32 v5, $0.0e+00;
	[tilespmem:s2+$0x200] =	vst v7;
	v10 =	vld [tilespmem:s25+$0x470]  }
0x139: {  	v7 =	vmax.f32 v8, $0.0e+00;
	[tilespmem:s2+$0xFFFFFE00] =	vst v5;
	v5 =	vld [tilespmem:s8+$0x90]  }
0x13a: {  	v8 =	vmax.f32 v9, $0.0e+00;
	[tilespmem:s24+$0x20] =	vst v7;
	v11 =	vld [tilespmem:s8+$0x10]  }
0x13b: {  	[tilespmem:s24+$0xFFFFFC20] =	vst v8;
	v9 =	vld [tilespmem:s29+$0xFFFFF8B0]  }
0x13c: {  	v7 =	vld [tilespmem:s29+$0xFFFFF830];
	v8 =	vadd.f32 v4, v0  }
0x13d: {  	v0 =	vld [tilespmem:s2+$0xFFFFFFB0];
	v62 =	vadd.f32 v10, v1  }
0x13e: {  	v4 =	vld [tilespmem:s2+$0xFFFFFE20];
	v10 =	vadd.f32 v5, v61;
	v63 =	vmax.f32 v8, $0.0e+00  }
0x13f: {  	s31 =	simm.s32 $0x4;
	s25 =	simm.s32 $0x1AF80;
	v5 =	vld [tilespmem:s2+$0x220];
	v1 =	vadd.f32 v11, v6;
	v8 =	vmax.f32 v62, $0.0e+00;
	[tilespmem:s20+$0x3B0] =	vst v63  }
.LBB2_3:
0x140: {  	s31 =	sadd.s32 $0x2, s31;
	v6 =	vld [tilespmem:s24+$0xFFFFFC80];
	v3 =	vadd.f32 v9, v3;
	v9 =	vmax.f32 v10, $0.0e+00;
	[tilespmem:s20+$0xFFFFFFB0] =	vst v8;
	s20 =	smov.u32 s2;
	s2 =	smov.u32 s24  }
0x141: {  	p0 =	slt.u32 s31, $0x6;
	v2 =	vadd.f32 v7, v2;
	v7 =	vld [tilespmem:s24+$0x80];
	v1 =	vmax.f32 v1, $0.0e+00;
	[tilespmem:s20+$0x210] =	vst v9  }
0x142: {  	v3 =	vmax.f32 v3, $0.0e+00;
	[tilespmem:s20+$0xFFFFFE10] =	vst v1;
	v8 =	vld [tilespmem:s8+$0xA0]  }
0x143: {  	v1 =	vmax.f32 v2, $0.0e+00;
	[tilespmem:s24+$0x30] =	vst v3;
	v2 =	vld [tilespmem:s8+$0x20]  }
0x144: {  	[tilespmem:s24+$0xFFFFFC30] =	vst v1;
	v3 =	vld [tilespmem:s29+$0xFFFFF8C0]  }
0x145: {  	v9 =	vld [tilespmem:s29+$0xFFFFF840]  }
0x146: {  	v1 =	vld [tilespmem:s20+$0x3B0]  }
0x147: {  	v10 =	vld [tilespmem:s20+$0xFFFFFE30];
	v5 =	vadd.f32 v8, v5  }
0x148: {  	v2 =	vadd.f32 v2, v4;
	v4 =	vld [tilespmem:s20+$0x230]  }
0x149: {  	v8 =	vld [tilespmem:s24+$0xFFFFFC90];
	v3 =	vadd.f32 v3, v7;
	v5 =	vmax.f32 v5, $0.0e+00  }
0x14a: {  	v6 =	vadd.f32 v9, v6;
	v7 =	vld [tilespmem:s24+$0x90];
	v2 =	vmax.f32 v2, $0.0e+00;
	[tilespmem:s20+$0x220] =	vst v5  }
0x14b: {  	v3 =	vmax.f32 v3, $0.0e+00;
	[tilespmem:s20+$0xFFFFFE20] =	vst v2;
	v5 =	vld [tilespmem:s8+$0xB0]  }
0x14c: {  	v2 =	vmax.f32 v6, $0.0e+00;
	[tilespmem:s24+$0x80] =	vst v3;
	v3 =	vld [tilespmem:s8+$0x30]  }
0x14d: {  	[tilespmem:s24+$0xFFFFFC80] =	vst v2;
	v6 =	vld [tilespmem:s29+$0xFFFFF8D0]  }
0x14e: {  	v9 =	vld [tilespmem:s29+$0xFFFFF850]  }
0x14f: {  	v2 =	vld [tilespmem:s20+$0xFFFFFFA0]  }
0x150: {  	v11 =	vld [tilespmem:s20+$0xFFFFFE80];
	v4 =	vadd.f32 v5, v4  }
0x151: {  	v3 =	vadd.f32 v3, v10;
	v5 =	vld [tilespmem:s20+$0x280]  }
0x152: {  	v10 =	vld [tilespmem:s24+$0xFFFFFCA0];
	v6 =	vadd.f32 v6, v7;
	v4 =	vmax.f32 v4, $0.0e+00  }
0x153: {  	v7 =	vadd.f32 v9, v8;
	v8 =	vld [tilespmem:s24+$0xA0];
	v3 =	vmax.f32 v3, $0.0e+00;
	[tilespmem:s20+$0x230] =	vst v4  }
0x154: {  	v4 =	vmax.f32 v6, $0.0e+00;
	[tilespmem:s20+$0xFFFFFE30] =	vst v3;
	v6 =	vld [tilespmem:s8+$0xC0]  }
0x155: {  	v3 =	vmax.f32 v7, $0.0e+00;
	[tilespmem:s24+$0x90] =	vst v4;
	v4 =	vld [tilespmem:s8+$0x40]  }
0x156: {  	[tilespmem:s24+$0xFFFFFC90] =	vst v3;
	v7 =	vld [tilespmem:s29+$0xFFFFF8E0]  }
0x157: {  	v9 =	vld [tilespmem:s29+$0xFFFFF860]  }
0x158: {  	v3 =	vld [tilespmem:s20+$0x3A0]  }
0x159: {  	v12 =	vld [tilespmem:s20+$0xFFFFFE90];
	v5 =	vadd.f32 v6, v5  }
0x15a: {  	v4 =	vadd.f32 v4, v11;
	v6 =	vld [tilespmem:s20+$0x290]  }
0x15b: {  	v11 =	vld [tilespmem:s24+$0xFFFFFCB0];
	v7 =	vadd.f32 v7, v8;
	v5 =	vmax.f32 v5, $0.0e+00  }
0x15c: {  	v8 =	vadd.f32 v9, v10;
	v9 =	vld [tilespmem:s24+$0xB0];
	v4 =	vmax.f32 v4, $0.0e+00;
	[tilespmem:s20+$0x280] =	vst v5  }
0x15d: {  	v5 =	vmax.f32 v7, $0.0e+00;
	[tilespmem:s20+$0xFFFFFE80] =	vst v4;
	v7 =	vld [tilespmem:s8+$0xD0]  }
0x15e: {  	v4 =	vmax.f32 v8, $0.0e+00;
	[tilespmem:s24+$0xA0] =	vst v5;
	v5 =	vld [tilespmem:s8+$0x50]  }
0x15f: {  	[tilespmem:s24+$0xFFFFFCA0] =	vst v4;
	v8 =	vld [tilespmem:s29+$0xFFFFF8F0]  }
0x160: {  	v10 =	vld [tilespmem:s29+$0xFFFFF870]  }
0x161: {  	v4 =	vld [tilespmem:s20+$0xFFFFFF90]  }
0x162: {  	v13 =	vld [tilespmem:s20+$0xFFFFFEA0];
	v6 =	vadd.f32 v7, v6  }
0x163: {  	v5 =	vadd.f32 v5, v12;
	v7 =	vld [tilespmem:s20+$0x2A0]  }
0x164: {  	v12 =	vld [tilespmem:s24+$0xFFFFFD00];
	v8 =	vadd.f32 v8, v9;
	v6 =	vmax.f32 v6, $0.0e+00  }
0x165: {  	v9 =	vadd.f32 v10, v11;
	v10 =	vld [tilespmem:s24+$0x100];
	v5 =	vmax.f32 v5, $0.0e+00;
	[tilespmem:s20+$0x290] =	vst v6  }
0x166: {  	v6 =	vmax.f32 v8, $0.0e+00;
	[tilespmem:s20+$0xFFFFFE90] =	vst v5;
	v8 =	vld [tilespmem:s8+$0xE0]  }
0x167: {  	v5 =	vmax.f32 v9, $0.0e+00;
	[tilespmem:s24+$0xB0] =	vst v6;
	v6 =	vld [tilespmem:s8+$0x60]  }
0x168: {  	[tilespmem:s24+$0xFFFFFCB0] =	vst v5;
	v9 =	vld [tilespmem:s29+$0xFFFFFC80]  }
0x169: {  	v11 =	vld [tilespmem:s29+$0xFFFFFC00]  }
0x16a: {  	v5 =	vld [tilespmem:s20+$0x390]  }
0x16b: {  	v14 =	vld [tilespmem:s20+$0xFFFFFEB0];
	v7 =	vadd.f32 v8, v7  }
0x16c: {  	v6 =	vadd.f32 v6, v13;
	v8 =	vld [tilespmem:s20+$0x2B0]  }
0x16d: {  	v13 =	vld [tilespmem:s24+$0xFFFFFD10];
	v9 =	vadd.f32 v9, v10;
	v7 =	vmax.f32 v7, $0.0e+00  }
0x16e: {  	v10 =	vadd.f32 v11, v12;
	v11 =	vld [tilespmem:s24+$0x110];
	v6 =	vmax.f32 v6, $0.0e+00;
	[tilespmem:s20+$0x2A0] =	vst v7  }
0x16f: {  	v7 =	vmax.f32 v9, $0.0e+00;
	[tilespmem:s20+$0xFFFFFEA0] =	vst v6;
	v6 =	vld [tilespmem:s8+$0xF0]  }
0x170: {  	v9 =	vmax.f32 v10, $0.0e+00;
	[tilespmem:s24+$0x100] =	vst v7;
	v10 =	vld [tilespmem:s8+$0x70]  }
0x171: {  	[tilespmem:s24+$0xFFFFFD00] =	vst v9;
	v9 =	vld [tilespmem:s29+$0xFFFFFC90]  }
0x172: {  	v12 =	vld [tilespmem:s29+$0xFFFFFC10]  }
0x173: {  	v7 =	vld [tilespmem:s20+$0xFFFFFF80]  }
0x174: {  	v15 =	vld [tilespmem:s20+$0xFFFFFF00];
	v6 =	vadd.f32 v6, v8  }
0x175: {  	v8 =	vadd.f32 v10, v14;
	v10 =	vld [tilespmem:s20+$0x300]  }
0x176: {  	v14 =	vld [tilespmem:s24+$0xFFFFFD20];
	v9 =	vadd.f32 v9, v11;
	v6 =	vmax.f32 v6, $0.0e+00  }
0x177: {  	v11 =	vadd.f32 v12, v13;
	v12 =	vld [tilespmem:s24+$0x120];
	v8 =	vmax.f32 v8, $0.0e+00;
	[tilespmem:s20+$0x2B0] =	vst v6  }
0x178: {  	v6 =	vmax.f32 v9, $0.0e+00;
	[tilespmem:s20+$0xFFFFFEB0] =	vst v8;
	v8 =	vld [tilespmem:s8+$0x480]  }
0x179: {  	v9 =	vmax.f32 v11, $0.0e+00;
	[tilespmem:s24+$0x110] =	vst v6;
	v6 =	vld [tilespmem:s8+$0x400]  }
0x17a: {  	[tilespmem:s24+$0xFFFFFD10] =	vst v9;
	v9 =	vld [tilespmem:s29+$0xFFFFFCA0]  }
0x17b: {  	v11 =	vld [tilespmem:s29+$0xFFFFFC20]  }
0x17c: {  	v13 =	vld [tilespmem:s20+$0x380]  }
0x17d: {  	v16 =	vld [tilespmem:s20+$0xFFFFFF10];
	v8 =	vadd.f32 v8, v10  }
0x17e: {  	v6 =	vadd.f32 v6, v15;
	v10 =	vld [tilespmem:s20+$0x310]  }
0x17f: {  	v15 =	vld [tilespmem:s24+$0xFFFFFD30];
	v9 =	vadd.f32 v9, v12;
	v8 =	vmax.f32 v8, $0.0e+00  }
0x180: {  	v11 =	vadd.f32 v11, v14;
	v12 =	vld [tilespmem:s24+$0x130];
	v6 =	vmax.f32 v6, $0.0e+00;
	[tilespmem:s20+$0x300] =	vst v8  }
0x181: {  	v8 =	vmax.f32 v9, $0.0e+00;
	[tilespmem:s20+$0xFFFFFF00] =	vst v6;
	v6 =	vld [tilespmem:s8+$0x490]  }
0x182: {  	v9 =	vmax.f32 v11, $0.0e+00;
	[tilespmem:s24+$0x120] =	vst v8;
	v8 =	vld [tilespmem:s8+$0x410]  }
0x183: {  	[tilespmem:s24+$0xFFFFFD20] =	vst v9;
	v9 =	vld [tilespmem:s29+$0xFFFFFCB0]  }
0x184: {  	v11 =	vld [tilespmem:s29+$0xFFFFFC30]  }
0x185: {  	v14 =	vld [tilespmem:s20+$0xFFFFFF30]  }
0x186: {  	v17 =	vld [tilespmem:s20+$0xFFFFFF20];
	v6 =	vadd.f32 v6, v10  }
0x187: {  	v8 =	vadd.f32 v8, v16;
	v10 =	vld [tilespmem:s20+$0x320]  }
0x188: {  	v16 =	vld [tilespmem:s24+$0xFFFFFD80];
	v9 =	vadd.f32 v9, v12;
	v6 =	vmax.f32 v6, $0.0e+00  }
0x189: {  	v11 =	vadd.f32 v11, v15;
	v12 =	vld [tilespmem:s24+$0x180];
	v8 =	vmax.f32 v8, $0.0e+00;
	[tilespmem:s20+$0x310] =	vst v6  }
0x18a: {  	v6 =	vmax.f32 v9, $0.0e+00;
	[tilespmem:s20+$0xFFFFFF10] =	vst v8;
	v8 =	vld [tilespmem:s8+$0x4A0]  }
0x18b: {  	v9 =	vmax.f32 v11, $0.0e+00;
	[tilespmem:s24+$0x130] =	vst v6;
	v11 =	vld [tilespmem:s8+$0x420]  }
0x18c: {  	[tilespmem:s24+$0xFFFFFD30] =	vst v9;
	v9 =	vld [tilespmem:s29+$0xFFFFFCC0]  }
0x18d: {  	v15 =	vld [tilespmem:s29+$0xFFFFFC40]  }
0x18e: {  	v18 =	vld [tilespmem:s20+$0x330]  }
0x18f: {  	v6 =	vld [tilespmem:s24+$0xFFFFFE10];
	v10 =	vadd.f32 v8, v10  }
0x190: {  	v8 =	vld [tilespmem:s24+$0xFFFFFE00];
	v11 =	vadd.f32 v11, v17  }
0x191: {  	v17 =	vld [tilespmem:s24+$0xFFFFFD90];
	v9 =	vadd.f32 v9, v12;
	v10 =	vmax.f32 v10, $0.0e+00  }
0x192: {  	v12 =	vadd.f32 v15, v16;
	v15 =	vld [tilespmem:s24+$0x190];
	v11 =	vmax.f32 v11, $0.0e+00;
	[tilespmem:s20+$0x320] =	vst v10  }
0x193: {  	v9 =	vmax.f32 v9, $0.0e+00;
	[tilespmem:s20+$0xFFFFFF20] =	vst v11;
	v10 =	vld [tilespmem:s8+$0x4B0]  }
0x194: {  	v11 =	vmax.f32 v12, $0.0e+00;
	[tilespmem:s24+$0x180] =	vst v9;
	v9 =	vld [tilespmem:s8+$0x430]  }
0x195: {  	[tilespmem:s24+$0xFFFFFD80] =	vst v11;
	v11 =	vld [tilespmem:s29+$0xFFFFFCD0]  }
0x196: {  	v12 =	vld [tilespmem:s29+$0xFFFFFC50]  }
0x197: {  	v16 =	vld [tilespmem:s24+$0xFFFFFDB0]  }
0x198: {  	v19 =	vld [tilespmem:s24+$0xFFFFFDA0];
	v10 =	vadd.f32 v10, v18  }
0x199: {  	s24 =	sadd.s32 $0x800, s24;
	v18 =	vld [tilespmem:s2+$0x1A0];
	v9 =	vadd.f32 v9, v14  }
0x19a: {  	s29 =	sadd.s32 $0x100, s29;
	v14 =	vld [tilespmem:s24+$0xFFFFFC00];
	v11 =	vadd.f32 v11, v15;
	v10 =	vmax.f32 v10, $0.0e+00  }
0x19b: {  	v15 =	vld [tilespmem:s29+$0xFFFFF880];
	v12 =	vadd.f32 v12, v17;
	v9 =	vmax.f32 v9, $0.0e+00;
	[tilespmem:s20+$0x330] =	vst v10  }
0x19c: {  	v10 =	vmax.f32 v11, $0.0e+00;
	[tilespmem:s20+$0xFFFFFF30] =	vst v9;
	v9 =	vld [tilespmem:s8+$0x4C0]  }
0x19d: {  	v11 =	vmax.f32 v12, $0.0e+00;
	[tilespmem:s2+$0x190] =	vst v10;
	v10 =	vld [tilespmem:s8+$0x440]  }
0x19e: {  	[tilespmem:s2+$0xFFFFFD90] =	vst v11;
	v11 =	vld [tilespmem:s25+$0xFFFFFCE0]  }
0x19f: {  	v12 =	vld [tilespmem:s25+$0xFFFFFC60]  }
0x1a0: {  	v17 =	vld [tilespmem:s24+$0x0]  }
0x1a1: {  	v20 =	vld [tilespmem:s29+$0xFFFFF800];
	v9 =	vadd.f32 v9, v13  }
0x1a2: {  	v13 =	vld [tilespmem:s2+$0x1B0];
	v7 =	vadd.f32 v10, v7  }
0x1a3: {  	v10 =	vld [tilespmem:s24+$0xFFFFFC10];
	v11 =	vadd.f32 v11, v18;
	v9 =	vmax.f32 v9, $0.0e+00  }
0x1a4: {  	v18 =	vld [tilespmem:s24+$0x10];
	v12 =	vadd.f32 v12, v19;
	v7 =	vmax.f32 v7, $0.0e+00;
	[tilespmem:s20+$0x380] =	vst v9  }
0x1a5: {  	v9 =	vadd.f32 v15, v17;
	v11 =	vmax.f32 v11, $0.0e+00;
	[tilespmem:s20+$0xFFFFFF80] =	vst v7;
	v7 =	vld [tilespmem:s8+$0x4D0]  }
0x1a6: {  	v14 =	vadd.f32 v20, v14;
	v12 =	vmax.f32 v12, $0.0e+00;
	[tilespmem:s2+$0x1A0] =	vst v11;
	v11 =	vld [tilespmem:s8+$0x450]  }
0x1a7: {  	v9 =	vmax.f32 v9, $0.0e+00;
	[tilespmem:s2+$0xFFFFFDA0] =	vst v12;
	v12 =	vld [tilespmem:s25+$0xFFFFFCF0]  }
0x1a8: {  	v14 =	vmax.f32 v14, $0.0e+00;
	[tilespmem:s24+$0x0] =	vst v9;
	v9 =	vld [tilespmem:s25+$0xFFFFFC70]  }
0x1a9: {  	[tilespmem:s24+$0xFFFFFC00] =	vst v14;
	v14 =	vld [tilespmem:s29+$0xFFFFF890]  }
0x1aa: {  	v15 =	vld [tilespmem:s29+$0xFFFFF810];
	v5 =	vadd.f32 v7, v5  }
0x1ab: {  	v7 =	vld [tilespmem:s2+$0x200];
	v4 =	vadd.f32 v11, v4  }
0x1ac: {  	v11 =	vld [tilespmem:s24+$0xFFFFFC20];
	v12 =	vadd.f32 v12, v13;
	v5 =	vmax.f32 v5, $0.0e+00  }
0x1ad: {  	v13 =	vld [tilespmem:s24+$0x20];
	v9 =	vadd.f32 v9, v16;
	v4 =	vmax.f32 v4, $0.0e+00;
	[tilespmem:s20+$0x390] =	vst v5  }
0x1ae: {  	v5 =	vadd.f32 v14, v18;
	v12 =	vmax.f32 v12, $0.0e+00;
	[tilespmem:s20+$0xFFFFFF90] =	vst v4;
	v4 =	vld [tilespmem:s8+$0x4E0]  }
0x1af: {  	v10 =	vadd.f32 v15, v10;
	v9 =	vmax.f32 v9, $0.0e+00;
	[tilespmem:s2+$0x1B0] =	vst v12;
	v12 =	vld [tilespmem:s8+$0x460]  }
0x1b0: {  	v5 =	vmax.f32 v5, $0.0e+00;
	[tilespmem:s2+$0xFFFFFDB0] =	vst v9;
	v9 =	vld [tilespmem:s25+$0x80]  }
0x1b1: {  	v10 =	vmax.f32 v10, $0.0e+00;
	[tilespmem:s24+$0x10] =	vst v5;
	v5 =	vld [tilespmem:s25+$0x0]  }
0x1b2: {  	[tilespmem:s24+$0xFFFFFC10] =	vst v10;
	v10 =	vld [tilespmem:s29+$0xFFFFF8A0]  }
0x1b3: {  	v14 =	vld [tilespmem:s29+$0xFFFFF820];
	v3 =	vadd.f32 v4, v3  }
0x1b4: {  	v15 =	vld [tilespmem:s2+$0x210];
	v4 =	vadd.f32 v12, v2  }
0x1b5: {  	v2 =	vld [tilespmem:s24+$0xFFFFFC30];
	v7 =	vadd.f32 v9, v7;
	v9 =	vmax.f32 v3, $0.0e+00  }
0x1b6: {  	v3 =	vld [tilespmem:s24+$0x30];
	v5 =	vadd.f32 v5, v8;
	v4 =	vmax.f32 v4, $0.0e+00;
	[tilespmem:s20+$0x3A0] =	vst v9  }
0x1b7: {  	v8 =	vadd.f32 v10, v13;
	v7 =	vmax.f32 v7, $0.0e+00;
	[tilespmem:s20+$0xFFFFFFA0] =	vst v4;
	v4 =	vld [tilespmem:s8+$0x4F0]  }
0x1b8: {  	v9 =	vadd.f32 v14, v11;
	v5 =	vmax.f32 v5, $0.0e+00;
	[tilespmem:s2+$0x200] =	vst v7;
	v10 =	vld [tilespmem:s8+$0x470];
	s8 =	smov.u32 s25;
	s25 =	smov.u32 s29  }
0x1b9: {  	v7 =	vmax.f32 v8, $0.0e+00;
	[tilespmem:s2+$0xFFFFFE00] =	vst v5;
	v5 =	vld [tilespmem:s8+$0x90]  }
0x1ba: {  	v8 =	vmax.f32 v9, $0.0e+00;
	[tilespmem:s24+$0x20] =	vst v7;
	v11 =	vld [tilespmem:s8+$0x10]  }
.Ltmp0:
0x1bb: {  	[tilespmem:s24+$0xFFFFFC20] =	vst v8;
	v9 =	vld [tilespmem:s29+$0xFFFFF8B0];
	(pc) =	sbr.rel @p0 .LBB2_3-.Ltmp0, $4  }
0x1bc: {  	v7 =	vld [tilespmem:s29+$0xFFFFF830];
	v1 =	vadd.f32 v4, v1  }
0x1bd: {  	v8 =	vadd.f32 v10, v0;
	v0 =	vld [tilespmem:s2+$0xFFFFFFB0]  }
0x1be: {  	v4 =	vld [tilespmem:s2+$0xFFFFFE20];
	v10 =	vadd.f32 v5, v15;
	v12 =	vmax.f32 v1, $0.0e+00  }
0x1bf: {  	v1 =	vadd.f32 v11, v6;
	v5 =	vld [tilespmem:s2+$0x220];
	v8 =	vmax.f32 v8, $0.0e+00;
	[tilespmem:s20+$0x3B0] =	vst v12  }
0x1c0: {  	v6 =	vld [tilespmem:s24+$0xFFFFFC80];
	v3 =	vadd.f32 v9, v3;
	v9 =	vmax.f32 v10, $0.0e+00  }
0x1c1: {  	v2 =	vadd.f32 v7, v2;
	v7 =	vld [tilespmem:s24+$0x80];
	v1 =	vmax.f32 v1, $0.0e+00;
	[tilespmem:s2+$0x210] =	vst v9  }
0x1c2: {  	v3 =	vmax.f32 v3, $0.0e+00;
	[tilespmem:s2+$0xFFFFFE10] =	vst v1;
	v9 =	vld [tilespmem:s8+$0xA0]  }
0x1c3: {  	v1 =	vmax.f32 v2, $0.0e+00;
	[tilespmem:s24+$0x30] =	vst v3;
	v2 =	vld [tilespmem:s8+$0x20]  }
0x1c4: {  	[tilespmem:s24+$0xFFFFFC30] =	vst v1;
	v3 =	vld [tilespmem:s29+$0xFFFFF8C0]  }
0x1c5: {  	v10 =	vld [tilespmem:s29+$0xFFFFF840];
	_ =	sdelay $0x1  }
0x1c6: {  	v11 =	vld [tilespmem:s2+$0xFFFFFE30];
	v5 =	vadd.f32 v9, v5  }
0x1c7: {  	v9 =	vld [tilespmem:s24+$0xFFFFFC90];
	v2 =	vadd.f32 v2, v4  }
0x1c8: {  	v4 =	vld [tilespmem:s2+$0x230];
	v3 =	vadd.f32 v3, v7;
	v5 =	vmax.f32 v5, $0.0e+00  }
0x1c9: {  	v7 =	vld [tilespmem:s24+$0x90];
	v6 =	vadd.f32 v10, v6;
	v2 =	vmax.f32 v2, $0.0e+00;
	[tilespmem:s2+$0x220] =	vst v5  }
0x1ca: {  	v3 =	vmax.f32 v3, $0.0e+00;
	[tilespmem:s2+$0xFFFFFE20] =	vst v2;
	v5 =	vld [tilespmem:s8+$0xB0]  }
0x1cb: {  	v2 =	vmax.f32 v6, $0.0e+00;
	[tilespmem:s24+$0x80] =	vst v3;
	v3 =	vld [tilespmem:s8+$0x30]  }
0x1cc: {  	[tilespmem:s24+$0xFFFFFC80] =	vst v2;
	v6 =	vld [tilespmem:s29+$0xFFFFF8D0]  }
0x1cd: {  	v10 =	vld [tilespmem:s29+$0xFFFFF850]  }
0x1ce: {  	v12 =	vld [tilespmem:s2+$0xFFFFFE80]  }
0x1cf: {  	v13 =	vld [tilespmem:s2+$0xFFFFFE90];
	v4 =	vadd.f32 v5, v4  }
0x1d0: {  	v5 =	vld [tilespmem:s2+$0x280];
	v3 =	vadd.f32 v3, v11  }
0x1d1: {  	v11 =	vld [tilespmem:s24+$0xFFFFFCA0];
	v6 =	vadd.f32 v6, v7;
	v4 =	vmax.f32 v4, $0.0e+00  }
0x1d2: {  	v7 =	vadd.f32 v10, v9;
	v9 =	vld [tilespmem:s24+$0xA0];
	v3 =	vmax.f32 v3, $0.0e+00;
	[tilespmem:s2+$0x230] =	vst v4  }
0x1d3: {  	v4 =	vmax.f32 v6, $0.0e+00;
	[tilespmem:s2+$0xFFFFFE30] =	vst v3;
	v6 =	vld [tilespmem:s8+$0xC0]  }
0x1d4: {  	v3 =	vmax.f32 v7, $0.0e+00;
	[tilespmem:s24+$0x90] =	vst v4;
	v4 =	vld [tilespmem:s8+$0x40]  }
0x1d5: {  	[tilespmem:s24+$0xFFFFFC90] =	vst v3;
	v7 =	vld [tilespmem:s29+$0xFFFFF8E0]  }
0x1d6: {  	v10 =	vld [tilespmem:s29+$0xFFFFF860]  }
0x1d7: {  	v53 =	vld [tilespmem:s24+$0xFFFFFCB0]  }
0x1d8: {  	v14 =	vld [tilespmem:s2+$0xFFFFFEA0];
	v5 =	vadd.f32 v6, v5  }
0x1d9: {  	v54 =	vld [tilespmem:s24+$0xFFFFFD00];
	v4 =	vadd.f32 v4, v12  }
0x1da: {  	v6 =	vld [tilespmem:s2+$0x290];
	v7 =	vadd.f32 v7, v9;
	v5 =	vmax.f32 v5, $0.0e+00  }
0x1db: {  	v9 =	vadd.f32 v10, v11;
	v10 =	vld [tilespmem:s24+$0xB0];
	v4 =	vmax.f32 v4, $0.0e+00;
	[tilespmem:s2+$0x280] =	vst v5  }
0x1dc: {  	v5 =	vmax.f32 v7, $0.0e+00;
	[tilespmem:s2+$0xFFFFFE80] =	vst v4;
	v7 =	vld [tilespmem:s8+$0xD0]  }
0x1dd: {  	v4 =	vmax.f32 v9, $0.0e+00;
	[tilespmem:s24+$0xA0] =	vst v5;
	v5 =	vld [tilespmem:s8+$0x50]  }
0x1de: {  	[tilespmem:s24+$0xFFFFFCA0] =	vst v4;
	v9 =	vld [tilespmem:s29+$0xFFFFF8F0]  }
0x1df: {  	v11 =	vld [tilespmem:s29+$0xFFFFF870]  }
0x1e0: {  	v15 =	vld [tilespmem:s2+$0xFFFFFEB0]  }
0x1e1: {  	v56 =	vld [tilespmem:s24+$0xFFFFFD10];
	v6 =	vadd.f32 v7, v6  }
0x1e2: {  	v57 =	vld [tilespmem:s24+$0x110];
	v5 =	vadd.f32 v5, v13  }
0x1e3: {  	v7 =	vld [tilespmem:s2+$0x2A0];
	v9 =	vadd.f32 v9, v10;
	v6 =	vmax.f32 v6, $0.0e+00  }
0x1e4: {  	v10 =	vadd.f32 v11, v53;
	v11 =	vld [tilespmem:s24+$0x100];
	v5 =	vmax.f32 v5, $0.0e+00;
	[tilespmem:s2+$0x290] =	vst v6  }
0x1e5: {  	v6 =	vmax.f32 v9, $0.0e+00;
	[tilespmem:s2+$0xFFFFFE90] =	vst v5;
	v9 =	vld [tilespmem:s8+$0xE0]  }
0x1e6: {  	v5 =	vmax.f32 v10, $0.0e+00;
	[tilespmem:s24+$0xB0] =	vst v6;
	v6 =	vld [tilespmem:s8+$0x60]  }
0x1e7: {  	[tilespmem:s24+$0xFFFFFCB0] =	vst v5;
	v10 =	vld [tilespmem:s29+$0xFFFFFC80]  }
0x1e8: {  	v55 =	vld [tilespmem:s29+$0xFFFFFC00]  }
0x1e9: {  	v16 =	vld [tilespmem:s2+$0xFFFFFF00]  }
0x1ea: {  	v59 =	vld [tilespmem:s2+$0x300];
	v7 =	vadd.f32 v9, v7  }
0x1eb: {  	v17 =	vld [tilespmem:s24+$0xFFFFFD20];
	v6 =	vadd.f32 v6, v14  }
0x1ec: {  	v60 =	vld [tilespmem:s24+$0x120];
	v10 =	vadd.f32 v10, v11;
	v7 =	vmax.f32 v7, $0.0e+00  }
0x1ed: {  	v9 =	vld [tilespmem:s2+$0x2B0];
	v11 =	vadd.f32 v55, v54;
	v6 =	vmax.f32 v6, $0.0e+00;
	[tilespmem:s2+$0x2A0] =	vst v7  }
0x1ee: {  	v7 =	vmax.f32 v10, $0.0e+00;
	[tilespmem:s2+$0xFFFFFEA0] =	vst v6;
	v10 =	vld [tilespmem:s8+$0xF0]  }
0x1ef: {  	v6 =	vmax.f32 v11, $0.0e+00;
	[tilespmem:s24+$0x100] =	vst v7;
	v7 =	vld [tilespmem:s8+$0x70]  }
0x1f0: {  	[tilespmem:s24+$0xFFFFFD00] =	vst v6;
	v11 =	vld [tilespmem:s29+$0xFFFFFC90]  }
0x1f1: {  	v58 =	vld [tilespmem:s29+$0xFFFFFC10]  }
0x1f2: {  	[tilespmem:s20+$0xFFFFFFB0] =	vst v8;
	v8 =	vld [tilespmem:s24+$0xFFFFFD30]  }
0x1f3: {  	v1 =	vld [tilespmem:s2+$0x3B0];
	v9 =	vadd.f32 v10, v9  }
0x1f4: {  	v2 =	vld [tilespmem:s2+$0xFFFFFFA0];
	v7 =	vadd.f32 v7, v15  }
0x1f5: {  	v3 =	vld [tilespmem:s2+$0x3A0];
	v10 =	vadd.f32 v11, v57;
	v9 =	vmax.f32 v9, $0.0e+00  }
0x1f6: {  	v4 =	vld [tilespmem:s2+$0xFFFFFF90];
	v11 =	vadd.f32 v58, v56;
	v7 =	vmax.f32 v7, $0.0e+00;
	[tilespmem:s2+$0x2B0] =	vst v9  }
0x1f7: {  	v9 =	vmax.f32 v10, $0.0e+00;
	[tilespmem:s2+$0xFFFFFEB0] =	vst v7;
	v61 =	vld [tilespmem:s8+$0x480]  }
0x1f8: {  	v7 =	vmax.f32 v11, $0.0e+00;
	[tilespmem:s24+$0x110] =	vst v9;
	v9 =	vld [tilespmem:s8+$0x400]  }
0x1f9: {  	[tilespmem:s24+$0xFFFFFD10] =	vst v7;
	v62 =	vld [tilespmem:s29+$0xFFFFFCA0]  }
0x1fa: {  	v18 =	vld [tilespmem:s29+$0xFFFFFC20]  }
0x1fb: {  	v5 =	vld [tilespmem:s2+$0x390]  }
0x1fc: {  	v6 =	vld [tilespmem:s2+$0xFFFFFF80];
	v13 =	vadd.f32 v61, v59  }
0x1fd: {  	v10 =	vld [tilespmem:s2+$0xFFFFFF10];
	v9 =	vadd.f32 v9, v16  }
0x1fe: {  	v11 =	vld [tilespmem:s2+$0x310];
	v12 =	vadd.f32 v62, v60;
	v13 =	vmax.f32 v13, $0.0e+00  }
0x1ff: {  	v7 =	vld [tilespmem:s2+$0x380];
	v63 =	vadd.f32 v18, v17;
	v9 =	vmax.f32 v9, $0.0e+00;
	[tilespmem:s2+$0x300] =	vst v13  }
0x200: {  	v18 =	vld [tilespmem:s24+$0x130];
	v12 =	vmax.f32 v12, $0.0e+00;
	[tilespmem:s2+$0xFFFFFF00] =	vst v9  }
0x201: {  	v13 =	vld [tilespmem:s8+$0x490];
	v9 =	vmax.f32 v63, $0.0e+00;
	[tilespmem:s24+$0x120] =	vst v12  }
0x202: {  	[tilespmem:s24+$0xFFFFFD20] =	vst v9;
	v9 =	vld [tilespmem:s29+$0xFFFFFCB0]  }
0x203: {  	v12 =	vld [tilespmem:s29+$0xFFFFFC30];
	_ =	sdelay $0x3  }
0x204: {  	v9 =	vadd.f32 v9, v18  }
0x205: {  	v8 =	vadd.f32 v12, v8  }
0x206: {  	v19 =	vld [tilespmem:s24+$0x180];
	v9 =	vmax.f32 v9, $0.0e+00  }
0x207: {  	v20 =	vld [tilespmem:s24+$0xFFFFFD80];
	v8 =	vmax.f32 v8, $0.0e+00;
	[tilespmem:s24+$0x130] =	vst v9  }
0x208: {  	[tilespmem:s24+$0xFFFFFD30] =	vst v8;
	v8 =	vld [tilespmem:s29+$0xFFFFFCC0]  }
0x209: {  	v9 =	vld [tilespmem:s29+$0xFFFFFC40];
	_ =	sdelay $0x3  }
0x20a: {  	v8 =	vadd.f32 v8, v19  }
0x20b: {  	v9 =	vadd.f32 v9, v20  }
0x20c: {  	v23 =	vld [tilespmem:s24+$0x190];
	v8 =	vmax.f32 v8, $0.0e+00  }
0x20d: {  	v24 =	vld [tilespmem:s24+$0xFFFFFD90];
	v9 =	vmax.f32 v9, $0.0e+00;
	[tilespmem:s24+$0x180] =	vst v8  }
0x20e: {  	[tilespmem:s24+$0xFFFFFD80] =	vst v9;
	v8 =	vld [tilespmem:s29+$0xFFFFFCD0]  }
0x20f: {  	v9 =	vld [tilespmem:s29+$0xFFFFFC50];
	_ =	sdelay $0x3  }
0x210: {  	v8 =	vadd.f32 v8, v23  }
0x211: {  	v9 =	vadd.f32 v9, v24  }
0x212: {  	v26 =	vld [tilespmem:s24+$0x1A0];
	v8 =	vmax.f32 v8, $0.0e+00  }
0x213: {  	v27 =	vld [tilespmem:s24+$0xFFFFFDA0];
	v9 =	vmax.f32 v9, $0.0e+00;
	[tilespmem:s24+$0x190] =	vst v8  }
0x214: {  	[tilespmem:s24+$0xFFFFFD90] =	vst v9;
	v8 =	vld [tilespmem:s25+$0xFFFFFCE0]  }
0x215: {  	v9 =	vld [tilespmem:s25+$0xFFFFFC60];
	_ =	sdelay $0x3  }
0x216: {  	v8 =	vadd.f32 v8, v26  }
0x217: {  	v9 =	vadd.f32 v9, v27  }
0x218: {  	v25 =	vld [tilespmem:s24+$0xFFFFFDB0];
	v8 =	vmax.f32 v8, $0.0e+00  }
0x219: {  	v28 =	vld [tilespmem:s24+$0x1B0];
	v9 =	vmax.f32 v9, $0.0e+00;
	[tilespmem:s24+$0x1A0] =	vst v8  }
0x21a: {  	[tilespmem:s24+$0xFFFFFDA0] =	vst v9;
	v8 =	vld [tilespmem:s25+$0xFFFFFCF0]  }
0x21b: {  	v9 =	vld [tilespmem:s25+$0xFFFFFC70];
	_ =	sdelay $0x3  }
0x21c: {  	v8 =	vadd.f32 v8, v28  }
0x21d: {  	v9 =	vadd.f32 v9, v25  }
0x21e: {  	v22 =	vld [tilespmem:s24+$0xFFFFFE00];
	v8 =	vmax.f32 v8, $0.0e+00  }
0x21f: {  	v29 =	vld [tilespmem:s24+$0x200];
	v9 =	vmax.f32 v9, $0.0e+00;
	[tilespmem:s24+$0x1B0] =	vst v8  }
0x220: {  	[tilespmem:s24+$0xFFFFFDB0] =	vst v9;
	v8 =	vld [tilespmem:s25+$0x80]  }
0x221: {  	v9 =	vld [tilespmem:s25+$0x0];
	_ =	sdelay $0x3  }
0x222: {  	v8 =	vadd.f32 v8, v29  }
0x223: {  	v9 =	vadd.f32 v9, v22  }
0x224: {  	v21 =	vld [tilespmem:s24+$0xFFFFFE10];
	v8 =	vmax.f32 v8, $0.0e+00  }
0x225: {  	v30 =	vld [tilespmem:s24+$0x210];
	v9 =	vmax.f32 v9, $0.0e+00;
	[tilespmem:s24+$0x200] =	vst v8  }
0x226: {  	[tilespmem:s24+$0xFFFFFE00] =	vst v9;
	v8 =	vld [tilespmem:s25+$0x90]  }
0x227: {  	v9 =	vld [tilespmem:s25+$0x10];
	_ =	sdelay $0x3  }
0x228: {  	v12 =	vadd.f32 v8, v30  }
0x229: {  	v9 =	vadd.f32 v9, v21  }
0x22a: {  	v31 =	vld [tilespmem:s24+$0x220];
	v12 =	vmax.f32 v12, $0.0e+00  }
0x22b: {  	v32 =	vld [tilespmem:s24+$0xFFFFFE20];
	v9 =	vmax.f32 v9, $0.0e+00;
	[tilespmem:s24+$0x210] =	vst v12  }
0x22c: {  	[tilespmem:s24+$0xFFFFFE10] =	vst v9;
	v9 =	vld [tilespmem:s25+$0xA0]  }
0x22d: {  	v33 =	vld [tilespmem:s25+$0x20];
	_ =	sdelay $0x3  }
0x22e: {  	v14 =	vadd.f32 v9, v31  }
0x22f: {  	v12 =	vadd.f32 v33, v32  }
0x230: {  	v34 =	vld [tilespmem:s24+$0x230];
	v14 =	vmax.f32 v14, $0.0e+00  }
0x231: {  	v35 =	vld [tilespmem:s24+$0xFFFFFE30];
	v12 =	vmax.f32 v12, $0.0e+00;
	[tilespmem:s24+$0x220] =	vst v14  }
0x232: {  	[tilespmem:s24+$0xFFFFFE20] =	vst v12;
	v36 =	vld [tilespmem:s25+$0xB0]  }
0x233: {  	v37 =	vld [tilespmem:s25+$0x30];
	_ =	sdelay $0x3  }
0x234: {  	v15 =	vadd.f32 v36, v34  }
0x235: {  	v14 =	vadd.f32 v37, v35  }
0x236: {  	v39 =	vld [tilespmem:s24+$0x280];
	v15 =	vmax.f32 v15, $0.0e+00  }
0x237: {  	v40 =	vld [tilespmem:s24+$0xFFFFFE80];
	v14 =	vmax.f32 v14, $0.0e+00;
	[tilespmem:s24+$0x230] =	vst v15  }
0x238: {  	[tilespmem:s24+$0xFFFFFE30] =	vst v14;
	v41 =	vld [tilespmem:s25+$0xC0]  }
0x239: {  	v42 =	vld [tilespmem:s25+$0x40];
	_ =	sdelay $0x3  }
0x23a: {  	v16 =	vadd.f32 v41, v39  }
0x23b: {  	v15 =	vadd.f32 v42, v40  }
0x23c: {  	v44 =	vld [tilespmem:s24+$0x290];
	v16 =	vmax.f32 v16, $0.0e+00  }
0x23d: {  	v45 =	vld [tilespmem:s24+$0xFFFFFE90];
	v15 =	vmax.f32 v15, $0.0e+00;
	[tilespmem:s24+$0x280] =	vst v16  }
0x23e: {  	[tilespmem:s24+$0xFFFFFE80] =	vst v15;
	v46 =	vld [tilespmem:s25+$0xD0]  }
0x23f: {  	v47 =	vld [tilespmem:s25+$0x50];
	_ =	sdelay $0x3  }
0x240: {  	v15 =	vadd.f32 v46, v44  }
0x241: {  	v16 =	vadd.f32 v47, v45  }
0x242: {  	v49 =	vld [tilespmem:s24+$0x2A0];
	v15 =	vmax.f32 v15, $0.0e+00  }
0x243: {  	v19 =	vld [tilespmem:s24+$0xFFFFFEA0];
	v16 =	vmax.f32 v16, $0.0e+00;
	[tilespmem:s24+$0x290] =	vst v15  }
0x244: {  	[tilespmem:s24+$0xFFFFFE90] =	vst v16;
	v15 =	vld [tilespmem:s25+$0xE0]  }
0x245: {  	v16 =	vld [tilespmem:s25+$0x60];
	_ =	sdelay $0x3  }
0x246: {  	v15 =	vadd.f32 v15, v49  }
0x247: {  	v16 =	vadd.f32 v16, v19  }
0x248: {  	v51 =	vld [tilespmem:s24+$0x2B0];
	v15 =	vmax.f32 v15, $0.0e+00  }
0x249: {  	v20 =	vld [tilespmem:s24+$0xFFFFFEB0];
	v16 =	vmax.f32 v16, $0.0e+00;
	[tilespmem:s24+$0x2A0] =	vst v15  }
0x24a: {  	[tilespmem:s24+$0xFFFFFEA0] =	vst v16;
	v15 =	vld [tilespmem:s25+$0xF0]  }
0x24b: {  	v16 =	vld [tilespmem:s25+$0x70];
	_ =	sdelay $0x3  }
0x24c: {  	v15 =	vadd.f32 v15, v51  }
0x24d: {  	v16 =	vadd.f32 v16, v20  }
0x24e: {  	v53 =	vld [tilespmem:s24+$0x300];
	v15 =	vmax.f32 v15, $0.0e+00  }
0x24f: {  	v21 =	vld [tilespmem:s24+$0xFFFFFF00];
	v16 =	vmax.f32 v16, $0.0e+00;
	[tilespmem:s24+$0x2B0] =	vst v15  }
0x250: {  	[tilespmem:s24+$0xFFFFFEB0] =	vst v16;
	v15 =	vld [tilespmem:s25+$0x480]  }
0x251: {  	v16 =	vld [tilespmem:s25+$0x400];
	_ =	sdelay $0x3  }
0x252: {  	v15 =	vadd.f32 v15, v53  }
0x253: {  	v55 =	vld [tilespmem:s24+$0x310];
	v16 =	vadd.f32 v16, v21  }
0x254: {  	v22 =	vld [tilespmem:s8+$0x410];
	v15 =	vmax.f32 v15, $0.0e+00  }
0x255: {  	v24 =	vld [tilespmem:s24+$0xFFFFFF10];
	v16 =	vmax.f32 v16, $0.0e+00;
	[tilespmem:s24+$0x300] =	vst v15  }
0x256: {  	[tilespmem:s24+$0xFFFFFF00] =	vst v16;
	v56 =	vld [tilespmem:s25+$0x490]  }
0x257: {  	v57 =	vld [tilespmem:s25+$0x410]  }
0x258: {  	v11 =	vadd.f32 v13, v11  }
0x259: {  	v58 =	vld [tilespmem:s2+$0x320];
	v10 =	vadd.f32 v22, v10  }
0x25a: {  	v59 =	vld [tilespmem:s2+$0xFFFFFF20];
	v11 =	vmax.f32 v11, $0.0e+00  }
0x25b: {  	v61 =	vld [tilespmem:s24+$0x320];
	[tilespmem:s2+$0x310] =	vst v11;
	v10 =	vmax.f32 v10, $0.0e+00;
	v13 =	vadd.f32 v56, v55  }
0x25c: {  	[tilespmem:s2+$0xFFFFFF10] =	vst v10;
	v10 =	vld [tilespmem:s8+$0x4A0];
	v15 =	vadd.f32 v57, v24  }
0x25d: {  	v25 =	vld [tilespmem:s24+$0xFFFFFF20];
	v13 =	vmax.f32 v13, $0.0e+00  }
0x25e: {  	v11 =	vld [tilespmem:s8+$0x420];
	v15 =	vmax.f32 v15, $0.0e+00;
	[tilespmem:s24+$0x310] =	vst v13  }
0x25f: {  	[tilespmem:s24+$0xFFFFFF10] =	vst v15;
	v13 =	vld [tilespmem:s25+$0x4A0]  }
0x260: {  	v15 =	vld [tilespmem:s25+$0x420]  }
0x261: {  	v10 =	vadd.f32 v10, v58  }
0x262: {  	v60 =	vld [tilespmem:s24+$0xFFFFFF30]  }
0x263: {  	v62 =	vld [tilespmem:s2+$0x330];
	v11 =	vadd.f32 v11, v59;
	v10 =	vmax.f32 v10, $0.0e+00  }
0x264: {  	v23 =	vld [tilespmem:s2+$0xFFFFFF30];
	[tilespmem:s2+$0x320] =	vst v10;
	v10 =	vadd.f32 v13, v61  }
0x265: {  	v11 =	vmax.f32 v11, $0.0e+00;
	v63 =	vld [tilespmem:s8+$0x4B0];
	v15 =	vadd.f32 v15, v25  }
0x266: {  	[tilespmem:s2+$0xFFFFFF20] =	vst v11;
	v11 =	vld [tilespmem:s24+$0x330];
	v10 =	vmax.f32 v10, $0.0e+00  }
0x267: {  	v24 =	vld [tilespmem:s8+$0x430];
	v15 =	vmax.f32 v15, $0.0e+00;
	[tilespmem:s24+$0x320] =	vst v10  }
0x268: {  	[tilespmem:s24+$0xFFFFFF20] =	vst v15;
	v10 =	vld [tilespmem:s25+$0x4B0]  }
0x269: {  	v15 =	vld [tilespmem:s25+$0x430];
	_ =	sdelay $0x1  }
0x26a: {  	v13 =	vadd.f32 v63, v62  }
0x26b: {  	v25 =	vadd.f32 v24, v23  }
0x26c: {  	v52 =	vld [tilespmem:s24+$0xFFFFFF80];
	v10 =	vadd.f32 v10, v11;
	v11 =	vmax.f32 v13, $0.0e+00  }
0x26d: {  	v54 =	vld [tilespmem:s24+$0x380];
	v26 =	vmax.f32 v25, $0.0e+00;
	[tilespmem:s2+$0x330] =	vst v11;
	v11 =	vadd.f32 v15, v60  }
0x26e: {  	[tilespmem:s2+$0xFFFFFF30] =	vst v26;
	v27 =	vld [tilespmem:s8+$0x4C0];
	v10 =	vmax.f32 v10, $0.0e+00  }
0x26f: {  	v28 =	vld [tilespmem:s8+$0x440];
	v11 =	vmax.f32 v11, $0.0e+00;
	[tilespmem:s24+$0x330] =	vst v10  }
0x270: {  	[tilespmem:s24+$0xFFFFFF30] =	vst v11;
	v10 =	vld [tilespmem:s25+$0x4C0]  }
0x271: {  	v11 =	vld [tilespmem:s25+$0x440];
	_ =	sdelay $0x1  }
0x272: {  	v7 =	vadd.f32 v27, v7  }
0x273: {  	v6 =	vadd.f32 v28, v6  }
0x274: {  	v48 =	vld [tilespmem:s24+$0xFFFFFF90];
	v7 =	vmax.f32 v7, $0.0e+00;
	v10 =	vadd.f32 v10, v54  }
0x275: {  	v50 =	vld [tilespmem:s24+$0x390];
	v6 =	vmax.f32 v6, $0.0e+00;
	[tilespmem:s2+$0x380] =	vst v7;
	v7 =	vadd.f32 v11, v52  }
0x276: {  	[tilespmem:s2+$0xFFFFFF80] =	vst v6;
	v6 =	vld [tilespmem:s8+$0x4D0];
	v10 =	vmax.f32 v10, $0.0e+00  }
0x277: {  	v11 =	vld [tilespmem:s8+$0x450];
	v7 =	vmax.f32 v7, $0.0e+00;
	[tilespmem:s24+$0x380] =	vst v10  }
0x278: {  	[tilespmem:s24+$0xFFFFFF80] =	vst v7;
	v7 =	vld [tilespmem:s25+$0x4D0]  }
0x279: {  	v10 =	vld [tilespmem:s25+$0x450];
	_ =	sdelay $0x1  }
0x27a: {  	v5 =	vadd.f32 v6, v5  }
0x27b: {  	v4 =	vadd.f32 v11, v4  }
0x27c: {  	v38 =	vld [tilespmem:s24+$0xFFFFFFA0];
	v5 =	vmax.f32 v5, $0.0e+00;
	v6 =	vadd.f32 v7, v50  }
0x27d: {  	v43 =	vld [tilespmem:s24+$0x3A0];
	v4 =	vmax.f32 v4, $0.0e+00;
	[tilespmem:s2+$0x390] =	vst v5;
	v5 =	vadd.f32 v10, v48  }
0x27e: {  	[tilespmem:s2+$0xFFFFFF90] =	vst v4;
	v4 =	vld [tilespmem:s8+$0x4E0];
	v6 =	vmax.f32 v6, $0.0e+00  }
0x27f: {  	v7 =	vld [tilespmem:s8+$0x460];
	v5 =	vmax.f32 v5, $0.0e+00;
	[tilespmem:s24+$0x390] =	vst v6  }
0x280: {  	[tilespmem:s24+$0xFFFFFF90] =	vst v5;
	v5 =	vld [tilespmem:s25+$0x4E0]  }
0x281: {  	v6 =	vld [tilespmem:s25+$0x460];
	_ =	sdelay $0x1  }
0x282: {  	v3 =	vadd.f32 v4, v3  }
0x283: {  	v2 =	vadd.f32 v7, v2  }
0x284: {  	v8 =	vld [tilespmem:s24+$0xFFFFFFB0];
	v3 =	vmax.f32 v3, $0.0e+00;
	v4 =	vadd.f32 v5, v43  }
0x285: {  	v9 =	vld [tilespmem:s24+$0x3B0];
	v2 =	vmax.f32 v2, $0.0e+00;
	[tilespmem:s2+$0x3A0] =	vst v3;
	v3 =	vadd.f32 v6, v38  }
0x286: {  	[tilespmem:s2+$0xFFFFFFA0] =	vst v2;
	v2 =	vld [tilespmem:s8+$0x4F0];
	v4 =	vmax.f32 v4, $0.0e+00  }
0x287: {  	v5 =	vld [tilespmem:s8+$0x470];
	v3 =	vmax.f32 v3, $0.0e+00;
	[tilespmem:s24+$0x3A0] =	vst v4  }
0x288: {  	[tilespmem:s24+$0xFFFFFFA0] =	vst v3;
	v3 =	vld [tilespmem:s25+$0x4F0]  }
0x289: {  	v4 =	vld [tilespmem:s25+$0x470];
	_ =	sdelay $0x1  }
0x28a: {  	v1 =	vadd.f32 v2, v1  }
0x28b: {  	v0 =	vadd.f32 v5, v0  }
0x28c: {  	v1 =	vmax.f32 v1, $0.0e+00;
	v2 =	vadd.f32 v3, v9  }
0x28d: {  	v0 =	vmax.f32 v0, $0.0e+00;
	[tilespmem:s2+$0x3B0] =	vst v1;
	v1 =	vadd.f32 v4, v8  }
0x28e: {  	[tilespmem:s2+$0xFFFFFFB0] =	vst v0;
	v0 =	vmax.f32 v2, $0.0e+00  }
0x28f: {  	v1 =	vmax.f32 v1, $0.0e+00;
	[tilespmem:s24+$0x3B0] =	vst v0  }
0x290: {  	s31 =	simm.s32 $0x16580;
	s25 =	simm.s32 $0x16380;
	[tilespmem:s24+$0xFFFFFFB0] =	vst v1  }
0x291: {  	[spmem:s3] =	stream.indirect.scatter.add.f32 [tilespmem:s31], [sflag:$0xB], $0x80, s25, s28, $0xb8;
	[tilespmem:$0x1C580] =	vst v63  }
0x292: {  	s11 =	simm.s32 $0x17580;
	s29 =	simm.s32 $0x16480  }
0x293: {  	[spmem:s3] =	stream.indirect.scatter.add.f32 [tilespmem:s11], [sflag:$0xD], $0x80, s29, s28, $0xb8;
	[tilespmem:$0x1C580] =	vst v63  }
0x294: {  	s2 =	sshll.u32 s1, $0x1;
	_ =	swait.ge [sflag:s16], $0x1000  }
0x295: {  	s8 =	sadd.s32 $0x2, s2;
	[sflag:s16] =	ssyncset.done $0x0  }
0x296: {  	s19 =	sshll.u32 s8, $0x6;
	[sflag:s16] =	ssyncadd.s32 $0xFFFFF000  }
0x297: {  	s24 =	sadd.s32 s5, s19;
	_ =	swait.ge [sflag:s18], $0x1000  }
0x298: {  	s8 =	sadd.s32 s17, s8;
	s20 =	sshrl.u32 s24, $0x3;
	[sflag:s18] =	ssyncset.done $0x0  }
0x299: {  	s8 =	sshll.u32 s8, $0x9;
	s24 =	sadd.s32 s7, s20;
	[sflag:s18] =	ssyncadd.s32 $0xFFFFF000  }
0x29a: {  	[tilespmem:s25], [sflag:$0x7] =	stream.linear.gather [hbm4b:s24+s4], $0x20, $0x38;
	[tilespmem:$0x1C580] =	vst v63  }
0x29b: {  	s8 =	sand.u32 $0x1FFFFE00, s8;
	s20 =	sadd.s32 s20, s10  }
0x29c: {  	[tilespmem:s29], [sflag:$0x9] =	stream.linear.gather [hbm4b:s20+s4], $0x20, $0x38;
	[tilespmem:$0x1C580] =	vst v63  }
0x29d: {  	s8 =	sadd.s32 s6, s8;
	s24 =	simm.s32 $0x1A580  }
0x29e: {  	[tilespmem:s24], [sflag:$0x1] =	stream.linear.gather [hbm4b:s8+s4], $0x1000, $0x38;
	[tilespmem:$0x1C580] =	vst v63  }
0x29f: {  	s25 =	sadd.s32 $0x13C00, s19  }
0x2a0: {  	[tilespmem:s31], [sflag:$0x3] =	stream.indirect.gather [hbm4b:s0+s28], $0x80, s25, s28, $0xb8;
	[tilespmem:$0x1C580] =	vst v63  }
0x2a1: {  	s20 =	sadd.s32 $0x13C20, s19;
	s24 =	simm.s32 $0x2  }
0x2a2: {  	[tilespmem:s11], [sflag:$0x5] =	stream.indirect.gather [hbm4b:s0+s28], $0x80, s20, s28, $0xb8;
	[tilespmem:$0x1C580] =	vst v63  }
0x2a3: {  	_ =	swait.ge [sflag:s24], $0x1000  }
0x2a4: {  	[sflag:s24] =	ssyncset.done $0x0  }
0x2a5: {  	s25 =	simm.s32 $0x4;
	[sflag:s24] =	ssyncadd.s32 $0xFFFFF000  }
0x2a6: {  	_ =	swait.ge [sflag:s25], $0x1000  }
0x2a7: {  	[sflag:s25] =	ssyncset.done $0x0  }
0x2a8: {  	[sflag:s25] =	ssyncadd.s32 $0xFFFFF000  }
0x2a9: {  	_ =	swait.ge [sflag:s22], $0x1000  }
0x2aa: {  	[sflag:s22] =	ssyncset.done $0x0  }
0x2ab: {  	[sflag:s22] =	ssyncadd.s32 $0xFFFFF000  }
0x2ac: {  	_ =	swait.ge [sflag:s23], $0x20  }
0x2ad: {  	[sflag:s23] =	ssyncset.done $0x0  }
0x2ae: {  	[sflag:s23] =	ssyncadd.s32 $0xFFFFFFE0  }
0x2af: {  	_ =	swait.ge [sflag:s21], $0x20  }
0x2b0: {  	[sflag:s21] =	ssyncset.done $0x0  }
0x2b1: {  	s20 =	simm.s32 $0x18980;
	[sflag:s21] =	ssyncadd.s32 $0xFFFFFFE0  }
0x2b2: {  	s29 =	simm.s32 $0x1BD80;
	v0 =	vld [tilespmem:s20+$0xFFFFFC00]  }
0x2b3: {  	v1 =	vld [tilespmem:s29+$0xFFFFF880]  }
0x2b4: {  	v2 =	vld [tilespmem:s20+$0x0]  }
0x2b5: {  	v3 =	vld [tilespmem:s29+$0xFFFFF800];
	_ =	sdelay $0x3  }
0x2b6: {  	v1 =	vadd.f32 v1, v2  }
0x2b7: {  	v0 =	vadd.f32 v3, v0  }
0x2b8: {  	v2 =	vld [tilespmem:s20+$0x10];
	v1 =	vmax.f32 v1, $0.0e+00  }
0x2b9: {  	v3 =	vld [tilespmem:s20+$0xFFFFFC10];
	v0 =	vmax.f32 v0, $0.0e+00;
	[tilespmem:s20+$0x0] =	vst v1  }
0x2ba: {  	[tilespmem:s20+$0xFFFFFC00] =	vst v0;
	v0 =	vld [tilespmem:s29+$0xFFFFF890]  }
0x2bb: {  	v1 =	vld [tilespmem:s29+$0xFFFFF810];
	_ =	sdelay $0x3  }
0x2bc: {  	v0 =	vadd.f32 v0, v2  }
0x2bd: {  	v1 =	vadd.f32 v1, v3  }
0x2be: {  	v2 =	vld [tilespmem:s20+$0x20];
	v0 =	vmax.f32 v0, $0.0e+00  }
0x2bf: {  	v3 =	vld [tilespmem:s20+$0xFFFFFC20];
	v1 =	vmax.f32 v1, $0.0e+00;
	[tilespmem:s20+$0x10] =	vst v0  }
0x2c0: {  	[tilespmem:s20+$0xFFFFFC10] =	vst v1;
	v0 =	vld [tilespmem:s29+$0xFFFFF8A0]  }
0x2c1: {  	v1 =	vld [tilespmem:s29+$0xFFFFF820];
	_ =	sdelay $0x3  }
0x2c2: {  	v0 =	vadd.f32 v0, v2  }
0x2c3: {  	v1 =	vadd.f32 v1, v3  }
0x2c4: {  	v2 =	vld [tilespmem:s20+$0x30];
	v0 =	vmax.f32 v0, $0.0e+00  }
0x2c5: {  	v3 =	vld [tilespmem:s20+$0xFFFFFC30];
	v1 =	vmax.f32 v1, $0.0e+00;
	[tilespmem:s20+$0x20] =	vst v0  }
0x2c6: {  	[tilespmem:s20+$0xFFFFFC20] =	vst v1;
	v0 =	vld [tilespmem:s29+$0xFFFFF8B0]  }
0x2c7: {  	v1 =	vld [tilespmem:s29+$0xFFFFF830];
	_ =	sdelay $0x3  }
0x2c8: {  	v0 =	vadd.f32 v0, v2  }
0x2c9: {  	v1 =	vadd.f32 v1, v3  }
0x2ca: {  	v2 =	vld [tilespmem:s20+$0x80];
	v0 =	vmax.f32 v0, $0.0e+00  }
0x2cb: {  	v3 =	vld [tilespmem:s20+$0xFFFFFC80];
	v1 =	vmax.f32 v1, $0.0e+00;
	[tilespmem:s20+$0x30] =	vst v0  }
0x2cc: {  	[tilespmem:s20+$0xFFFFFC30] =	vst v1;
	v0 =	vld [tilespmem:s29+$0xFFFFF8C0]  }
0x2cd: {  	v1 =	vld [tilespmem:s29+$0xFFFFF840];
	_ =	sdelay $0x3  }
0x2ce: {  	v0 =	vadd.f32 v0, v2  }
0x2cf: {  	v1 =	vadd.f32 v1, v3  }
0x2d0: {  	v2 =	vld [tilespmem:s20+$0x90];
	v0 =	vmax.f32 v0, $0.0e+00  }
0x2d1: {  	v3 =	vld [tilespmem:s20+$0xFFFFFC90];
	v1 =	vmax.f32 v1, $0.0e+00;
	[tilespmem:s20+$0x80] =	vst v0  }
0x2d2: {  	[tilespmem:s20+$0xFFFFFC80] =	vst v1;
	v0 =	vld [tilespmem:s29+$0xFFFFF8D0]  }
0x2d3: {  	v1 =	vld [tilespmem:s29+$0xFFFFF850];
	_ =	sdelay $0x3  }
0x2d4: {  	v0 =	vadd.f32 v0, v2  }
0x2d5: {  	v1 =	vadd.f32 v1, v3  }
0x2d6: {  	v2 =	vld [tilespmem:s20+$0xA0];
	v0 =	vmax.f32 v0, $0.0e+00  }
0x2d7: {  	v3 =	vld [tilespmem:s20+$0xFFFFFCA0];
	v1 =	vmax.f32 v1, $0.0e+00;
	[tilespmem:s20+$0x90] =	vst v0  }
0x2d8: {  	[tilespmem:s20+$0xFFFFFC90] =	vst v1;
	v0 =	vld [tilespmem:s29+$0xFFFFF8E0]  }
0x2d9: {  	v1 =	vld [tilespmem:s29+$0xFFFFF860];
	_ =	sdelay $0x3  }
0x2da: {  	v0 =	vadd.f32 v0, v2  }
0x2db: {  	v1 =	vadd.f32 v1, v3  }
0x2dc: {  	v2 =	vld [tilespmem:s20+$0xB0];
	v0 =	vmax.f32 v0, $0.0e+00  }
0x2dd: {  	v3 =	vld [tilespmem:s20+$0xFFFFFCB0];
	v1 =	vmax.f32 v1, $0.0e+00;
	[tilespmem:s20+$0xA0] =	vst v0  }
0x2de: {  	[tilespmem:s20+$0xFFFFFCA0] =	vst v1;
	v0 =	vld [tilespmem:s29+$0xFFFFF8F0]  }
0x2df: {  	v1 =	vld [tilespmem:s29+$0xFFFFF870];
	_ =	sdelay $0x3  }
0x2e0: {  	v0 =	vadd.f32 v0, v2  }
0x2e1: {  	v1 =	vadd.f32 v1, v3  }
0x2e2: {  	v2 =	vld [tilespmem:s20+$0x100];
	v0 =	vmax.f32 v0, $0.0e+00  }
0x2e3: {  	v3 =	vld [tilespmem:s20+$0xFFFFFD00];
	v1 =	vmax.f32 v1, $0.0e+00;
	[tilespmem:s20+$0xB0] =	vst v0  }
0x2e4: {  	[tilespmem:s20+$0xFFFFFCB0] =	vst v1;
	v0 =	vld [tilespmem:s29+$0xFFFFFC80]  }
0x2e5: {  	v1 =	vld [tilespmem:s29+$0xFFFFFC00];
	_ =	sdelay $0x3  }
0x2e6: {  	v0 =	vadd.f32 v0, v2  }
0x2e7: {  	v1 =	vadd.f32 v1, v3  }
0x2e8: {  	v2 =	vld [tilespmem:s20+$0x110];
	v0 =	vmax.f32 v0, $0.0e+00  }
0x2e9: {  	v3 =	vld [tilespmem:s20+$0xFFFFFD10];
	v1 =	vmax.f32 v1, $0.0e+00;
	[tilespmem:s20+$0x100] =	vst v0  }
0x2ea: {  	[tilespmem:s20+$0xFFFFFD00] =	vst v1;
	v0 =	vld [tilespmem:s29+$0xFFFFFC90]  }
0x2eb: {  	v1 =	vld [tilespmem:s29+$0xFFFFFC10];
	_ =	sdelay $0x3  }
0x2ec: {  	v0 =	vadd.f32 v0, v2  }
0x2ed: {  	v1 =	vadd.f32 v1, v3  }
0x2ee: {  	v2 =	vld [tilespmem:s20+$0x120];
	v0 =	vmax.f32 v0, $0.0e+00  }
0x2ef: {  	v3 =	vld [tilespmem:s20+$0xFFFFFD20];
	v1 =	vmax.f32 v1, $0.0e+00;
	[tilespmem:s20+$0x110] =	vst v0  }
0x2f0: {  	[tilespmem:s20+$0xFFFFFD10] =	vst v1;
	v0 =	vld [tilespmem:s29+$0xFFFFFCA0]  }
0x2f1: {  	v1 =	vld [tilespmem:s29+$0xFFFFFC20];
	_ =	sdelay $0x3  }
0x2f2: {  	v0 =	vadd.f32 v0, v2  }
0x2f3: {  	v1 =	vadd.f32 v1, v3  }
0x2f4: {  	v2 =	vld [tilespmem:s20+$0x130];
	v0 =	vmax.f32 v0, $0.0e+00  }
0x2f5: {  	v3 =	vld [tilespmem:s20+$0xFFFFFD30];
	v1 =	vmax.f32 v1, $0.0e+00;
	[tilespmem:s20+$0x120] =	vst v0  }
0x2f6: {  	[tilespmem:s20+$0xFFFFFD20] =	vst v1;
	v0 =	vld [tilespmem:s29+$0xFFFFFCB0]  }
0x2f7: {  	v1 =	vld [tilespmem:s29+$0xFFFFFC30];
	_ =	sdelay $0x3  }
0x2f8: {  	v0 =	vadd.f32 v0, v2  }
0x2f9: {  	v1 =	vadd.f32 v1, v3  }
0x2fa: {  	v2 =	vld [tilespmem:s20+$0x180];
	v0 =	vmax.f32 v0, $0.0e+00  }
0x2fb: {  	v3 =	vld [tilespmem:s20+$0xFFFFFD80];
	v1 =	vmax.f32 v1, $0.0e+00;
	[tilespmem:s20+$0x130] =	vst v0  }
0x2fc: {  	[tilespmem:s20+$0xFFFFFD30] =	vst v1;
	v0 =	vld [tilespmem:s29+$0xFFFFFCC0]  }
0x2fd: {  	v1 =	vld [tilespmem:s29+$0xFFFFFC40];
	_ =	sdelay $0x3  }
0x2fe: {  	v0 =	vadd.f32 v0, v2  }
0x2ff: {  	v1 =	vadd.f32 v1, v3  }
0x300: {  	v5 =	vld [tilespmem:s20+$0xFFFFFD90];
	v0 =	vmax.f32 v0, $0.0e+00  }
0x301: {  	v3 =	vld [tilespmem:s20+$0x190];
	v1 =	vmax.f32 v1, $0.0e+00;
	[tilespmem:s20+$0x180] =	vst v0  }
0x302: {  	[tilespmem:s20+$0xFFFFFD80] =	vst v1;
	v0 =	vld [tilespmem:s29+$0xFFFFFCD0]  }
0x303: {  	v1 =	vld [tilespmem:s29+$0xFFFFFC50];
	_ =	sdelay $0x3  }
0x304: {  	s24 =	simm.s32 $0x1BE80;
	v7 =	vld [tilespmem:s20+$0xFFFFFDA0];
	v0 =	vadd.f32 v0, v3  }
0x305: {  	s8 =	simm.s32 $0x19180;
	v8 =	vld [tilespmem:s24+$0xFFFFF880];
	v1 =	vadd.f32 v1, v5  }
0x306: {  	v9 =	vld [tilespmem:s8+$0x0];
	v0 =	vmax.f32 v0, $0.0e+00  }
0x307: {  	v3 =	vld [tilespmem:s20+$0x1A0];
	v1 =	vmax.f32 v1, $0.0e+00;
	[tilespmem:s20+$0x190] =	vst v0  }
0x308: {  	[tilespmem:s20+$0xFFFFFD90] =	vst v1;
	v0 =	vld [tilespmem:s29+$0xFFFFFCE0]  }
0x309: {  	v1 =	vld [tilespmem:s29+$0xFFFFFC60]  }
0x30a: {  	v10 =	vld [tilespmem:s24+$0xFFFFF800]  }
0x30b: {  	v5 =	vld [tilespmem:s8+$0xFFFFFC00];
	_ =	sdelay $0x1  }
0x30c: {  	v6 =	vld [tilespmem:s20+$0xFFFFFDB0];
	v0 =	vadd.f32 v0, v3  }
0x30d: {  	v8 =	vadd.f32 v8, v9;
	v9 =	vld [tilespmem:s8+$0x10];
	v1 =	vadd.f32 v1, v7  }
0x30e: {  	v3 =	vld [tilespmem:s20+$0x1B0];
	v0 =	vmax.f32 v0, $0.0e+00  }
0x30f: {  	v5 =	vadd.f32 v10, v5;
	v7 =	vld [tilespmem:s8+$0xFFFFFC10];
	v1 =	vmax.f32 v1, $0.0e+00;
	[tilespmem:s20+$0x1A0] =	vst v0  }
0x310: {  	v0 =	vmax.f32 v8, $0.0e+00;
	[tilespmem:s20+$0xFFFFFDA0] =	vst v1;
	v1 =	vld [tilespmem:s29+$0xFFFFFCF0]  }
0x311: {  	v5 =	vmax.f32 v5, $0.0e+00;
	[tilespmem:s8+$0x0] =	vst v0;
	v0 =	vld [tilespmem:s29+$0xFFFFFC70]  }
0x312: {  	[tilespmem:s8+$0xFFFFFC00] =	vst v5;
	v5 =	vld [tilespmem:s24+$0xFFFFF890]  }
0x313: {  	v8 =	vld [tilespmem:s24+$0xFFFFF810];
	_ =	sdelay $0x1  }
0x314: {  	v2 =	vld [tilespmem:s20+$0xFFFFFE00];
	v1 =	vadd.f32 v1, v3  }
0x315: {  	v3 =	vld [tilespmem:s20+$0x200];
	v0 =	vadd.f32 v0, v6  }
0x316: {  	v6 =	vld [tilespmem:s8+$0xFFFFFC20];
	v5 =	vadd.f32 v5, v9;
	v1 =	vmax.f32 v1, $0.0e+00  }
0x317: {  	v7 =	vadd.f32 v8, v7;
	v9 =	vld [tilespmem:s8+$0x20];
	v0 =	vmax.f32 v0, $0.0e+00;
	[tilespmem:s20+$0x1B0] =	vst v1  }
0x318: {  	v1 =	vmax.f32 v5, $0.0e+00;
	[tilespmem:s20+$0xFFFFFDB0] =	vst v0;
	v0 =	vld [tilespmem:s29+$0x80]  }
0x319: {  	v5 =	vmax.f32 v7, $0.0e+00;
	[tilespmem:s8+$0x10] =	vst v1;
	v1 =	vld [tilespmem:s29+$0x0]  }
0x31a: {  	[tilespmem:s8+$0xFFFFFC10] =	vst v5;
	v5 =	vld [tilespmem:s24+$0xFFFFF8A0]  }
0x31b: {  	v7 =	vld [tilespmem:s24+$0xFFFFF820];
	_ =	sdelay $0x1  }
0x31c: {  	v4 =	vld [tilespmem:s20+$0xFFFFFE10];
	v0 =	vadd.f32 v0, v3  }
0x31d: {  	v8 =	vld [tilespmem:s8+$0x30];
	v1 =	vadd.f32 v1, v2  }
0x31e: {  	v3 =	vld [tilespmem:s20+$0x210];
	v5 =	vadd.f32 v5, v9;
	v0 =	vmax.f32 v0, $0.0e+00  }
0x31f: {  	v2 =	vld [tilespmem:s8+$0xFFFFFC30];
	v6 =	vadd.f32 v7, v6;
	v1 =	vmax.f32 v1, $0.0e+00;
	[tilespmem:s20+$0x200] =	vst v0  }
0x320: {  	v0 =	vmax.f32 v5, $0.0e+00;
	[tilespmem:s20+$0xFFFFFE00] =	vst v1;
	v5 =	vld [tilespmem:s29+$0x90]  }
0x321: {  	v1 =	vmax.f32 v6, $0.0e+00;
	[tilespmem:s8+$0x20] =	vst v0;
	v0 =	vld [tilespmem:s29+$0x10]  }
0x322: {  	[tilespmem:s8+$0xFFFFFC20] =	vst v1;
	v6 =	vld [tilespmem:s24+$0xFFFFF8B0]  }
0x323: {  	v7 =	vld [tilespmem:s24+$0xFFFFF830]  }
0x324: {  	v11 =	vld [tilespmem:s20+$0xFFFFFE80]  }
0x325: {  	v9 =	vld [tilespmem:s20+$0xFFFFFE20];
	v3 =	vadd.f32 v5, v3  }
0x326: {  	v0 =	vadd.f32 v0, v4;
	v4 =	vld [tilespmem:s20+$0x220]  }
0x327: {  	v5 =	vld [tilespmem:s8+$0xFFFFFC80];
	v6 =	vadd.f32 v6, v8;
	v3 =	vmax.f32 v3, $0.0e+00  }
0x328: {  	v2 =	vadd.f32 v7, v2;
	v7 =	vld [tilespmem:s8+$0x80];
	v0 =	vmax.f32 v0, $0.0e+00;
	[tilespmem:s20+$0x210] =	vst v3  }
0x329: {  	v3 =	vmax.f32 v6, $0.0e+00;
	[tilespmem:s20+$0xFFFFFE10] =	vst v0;
	v6 =	vld [tilespmem:s29+$0xA0]  }
0x32a: {  	v0 =	vmax.f32 v2, $0.0e+00;
	[tilespmem:s8+$0x30] =	vst v3;
	v2 =	vld [tilespmem:s29+$0x20]  }
0x32b: {  	[tilespmem:s8+$0xFFFFFC30] =	vst v0;
	v3 =	vld [tilespmem:s24+$0xFFFFF8C0]  }
0x32c: {  	v8 =	vld [tilespmem:s24+$0xFFFFF840]  }
0x32d: {  	v31 =	vld [tilespmem:s8+$0xFFFFFD00]  }
0x32e: {  	v10 =	vld [tilespmem:s20+$0xFFFFFE30];
	v4 =	vadd.f32 v6, v4  }
0x32f: {  	v2 =	vadd.f32 v2, v9;
	v6 =	vld [tilespmem:s20+$0x230]  }
0x330: {  	v9 =	vld [tilespmem:s8+$0xFFFFFC90];
	v3 =	vadd.f32 v3, v7;
	v4 =	vmax.f32 v4, $0.0e+00  }
0x331: {  	v5 =	vadd.f32 v8, v5;
	v7 =	vld [tilespmem:s8+$0x90];
	v2 =	vmax.f32 v2, $0.0e+00;
	[tilespmem:s20+$0x220] =	vst v4  }
0x332: {  	v3 =	vmax.f32 v3, $0.0e+00;
	[tilespmem:s20+$0xFFFFFE20] =	vst v2;
	v4 =	vld [tilespmem:s29+$0xB0]  }
0x333: {  	v2 =	vmax.f32 v5, $0.0e+00;
	[tilespmem:s8+$0x80] =	vst v3;
	v3 =	vld [tilespmem:s29+$0x30]  }
0x334: {  	[tilespmem:s8+$0xFFFFFC80] =	vst v2;
	v5 =	vld [tilespmem:s24+$0xFFFFF8D0]  }
0x335: {  	v8 =	vld [tilespmem:s24+$0xFFFFF850]  }
0x336: {  	v33 =	vld [tilespmem:s8+$0xFFFFFD10]  }
0x337: {  	v36 =	vld [tilespmem:s8+$0xFFFFFD20];
	v4 =	vadd.f32 v4, v6  }
0x338: {  	v3 =	vadd.f32 v3, v10;
	v6 =	vld [tilespmem:s20+$0x280]  }
0x339: {  	v10 =	vld [tilespmem:s8+$0xFFFFFCA0];
	v5 =	vadd.f32 v5, v7;
	v4 =	vmax.f32 v4, $0.0e+00  }
0x33a: {  	v7 =	vadd.f32 v8, v9;
	v8 =	vld [tilespmem:s8+$0xA0];
	v3 =	vmax.f32 v3, $0.0e+00;
	[tilespmem:s20+$0x230] =	vst v4  }
0x33b: {  	v4 =	vmax.f32 v5, $0.0e+00;
	[tilespmem:s20+$0xFFFFFE30] =	vst v3;
	v5 =	vld [tilespmem:s29+$0xC0]  }
0x33c: {  	v3 =	vmax.f32 v7, $0.0e+00;
	[tilespmem:s8+$0x90] =	vst v4;
	v4 =	vld [tilespmem:s29+$0x40]  }
0x33d: {  	[tilespmem:s8+$0xFFFFFC90] =	vst v3;
	v7 =	vld [tilespmem:s24+$0xFFFFF8E0]  }
0x33e: {  	v9 =	vld [tilespmem:s24+$0xFFFFF860]  }
0x33f: {  	v39 =	vld [tilespmem:s8+$0xFFFFFD30]  }
0x340: {  	v29 =	vld [tilespmem:s20+$0xFFFFFE90];
	v5 =	vadd.f32 v5, v6  }
0x341: {  	v4 =	vadd.f32 v4, v11;
	v6 =	vld [tilespmem:s20+$0x290]  }
0x342: {  	v11 =	vld [tilespmem:s8+$0xFFFFFCB0];
	v7 =	vadd.f32 v7, v8;
	v5 =	vmax.f32 v5, $0.0e+00  }
0x343: {  	v8 =	vadd.f32 v9, v10;
	v9 =	vld [tilespmem:s8+$0xB0];
	v4 =	vmax.f32 v4, $0.0e+00;
	[tilespmem:s20+$0x280] =	vst v5  }
0x344: {  	v5 =	vmax.f32 v7, $0.0e+00;
	[tilespmem:s20+$0xFFFFFE80] =	vst v4;
	v7 =	vld [tilespmem:s29+$0xD0]  }
0x345: {  	v4 =	vmax.f32 v8, $0.0e+00;
	[tilespmem:s8+$0xA0] =	vst v5;
	v5 =	vld [tilespmem:s29+$0x50]  }
0x346: {  	[tilespmem:s8+$0xFFFFFCA0] =	vst v4;
	v8 =	vld [tilespmem:s24+$0xFFFFF8F0]  }
0x347: {  	v10 =	vld [tilespmem:s24+$0xFFFFF870]  }
0x348: {  	v42 =	vld [tilespmem:s8+$0xFFFFFD80]  }
0x349: {  	v45 =	vld [tilespmem:s8+$0xFFFFFD90];
	v6 =	vadd.f32 v7, v6  }
0x34a: {  	v30 =	vld [tilespmem:s20+$0xFFFFFEA0];
	v5 =	vadd.f32 v5, v29  }
0x34b: {  	v7 =	vld [tilespmem:s20+$0x2A0];
	v8 =	vadd.f32 v8, v9;
	v6 =	vmax.f32 v6, $0.0e+00  }
0x34c: {  	v9 =	vadd.f32 v10, v11;
	v10 =	vld [tilespmem:s8+$0x100];
	v5 =	vmax.f32 v5, $0.0e+00;
	[tilespmem:s20+$0x290] =	vst v6  }
0x34d: {  	v6 =	vmax.f32 v8, $0.0e+00;
	[tilespmem:s20+$0xFFFFFE90] =	vst v5;
	v8 =	vld [tilespmem:s29+$0xE0]  }
0x34e: {  	v5 =	vmax.f32 v9, $0.0e+00;
	[tilespmem:s8+$0xB0] =	vst v6;
	v6 =	vld [tilespmem:s29+$0x60]  }
0x34f: {  	[tilespmem:s8+$0xFFFFFCB0] =	vst v5;
	v9 =	vld [tilespmem:s24+$0xFFFFFC80]  }
0x350: {  	v11 =	vld [tilespmem:s24+$0xFFFFFC00]  }
0x351: {  	v46 =	vld [tilespmem:s8+$0x190]  }
0x352: {  	v47 =	vld [tilespmem:s8+$0xFFFFFDB0];
	v7 =	vadd.f32 v8, v7  }
0x353: {  	v32 =	vld [tilespmem:s20+$0xFFFFFEB0];
	v6 =	vadd.f32 v6, v30  }
0x354: {  	v8 =	vld [tilespmem:s20+$0x2B0];
	v9 =	vadd.f32 v9, v10;
	v7 =	vmax.f32 v7, $0.0e+00  }
0x355: {  	v10 =	vadd.f32 v11, v31;
	v11 =	vld [tilespmem:s8+$0x110];
	v6 =	vmax.f32 v6, $0.0e+00;
	[tilespmem:s20+$0x2A0] =	vst v7  }
0x356: {  	v7 =	vmax.f32 v9, $0.0e+00;
	[tilespmem:s20+$0xFFFFFEA0] =	vst v6;
	v6 =	vld [tilespmem:s29+$0xF0]  }
0x357: {  	v9 =	vmax.f32 v10, $0.0e+00;
	[tilespmem:s8+$0x100] =	vst v7;
	v7 =	vld [tilespmem:s29+$0x70]  }
0x358: {  	[tilespmem:s8+$0xFFFFFD00] =	vst v9;
	v9 =	vld [tilespmem:s24+$0xFFFFFC90]  }
0x359: {  	v10 =	vld [tilespmem:s24+$0xFFFFFC10]  }
0x35a: {  	v48 =	vld [tilespmem:s8+$0xFFFFFDA0]  }
0x35b: {  	v49 =	vld [tilespmem:s8+$0x1A0];
	v6 =	vadd.f32 v6, v8  }
0x35c: {  	v35 =	vld [tilespmem:s20+$0xFFFFFF00];
	v7 =	vadd.f32 v7, v32  }
0x35d: {  	v8 =	vld [tilespmem:s20+$0x300];
	v9 =	vadd.f32 v9, v11;
	v6 =	vmax.f32 v6, $0.0e+00  }
0x35e: {  	v10 =	vadd.f32 v10, v33;
	v11 =	vld [tilespmem:s8+$0x120];
	v7 =	vmax.f32 v7, $0.0e+00;
	[tilespmem:s20+$0x2B0] =	vst v6  }
0x35f: {  	v6 =	vmax.f32 v9, $0.0e+00;
	[tilespmem:s20+$0xFFFFFEB0] =	vst v7;
	v7 =	vld [tilespmem:s29+$0x480]  }
0x360: {  	v9 =	vmax.f32 v10, $0.0e+00;
	[tilespmem:s8+$0x110] =	vst v6;
	v6 =	vld [tilespmem:s29+$0x400]  }
0x361: {  	[tilespmem:s8+$0xFFFFFD10] =	vst v9;
	v9 =	vld [tilespmem:s24+$0xFFFFFCA0]  }
0x362: {  	s25 =	simm.s32 $0x19980;
	v10 =	vld [tilespmem:s24+$0xFFFFFC20]  }
0x363: {  	s31 =	simm.s32 $0x1BF80;
	v50 =	vld [tilespmem:s25+$0xFFFFFC00]  }
0x364: {  	v51 =	vld [tilespmem:s31+$0xFFFFF880];
	v7 =	vadd.f32 v7, v8  }
0x365: {  	v38 =	vld [tilespmem:s20+$0xFFFFFF10];
	v6 =	vadd.f32 v6, v35  }
0x366: {  	v8 =	vld [tilespmem:s20+$0x310];
	v9 =	vadd.f32 v9, v11;
	v7 =	vmax.f32 v7, $0.0e+00  }
0x367: {  	v10 =	vadd.f32 v10, v36;
	v11 =	vld [tilespmem:s8+$0x130];
	v6 =	vmax.f32 v6, $0.0e+00;
	[tilespmem:s20+$0x300] =	vst v7  }
0x368: {  	v7 =	vmax.f32 v9, $0.0e+00;
	[tilespmem:s20+$0xFFFFFF00] =	vst v6;
	v6 =	vld [tilespmem:s29+$0x490]  }
0x369: {  	v9 =	vmax.f32 v10, $0.0e+00;
	[tilespmem:s8+$0x120] =	vst v7;
	v7 =	vld [tilespmem:s29+$0x410]  }
0x36a: {  	[tilespmem:s8+$0xFFFFFD20] =	vst v9;
	v9 =	vld [tilespmem:s24+$0xFFFFFCB0]  }
0x36b: {  	v10 =	vld [tilespmem:s24+$0xFFFFFC30]  }
0x36c: {  	v52 =	vld [tilespmem:s25+$0x0]  }
0x36d: {  	v53 =	vld [tilespmem:s31+$0xFFFFF800];
	v6 =	vadd.f32 v6, v8  }
0x36e: {  	v41 =	vld [tilespmem:s20+$0xFFFFFF20];
	v7 =	vadd.f32 v7, v38  }
0x36f: {  	v8 =	vld [tilespmem:s20+$0x320];
	v9 =	vadd.f32 v9, v11;
	v6 =	vmax.f32 v6, $0.0e+00  }
0x370: {  	v10 =	vadd.f32 v10, v39;
	v11 =	vld [tilespmem:s8+$0x180];
	v7 =	vmax.f32 v7, $0.0e+00;
	[tilespmem:s20+$0x310] =	vst v6  }
0x371: {  	v6 =	vmax.f32 v9, $0.0e+00;
	[tilespmem:s20+$0xFFFFFF10] =	vst v7;
	v7 =	vld [tilespmem:s29+$0x4A0]  }
0x372: {  	v9 =	vmax.f32 v10, $0.0e+00;
	[tilespmem:s8+$0x130] =	vst v6;
	v10 =	vld [tilespmem:s29+$0x420]  }
0x373: {  	[tilespmem:s8+$0xFFFFFD30] =	vst v9;
	v9 =	vld [tilespmem:s24+$0xFFFFFCC0]  }
0x374: {  	v43 =	vld [tilespmem:s24+$0xFFFFFC40]  }
0x375: {  	v55 =	vld [tilespmem:s25+$0xFFFFFC10]  }
0x376: {  	v56 =	vld [tilespmem:s25+$0x10];
	v7 =	vadd.f32 v7, v8  }
0x377: {  	v59 =	vld [tilespmem:s25+$0x20];
	v10 =	vadd.f32 v10, v41  }
0x378: {  	v40 =	vld [tilespmem:s20+$0xFFFFFF30];
	v9 =	vadd.f32 v9, v11;
	v7 =	vmax.f32 v7, $0.0e+00  }
0x379: {  	v44 =	vld [tilespmem:s20+$0x330];
	v11 =	vadd.f32 v43, v42;
	v10 =	vmax.f32 v10, $0.0e+00;
	[tilespmem:s20+$0x320] =	vst v7  }
0x37a: {  	v14 =	vadd.f32 v53, v50;
	v7 =	vmax.f32 v9, $0.0e+00;
	[tilespmem:s20+$0xFFFFFF20] =	vst v10;
	v9 =	vld [tilespmem:s29+$0x4B0]  }
0x37b: {  	v10 =	vmax.f32 v11, $0.0e+00;
	[tilespmem:s8+$0x180] =	vst v7;
	v7 =	vld [tilespmem:s29+$0x430]  }
0x37c: {  	v14 =	vmax.f32 v14, $0.0e+00;
	[tilespmem:s8+$0xFFFFFD80] =	vst v10;
	v10 =	vld [tilespmem:s24+$0xFFFFFCD0]  }
0x37d: {  	[tilespmem:s25+$0xFFFFFC00] =	vst v14;
	v11 =	vld [tilespmem:s24+$0xFFFFFC50]  }
0x37e: {  	v58 =	vld [tilespmem:s31+$0xFFFFF810]  }
0x37f: {  	v34 =	vld [tilespmem:s20+$0xFFFFFF80];
	v9 =	vadd.f32 v9, v44  }
0x380: {  	v37 =	vld [tilespmem:s20+$0x380];
	v7 =	vadd.f32 v7, v40  }
0x381: {  	v54 =	vld [tilespmem:s8+$0x1B0];
	v10 =	vadd.f32 v10, v46;
	v9 =	vmax.f32 v9, $0.0e+00  }
0x382: {  	v1 =	vld [tilespmem:s20+$0xFFFFFFB0];
	v11 =	vadd.f32 v11, v45;
	v7 =	vmax.f32 v7, $0.0e+00;
	[tilespmem:s20+$0x330] =	vst v9  }
0x383: {  	v9 =	vmax.f32 v10, $0.0e+00;
	[tilespmem:s20+$0xFFFFFF30] =	vst v7;
	v7 =	vld [tilespmem:s29+$0x4C0]  }
0x384: {  	v10 =	vmax.f32 v11, $0.0e+00;
	[tilespmem:s8+$0x190] =	vst v9;
	v9 =	vld [tilespmem:s29+$0x440]  }
0x385: {  	[tilespmem:s8+$0xFFFFFD90] =	vst v10;
	v10 =	vld [tilespmem:s24+$0xFFFFFCE0]  }
0x386: {  	v11 =	vld [tilespmem:s24+$0xFFFFFC60]  }
0x387: {  	v0 =	vld [tilespmem:s20+$0x3B0]  }
0x388: {  	v2 =	vld [tilespmem:s20+$0xFFFFFFA0];
	v7 =	vadd.f32 v7, v37  }
0x389: {  	v3 =	vld [tilespmem:s20+$0x3A0];
	v9 =	vadd.f32 v9, v34  }
0x38a: {  	v4 =	vld [tilespmem:s20+$0xFFFFFF90];
	v10 =	vadd.f32 v10, v49;
	v7 =	vmax.f32 v7, $0.0e+00  }
0x38b: {  	v5 =	vld [tilespmem:s20+$0x390];
	v11 =	vadd.f32 v11, v48;
	v9 =	vmax.f32 v9, $0.0e+00;
	[tilespmem:s20+$0x380] =	vst v7  }
0x38c: {  	v7 =	vadd.f32 v51, v52;
	v10 =	vmax.f32 v10, $0.0e+00;
	[tilespmem:s20+$0xFFFFFF80] =	vst v9;
	v9 =	vld [tilespmem:s29+$0x4D0]  }
0x38d: {  	v11 =	vmax.f32 v11, $0.0e+00;
	[tilespmem:s8+$0x1A0] =	vst v10;
	v10 =	vld [tilespmem:s29+$0x450]  }
0x38e: {  	[tilespmem:s8+$0xFFFFFDA0] =	vst v11;
	v7 =	vmax.f32 v7, $0.0e+00;
	v11 =	vld [tilespmem:s24+$0xFFFFFCF0]  }
0x38f: {  	[tilespmem:s25+$0x0] =	vst v7;
	v7 =	vld [tilespmem:s24+$0xFFFFFC70]  }
0x390: {  	v57 =	vld [tilespmem:s31+$0xFFFFF890]  }
0x391: {  	v6 =	vld [tilespmem:s8+$0xFFFFFE10];
	v5 =	vadd.f32 v9, v5  }
0x392: {  	v8 =	vld [tilespmem:s8+$0xFFFFFE00];
	v4 =	vadd.f32 v10, v4  }
0x393: {  	v9 =	vld [tilespmem:s8+$0x200];
	v11 =	vadd.f32 v11, v54;
	v5 =	vmax.f32 v5, $0.0e+00  }
0x394: {  	v10 =	vld [tilespmem:s25+$0xFFFFFC20];
	v7 =	vadd.f32 v7, v47;
	v4 =	vmax.f32 v4, $0.0e+00;
	[tilespmem:s20+$0x390] =	vst v5  }
0x395: {  	v5 =	vadd.f32 v57, v56;
	v11 =	vmax.f32 v11, $0.0e+00;
	[tilespmem:s20+$0xFFFFFF90] =	vst v4;
	v4 =	vld [tilespmem:s29+$0x4E0]  }
0x396: {  	v12 =	vadd.f32 v58, v55;
	v7 =	vmax.f32 v7, $0.0e+00;
	[tilespmem:s8+$0x1B0] =	vst v11;
	v11 =	vld [tilespmem:s29+$0x460]  }
0x397: {  	v5 =	vmax.f32 v5, $0.0e+00;
	[tilespmem:s8+$0xFFFFFDB0] =	vst v7;
	v60 =	vld [tilespmem:s24+$0x80]  }
0x398: {  	v7 =	vmax.f32 v12, $0.0e+00;
	[tilespmem:s25+$0x10] =	vst v5;
	v5 =	vld [tilespmem:s24+$0x0]  }
0x399: {  	[tilespmem:s25+$0xFFFFFC10] =	vst v7;
	v61 =	vld [tilespmem:s31+$0xFFFFF8A0]  }
0x39a: {  	v62 =	vld [tilespmem:s31+$0xFFFFF820];
	v3 =	vadd.f32 v4, v3  }
0x39b: {  	v7 =	vld [tilespmem:s25+$0xFFFFFC30];
	v2 =	vadd.f32 v11, v2  }
0x39c: {  	v4 =	vld [tilespmem:s8+$0x210];
	v11 =	vadd.f32 v60, v9;
	v3 =	vmax.f32 v3, $0.0e+00  }
0x39d: {  	v9 =	vld [tilespmem:s25+$0x30];
	v5 =	vadd.f32 v5, v8;
	v2 =	vmax.f32 v2, $0.0e+00;
	[tilespmem:s20+$0x3A0] =	vst v3  }
0x39e: {  	v3 =	vadd.f32 v61, v59;
	v8 =	vmax.f32 v11, $0.0e+00;
	[tilespmem:s20+$0xFFFFFFA0] =	vst v2;
	v2 =	vld [tilespmem:s29+$0x4F0]  }
0x39f: {  	v10 =	vadd.f32 v62, v10;
	v5 =	vmax.f32 v5, $0.0e+00;
	[tilespmem:s8+$0x200] =	vst v8;
	v11 =	vld [tilespmem:s29+$0x470]  }
0x3a0: {  	v3 =	vmax.f32 v3, $0.0e+00;
	[tilespmem:s8+$0xFFFFFE00] =	vst v5;
	v5 =	vld [tilespmem:s24+$0x90]  }
0x3a1: {  	v8 =	vmax.f32 v10, $0.0e+00;
	[tilespmem:s25+$0x20] =	vst v3;
	v63 =	vld [tilespmem:s24+$0x10]  }
0x3a2: {  	[tilespmem:s25+$0xFFFFFC20] =	vst v8;
	v10 =	vld [tilespmem:s31+$0xFFFFF8B0]  }
0x3a3: {  	v8 =	vld [tilespmem:s31+$0xFFFFF830];
	v2 =	vadd.f32 v2, v0  }
0x3a4: {  	v3 =	vld [tilespmem:s8+$0xFFFFFE20];
	v1 =	vadd.f32 v11, v1  }
0x3a5: {  	v0 =	vld [tilespmem:s8+$0xFFFFFFB0];
	v5 =	vadd.f32 v5, v4;
	v11 =	vmax.f32 v2, $0.0e+00  }
0x3a6: {  	s19 =	simm.s32 $0x4;
	s29 =	simm.s32 $0x1BF80;
	v4 =	vld [tilespmem:s8+$0x220];
	v2 =	vadd.f32 v63, v6;
	v1 =	vmax.f32 v1, $0.0e+00;
	[tilespmem:s20+$0x3B0] =	vst v11  }
.LBB2_5:
0x3a7: {  	s19 =	sadd.s32 $0x2, s19;
	v6 =	vld [tilespmem:s25+$0xFFFFFC80];
	v9 =	vadd.f32 v10, v9;
	v5 =	vmax.f32 v5, $0.0e+00;
	[tilespmem:s20+$0xFFFFFFB0] =	vst v1;
	s20 =	smov.u32 s8;
	s8 =	smov.u32 s25  }
0x3a8: {  	p0 =	slt.u32 s19, $0x6;
	v1 =	vadd.f32 v8, v7;
	v7 =	vld [tilespmem:s25+$0x80];
	v2 =	vmax.f32 v2, $0.0e+00;
	[tilespmem:s20+$0x210] =	vst v5  }
0x3a9: {  	v5 =	vmax.f32 v9, $0.0e+00;
	[tilespmem:s20+$0xFFFFFE10] =	vst v2;
	v2 =	vld [tilespmem:s24+$0xA0]  }
0x3aa: {  	v1 =	vmax.f32 v1, $0.0e+00;
	[tilespmem:s25+$0x30] =	vst v5;
	v5 =	vld [tilespmem:s24+$0x20]  }
0x3ab: {  	[tilespmem:s25+$0xFFFFFC30] =	vst v1;
	v8 =	vld [tilespmem:s31+$0xFFFFF8C0]  }
0x3ac: {  	v9 =	vld [tilespmem:s31+$0xFFFFF840]  }
0x3ad: {  	v1 =	vld [tilespmem:s20+$0x3B0]  }
0x3ae: {  	v10 =	vld [tilespmem:s20+$0xFFFFFE30];
	v2 =	vadd.f32 v2, v4  }
0x3af: {  	v3 =	vadd.f32 v5, v3;
	v4 =	vld [tilespmem:s20+$0x230]  }
0x3b0: {  	v5 =	vld [tilespmem:s25+$0xFFFFFC90];
	v7 =	vadd.f32 v8, v7;
	v2 =	vmax.f32 v2, $0.0e+00  }
0x3b1: {  	v6 =	vadd.f32 v9, v6;
	v8 =	vld [tilespmem:s25+$0x90];
	v3 =	vmax.f32 v3, $0.0e+00;
	[tilespmem:s20+$0x220] =	vst v2  }
0x3b2: {  	v2 =	vmax.f32 v7, $0.0e+00;
	[tilespmem:s20+$0xFFFFFE20] =	vst v3;
	v3 =	vld [tilespmem:s24+$0xB0]  }
0x3b3: {  	v6 =	vmax.f32 v6, $0.0e+00;
	[tilespmem:s25+$0x80] =	vst v2;
	v7 =	vld [tilespmem:s24+$0x30]  }
0x3b4: {  	[tilespmem:s25+$0xFFFFFC80] =	vst v6;
	v6 =	vld [tilespmem:s31+$0xFFFFF8D0]  }
0x3b5: {  	v9 =	vld [tilespmem:s31+$0xFFFFF850]  }
0x3b6: {  	v2 =	vld [tilespmem:s20+$0xFFFFFFA0]  }
0x3b7: {  	v11 =	vld [tilespmem:s20+$0xFFFFFE80];
	v3 =	vadd.f32 v3, v4  }
0x3b8: {  	v4 =	vadd.f32 v7, v10;
	v7 =	vld [tilespmem:s20+$0x280]  }
0x3b9: {  	v10 =	vld [tilespmem:s25+$0xFFFFFCA0];
	v6 =	vadd.f32 v6, v8;
	v3 =	vmax.f32 v3, $0.0e+00  }
0x3ba: {  	v5 =	vadd.f32 v9, v5;
	v8 =	vld [tilespmem:s25+$0xA0];
	v4 =	vmax.f32 v4, $0.0e+00;
	[tilespmem:s20+$0x230] =	vst v3  }
0x3bb: {  	v3 =	vmax.f32 v6, $0.0e+00;
	[tilespmem:s20+$0xFFFFFE30] =	vst v4;
	v4 =	vld [tilespmem:s24+$0xC0]  }
0x3bc: {  	v5 =	vmax.f32 v5, $0.0e+00;
	[tilespmem:s25+$0x90] =	vst v3;
	v6 =	vld [tilespmem:s24+$0x40]  }
0x3bd: {  	[tilespmem:s25+$0xFFFFFC90] =	vst v5;
	v5 =	vld [tilespmem:s31+$0xFFFFF8E0]  }
0x3be: {  	v9 =	vld [tilespmem:s31+$0xFFFFF860]  }
0x3bf: {  	v3 =	vld [tilespmem:s20+$0x3A0]  }
0x3c0: {  	v12 =	vld [tilespmem:s20+$0xFFFFFE90];
	v4 =	vadd.f32 v4, v7  }
0x3c1: {  	v6 =	vadd.f32 v6, v11;
	v7 =	vld [tilespmem:s20+$0x290]  }
0x3c2: {  	v11 =	vld [tilespmem:s25+$0xFFFFFCB0];
	v5 =	vadd.f32 v5, v8;
	v4 =	vmax.f32 v4, $0.0e+00  }
0x3c3: {  	v8 =	vadd.f32 v9, v10;
	v9 =	vld [tilespmem:s25+$0xB0];
	v6 =	vmax.f32 v6, $0.0e+00;
	[tilespmem:s20+$0x280] =	vst v4  }
0x3c4: {  	v4 =	vmax.f32 v5, $0.0e+00;
	[tilespmem:s20+$0xFFFFFE80] =	vst v6;
	v5 =	vld [tilespmem:s24+$0xD0]  }
0x3c5: {  	v6 =	vmax.f32 v8, $0.0e+00;
	[tilespmem:s25+$0xA0] =	vst v4;
	v8 =	vld [tilespmem:s24+$0x50]  }
0x3c6: {  	[tilespmem:s25+$0xFFFFFCA0] =	vst v6;
	v6 =	vld [tilespmem:s31+$0xFFFFF8F0]  }
0x3c7: {  	v10 =	vld [tilespmem:s31+$0xFFFFF870]  }
0x3c8: {  	v4 =	vld [tilespmem:s20+$0xFFFFFF90]  }
0x3c9: {  	v13 =	vld [tilespmem:s20+$0xFFFFFEA0];
	v5 =	vadd.f32 v5, v7  }
0x3ca: {  	v7 =	vadd.f32 v8, v12;
	v8 =	vld [tilespmem:s20+$0x2A0]  }
0x3cb: {  	v12 =	vld [tilespmem:s25+$0xFFFFFD00];
	v6 =	vadd.f32 v6, v9;
	v5 =	vmax.f32 v5, $0.0e+00  }
0x3cc: {  	v9 =	vadd.f32 v10, v11;
	v10 =	vld [tilespmem:s25+$0x100];
	v7 =	vmax.f32 v7, $0.0e+00;
	[tilespmem:s20+$0x290] =	vst v5  }
0x3cd: {  	v5 =	vmax.f32 v6, $0.0e+00;
	[tilespmem:s20+$0xFFFFFE90] =	vst v7;
	v6 =	vld [tilespmem:s24+$0xE0]  }
0x3ce: {  	v7 =	vmax.f32 v9, $0.0e+00;
	[tilespmem:s25+$0xB0] =	vst v5;
	v9 =	vld [tilespmem:s24+$0x60]  }
0x3cf: {  	[tilespmem:s25+$0xFFFFFCB0] =	vst v7;
	v7 =	vld [tilespmem:s31+$0xFFFFFC80]  }
0x3d0: {  	v11 =	vld [tilespmem:s31+$0xFFFFFC00]  }
0x3d1: {  	v5 =	vld [tilespmem:s20+$0x390]  }
0x3d2: {  	v14 =	vld [tilespmem:s20+$0xFFFFFEB0];
	v6 =	vadd.f32 v6, v8  }
0x3d3: {  	v8 =	vadd.f32 v9, v13;
	v9 =	vld [tilespmem:s20+$0x2B0]  }
0x3d4: {  	v13 =	vld [tilespmem:s25+$0xFFFFFD10];
	v7 =	vadd.f32 v7, v10;
	v6 =	vmax.f32 v6, $0.0e+00  }
0x3d5: {  	v10 =	vadd.f32 v11, v12;
	v11 =	vld [tilespmem:s25+$0x110];
	v8 =	vmax.f32 v8, $0.0e+00;
	[tilespmem:s20+$0x2A0] =	vst v6  }
0x3d6: {  	v6 =	vmax.f32 v7, $0.0e+00;
	[tilespmem:s20+$0xFFFFFEA0] =	vst v8;
	v8 =	vld [tilespmem:s24+$0xF0]  }
0x3d7: {  	v7 =	vmax.f32 v10, $0.0e+00;
	[tilespmem:s25+$0x100] =	vst v6;
	v6 =	vld [tilespmem:s24+$0x70]  }
0x3d8: {  	[tilespmem:s25+$0xFFFFFD00] =	vst v7;
	v10 =	vld [tilespmem:s31+$0xFFFFFC90]  }
0x3d9: {  	v12 =	vld [tilespmem:s31+$0xFFFFFC10]  }
0x3da: {  	v7 =	vld [tilespmem:s20+$0xFFFFFF80]  }
0x3db: {  	v15 =	vld [tilespmem:s20+$0xFFFFFF00];
	v8 =	vadd.f32 v8, v9  }
0x3dc: {  	v6 =	vadd.f32 v6, v14;
	v9 =	vld [tilespmem:s20+$0x300]  }
0x3dd: {  	v14 =	vld [tilespmem:s25+$0xFFFFFD20];
	v10 =	vadd.f32 v10, v11;
	v8 =	vmax.f32 v8, $0.0e+00  }
0x3de: {  	v11 =	vadd.f32 v12, v13;
	v12 =	vld [tilespmem:s25+$0x120];
	v6 =	vmax.f32 v6, $0.0e+00;
	[tilespmem:s20+$0x2B0] =	vst v8  }
0x3df: {  	v8 =	vmax.f32 v10, $0.0e+00;
	[tilespmem:s20+$0xFFFFFEB0] =	vst v6;
	v6 =	vld [tilespmem:s24+$0x480]  }
0x3e0: {  	v10 =	vmax.f32 v11, $0.0e+00;
	[tilespmem:s25+$0x110] =	vst v8;
	v8 =	vld [tilespmem:s24+$0x400]  }
0x3e1: {  	[tilespmem:s25+$0xFFFFFD10] =	vst v10;
	v10 =	vld [tilespmem:s31+$0xFFFFFCA0]  }
0x3e2: {  	v11 =	vld [tilespmem:s31+$0xFFFFFC20]  }
0x3e3: {  	v13 =	vld [tilespmem:s20+$0x380]  }
0x3e4: {  	v16 =	vld [tilespmem:s20+$0xFFFFFF10];
	v6 =	vadd.f32 v6, v9  }
0x3e5: {  	v8 =	vadd.f32 v8, v15;
	v9 =	vld [tilespmem:s20+$0x310]  }
0x3e6: {  	v15 =	vld [tilespmem:s25+$0xFFFFFD30];
	v10 =	vadd.f32 v10, v12;
	v6 =	vmax.f32 v6, $0.0e+00  }
0x3e7: {  	v11 =	vadd.f32 v11, v14;
	v12 =	vld [tilespmem:s25+$0x130];
	v8 =	vmax.f32 v8, $0.0e+00;
	[tilespmem:s20+$0x300] =	vst v6  }
0x3e8: {  	v6 =	vmax.f32 v10, $0.0e+00;
	[tilespmem:s20+$0xFFFFFF00] =	vst v8;
	v8 =	vld [tilespmem:s24+$0x490]  }
0x3e9: {  	v10 =	vmax.f32 v11, $0.0e+00;
	[tilespmem:s25+$0x120] =	vst v6;
	v6 =	vld [tilespmem:s24+$0x410]  }
0x3ea: {  	[tilespmem:s25+$0xFFFFFD20] =	vst v10;
	v10 =	vld [tilespmem:s31+$0xFFFFFCB0]  }
0x3eb: {  	v11 =	vld [tilespmem:s31+$0xFFFFFC30]  }
0x3ec: {  	v14 =	vld [tilespmem:s20+$0xFFFFFF30]  }
0x3ed: {  	v17 =	vld [tilespmem:s20+$0xFFFFFF20];
	v8 =	vadd.f32 v8, v9  }
0x3ee: {  	v6 =	vadd.f32 v6, v16;
	v9 =	vld [tilespmem:s20+$0x320]  }
0x3ef: {  	v16 =	vld [tilespmem:s25+$0xFFFFFD80];
	v10 =	vadd.f32 v10, v12;
	v8 =	vmax.f32 v8, $0.0e+00  }
0x3f0: {  	v11 =	vadd.f32 v11, v15;
	v12 =	vld [tilespmem:s25+$0x180];
	v6 =	vmax.f32 v6, $0.0e+00;
	[tilespmem:s20+$0x310] =	vst v8  }
0x3f1: {  	v8 =	vmax.f32 v10, $0.0e+00;
	[tilespmem:s20+$0xFFFFFF10] =	vst v6;
	v10 =	vld [tilespmem:s24+$0x4A0]  }
0x3f2: {  	v6 =	vmax.f32 v11, $0.0e+00;
	[tilespmem:s25+$0x130] =	vst v8;
	v11 =	vld [tilespmem:s24+$0x420]  }
0x3f3: {  	[tilespmem:s25+$0xFFFFFD30] =	vst v6;
	v15 =	vld [tilespmem:s31+$0xFFFFFCC0]  }
0x3f4: {  	v18 =	vld [tilespmem:s31+$0xFFFFFC40]  }
0x3f5: {  	v19 =	vld [tilespmem:s20+$0x330]  }
0x3f6: {  	v6 =	vld [tilespmem:s25+$0xFFFFFE10];
	v9 =	vadd.f32 v10, v9  }
0x3f7: {  	v8 =	vld [tilespmem:s25+$0xFFFFFE00];
	v10 =	vadd.f32 v11, v17  }
0x3f8: {  	v11 =	vld [tilespmem:s25+$0xFFFFFD90];
	v12 =	vadd.f32 v15, v12;
	v9 =	vmax.f32 v9, $0.0e+00  }
0x3f9: {  	v15 =	vadd.f32 v18, v16;
	v16 =	vld [tilespmem:s25+$0x190];
	v10 =	vmax.f32 v10, $0.0e+00;
	[tilespmem:s20+$0x320] =	vst v9  }
0x3fa: {  	v9 =	vmax.f32 v12, $0.0e+00;
	[tilespmem:s20+$0xFFFFFF20] =	vst v10;
	v10 =	vld [tilespmem:s24+$0x4B0]  }
0x3fb: {  	v12 =	vmax.f32 v15, $0.0e+00;
	[tilespmem:s25+$0x180] =	vst v9;
	v9 =	vld [tilespmem:s24+$0x430]  }
0x3fc: {  	[tilespmem:s25+$0xFFFFFD80] =	vst v12;
	v12 =	vld [tilespmem:s31+$0xFFFFFCD0]  }
0x3fd: {  	v15 =	vld [tilespmem:s31+$0xFFFFFC50]  }
0x3fe: {  	v17 =	vld [tilespmem:s25+$0xFFFFFDB0]  }
0x3ff: {  	v18 =	vld [tilespmem:s25+$0xFFFFFDA0];
	v10 =	vadd.f32 v10, v19  }
0x400: {  	s25 =	sadd.s32 $0x800, s25;
	v19 =	vld [tilespmem:s8+$0x1A0];
	v9 =	vadd.f32 v9, v14  }
0x401: {  	s31 =	sadd.s32 $0x100, s31;
	v14 =	vld [tilespmem:s25+$0xFFFFFC00];
	v12 =	vadd.f32 v12, v16;
	v10 =	vmax.f32 v10, $0.0e+00  }
0x402: {  	v16 =	vld [tilespmem:s31+$0xFFFFF880];
	v11 =	vadd.f32 v15, v11;
	v9 =	vmax.f32 v9, $0.0e+00;
	[tilespmem:s20+$0x330] =	vst v10  }
0x403: {  	v10 =	vmax.f32 v12, $0.0e+00;
	[tilespmem:s20+$0xFFFFFF30] =	vst v9;
	v9 =	vld [tilespmem:s24+$0x4C0]  }
0x404: {  	v11 =	vmax.f32 v11, $0.0e+00;
	[tilespmem:s8+$0x190] =	vst v10;
	v10 =	vld [tilespmem:s24+$0x440]  }
0x405: {  	[tilespmem:s8+$0xFFFFFD90] =	vst v11;
	v11 =	vld [tilespmem:s29+$0xFFFFFCE0]  }
0x406: {  	v12 =	vld [tilespmem:s29+$0xFFFFFC60]  }
0x407: {  	v15 =	vld [tilespmem:s25+$0x0]  }
0x408: {  	v20 =	vld [tilespmem:s31+$0xFFFFF800];
	v9 =	vadd.f32 v9, v13  }
0x409: {  	v13 =	vld [tilespmem:s8+$0x1B0];
	v7 =	vadd.f32 v10, v7  }
0x40a: {  	v10 =	vld [tilespmem:s25+$0xFFFFFC10];
	v11 =	vadd.f32 v11, v19;
	v9 =	vmax.f32 v9, $0.0e+00  }
0x40b: {  	v19 =	vld [tilespmem:s25+$0x10];
	v12 =	vadd.f32 v12, v18;
	v7 =	vmax.f32 v7, $0.0e+00;
	[tilespmem:s20+$0x380] =	vst v9  }
0x40c: {  	v9 =	vadd.f32 v16, v15;
	v11 =	vmax.f32 v11, $0.0e+00;
	[tilespmem:s20+$0xFFFFFF80] =	vst v7;
	v7 =	vld [tilespmem:s24+$0x4D0]  }
0x40d: {  	v14 =	vadd.f32 v20, v14;
	v12 =	vmax.f32 v12, $0.0e+00;
	[tilespmem:s8+$0x1A0] =	vst v11;
	v11 =	vld [tilespmem:s24+$0x450]  }
0x40e: {  	v9 =	vmax.f32 v9, $0.0e+00;
	[tilespmem:s8+$0xFFFFFDA0] =	vst v12;
	v12 =	vld [tilespmem:s29+$0xFFFFFCF0]  }
0x40f: {  	v14 =	vmax.f32 v14, $0.0e+00;
	[tilespmem:s25+$0x0] =	vst v9;
	v9 =	vld [tilespmem:s29+$0xFFFFFC70]  }
0x410: {  	[tilespmem:s25+$0xFFFFFC00] =	vst v14;
	v14 =	vld [tilespmem:s31+$0xFFFFF890]  }
0x411: {  	v15 =	vld [tilespmem:s31+$0xFFFFF810];
	v5 =	vadd.f32 v7, v5  }
0x412: {  	v16 =	vld [tilespmem:s8+$0x200];
	v4 =	vadd.f32 v11, v4  }
0x413: {  	v11 =	vld [tilespmem:s25+$0xFFFFFC20];
	v7 =	vadd.f32 v12, v13;
	v5 =	vmax.f32 v5, $0.0e+00  }
0x414: {  	v12 =	vld [tilespmem:s25+$0x20];
	v9 =	vadd.f32 v9, v17;
	v4 =	vmax.f32 v4, $0.0e+00;
	[tilespmem:s20+$0x390] =	vst v5  }
0x415: {  	v5 =	vadd.f32 v14, v19;
	v7 =	vmax.f32 v7, $0.0e+00;
	[tilespmem:s20+$0xFFFFFF90] =	vst v4;
	v4 =	vld [tilespmem:s24+$0x4E0]  }
0x416: {  	v10 =	vadd.f32 v15, v10;
	v9 =	vmax.f32 v9, $0.0e+00;
	[tilespmem:s8+$0x1B0] =	vst v7;
	v7 =	vld [tilespmem:s24+$0x460]  }
0x417: {  	v5 =	vmax.f32 v5, $0.0e+00;
	[tilespmem:s8+$0xFFFFFDB0] =	vst v9;
	v9 =	vld [tilespmem:s29+$0x80]  }
0x418: {  	v10 =	vmax.f32 v10, $0.0e+00;
	[tilespmem:s25+$0x10] =	vst v5;
	v5 =	vld [tilespmem:s29+$0x0]  }
0x419: {  	[tilespmem:s25+$0xFFFFFC10] =	vst v10;
	v10 =	vld [tilespmem:s31+$0xFFFFF8A0]  }
0x41a: {  	v13 =	vld [tilespmem:s31+$0xFFFFF820];
	v3 =	vadd.f32 v4, v3  }
0x41b: {  	v4 =	vld [tilespmem:s8+$0x210];
	v2 =	vadd.f32 v7, v2  }
0x41c: {  	v7 =	vld [tilespmem:s25+$0xFFFFFC30];
	v14 =	vadd.f32 v9, v16;
	v3 =	vmax.f32 v3, $0.0e+00  }
0x41d: {  	v9 =	vld [tilespmem:s25+$0x30];
	v5 =	vadd.f32 v5, v8;
	v2 =	vmax.f32 v2, $0.0e+00;
	[tilespmem:s20+$0x3A0] =	vst v3  }
0x41e: {  	v3 =	vadd.f32 v10, v12;
	v8 =	vmax.f32 v14, $0.0e+00;
	[tilespmem:s20+$0xFFFFFFA0] =	vst v2;
	v2 =	vld [tilespmem:s24+$0x4F0]  }
0x41f: {  	v10 =	vadd.f32 v13, v11;
	v5 =	vmax.f32 v5, $0.0e+00;
	[tilespmem:s8+$0x200] =	vst v8;
	v11 =	vld [tilespmem:s24+$0x470];
	s24 =	smov.u32 s29;
	s29 =	smov.u32 s31  }
0x420: {  	v3 =	vmax.f32 v3, $0.0e+00;
	[tilespmem:s8+$0xFFFFFE00] =	vst v5;
	v5 =	vld [tilespmem:s24+$0x90]  }
0x421: {  	v8 =	vmax.f32 v10, $0.0e+00;
	[tilespmem:s25+$0x20] =	vst v3;
	v12 =	vld [tilespmem:s24+$0x10]  }
.Ltmp1:
0x422: {  	[tilespmem:s25+$0xFFFFFC20] =	vst v8;
	v10 =	vld [tilespmem:s31+$0xFFFFF8B0];
	(pc) =	sbr.rel @p0 .LBB2_5-.Ltmp1, $4  }
0x423: {  	v8 =	vld [tilespmem:s31+$0xFFFFF830];
	v1 =	vadd.f32 v2, v1  }
0x424: {  	v11 =	vadd.f32 v11, v0;
	v0 =	vld [tilespmem:s8+$0xFFFFFFB0]  }
0x425: {  	v3 =	vld [tilespmem:s8+$0xFFFFFE20];
	v5 =	vadd.f32 v5, v4;
	v13 =	vmax.f32 v1, $0.0e+00  }
0x426: {  	v2 =	vadd.f32 v12, v6;
	v4 =	vld [tilespmem:s8+$0x220];
	v1 =	vmax.f32 v11, $0.0e+00;
	[tilespmem:s20+$0x3B0] =	vst v13  }
0x427: {  	v6 =	vadd.f32 v10, v9  }
0x428: {  	v7 =	vadd.f32 v8, v7  }
0x429: {  	v19 =	vld [tilespmem:s25+$0x80];
	v6 =	vmax.f32 v6, $0.0e+00  }
0x42a: {  	v20 =	vld [tilespmem:s25+$0xFFFFFC80];
	v7 =	vmax.f32 v7, $0.0e+00;
	[tilespmem:s25+$0x30] =	vst v6  }
0x42b: {  	[tilespmem:s25+$0xFFFFFC30] =	vst v7;
	v6 =	vld [tilespmem:s31+$0xFFFFF8C0]  }
0x42c: {  	v7 =	vld [tilespmem:s31+$0xFFFFF840];
	_ =	sdelay $0x3  }
0x42d: {  	v6 =	vadd.f32 v6, v19  }
0x42e: {  	v7 =	vadd.f32 v7, v20  }
0x42f: {  	v21 =	vld [tilespmem:s25+$0x90];
	v6 =	vmax.f32 v6, $0.0e+00  }
0x430: {  	v22 =	vld [tilespmem:s25+$0xFFFFFC90];
	v7 =	vmax.f32 v7, $0.0e+00;
	[tilespmem:s25+$0x80] =	vst v6  }
0x431: {  	[tilespmem:s25+$0xFFFFFC80] =	vst v7;
	v6 =	vld [tilespmem:s31+$0xFFFFF8D0]  }
0x432: {  	v7 =	vld [tilespmem:s31+$0xFFFFF850];
	_ =	sdelay $0x3  }
0x433: {  	v6 =	vadd.f32 v6, v21  }
0x434: {  	v7 =	vadd.f32 v7, v22  }
0x435: {  	v23 =	vld [tilespmem:s25+$0xA0];
	v6 =	vmax.f32 v6, $0.0e+00  }
0x436: {  	v24 =	vld [tilespmem:s25+$0xFFFFFCA0];
	v7 =	vmax.f32 v7, $0.0e+00;
	[tilespmem:s25+$0x90] =	vst v6  }
0x437: {  	[tilespmem:s25+$0xFFFFFC90] =	vst v7;
	v6 =	vld [tilespmem:s31+$0xFFFFF8E0]  }
0x438: {  	v7 =	vld [tilespmem:s31+$0xFFFFF860];
	_ =	sdelay $0x3  }
0x439: {  	v6 =	vadd.f32 v6, v23  }
0x43a: {  	v7 =	vadd.f32 v7, v24  }
0x43b: {  	v25 =	vld [tilespmem:s25+$0xB0];
	v6 =	vmax.f32 v6, $0.0e+00  }
0x43c: {  	v26 =	vld [tilespmem:s25+$0xFFFFFCB0];
	v7 =	vmax.f32 v7, $0.0e+00;
	[tilespmem:s25+$0xA0] =	vst v6  }
0x43d: {  	[tilespmem:s25+$0xFFFFFCA0] =	vst v7;
	v6 =	vld [tilespmem:s31+$0xFFFFF8F0]  }
0x43e: {  	v7 =	vld [tilespmem:s31+$0xFFFFF870];
	_ =	sdelay $0x3  }
0x43f: {  	v6 =	vadd.f32 v6, v25  }
0x440: {  	v7 =	vadd.f32 v7, v26  }
0x441: {  	v27 =	vld [tilespmem:s25+$0x100];
	v6 =	vmax.f32 v6, $0.0e+00  }
0x442: {  	v28 =	vld [tilespmem:s25+$0xFFFFFD00];
	v7 =	vmax.f32 v7, $0.0e+00;
	[tilespmem:s25+$0xB0] =	vst v6  }
0x443: {  	[tilespmem:s25+$0xFFFFFCB0] =	vst v7;
	v6 =	vld [tilespmem:s31+$0xFFFFFC80]  }
0x444: {  	v7 =	vld [tilespmem:s31+$0xFFFFFC00];
	_ =	sdelay $0x3  }
0x445: {  	v6 =	vadd.f32 v6, v27  }
0x446: {  	v7 =	vadd.f32 v7, v28  }
0x447: {  	v29 =	vld [tilespmem:s25+$0x110];
	v6 =	vmax.f32 v6, $0.0e+00  }
0x448: {  	v30 =	vld [tilespmem:s25+$0xFFFFFD10];
	v7 =	vmax.f32 v7, $0.0e+00;
	[tilespmem:s25+$0x100] =	vst v6  }
0x449: {  	[tilespmem:s25+$0xFFFFFD00] =	vst v7;
	v6 =	vld [tilespmem:s31+$0xFFFFFC90]  }
0x44a: {  	v7 =	vld [tilespmem:s31+$0xFFFFFC10];
	_ =	sdelay $0x3  }
0x44b: {  	v6 =	vadd.f32 v6, v29  }
0x44c: {  	v7 =	vadd.f32 v7, v30  }
0x44d: {  	v31 =	vld [tilespmem:s25+$0x120];
	v6 =	vmax.f32 v6, $0.0e+00  }
0x44e: {  	v32 =	vld [tilespmem:s25+$0xFFFFFD20];
	v7 =	vmax.f32 v7, $0.0e+00;
	[tilespmem:s25+$0x110] =	vst v6  }
0x44f: {  	[tilespmem:s25+$0xFFFFFD10] =	vst v7;
	v6 =	vld [tilespmem:s31+$0xFFFFFCA0]  }
0x450: {  	v7 =	vld [tilespmem:s31+$0xFFFFFC20];
	_ =	sdelay $0x3  }
0x451: {  	v6 =	vadd.f32 v6, v31  }
0x452: {  	v7 =	vadd.f32 v7, v32  }
0x453: {  	v33 =	vld [tilespmem:s25+$0x130];
	v6 =	vmax.f32 v6, $0.0e+00  }
0x454: {  	v34 =	vld [tilespmem:s25+$0xFFFFFD30];
	v7 =	vmax.f32 v7, $0.0e+00;
	[tilespmem:s25+$0x120] =	vst v6  }
0x455: {  	[tilespmem:s25+$0xFFFFFD20] =	vst v7;
	v6 =	vld [tilespmem:s31+$0xFFFFFCB0]  }
0x456: {  	v7 =	vld [tilespmem:s31+$0xFFFFFC30];
	_ =	sdelay $0x3  }
0x457: {  	v6 =	vadd.f32 v6, v33  }
0x458: {  	v7 =	vadd.f32 v7, v34  }
0x459: {  	v35 =	vld [tilespmem:s25+$0x180];
	v6 =	vmax.f32 v6, $0.0e+00  }
0x45a: {  	v36 =	vld [tilespmem:s25+$0xFFFFFD80];
	v7 =	vmax.f32 v7, $0.0e+00;
	[tilespmem:s25+$0x130] =	vst v6  }
0x45b: {  	[tilespmem:s25+$0xFFFFFD30] =	vst v7;
	v6 =	vld [tilespmem:s31+$0xFFFFFCC0]  }
0x45c: {  	v7 =	vld [tilespmem:s31+$0xFFFFFC40];
	_ =	sdelay $0x3  }
0x45d: {  	v6 =	vadd.f32 v6, v35  }
0x45e: {  	v7 =	vadd.f32 v7, v36  }
0x45f: {  	v39 =	vld [tilespmem:s25+$0x190];
	v6 =	vmax.f32 v6, $0.0e+00  }
0x460: {  	v11 =	vld [tilespmem:s25+$0xFFFFFD90];
	v7 =	vmax.f32 v7, $0.0e+00;
	[tilespmem:s25+$0x180] =	vst v6  }
0x461: {  	[tilespmem:s25+$0xFFFFFD80] =	vst v7;
	v6 =	vld [tilespmem:s31+$0xFFFFFCD0]  }
0x462: {  	v7 =	vld [tilespmem:s31+$0xFFFFFC50];
	_ =	sdelay $0x3  }
0x463: {  	v6 =	vadd.f32 v6, v39  }
0x464: {  	v7 =	vadd.f32 v7, v11  }
0x465: {  	v41 =	vld [tilespmem:s25+$0x1A0];
	v6 =	vmax.f32 v6, $0.0e+00  }
0x466: {  	v12 =	vld [tilespmem:s25+$0xFFFFFDA0];
	v7 =	vmax.f32 v7, $0.0e+00;
	[tilespmem:s25+$0x190] =	vst v6  }
0x467: {  	[tilespmem:s25+$0xFFFFFD90] =	vst v7;
	v6 =	vld [tilespmem:s29+$0xFFFFFCE0]  }
0x468: {  	v7 =	vld [tilespmem:s29+$0xFFFFFC60];
	_ =	sdelay $0x3  }
0x469: {  	v6 =	vadd.f32 v6, v41  }
0x46a: {  	v7 =	vadd.f32 v7, v12  }
0x46b: {  	v40 =	vld [tilespmem:s25+$0xFFFFFDB0];
	v6 =	vmax.f32 v6, $0.0e+00  }
0x46c: {  	v42 =	vld [tilespmem:s25+$0x1B0];
	v7 =	vmax.f32 v7, $0.0e+00;
	[tilespmem:s25+$0x1A0] =	vst v6  }
0x46d: {  	[tilespmem:s25+$0xFFFFFDA0] =	vst v7;
	v6 =	vld [tilespmem:s29+$0xFFFFFCF0]  }
0x46e: {  	v7 =	vld [tilespmem:s29+$0xFFFFFC70];
	_ =	sdelay $0x3  }
0x46f: {  	v6 =	vadd.f32 v6, v42  }
0x470: {  	v7 =	vadd.f32 v7, v40  }
0x471: {  	v38 =	vld [tilespmem:s25+$0xFFFFFE00];
	v6 =	vmax.f32 v6, $0.0e+00  }
0x472: {  	v43 =	vld [tilespmem:s25+$0x200];
	v7 =	vmax.f32 v7, $0.0e+00;
	[tilespmem:s25+$0x1B0] =	vst v6  }
0x473: {  	[tilespmem:s25+$0xFFFFFDB0] =	vst v7;
	v6 =	vld [tilespmem:s29+$0x80]  }
0x474: {  	v7 =	vld [tilespmem:s29+$0x0];
	_ =	sdelay $0x2  }
0x475: {  	v5 =	vmax.f32 v5, $0.0e+00  }
0x476: {  	[tilespmem:s8+$0x210] =	vst v5;
	v5 =	vadd.f32 v6, v43  }
0x477: {  	v37 =	vld [tilespmem:s25+$0xFFFFFE10];
	v7 =	vadd.f32 v7, v38  }
0x478: {  	v44 =	vld [tilespmem:s24+$0xA0];
	v49 =	vmax.f32 v5, $0.0e+00  }
0x479: {  	v48 =	vld [tilespmem:s25+$0x210];
	v7 =	vmax.f32 v7, $0.0e+00;
	[tilespmem:s25+$0x200] =	vst v49  }
0x47a: {  	[tilespmem:s25+$0xFFFFFE00] =	vst v7;
	v51 =	vld [tilespmem:s29+$0x90]  }
0x47b: {  	v52 =	vld [tilespmem:s29+$0x10];
	_ =	sdelay $0x1  }
0x47c: {  	v2 =	vmax.f32 v2, $0.0e+00;
	v4 =	vadd.f32 v44, v4  }
0x47d: {  	v47 =	vld [tilespmem:s8+$0x230];
	[tilespmem:s8+$0xFFFFFE10] =	vst v2  }
0x47e: {  	v45 =	vld [tilespmem:s24+$0x20];
	v4 =	vmax.f32 v4, $0.0e+00;
	v7 =	vadd.f32 v51, v48  }
0x47f: {  	v55 =	vld [tilespmem:s25+$0x220];
	[tilespmem:s8+$0x220] =	vst v4;
	v54 =	vadd.f32 v52, v37  }
0x480: {  	v50 =	vld [tilespmem:s24+$0xB0];
	v56 =	vmax.f32 v7, $0.0e+00  }
0x481: {  	v58 =	vld [tilespmem:s25+$0xFFFFFE20];
	v8 =	vmax.f32 v54, $0.0e+00;
	[tilespmem:s25+$0x210] =	vst v56  }
0x482: {  	[tilespmem:s25+$0xFFFFFE10] =	vst v8;
	v59 =	vld [tilespmem:s29+$0xA0]  }
0x483: {  	v3 =	vadd.f32 v45, v3;
	v61 =	vld [tilespmem:s29+$0x20];
	_ =	sdelay $0x1  }
0x484: {  	v46 =	vld [tilespmem:s8+$0xFFFFFE30];
	v3 =	vmax.f32 v3, $0.0e+00;
	v5 =	vadd.f32 v50, v47  }
0x485: {  	v14 =	vld [tilespmem:s8+$0x280];
	[tilespmem:s8+$0xFFFFFE20] =	vst v3  }
0x486: {  	v53 =	vld [tilespmem:s24+$0x30];
	v5 =	vmax.f32 v5, $0.0e+00;
	v8 =	vadd.f32 v59, v55  }
0x487: {  	v16 =	vld [tilespmem:s25+$0x230];
	[tilespmem:s8+$0x230] =	vst v5;
	v7 =	vadd.f32 v61, v58  }
0x488: {  	v62 =	vld [tilespmem:s24+$0xC0];
	v8 =	vmax.f32 v8, $0.0e+00  }
0x489: {  	v18 =	vld [tilespmem:s25+$0xFFFFFE30];
	v7 =	vmax.f32 v7, $0.0e+00;
	[tilespmem:s25+$0x220] =	vst v8  }
0x48a: {  	[tilespmem:s25+$0xFFFFFE20] =	vst v7;
	v20 =	vld [tilespmem:s29+$0xB0]  }
0x48b: {  	v57 =	vadd.f32 v53, v46;
	v21 =	vld [tilespmem:s29+$0x30];
	_ =	sdelay $0x1  }
0x48c: {  	v13 =	vld [tilespmem:s8+$0xFFFFFE80];
	v60 =	vmax.f32 v57, $0.0e+00;
	v17 =	vadd.f32 v62, v14  }
0x48d: {  	v15 =	vld [tilespmem:s8+$0x290];
	[tilespmem:s8+$0xFFFFFE30] =	vst v60  }
0x48e: {  	v63 =	vld [tilespmem:s24+$0x40];
	v10 =	vmax.f32 v17, $0.0e+00;
	v9 =	vadd.f32 v20, v16  }
0x48f: {  	v24 =	vld [tilespmem:s25+$0x280];
	[tilespmem:s8+$0x280] =	vst v10;
	v11 =	vadd.f32 v21, v18  }
0x490: {  	v10 =	vld [tilespmem:s24+$0xD0];
	v9 =	vmax.f32 v9, $0.0e+00  }
0x491: {  	v16 =	vld [tilespmem:s25+$0xFFFFFE80];
	v11 =	vmax.f32 v11, $0.0e+00;
	[tilespmem:s25+$0x230] =	vst v9  }
0x492: {  	[tilespmem:s25+$0xFFFFFE30] =	vst v11;
	v26 =	vld [tilespmem:s29+$0xC0]  }
0x493: {  	v28 =	vld [tilespmem:s29+$0x40];
	_ =	sdelay $0x2  }
0x494: {  	v19 =	vadd.f32 v63, v13  }
0x495: {  	v22 =	vld [tilespmem:s8+$0xFFFFFE90];
	v25 =	vadd.f32 v10, v15;
	v10 =	vadd.f32 v26, v24  }
0x496: {  	v33 =	vld [tilespmem:s25+$0x290];
	v8 =	vmax.f32 v19, $0.0e+00;
	v32 =	vadd.f32 v28, v16  }
0x497: {  	v34 =	vld [tilespmem:s25+$0xFFFFFE90];
	[tilespmem:s8+$0xFFFFFE80] =	vst v8;
	v10 =	vmax.f32 v10, $0.0e+00  }
0x498: {  	v23 =	vld [tilespmem:s24+$0x50];
	v12 =	vmax.f32 v32, $0.0e+00;
	[tilespmem:s25+$0x280] =	vst v10  }
0x499: {  	[tilespmem:s25+$0xFFFFFE80] =	vst v12;
	v35 =	vld [tilespmem:s29+$0xD0]  }
0x49a: {  	v36 =	vld [tilespmem:s29+$0x50];
	_ =	sdelay $0x1  }
0x49b: {  	v29 =	vld [tilespmem:s8+$0x2A0]  }
0x49c: {  	v30 =	vld [tilespmem:s8+$0xFFFFFEA0];
	v27 =	vadd.f32 v23, v22  }
0x49d: {  	v39 =	vld [tilespmem:s25+$0x2A0];
	v9 =	vmax.f32 v25, $0.0e+00;
	v12 =	vadd.f32 v35, v33  }
0x49e: {  	v40 =	vld [tilespmem:s25+$0xFFFFFEA0];
	v11 =	vmax.f32 v27, $0.0e+00;
	[tilespmem:s8+$0x290] =	vst v9;
	v37 =	vadd.f32 v36, v34  }
0x49f: {  	[tilespmem:s8+$0xFFFFFE90] =	vst v11;
	v31 =	vld [tilespmem:s24+$0xE0];
	v12 =	vmax.f32 v12, $0.0e+00  }
0x4a0: {  	v17 =	vld [tilespmem:s24+$0x60];
	v13 =	vmax.f32 v37, $0.0e+00;
	[tilespmem:s25+$0x290] =	vst v12  }
0x4a1: {  	[tilespmem:s25+$0xFFFFFE90] =	vst v13;
	v42 =	vld [tilespmem:s29+$0xE0]  }
0x4a2: {  	v43 =	vld [tilespmem:s29+$0x60];
	_ =	sdelay $0x1  }
0x4a3: {  	v46 =	vld [tilespmem:s25+$0x2B0];
	v11 =	vadd.f32 v31, v29  }
0x4a4: {  	v47 =	vld [tilespmem:s25+$0xFFFFFEB0];
	v38 =	vadd.f32 v17, v30  }
0x4a5: {  	v19 =	vld [tilespmem:s8+$0xFFFFFEB0];
	v11 =	vmax.f32 v11, $0.0e+00;
	v13 =	vadd.f32 v42, v39  }
0x4a6: {  	v18 =	vld [tilespmem:s8+$0x2B0];
	[tilespmem:s8+$0x2A0] =	vst v11;
	v41 =	vmax.f32 v38, $0.0e+00;
	v12 =	vadd.f32 v43, v40  }
0x4a7: {  	v20 =	vld [tilespmem:s24+$0xF0];
	[tilespmem:s8+$0xFFFFFEA0] =	vst v41;
	v13 =	vmax.f32 v13, $0.0e+00  }
0x4a8: {  	v44 =	vld [tilespmem:s24+$0x70];
	v12 =	vmax.f32 v12, $0.0e+00;
	[tilespmem:s25+$0x2A0] =	vst v13  }
0x4a9: {  	[tilespmem:s25+$0xFFFFFEA0] =	vst v12;
	v49 =	vld [tilespmem:s29+$0xF0]  }
0x4aa: {  	v50 =	vld [tilespmem:s29+$0x70];
	_ =	sdelay $0x1  }
0x4ab: {  	v56 =	vld [tilespmem:s25+$0xFFFFFF00];
	v45 =	vadd.f32 v20, v18  }
0x4ac: {  	v55 =	vld [tilespmem:s25+$0x300];
	v14 =	vadd.f32 v44, v19  }
0x4ad: {  	v21 =	vld [tilespmem:s8+$0xFFFFFF00];
	v48 =	vmax.f32 v45, $0.0e+00;
	v12 =	vadd.f32 v49, v46  }
0x4ae: {  	v22 =	vld [tilespmem:s8+$0x300];
	v14 =	vmax.f32 v14, $0.0e+00;
	[tilespmem:s8+$0x2B0] =	vst v48;
	v13 =	vadd.f32 v50, v47  }
0x4af: {  	[tilespmem:s8+$0xFFFFFEB0] =	vst v14;
	v51 =	vld [tilespmem:s24+$0x480];
	v12 =	vmax.f32 v12, $0.0e+00  }
0x4b0: {  	v52 =	vld [tilespmem:s24+$0x400];
	v13 =	vmax.f32 v13, $0.0e+00;
	[tilespmem:s25+$0x2B0] =	vst v12  }
0x4b1: {  	[tilespmem:s25+$0xFFFFFEB0] =	vst v13;
	v58 =	vld [tilespmem:s29+$0x480]  }
0x4b2: {  	v59 =	vld [tilespmem:s29+$0x400];
	_ =	sdelay $0x1  }
0x4b3: {  	v60 =	vld [tilespmem:s8+$0xFFFFFF10];
	v14 =	vadd.f32 v51, v22  }
0x4b4: {  	v23 =	vld [tilespmem:s8+$0x310];
	v57 =	vadd.f32 v52, v21  }
0x4b5: {  	v25 =	vld [tilespmem:s25+$0xFFFFFF10];
	v14 =	vmax.f32 v14, $0.0e+00;
	v13 =	vadd.f32 v58, v55  }
0x4b6: {  	v28 =	vld [tilespmem:s25+$0x310];
	[tilespmem:s8+$0x300] =	vst v14;
	v12 =	vmax.f32 v57, $0.0e+00;
	v16 =	vadd.f32 v59, v56  }
0x4b7: {  	v61 =	vld [tilespmem:s24+$0x490];
	[tilespmem:s8+$0xFFFFFF00] =	vst v12;
	v13 =	vmax.f32 v13, $0.0e+00  }
0x4b8: {  	v62 =	vld [tilespmem:s24+$0x410];
	v16 =	vmax.f32 v16, $0.0e+00;
	[tilespmem:s25+$0x300] =	vst v13  }
0x4b9: {  	[tilespmem:s25+$0xFFFFFF00] =	vst v16;
	v13 =	vld [tilespmem:s29+$0x490]  }
0x4ba: {  	v16 =	vld [tilespmem:s29+$0x410];
	_ =	sdelay $0x1  }
0x4bb: {  	v26 =	vld [tilespmem:s25+$0xFFFFFF20];
	v12 =	vadd.f32 v61, v23  }
0x4bc: {  	v29 =	vld [tilespmem:s8+$0x320];
	v14 =	vadd.f32 v62, v60  }
0x4bd: {  	v30 =	vld [tilespmem:s8+$0xFFFFFF20];
	v12 =	vmax.f32 v12, $0.0e+00;
	v13 =	vadd.f32 v13, v28  }
0x4be: {  	v32 =	vld [tilespmem:s25+$0x320];
	[tilespmem:s8+$0x310] =	vst v12;
	v14 =	vmax.f32 v14, $0.0e+00;
	v16 =	vadd.f32 v16, v25  }
0x4bf: {  	v12 =	vld [tilespmem:s24+$0x4A0];
	[tilespmem:s8+$0xFFFFFF10] =	vst v14;
	v13 =	vmax.f32 v13, $0.0e+00  }
0x4c0: {  	v14 =	vld [tilespmem:s24+$0x420];
	v16 =	vmax.f32 v16, $0.0e+00;
	[tilespmem:s25+$0x310] =	vst v13  }
0x4c1: {  	[tilespmem:s25+$0xFFFFFF10] =	vst v16;
	v13 =	vld [tilespmem:s29+$0x4A0]  }
0x4c2: {  	v16 =	vld [tilespmem:s29+$0x420];
	_ =	sdelay $0x1  }
0x4c3: {  	v24 =	vld [tilespmem:s8+$0xFFFFFF30];
	v12 =	vadd.f32 v12, v29  }
0x4c4: {  	v31 =	vld [tilespmem:s25+$0xFFFFFF30];
	v14 =	vadd.f32 v14, v30  }
0x4c5: {  	v33 =	vld [tilespmem:s8+$0x330];
	v12 =	vmax.f32 v12, $0.0e+00;
	v34 =	vadd.f32 v13, v32  }
0x4c6: {  	v37 =	vld [tilespmem:s25+$0x330];
	[tilespmem:s8+$0x320] =	vst v12;
	v35 =	vmax.f32 v14, $0.0e+00;
	v16 =	vadd.f32 v16, v26  }
0x4c7: {  	v36 =	vld [tilespmem:s24+$0x4B0];
	[tilespmem:s8+$0xFFFFFF20] =	vst v35;
	v12 =	vmax.f32 v34, $0.0e+00  }
0x4c8: {  	v38 =	vld [tilespmem:s24+$0x430];
	v16 =	vmax.f32 v16, $0.0e+00;
	[tilespmem:s25+$0x320] =	vst v12  }
0x4c9: {  	[tilespmem:s25+$0xFFFFFF20] =	vst v16;
	v12 =	vld [tilespmem:s29+$0x4B0]  }
0x4ca: {  	v16 =	vld [tilespmem:s29+$0x430];
	_ =	sdelay $0x1  }
0x4cb: {  	v53 =	vld [tilespmem:s8+$0x380];
	v14 =	vadd.f32 v36, v33  }
0x4cc: {  	v63 =	vld [tilespmem:s25+$0x380];
	v39 =	vadd.f32 v38, v24  }
0x4cd: {  	v54 =	vld [tilespmem:s25+$0xFFFFFF80];
	v40 =	vmax.f32 v14, $0.0e+00;
	v12 =	vadd.f32 v12, v37  }
0x4ce: {  	v17 =	vld [tilespmem:s8+$0xFFFFFF80];
	[tilespmem:s8+$0x330] =	vst v40;
	v41 =	vmax.f32 v39, $0.0e+00;
	v42 =	vadd.f32 v16, v31  }
0x4cf: {  	v43 =	vld [tilespmem:s24+$0x4C0];
	[tilespmem:s8+$0xFFFFFF30] =	vst v41;
	v12 =	vmax.f32 v12, $0.0e+00  }
0x4d0: {  	v44 =	vld [tilespmem:s24+$0x440];
	v14 =	vmax.f32 v42, $0.0e+00;
	[tilespmem:s25+$0x330] =	vst v12  }
0x4d1: {  	[tilespmem:s25+$0xFFFFFF30] =	vst v14;
	v12 =	vld [tilespmem:s29+$0x4C0]  }
0x4d2: {  	v14 =	vld [tilespmem:s29+$0x440];
	_ =	sdelay $0x1  }
0x4d3: {  	v15 =	vld [tilespmem:s25+$0x390];
	v13 =	vadd.f32 v43, v53  }
0x4d4: {  	v8 =	vld [tilespmem:s8+$0xFFFFFF90];
	v16 =	vadd.f32 v44, v17  }
0x4d5: {  	v10 =	vld [tilespmem:s8+$0x390];
	v13 =	vmax.f32 v13, $0.0e+00;
	v12 =	vadd.f32 v12, v63  }
0x4d6: {  	v11 =	vld [tilespmem:s25+$0xFFFFFF90];
	[tilespmem:s8+$0x380] =	vst v13;
	v16 =	vmax.f32 v16, $0.0e+00;
	v45 =	vadd.f32 v14, v54  }
0x4d7: {  	v46 =	vld [tilespmem:s24+$0x4D0];
	[tilespmem:s8+$0xFFFFFF80] =	vst v16;
	v12 =	vmax.f32 v12, $0.0e+00  }
0x4d8: {  	v16 =	vld [tilespmem:s24+$0x450];
	v13 =	vmax.f32 v45, $0.0e+00;
	[tilespmem:s25+$0x380] =	vst v12  }
0x4d9: {  	[tilespmem:s25+$0xFFFFFF80] =	vst v13;
	v12 =	vld [tilespmem:s29+$0x4D0]  }
0x4da: {  	v13 =	vld [tilespmem:s29+$0x450];
	_ =	sdelay $0x1  }
0x4db: {  	v4 =	vld [tilespmem:s8+$0xFFFFFFA0];
	v10 =	vadd.f32 v46, v10  }
0x4dc: {  	v6 =	vld [tilespmem:s8+$0x3A0];
	v8 =	vadd.f32 v16, v8  }
0x4dd: {  	v7 =	vld [tilespmem:s25+$0xFFFFFFA0];
	v10 =	vmax.f32 v10, $0.0e+00;
	v12 =	vadd.f32 v12, v15  }
0x4de: {  	v9 =	vld [tilespmem:s25+$0x3A0];
	[tilespmem:s8+$0x390] =	vst v10;
	v8 =	vmax.f32 v8, $0.0e+00;
	v47 =	vadd.f32 v13, v11  }
0x4df: {  	v48 =	vld [tilespmem:s24+$0x4E0];
	[tilespmem:s8+$0xFFFFFF90] =	vst v8;
	v49 =	vmax.f32 v12, $0.0e+00  }
0x4e0: {  	v50 =	vld [tilespmem:s24+$0x460];
	v10 =	vmax.f32 v47, $0.0e+00;
	[tilespmem:s25+$0x390] =	vst v49  }
0x4e1: {  	[tilespmem:s25+$0xFFFFFF90] =	vst v10;
	v51 =	vld [tilespmem:s29+$0x4E0]  }
0x4e2: {  	v52 =	vld [tilespmem:s29+$0x460];
	_ =	sdelay $0x1  }
0x4e3: {  	v6 =	vadd.f32 v48, v6  }
0x4e4: {  	v2 =	vld [tilespmem:s8+$0x3B0];
	v4 =	vadd.f32 v50, v4  }
0x4e5: {  	v3 =	vld [tilespmem:s25+$0xFFFFFFB0];
	v6 =	vmax.f32 v6, $0.0e+00;
	v53 =	vadd.f32 v51, v9  }
0x4e6: {  	v5 =	vld [tilespmem:s25+$0x3B0];
	[tilespmem:s8+$0x3A0] =	vst v6;
	v4 =	vmax.f32 v4, $0.0e+00;
	v54 =	vadd.f32 v52, v7  }
0x4e7: {  	v55 =	vld [tilespmem:s24+$0x4F0];
	[tilespmem:s8+$0xFFFFFFA0] =	vst v4;
	v56 =	vmax.f32 v53, $0.0e+00  }
0x4e8: {  	v57 =	vld [tilespmem:s24+$0x470];
	v6 =	vmax.f32 v54, $0.0e+00;
	[tilespmem:s25+$0x3A0] =	vst v56  }
0x4e9: {  	[tilespmem:s25+$0xFFFFFFA0] =	vst v6;
	v58 =	vld [tilespmem:s29+$0x4F0]  }
0x4ea: {  	v59 =	vld [tilespmem:s29+$0x470];
	_ =	sdelay $0x1  }
0x4eb: {  	v2 =	vadd.f32 v55, v2  }
0x4ec: {  	v0 =	vadd.f32 v57, v0  }
0x4ed: {  	[tilespmem:s20+$0xFFFFFFB0] =	vst v1;
	v60 =	vmax.f32 v2, $0.0e+00;
	v61 =	vadd.f32 v58, v5  }
0x4ee: {  	[tilespmem:s8+$0x3B0] =	vst v60;
	v0 =	vmax.f32 v0, $0.0e+00;
	v62 =	vadd.f32 v59, v3  }
0x4ef: {  	p0 =	seq.s32 s1, $0x4D;
	[tilespmem:s8+$0xFFFFFFB0] =	vst v0;
	v63 =	vmax.f32 v61, $0.0e+00  }
.Ltmp2:
0x4f0: {  	v1 =	vmax.f32 v62, $0.0e+00;
	[tilespmem:s25+$0x3B0] =	vst v63;
	(pc) =	sbr.rel @p0 .LBB2_8-.Ltmp2, $4  }
0x4f1: {  	s11 =	simm.s32 $0x16400;
	[tilespmem:s25+$0xFFFFFFB0] =	vst v1;
	s25 =	simm.s32 $0x18580  }
0x4f2: {  	[spmem:s3] =	stream.indirect.scatter.add.f32 [tilespmem:s25], [sflag:$0xC], $0x80, s11, s28, $0xb8;
	[tilespmem:$0x1C580] =	vst v63  }
0x4f3: {  	s24 =	simm.s32 $0x16500;
	s29 =	simm.s32 $0x19580  }
0x4f4: {  	[spmem:s3] =	stream.indirect.scatter.add.f32 [tilespmem:s29], [sflag:$0xE], $0x80, s24, s28, $0xb8;
	[tilespmem:$0x1C580] =	vst v63  }
0x4f5: {  	_ =	swait.ge [sflag:s30], $0x1000  }
0x4f6: {  	s2 =	sadd.s32 $0x3, s2;
	[sflag:s30] =	ssyncset.done $0x0  }
0x4f7: {  	s8 =	sshll.u32 s2, $0x6;
	[sflag:s30] =	ssyncadd.s32 $0xFFFFF000  }
0x4f8: {  	s19 =	sadd.s32 s5, s8;
	_ =	swait.ge [sflag:s26], $0x1000  }
0x4f9: {  	s2 =	sadd.s32 s17, s2;
	s19 =	sshrl.u32 s19, $0x3;
	[sflag:s26] =	ssyncset.done $0x0  }
0x4fa: {  	s2 =	sshll.u32 s2, $0x9;
	s20 =	sadd.s32 s7, s19;
	[sflag:s26] =	ssyncadd.s32 $0xFFFFF000  }
0x4fb: {  	[tilespmem:s11], [sflag:$0x8] =	stream.linear.gather [hbm4b:s20+s4], $0x20, $0x38;
	[tilespmem:$0x1C580] =	vst v63  }
0x4fc: {  	s2 =	sand.u32 $0x1FFFFE00, s2;
	s19 =	sadd.s32 s19, s10  }
0x4fd: {  	[tilespmem:s24], [sflag:$0xA] =	stream.linear.gather [hbm4b:s19+s4], $0x20, $0x38;
	[tilespmem:$0x1C580] =	vst v63  }
0x4fe: {  	s2 =	sadd.s32 s6, s2;
	s20 =	simm.s32 $0x1B580  }
0x4ff: {  	[tilespmem:s20], [sflag:$0x2] =	stream.linear.gather [hbm4b:s2+s4], $0x1000, $0x38;
	[tilespmem:$0x1C580] =	vst v63  }
.Ltmp3:
0x500: {  	_ = 	snop;
	(pc) =	sbr.rel .LBB2_2-.Ltmp3, $4  }
0x501: {  	s24 =	sadd.s32 $0x13C00, s8  }
0x502: {  	[tilespmem:s25], [sflag:$0x4] =	stream.indirect.gather [hbm4b:s0+s28], $0x80, s24, s28, $0xb8;
	[tilespmem:$0x1C580] =	vst v63  }
0x503: {  	s1 =	sadd.s32 $0x1, s1;
	s31 =	sadd.s32 $0x13C20, s8  }
0x504: {  	[tilespmem:s29], [sflag:$0x6] =	stream.indirect.gather [hbm4b:s0+s28], $0x80, s31, s28, $0xb8;
	[tilespmem:$0x1C580] =	vst v63  }
.LBB2_8:
0x505: {  	_ =	swait.ge [sflag:s9], $0x1000  }
0x506: {  	[sflag:s9] =	ssyncset.done $0x0  }
0x507: {  	[sflag:s9] =	ssyncadd.s32 $0xFFFFF000  }
0x508: {  	_ =	swait.ge [sflag:s12], $0x1000  }
0x509: {  	[sflag:s12] =	ssyncset.done $0x0  }
0x50a: {  	[sflag:s12] =	ssyncadd.s32 $0xFFFFF000  }
0x50b: {  	_ =	swait.ge [sflag:s13], $0x1000  }
0x50c: {  	[sflag:s13] =	ssyncset.done $0x0  }
0x50d: {  	[sflag:s13] =	ssyncadd.s32 $0xFFFFF000  }
0x50e: {  	_ =	swait.ge [sflag:s14], $0x20  }
0x50f: {  	[sflag:s14] =	ssyncset.done $0x0  }
0x510: {  	[sflag:s14] =	ssyncadd.s32 $0xFFFFFFE0  }
0x511: {  	_ =	swait.ge [sflag:s15], $0x20  }
0x512: {  	[sflag:s15] =	ssyncset.done $0x0  }
0x513: {  	s1 =	simm.s32 $0x16980;
	[sflag:s15] =	ssyncadd.s32 $0xFFFFFFE0  }
0x514: {  	s24 =	simm.s32 $0x1AD80;
	v0 =	vld [tilespmem:s1+$0xFFFFFC00]  }
0x515: {  	v1 =	vld [tilespmem:s24+$0xFFFFF880]  }
0x516: {  	v2 =	vld [tilespmem:s1+$0x0]  }
0x517: {  	v3 =	vld [tilespmem:s24+$0xFFFFF800];
	_ =	sdelay $0x3  }
0x518: {  	v1 =	vadd.f32 v1, v2  }
0x519: {  	v0 =	vadd.f32 v3, v0  }
0x51a: {  	v2 =	vld [tilespmem:s1+$0x10];
	v1 =	vmax.f32 v1, $0.0e+00  }
0x51b: {  	v3 =	vld [tilespmem:s1+$0xFFFFFC10];
	v0 =	vmax.f32 v0, $0.0e+00;
	[tilespmem:s1+$0x0] =	vst v1  }
0x51c: {  	[tilespmem:s1+$0xFFFFFC00] =	vst v0;
	v0 =	vld [tilespmem:s24+$0xFFFFF890]  }
0x51d: {  	v1 =	vld [tilespmem:s24+$0xFFFFF810];
	_ =	sdelay $0x3  }
0x51e: {  	v0 =	vadd.f32 v0, v2  }
0x51f: {  	v1 =	vadd.f32 v1, v3  }
0x520: {  	v2 =	vld [tilespmem:s1+$0x20];
	v0 =	vmax.f32 v0, $0.0e+00  }
0x521: {  	v3 =	vld [tilespmem:s1+$0xFFFFFC20];
	v1 =	vmax.f32 v1, $0.0e+00;
	[tilespmem:s1+$0x10] =	vst v0  }
0x522: {  	[tilespmem:s1+$0xFFFFFC10] =	vst v1;
	v0 =	vld [tilespmem:s24+$0xFFFFF8A0]  }
0x523: {  	v1 =	vld [tilespmem:s24+$0xFFFFF820];
	_ =	sdelay $0x3  }
0x524: {  	v0 =	vadd.f32 v0, v2  }
0x525: {  	v1 =	vadd.f32 v1, v3  }
0x526: {  	v2 =	vld [tilespmem:s1+$0x30];
	v0 =	vmax.f32 v0, $0.0e+00  }
0x527: {  	v3 =	vld [tilespmem:s1+$0xFFFFFC30];
	v1 =	vmax.f32 v1, $0.0e+00;
	[tilespmem:s1+$0x20] =	vst v0  }
0x528: {  	[tilespmem:s1+$0xFFFFFC20] =	vst v1;
	v0 =	vld [tilespmem:s24+$0xFFFFF8B0]  }
0x529: {  	v1 =	vld [tilespmem:s24+$0xFFFFF830];
	_ =	sdelay $0x3  }
0x52a: {  	v0 =	vadd.f32 v0, v2  }
0x52b: {  	v1 =	vadd.f32 v1, v3  }
0x52c: {  	v2 =	vld [tilespmem:s1+$0x80];
	v0 =	vmax.f32 v0, $0.0e+00  }
0x52d: {  	v3 =	vld [tilespmem:s1+$0xFFFFFC80];
	v1 =	vmax.f32 v1, $0.0e+00;
	[tilespmem:s1+$0x30] =	vst v0  }
0x52e: {  	[tilespmem:s1+$0xFFFFFC30] =	vst v1;
	v0 =	vld [tilespmem:s24+$0xFFFFF8C0]  }
0x52f: {  	v1 =	vld [tilespmem:s24+$0xFFFFF840];
	_ =	sdelay $0x3  }
0x530: {  	v0 =	vadd.f32 v0, v2  }
0x531: {  	v1 =	vadd.f32 v1, v3  }
0x532: {  	v2 =	vld [tilespmem:s1+$0x90];
	v0 =	vmax.f32 v0, $0.0e+00  }
0x533: {  	v3 =	vld [tilespmem:s1+$0xFFFFFC90];
	v1 =	vmax.f32 v1, $0.0e+00;
	[tilespmem:s1+$0x80] =	vst v0  }
0x534: {  	[tilespmem:s1+$0xFFFFFC80] =	vst v1;
	v0 =	vld [tilespmem:s24+$0xFFFFF8D0]  }
0x535: {  	v1 =	vld [tilespmem:s24+$0xFFFFF850];
	_ =	sdelay $0x3  }
0x536: {  	v0 =	vadd.f32 v0, v2  }
0x537: {  	v1 =	vadd.f32 v1, v3  }
0x538: {  	v2 =	vld [tilespmem:s1+$0xA0];
	v0 =	vmax.f32 v0, $0.0e+00  }
0x539: {  	v3 =	vld [tilespmem:s1+$0xFFFFFCA0];
	v1 =	vmax.f32 v1, $0.0e+00;
	[tilespmem:s1+$0x90] =	vst v0  }
0x53a: {  	[tilespmem:s1+$0xFFFFFC90] =	vst v1;
	v0 =	vld [tilespmem:s24+$0xFFFFF8E0]  }
0x53b: {  	v1 =	vld [tilespmem:s24+$0xFFFFF860];
	_ =	sdelay $0x3  }
0x53c: {  	v0 =	vadd.f32 v0, v2  }
0x53d: {  	v1 =	vadd.f32 v1, v3  }
0x53e: {  	v2 =	vld [tilespmem:s1+$0xB0];
	v0 =	vmax.f32 v0, $0.0e+00  }
0x53f: {  	v3 =	vld [tilespmem:s1+$0xFFFFFCB0];
	v1 =	vmax.f32 v1, $0.0e+00;
	[tilespmem:s1+$0xA0] =	vst v0  }
0x540: {  	[tilespmem:s1+$0xFFFFFCA0] =	vst v1;
	v0 =	vld [tilespmem:s24+$0xFFFFF8F0]  }
0x541: {  	v1 =	vld [tilespmem:s24+$0xFFFFF870];
	_ =	sdelay $0x3  }
0x542: {  	v0 =	vadd.f32 v0, v2  }
0x543: {  	v1 =	vadd.f32 v1, v3  }
0x544: {  	v2 =	vld [tilespmem:s1+$0x100];
	v0 =	vmax.f32 v0, $0.0e+00  }
0x545: {  	v3 =	vld [tilespmem:s1+$0xFFFFFD00];
	v1 =	vmax.f32 v1, $0.0e+00;
	[tilespmem:s1+$0xB0] =	vst v0  }
0x546: {  	[tilespmem:s1+$0xFFFFFCB0] =	vst v1;
	v0 =	vld [tilespmem:s24+$0xFFFFFC80]  }
0x547: {  	v1 =	vld [tilespmem:s24+$0xFFFFFC00];
	_ =	sdelay $0x3  }
0x548: {  	v0 =	vadd.f32 v0, v2  }
0x549: {  	v1 =	vadd.f32 v1, v3  }
0x54a: {  	v2 =	vld [tilespmem:s1+$0x110];
	v0 =	vmax.f32 v0, $0.0e+00  }
0x54b: {  	v3 =	vld [tilespmem:s1+$0xFFFFFD10];
	v1 =	vmax.f32 v1, $0.0e+00;
	[tilespmem:s1+$0x100] =	vst v0  }
0x54c: {  	[tilespmem:s1+$0xFFFFFD00] =	vst v1;
	v0 =	vld [tilespmem:s24+$0xFFFFFC90]  }
0x54d: {  	v1 =	vld [tilespmem:s24+$0xFFFFFC10];
	_ =	sdelay $0x3  }
0x54e: {  	v0 =	vadd.f32 v0, v2  }
0x54f: {  	v1 =	vadd.f32 v1, v3  }
0x550: {  	v2 =	vld [tilespmem:s1+$0x120];
	v0 =	vmax.f32 v0, $0.0e+00  }
0x551: {  	v3 =	vld [tilespmem:s1+$0xFFFFFD20];
	v1 =	vmax.f32 v1, $0.0e+00;
	[tilespmem:s1+$0x110] =	vst v0  }
0x552: {  	[tilespmem:s1+$0xFFFFFD10] =	vst v1;
	v0 =	vld [tilespmem:s24+$0xFFFFFCA0]  }
0x553: {  	v1 =	vld [tilespmem:s24+$0xFFFFFC20];
	_ =	sdelay $0x3  }
0x554: {  	v0 =	vadd.f32 v0, v2  }
0x555: {  	v1 =	vadd.f32 v1, v3  }
0x556: {  	v2 =	vld [tilespmem:s1+$0x130];
	v0 =	vmax.f32 v0, $0.0e+00  }
0x557: {  	v3 =	vld [tilespmem:s1+$0xFFFFFD30];
	v1 =	vmax.f32 v1, $0.0e+00;
	[tilespmem:s1+$0x120] =	vst v0  }
0x558: {  	[tilespmem:s1+$0xFFFFFD20] =	vst v1;
	v0 =	vld [tilespmem:s24+$0xFFFFFCB0]  }
0x559: {  	v1 =	vld [tilespmem:s24+$0xFFFFFC30];
	_ =	sdelay $0x3  }
0x55a: {  	v0 =	vadd.f32 v0, v2  }
0x55b: {  	v1 =	vadd.f32 v1, v3  }
0x55c: {  	v2 =	vld [tilespmem:s1+$0x180];
	v0 =	vmax.f32 v0, $0.0e+00  }
0x55d: {  	v3 =	vld [tilespmem:s1+$0xFFFFFD80];
	v1 =	vmax.f32 v1, $0.0e+00;
	[tilespmem:s1+$0x130] =	vst v0  }
0x55e: {  	[tilespmem:s1+$0xFFFFFD30] =	vst v1;
	v0 =	vld [tilespmem:s24+$0xFFFFFCC0]  }
0x55f: {  	v1 =	vld [tilespmem:s24+$0xFFFFFC40];
	_ =	sdelay $0x3  }
0x560: {  	v0 =	vadd.f32 v0, v2  }
0x561: {  	v1 =	vadd.f32 v1, v3  }
0x562: {  	v5 =	vld [tilespmem:s1+$0xFFFFFD90];
	v0 =	vmax.f32 v0, $0.0e+00  }
0x563: {  	v3 =	vld [tilespmem:s1+$0x190];
	v1 =	vmax.f32 v1, $0.0e+00;
	[tilespmem:s1+$0x180] =	vst v0  }
0x564: {  	[tilespmem:s1+$0xFFFFFD80] =	vst v1;
	v0 =	vld [tilespmem:s24+$0xFFFFFCD0]  }
0x565: {  	v1 =	vld [tilespmem:s24+$0xFFFFFC50];
	_ =	sdelay $0x3  }
0x566: {  	s8 =	simm.s32 $0x1AE80;
	v7 =	vld [tilespmem:s1+$0xFFFFFDA0];
	v0 =	vadd.f32 v0, v3  }
0x567: {  	s2 =	simm.s32 $0x17180;
	v8 =	vld [tilespmem:s8+$0xFFFFF880];
	v1 =	vadd.f32 v1, v5  }
0x568: {  	v9 =	vld [tilespmem:s2+$0x0];
	v0 =	vmax.f32 v0, $0.0e+00  }
0x569: {  	v3 =	vld [tilespmem:s1+$0x1A0];
	v1 =	vmax.f32 v1, $0.0e+00;
	[tilespmem:s1+$0x190] =	vst v0  }
0x56a: {  	[tilespmem:s1+$0xFFFFFD90] =	vst v1;
	v0 =	vld [tilespmem:s24+$0xFFFFFCE0]  }
0x56b: {  	v1 =	vld [tilespmem:s24+$0xFFFFFC60]  }
0x56c: {  	v10 =	vld [tilespmem:s8+$0xFFFFF800]  }
0x56d: {  	v5 =	vld [tilespmem:s2+$0xFFFFFC00];
	_ =	sdelay $0x1  }
0x56e: {  	v6 =	vld [tilespmem:s1+$0xFFFFFDB0];
	v0 =	vadd.f32 v0, v3  }
0x56f: {  	v8 =	vadd.f32 v8, v9;
	v9 =	vld [tilespmem:s2+$0x10];
	v1 =	vadd.f32 v1, v7  }
0x570: {  	v3 =	vld [tilespmem:s1+$0x1B0];
	v0 =	vmax.f32 v0, $0.0e+00  }
0x571: {  	v5 =	vadd.f32 v10, v5;
	v7 =	vld [tilespmem:s2+$0xFFFFFC10];
	v1 =	vmax.f32 v1, $0.0e+00;
	[tilespmem:s1+$0x1A0] =	vst v0  }
0x572: {  	v0 =	vmax.f32 v8, $0.0e+00;
	[tilespmem:s1+$0xFFFFFDA0] =	vst v1;
	v1 =	vld [tilespmem:s24+$0xFFFFFCF0]  }
0x573: {  	v5 =	vmax.f32 v5, $0.0e+00;
	[tilespmem:s2+$0x0] =	vst v0;
	v0 =	vld [tilespmem:s24+$0xFFFFFC70]  }
0x574: {  	[tilespmem:s2+$0xFFFFFC00] =	vst v5;
	v5 =	vld [tilespmem:s8+$0xFFFFF890]  }
0x575: {  	v8 =	vld [tilespmem:s8+$0xFFFFF810];
	_ =	sdelay $0x1  }
0x576: {  	v2 =	vld [tilespmem:s1+$0xFFFFFE00];
	v1 =	vadd.f32 v1, v3  }
0x577: {  	v3 =	vld [tilespmem:s1+$0x200];
	v0 =	vadd.f32 v0, v6  }
0x578: {  	v6 =	vld [tilespmem:s2+$0xFFFFFC20];
	v5 =	vadd.f32 v5, v9;
	v1 =	vmax.f32 v1, $0.0e+00  }
0x579: {  	v7 =	vadd.f32 v8, v7;
	v9 =	vld [tilespmem:s2+$0x20];
	v0 =	vmax.f32 v0, $0.0e+00;
	[tilespmem:s1+$0x1B0] =	vst v1  }
0x57a: {  	v1 =	vmax.f32 v5, $0.0e+00;
	[tilespmem:s1+$0xFFFFFDB0] =	vst v0;
	v0 =	vld [tilespmem:s24+$0x80]  }
0x57b: {  	v5 =	vmax.f32 v7, $0.0e+00;
	[tilespmem:s2+$0x10] =	vst v1;
	v1 =	vld [tilespmem:s24+$0x0]  }
0x57c: {  	[tilespmem:s2+$0xFFFFFC10] =	vst v5;
	v5 =	vld [tilespmem:s8+$0xFFFFF8A0]  }
0x57d: {  	v7 =	vld [tilespmem:s8+$0xFFFFF820];
	_ =	sdelay $0x1  }
0x57e: {  	v4 =	vld [tilespmem:s1+$0xFFFFFE10];
	v0 =	vadd.f32 v0, v3  }
0x57f: {  	v8 =	vld [tilespmem:s2+$0x30];
	v1 =	vadd.f32 v1, v2  }
0x580: {  	v3 =	vld [tilespmem:s1+$0x210];
	v5 =	vadd.f32 v5, v9;
	v0 =	vmax.f32 v0, $0.0e+00  }
0x581: {  	v2 =	vld [tilespmem:s2+$0xFFFFFC30];
	v6 =	vadd.f32 v7, v6;
	v1 =	vmax.f32 v1, $0.0e+00;
	[tilespmem:s1+$0x200] =	vst v0  }
0x582: {  	v0 =	vmax.f32 v5, $0.0e+00;
	[tilespmem:s1+$0xFFFFFE00] =	vst v1;
	v5 =	vld [tilespmem:s24+$0x90]  }
0x583: {  	v1 =	vmax.f32 v6, $0.0e+00;
	[tilespmem:s2+$0x20] =	vst v0;
	v0 =	vld [tilespmem:s24+$0x10]  }
0x584: {  	[tilespmem:s2+$0xFFFFFC20] =	vst v1;
	v6 =	vld [tilespmem:s8+$0xFFFFF8B0]  }
0x585: {  	v7 =	vld [tilespmem:s8+$0xFFFFF830]  }
0x586: {  	v11 =	vld [tilespmem:s1+$0xFFFFFE80]  }
0x587: {  	v9 =	vld [tilespmem:s1+$0xFFFFFE20];
	v3 =	vadd.f32 v5, v3  }
0x588: {  	v0 =	vadd.f32 v0, v4;
	v4 =	vld [tilespmem:s1+$0x220]  }
0x589: {  	v5 =	vld [tilespmem:s2+$0xFFFFFC80];
	v6 =	vadd.f32 v6, v8;
	v3 =	vmax.f32 v3, $0.0e+00  }
0x58a: {  	v2 =	vadd.f32 v7, v2;
	v7 =	vld [tilespmem:s2+$0x80];
	v0 =	vmax.f32 v0, $0.0e+00;
	[tilespmem:s1+$0x210] =	vst v3  }
0x58b: {  	v3 =	vmax.f32 v6, $0.0e+00;
	[tilespmem:s1+$0xFFFFFE10] =	vst v0;
	v6 =	vld [tilespmem:s24+$0xA0]  }
0x58c: {  	v0 =	vmax.f32 v2, $0.0e+00;
	[tilespmem:s2+$0x30] =	vst v3;
	v2 =	vld [tilespmem:s24+$0x20]  }
0x58d: {  	[tilespmem:s2+$0xFFFFFC30] =	vst v0;
	v3 =	vld [tilespmem:s8+$0xFFFFF8C0]  }
0x58e: {  	v8 =	vld [tilespmem:s8+$0xFFFFF840]  }
0x58f: {  	v38 =	vld [tilespmem:s2+$0xFFFFFD00]  }
0x590: {  	v10 =	vld [tilespmem:s1+$0xFFFFFE30];
	v4 =	vadd.f32 v6, v4  }
0x591: {  	v2 =	vadd.f32 v2, v9;
	v6 =	vld [tilespmem:s1+$0x230]  }
0x592: {  	v9 =	vld [tilespmem:s2+$0xFFFFFC90];
	v3 =	vadd.f32 v3, v7;
	v4 =	vmax.f32 v4, $0.0e+00  }
0x593: {  	v5 =	vadd.f32 v8, v5;
	v7 =	vld [tilespmem:s2+$0x90];
	v2 =	vmax.f32 v2, $0.0e+00;
	[tilespmem:s1+$0x220] =	vst v4  }
0x594: {  	v3 =	vmax.f32 v3, $0.0e+00;
	[tilespmem:s1+$0xFFFFFE20] =	vst v2;
	v4 =	vld [tilespmem:s24+$0xB0]  }
0x595: {  	v2 =	vmax.f32 v5, $0.0e+00;
	[tilespmem:s2+$0x80] =	vst v3;
	v3 =	vld [tilespmem:s24+$0x30]  }
0x596: {  	[tilespmem:s2+$0xFFFFFC80] =	vst v2;
	v5 =	vld [tilespmem:s8+$0xFFFFF8D0]  }
0x597: {  	v8 =	vld [tilespmem:s8+$0xFFFFF850]  }
0x598: {  	v39 =	vld [tilespmem:s2+$0xFFFFFD10]  }
0x599: {  	v41 =	vld [tilespmem:s2+$0xFFFFFD20];
	v4 =	vadd.f32 v4, v6  }
0x59a: {  	v3 =	vadd.f32 v3, v10;
	v6 =	vld [tilespmem:s1+$0x280]  }
0x59b: {  	v10 =	vld [tilespmem:s2+$0xFFFFFCA0];
	v5 =	vadd.f32 v5, v7;
	v4 =	vmax.f32 v4, $0.0e+00  }
0x59c: {  	v7 =	vadd.f32 v8, v9;
	v8 =	vld [tilespmem:s2+$0xA0];
	v3 =	vmax.f32 v3, $0.0e+00;
	[tilespmem:s1+$0x230] =	vst v4  }
0x59d: {  	v4 =	vmax.f32 v5, $0.0e+00;
	[tilespmem:s1+$0xFFFFFE30] =	vst v3;
	v5 =	vld [tilespmem:s24+$0xC0]  }
0x59e: {  	v3 =	vmax.f32 v7, $0.0e+00;
	[tilespmem:s2+$0x90] =	vst v4;
	v4 =	vld [tilespmem:s24+$0x40]  }
0x59f: {  	[tilespmem:s2+$0xFFFFFC90] =	vst v3;
	v7 =	vld [tilespmem:s8+$0xFFFFF8E0]  }
0x5a0: {  	v9 =	vld [tilespmem:s8+$0xFFFFF860]  }
0x5a1: {  	v43 =	vld [tilespmem:s2+$0xFFFFFD30]  }
0x5a2: {  	v12 =	vld [tilespmem:s1+$0xFFFFFE90];
	v5 =	vadd.f32 v5, v6  }
0x5a3: {  	v4 =	vadd.f32 v4, v11;
	v6 =	vld [tilespmem:s1+$0x290]  }
0x5a4: {  	v11 =	vld [tilespmem:s2+$0xFFFFFCB0];
	v7 =	vadd.f32 v7, v8;
	v5 =	vmax.f32 v5, $0.0e+00  }
0x5a5: {  	v8 =	vadd.f32 v9, v10;
	v9 =	vld [tilespmem:s2+$0xB0];
	v4 =	vmax.f32 v4, $0.0e+00;
	[tilespmem:s1+$0x280] =	vst v5  }
0x5a6: {  	v5 =	vmax.f32 v7, $0.0e+00;
	[tilespmem:s1+$0xFFFFFE80] =	vst v4;
	v7 =	vld [tilespmem:s24+$0xD0]  }
0x5a7: {  	v4 =	vmax.f32 v8, $0.0e+00;
	[tilespmem:s2+$0xA0] =	vst v5;
	v5 =	vld [tilespmem:s24+$0x50]  }
0x5a8: {  	[tilespmem:s2+$0xFFFFFCA0] =	vst v4;
	v8 =	vld [tilespmem:s8+$0xFFFFF8F0]  }
0x5a9: {  	v10 =	vld [tilespmem:s8+$0xFFFFF870]  }
0x5aa: {  	v45 =	vld [tilespmem:s2+$0xFFFFFD80]  }
0x5ab: {  	v47 =	vld [tilespmem:s2+$0xFFFFFD90];
	v6 =	vadd.f32 v7, v6  }
0x5ac: {  	v13 =	vld [tilespmem:s1+$0xFFFFFEA0];
	v5 =	vadd.f32 v5, v12  }
0x5ad: {  	v7 =	vld [tilespmem:s1+$0x2A0];
	v8 =	vadd.f32 v8, v9;
	v6 =	vmax.f32 v6, $0.0e+00  }
0x5ae: {  	v9 =	vadd.f32 v10, v11;
	v10 =	vld [tilespmem:s2+$0x100];
	v5 =	vmax.f32 v5, $0.0e+00;
	[tilespmem:s1+$0x290] =	vst v6  }
0x5af: {  	v6 =	vmax.f32 v8, $0.0e+00;
	[tilespmem:s1+$0xFFFFFE90] =	vst v5;
	v8 =	vld [tilespmem:s24+$0xE0]  }
0x5b0: {  	v5 =	vmax.f32 v9, $0.0e+00;
	[tilespmem:s2+$0xB0] =	vst v6;
	v6 =	vld [tilespmem:s24+$0x60]  }
0x5b1: {  	[tilespmem:s2+$0xFFFFFCB0] =	vst v5;
	v9 =	vld [tilespmem:s8+$0xFFFFFC80]  }
0x5b2: {  	v11 =	vld [tilespmem:s8+$0xFFFFFC00]  }
0x5b3: {  	v48 =	vld [tilespmem:s2+$0x190]  }
0x5b4: {  	v49 =	vld [tilespmem:s2+$0xFFFFFDB0];
	v7 =	vadd.f32 v8, v7  }
0x5b5: {  	v14 =	vld [tilespmem:s1+$0xFFFFFEB0];
	v6 =	vadd.f32 v6, v13  }
0x5b6: {  	v8 =	vld [tilespmem:s1+$0x2B0];
	v9 =	vadd.f32 v9, v10;
	v7 =	vmax.f32 v7, $0.0e+00  }
0x5b7: {  	v10 =	vadd.f32 v11, v38;
	v11 =	vld [tilespmem:s2+$0x110];
	v6 =	vmax.f32 v6, $0.0e+00;
	[tilespmem:s1+$0x2A0] =	vst v7  }
0x5b8: {  	v7 =	vmax.f32 v9, $0.0e+00;
	[tilespmem:s1+$0xFFFFFEA0] =	vst v6;
	v6 =	vld [tilespmem:s24+$0xF0]  }
0x5b9: {  	v9 =	vmax.f32 v10, $0.0e+00;
	[tilespmem:s2+$0x100] =	vst v7;
	v7 =	vld [tilespmem:s24+$0x70]  }
0x5ba: {  	[tilespmem:s2+$0xFFFFFD00] =	vst v9;
	v9 =	vld [tilespmem:s8+$0xFFFFFC90]  }
0x5bb: {  	v10 =	vld [tilespmem:s8+$0xFFFFFC10]  }
0x5bc: {  	v19 =	vld [tilespmem:s2+$0xFFFFFDA0]  }
0x5bd: {  	v50 =	vld [tilespmem:s2+$0x1A0];
	v6 =	vadd.f32 v6, v8  }
0x5be: {  	v15 =	vld [tilespmem:s1+$0xFFFFFF00];
	v7 =	vadd.f32 v7, v14  }
0x5bf: {  	v8 =	vld [tilespmem:s1+$0x300];
	v9 =	vadd.f32 v9, v11;
	v6 =	vmax.f32 v6, $0.0e+00  }
0x5c0: {  	v10 =	vadd.f32 v10, v39;
	v11 =	vld [tilespmem:s2+$0x120];
	v7 =	vmax.f32 v7, $0.0e+00;
	[tilespmem:s1+$0x2B0] =	vst v6  }
0x5c1: {  	v6 =	vmax.f32 v9, $0.0e+00;
	[tilespmem:s1+$0xFFFFFEB0] =	vst v7;
	v7 =	vld [tilespmem:s24+$0x480]  }
0x5c2: {  	v9 =	vmax.f32 v10, $0.0e+00;
	[tilespmem:s2+$0x110] =	vst v6;
	v6 =	vld [tilespmem:s24+$0x400]  }
0x5c3: {  	[tilespmem:s2+$0xFFFFFD10] =	vst v9;
	v9 =	vld [tilespmem:s8+$0xFFFFFCA0]  }
0x5c4: {  	s20 =	simm.s32 $0x17980;
	v10 =	vld [tilespmem:s8+$0xFFFFFC20]  }
0x5c5: {  	s25 =	simm.s32 $0x1AF80;
	v51 =	vld [tilespmem:s20+$0xFFFFFC00]  }
0x5c6: {  	v52 =	vld [tilespmem:s25+$0xFFFFF880];
	v7 =	vadd.f32 v7, v8  }
0x5c7: {  	v16 =	vld [tilespmem:s1+$0xFFFFFF10];
	v6 =	vadd.f32 v6, v15  }
0x5c8: {  	v8 =	vld [tilespmem:s1+$0x310];
	v9 =	vadd.f32 v9, v11;
	v7 =	vmax.f32 v7, $0.0e+00  }
0x5c9: {  	v10 =	vadd.f32 v10, v41;
	v11 =	vld [tilespmem:s2+$0x130];
	v6 =	vmax.f32 v6, $0.0e+00;
	[tilespmem:s1+$0x300] =	vst v7  }
0x5ca: {  	v7 =	vmax.f32 v9, $0.0e+00;
	[tilespmem:s1+$0xFFFFFF00] =	vst v6;
	v6 =	vld [tilespmem:s24+$0x490]  }
0x5cb: {  	v9 =	vmax.f32 v10, $0.0e+00;
	[tilespmem:s2+$0x120] =	vst v7;
	v7 =	vld [tilespmem:s24+$0x410]  }
0x5cc: {  	[tilespmem:s2+$0xFFFFFD20] =	vst v9;
	v9 =	vld [tilespmem:s8+$0xFFFFFCB0]  }
0x5cd: {  	v10 =	vld [tilespmem:s8+$0xFFFFFC30]  }
0x5ce: {  	v53 =	vld [tilespmem:s20+$0x0]  }
0x5cf: {  	v20 =	vld [tilespmem:s25+$0xFFFFF800];
	v6 =	vadd.f32 v6, v8  }
0x5d0: {  	v17 =	vld [tilespmem:s1+$0xFFFFFF20];
	v7 =	vadd.f32 v7, v16  }
0x5d1: {  	v8 =	vld [tilespmem:s1+$0x320];
	v9 =	vadd.f32 v9, v11;
	v6 =	vmax.f32 v6, $0.0e+00  }
0x5d2: {  	v10 =	vadd.f32 v10, v43;
	v11 =	vld [tilespmem:s2+$0x180];
	v7 =	vmax.f32 v7, $0.0e+00;
	[tilespmem:s1+$0x310] =	vst v6  }
0x5d3: {  	v6 =	vmax.f32 v9, $0.0e+00;
	[tilespmem:s1+$0xFFFFFF10] =	vst v7;
	v7 =	vld [tilespmem:s24+$0x4A0]  }
0x5d4: {  	v9 =	vmax.f32 v10, $0.0e+00;
	[tilespmem:s2+$0x130] =	vst v6;
	v10 =	vld [tilespmem:s24+$0x420]  }
0x5d5: {  	[tilespmem:s2+$0xFFFFFD30] =	vst v9;
	v9 =	vld [tilespmem:s8+$0xFFFFFCC0]  }
0x5d6: {  	v46 =	vld [tilespmem:s8+$0xFFFFFC40]  }
0x5d7: {  	v55 =	vld [tilespmem:s20+$0xFFFFFC10]  }
0x5d8: {  	v56 =	vld [tilespmem:s20+$0x10];
	v7 =	vadd.f32 v7, v8  }
0x5d9: {  	v59 =	vld [tilespmem:s20+$0x20];
	v10 =	vadd.f32 v10, v17  }
0x5da: {  	v44 =	vld [tilespmem:s1+$0xFFFFFF30];
	v9 =	vadd.f32 v9, v11;
	v7 =	vmax.f32 v7, $0.0e+00  }
0x5db: {  	v18 =	vld [tilespmem:s1+$0x330];
	v11 =	vadd.f32 v46, v45;
	v10 =	vmax.f32 v10, $0.0e+00;
	[tilespmem:s1+$0x320] =	vst v7  }
0x5dc: {  	v7 =	vmax.f32 v9, $0.0e+00;
	[tilespmem:s1+$0xFFFFFF20] =	vst v10;
	v9 =	vld [tilespmem:s24+$0x4B0]  }
0x5dd: {  	v10 =	vmax.f32 v11, $0.0e+00;
	[tilespmem:s2+$0x180] =	vst v7;
	v7 =	vld [tilespmem:s24+$0x430]  }
0x5de: {  	[tilespmem:s2+$0xFFFFFD80] =	vst v10;
	v10 =	vld [tilespmem:s8+$0xFFFFFCD0]  }
0x5df: {  	v11 =	vld [tilespmem:s8+$0xFFFFFC50]  }
0x5e0: {  	v40 =	vld [tilespmem:s1+$0xFFFFFF80]  }
0x5e1: {  	v42 =	vld [tilespmem:s1+$0x380];
	v9 =	vadd.f32 v9, v18  }
0x5e2: {  	v54 =	vld [tilespmem:s2+$0x1B0];
	v7 =	vadd.f32 v7, v44  }
0x5e3: {  	v1 =	vld [tilespmem:s1+$0xFFFFFFB0];
	v10 =	vadd.f32 v10, v48;
	v9 =	vmax.f32 v9, $0.0e+00  }
0x5e4: {  	v0 =	vld [tilespmem:s1+$0x3B0];
	v11 =	vadd.f32 v11, v47;
	v7 =	vmax.f32 v7, $0.0e+00;
	[tilespmem:s1+$0x330] =	vst v9  }
0x5e5: {  	v9 =	vmax.f32 v10, $0.0e+00;
	[tilespmem:s1+$0xFFFFFF30] =	vst v7;
	v7 =	vld [tilespmem:s24+$0x4C0]  }
0x5e6: {  	v10 =	vmax.f32 v11, $0.0e+00;
	[tilespmem:s2+$0x190] =	vst v9;
	v9 =	vld [tilespmem:s24+$0x440]  }
0x5e7: {  	[tilespmem:s2+$0xFFFFFD90] =	vst v10;
	v10 =	vld [tilespmem:s8+$0xFFFFFCE0]  }
0x5e8: {  	v11 =	vld [tilespmem:s8+$0xFFFFFC60]  }
0x5e9: {  	v2 =	vld [tilespmem:s1+$0xFFFFFFA0];
	v14 =	vadd.f32 v20, v51  }
0x5ea: {  	v3 =	vld [tilespmem:s1+$0x3A0];
	v7 =	vadd.f32 v7, v42  }
0x5eb: {  	v4 =	vld [tilespmem:s1+$0xFFFFFF90];
	v14 =	vmax.f32 v14, $0.0e+00;
	v9 =	vadd.f32 v9, v40  }
0x5ec: {  	v5 =	vld [tilespmem:s1+$0x390];
	[tilespmem:s20+$0xFFFFFC00] =	vst v14;
	v10 =	vadd.f32 v10, v50;
	v7 =	vmax.f32 v7, $0.0e+00  }
0x5ed: {  	v58 =	vld [tilespmem:s25+$0xFFFFF810];
	v11 =	vadd.f32 v11, v19;
	v9 =	vmax.f32 v9, $0.0e+00;
	[tilespmem:s1+$0x380] =	vst v7  }
0x5ee: {  	v7 =	vadd.f32 v52, v53;
	v10 =	vmax.f32 v10, $0.0e+00;
	[tilespmem:s1+$0xFFFFFF80] =	vst v9;
	v9 =	vld [tilespmem:s24+$0x4D0]  }
0x5ef: {  	v11 =	vmax.f32 v11, $0.0e+00;
	[tilespmem:s2+$0x1A0] =	vst v10;
	v10 =	vld [tilespmem:s24+$0x450]  }
0x5f0: {  	[tilespmem:s2+$0xFFFFFDA0] =	vst v11;
	v7 =	vmax.f32 v7, $0.0e+00;
	v11 =	vld [tilespmem:s8+$0xFFFFFCF0]  }
0x5f1: {  	[tilespmem:s20+$0x0] =	vst v7;
	v7 =	vld [tilespmem:s8+$0xFFFFFC70]  }
0x5f2: {  	v57 =	vld [tilespmem:s25+$0xFFFFF890]  }
0x5f3: {  	v6 =	vld [tilespmem:s2+$0xFFFFFE10];
	v5 =	vadd.f32 v9, v5  }
0x5f4: {  	v8 =	vld [tilespmem:s2+$0xFFFFFE00];
	v4 =	vadd.f32 v10, v4  }
0x5f5: {  	v9 =	vld [tilespmem:s2+$0x200];
	v11 =	vadd.f32 v11, v54;
	v5 =	vmax.f32 v5, $0.0e+00  }
0x5f6: {  	v10 =	vld [tilespmem:s20+$0xFFFFFC20];
	v7 =	vadd.f32 v7, v49;
	v4 =	vmax.f32 v4, $0.0e+00;
	[tilespmem:s1+$0x390] =	vst v5  }
0x5f7: {  	v5 =	vadd.f32 v57, v56;
	v11 =	vmax.f32 v11, $0.0e+00;
	[tilespmem:s1+$0xFFFFFF90] =	vst v4;
	v4 =	vld [tilespmem:s24+$0x4E0]  }
0x5f8: {  	v12 =	vadd.f32 v58, v55;
	v7 =	vmax.f32 v7, $0.0e+00;
	[tilespmem:s2+$0x1B0] =	vst v11;
	v11 =	vld [tilespmem:s24+$0x460]  }
0x5f9: {  	v5 =	vmax.f32 v5, $0.0e+00;
	[tilespmem:s2+$0xFFFFFDB0] =	vst v7;
	v60 =	vld [tilespmem:s8+$0x80]  }
0x5fa: {  	v7 =	vmax.f32 v12, $0.0e+00;
	[tilespmem:s20+$0x10] =	vst v5;
	v5 =	vld [tilespmem:s8+$0x0]  }
0x5fb: {  	[tilespmem:s20+$0xFFFFFC10] =	vst v7;
	v61 =	vld [tilespmem:s25+$0xFFFFF8A0]  }
0x5fc: {  	v62 =	vld [tilespmem:s25+$0xFFFFF820];
	v3 =	vadd.f32 v4, v3  }
0x5fd: {  	v7 =	vld [tilespmem:s20+$0xFFFFFC30];
	v2 =	vadd.f32 v11, v2  }
0x5fe: {  	v4 =	vld [tilespmem:s2+$0x210];
	v11 =	vadd.f32 v60, v9;
	v3 =	vmax.f32 v3, $0.0e+00  }
0x5ff: {  	v9 =	vld [tilespmem:s20+$0x30];
	v5 =	vadd.f32 v5, v8;
	v2 =	vmax.f32 v2, $0.0e+00;
	[tilespmem:s1+$0x3A0] =	vst v3  }
0x600: {  	v3 =	vadd.f32 v61, v59;
	v8 =	vmax.f32 v11, $0.0e+00;
	[tilespmem:s1+$0xFFFFFFA0] =	vst v2;
	v2 =	vld [tilespmem:s24+$0x4F0]  }
0x601: {  	v10 =	vadd.f32 v62, v10;
	v5 =	vmax.f32 v5, $0.0e+00;
	[tilespmem:s2+$0x200] =	vst v8;
	v11 =	vld [tilespmem:s24+$0x470]  }
0x602: {  	v3 =	vmax.f32 v3, $0.0e+00;
	[tilespmem:s2+$0xFFFFFE00] =	vst v5;
	v5 =	vld [tilespmem:s8+$0x90]  }
0x603: {  	v8 =	vmax.f32 v10, $0.0e+00;
	[tilespmem:s20+$0x20] =	vst v3;
	v63 =	vld [tilespmem:s8+$0x10]  }
0x604: {  	[tilespmem:s20+$0xFFFFFC20] =	vst v8;
	v10 =	vld [tilespmem:s25+$0xFFFFF8B0]  }
0x605: {  	v8 =	vld [tilespmem:s25+$0xFFFFF830];
	v2 =	vadd.f32 v2, v0  }
0x606: {  	v3 =	vld [tilespmem:s2+$0xFFFFFE20];
	v1 =	vadd.f32 v11, v1  }
0x607: {  	v0 =	vld [tilespmem:s2+$0xFFFFFFB0];
	v5 =	vadd.f32 v5, v4;
	v11 =	vmax.f32 v2, $0.0e+00  }
0x608: {  	s19 =	simm.s32 $0x4;
	s24 =	simm.s32 $0x1AF80;
	v4 =	vld [tilespmem:s2+$0x220];
	v2 =	vadd.f32 v63, v6;
	v1 =	vmax.f32 v1, $0.0e+00;
	[tilespmem:s1+$0x3B0] =	vst v11  }
.LBB2_9:
0x609: {  	s19 =	sadd.s32 $0x2, s19;
	v6 =	vld [tilespmem:s20+$0xFFFFFC80];
	v9 =	vadd.f32 v10, v9;
	v5 =	vmax.f32 v5, $0.0e+00;
	[tilespmem:s1+$0xFFFFFFB0] =	vst v1;
	s1 =	smov.u32 s2;
	s2 =	smov.u32 s20  }
0x60a: {  	p0 =	slt.u32 s19, $0x6;
	v1 =	vadd.f32 v8, v7;
	v7 =	vld [tilespmem:s20+$0x80];
	v2 =	vmax.f32 v2, $0.0e+00;
	[tilespmem:s1+$0x210] =	vst v5  }
0x60b: {  	v5 =	vmax.f32 v9, $0.0e+00;
	[tilespmem:s1+$0xFFFFFE10] =	vst v2;
	v2 =	vld [tilespmem:s8+$0xA0]  }
0x60c: {  	v1 =	vmax.f32 v1, $0.0e+00;
	[tilespmem:s20+$0x30] =	vst v5;
	v5 =	vld [tilespmem:s8+$0x20]  }
0x60d: {  	[tilespmem:s20+$0xFFFFFC30] =	vst v1;
	v8 =	vld [tilespmem:s25+$0xFFFFF8C0]  }
0x60e: {  	v9 =	vld [tilespmem:s25+$0xFFFFF840]  }
0x60f: {  	v1 =	vld [tilespmem:s1+$0x3B0]  }
0x610: {  	v10 =	vld [tilespmem:s1+$0xFFFFFE30];
	v2 =	vadd.f32 v2, v4  }
0x611: {  	v3 =	vadd.f32 v5, v3;
	v4 =	vld [tilespmem:s1+$0x230]  }
0x612: {  	v5 =	vld [tilespmem:s20+$0xFFFFFC90];
	v7 =	vadd.f32 v8, v7;
	v2 =	vmax.f32 v2, $0.0e+00  }
0x613: {  	v6 =	vadd.f32 v9, v6;
	v8 =	vld [tilespmem:s20+$0x90];
	v3 =	vmax.f32 v3, $0.0e+00;
	[tilespmem:s1+$0x220] =	vst v2  }
0x614: {  	v2 =	vmax.f32 v7, $0.0e+00;
	[tilespmem:s1+$0xFFFFFE20] =	vst v3;
	v3 =	vld [tilespmem:s8+$0xB0]  }
0x615: {  	v6 =	vmax.f32 v6, $0.0e+00;
	[tilespmem:s20+$0x80] =	vst v2;
	v7 =	vld [tilespmem:s8+$0x30]  }
0x616: {  	[tilespmem:s20+$0xFFFFFC80] =	vst v6;
	v6 =	vld [tilespmem:s25+$0xFFFFF8D0]  }
0x617: {  	v9 =	vld [tilespmem:s25+$0xFFFFF850]  }
0x618: {  	v2 =	vld [tilespmem:s1+$0xFFFFFFA0]  }
0x619: {  	v11 =	vld [tilespmem:s1+$0xFFFFFE80];
	v3 =	vadd.f32 v3, v4  }
0x61a: {  	v4 =	vadd.f32 v7, v10;
	v7 =	vld [tilespmem:s1+$0x280]  }
0x61b: {  	v10 =	vld [tilespmem:s20+$0xFFFFFCA0];
	v6 =	vadd.f32 v6, v8;
	v3 =	vmax.f32 v3, $0.0e+00  }
0x61c: {  	v5 =	vadd.f32 v9, v5;
	v8 =	vld [tilespmem:s20+$0xA0];
	v4 =	vmax.f32 v4, $0.0e+00;
	[tilespmem:s1+$0x230] =	vst v3  }
0x61d: {  	v3 =	vmax.f32 v6, $0.0e+00;
	[tilespmem:s1+$0xFFFFFE30] =	vst v4;
	v4 =	vld [tilespmem:s8+$0xC0]  }
0x61e: {  	v5 =	vmax.f32 v5, $0.0e+00;
	[tilespmem:s20+$0x90] =	vst v3;
	v6 =	vld [tilespmem:s8+$0x40]  }
0x61f: {  	[tilespmem:s20+$0xFFFFFC90] =	vst v5;
	v5 =	vld [tilespmem:s25+$0xFFFFF8E0]  }
0x620: {  	v9 =	vld [tilespmem:s25+$0xFFFFF860]  }
0x621: {  	v3 =	vld [tilespmem:s1+$0x3A0]  }
0x622: {  	v12 =	vld [tilespmem:s1+$0xFFFFFE90];
	v4 =	vadd.f32 v4, v7  }
0x623: {  	v6 =	vadd.f32 v6, v11;
	v7 =	vld [tilespmem:s1+$0x290]  }
0x624: {  	v11 =	vld [tilespmem:s20+$0xFFFFFCB0];
	v5 =	vadd.f32 v5, v8;
	v4 =	vmax.f32 v4, $0.0e+00  }
0x625: {  	v8 =	vadd.f32 v9, v10;
	v9 =	vld [tilespmem:s20+$0xB0];
	v6 =	vmax.f32 v6, $0.0e+00;
	[tilespmem:s1+$0x280] =	vst v4  }
0x626: {  	v4 =	vmax.f32 v5, $0.0e+00;
	[tilespmem:s1+$0xFFFFFE80] =	vst v6;
	v5 =	vld [tilespmem:s8+$0xD0]  }
0x627: {  	v6 =	vmax.f32 v8, $0.0e+00;
	[tilespmem:s20+$0xA0] =	vst v4;
	v8 =	vld [tilespmem:s8+$0x50]  }
0x628: {  	[tilespmem:s20+$0xFFFFFCA0] =	vst v6;
	v6 =	vld [tilespmem:s25+$0xFFFFF8F0]  }
0x629: {  	v10 =	vld [tilespmem:s25+$0xFFFFF870]  }
0x62a: {  	v4 =	vld [tilespmem:s1+$0xFFFFFF90]  }
0x62b: {  	v13 =	vld [tilespmem:s1+$0xFFFFFEA0];
	v5 =	vadd.f32 v5, v7  }
0x62c: {  	v7 =	vadd.f32 v8, v12;
	v8 =	vld [tilespmem:s1+$0x2A0]  }
0x62d: {  	v12 =	vld [tilespmem:s20+$0xFFFFFD00];
	v6 =	vadd.f32 v6, v9;
	v5 =	vmax.f32 v5, $0.0e+00  }
0x62e: {  	v9 =	vadd.f32 v10, v11;
	v10 =	vld [tilespmem:s20+$0x100];
	v7 =	vmax.f32 v7, $0.0e+00;
	[tilespmem:s1+$0x290] =	vst v5  }
0x62f: {  	v5 =	vmax.f32 v6, $0.0e+00;
	[tilespmem:s1+$0xFFFFFE90] =	vst v7;
	v6 =	vld [tilespmem:s8+$0xE0]  }
0x630: {  	v7 =	vmax.f32 v9, $0.0e+00;
	[tilespmem:s20+$0xB0] =	vst v5;
	v9 =	vld [tilespmem:s8+$0x60]  }
0x631: {  	[tilespmem:s20+$0xFFFFFCB0] =	vst v7;
	v7 =	vld [tilespmem:s25+$0xFFFFFC80]  }
0x632: {  	v11 =	vld [tilespmem:s25+$0xFFFFFC00]  }
0x633: {  	v5 =	vld [tilespmem:s1+$0x390]  }
0x634: {  	v14 =	vld [tilespmem:s1+$0xFFFFFEB0];
	v6 =	vadd.f32 v6, v8  }
0x635: {  	v8 =	vadd.f32 v9, v13;
	v9 =	vld [tilespmem:s1+$0x2B0]  }
0x636: {  	v13 =	vld [tilespmem:s20+$0xFFFFFD10];
	v7 =	vadd.f32 v7, v10;
	v6 =	vmax.f32 v6, $0.0e+00  }
0x637: {  	v10 =	vadd.f32 v11, v12;
	v11 =	vld [tilespmem:s20+$0x110];
	v8 =	vmax.f32 v8, $0.0e+00;
	[tilespmem:s1+$0x2A0] =	vst v6  }
0x638: {  	v6 =	vmax.f32 v7, $0.0e+00;
	[tilespmem:s1+$0xFFFFFEA0] =	vst v8;
	v8 =	vld [tilespmem:s8+$0xF0]  }
0x639: {  	v7 =	vmax.f32 v10, $0.0e+00;
	[tilespmem:s20+$0x100] =	vst v6;
	v6 =	vld [tilespmem:s8+$0x70]  }
0x63a: {  	[tilespmem:s20+$0xFFFFFD00] =	vst v7;
	v10 =	vld [tilespmem:s25+$0xFFFFFC90]  }
0x63b: {  	v12 =	vld [tilespmem:s25+$0xFFFFFC10]  }
0x63c: {  	v7 =	vld [tilespmem:s1+$0xFFFFFF80]  }
0x63d: {  	v15 =	vld [tilespmem:s1+$0xFFFFFF00];
	v8 =	vadd.f32 v8, v9  }
0x63e: {  	v6 =	vadd.f32 v6, v14;
	v9 =	vld [tilespmem:s1+$0x300]  }
0x63f: {  	v14 =	vld [tilespmem:s20+$0xFFFFFD20];
	v10 =	vadd.f32 v10, v11;
	v8 =	vmax.f32 v8, $0.0e+00  }
0x640: {  	v11 =	vadd.f32 v12, v13;
	v12 =	vld [tilespmem:s20+$0x120];
	v6 =	vmax.f32 v6, $0.0e+00;
	[tilespmem:s1+$0x2B0] =	vst v8  }
0x641: {  	v8 =	vmax.f32 v10, $0.0e+00;
	[tilespmem:s1+$0xFFFFFEB0] =	vst v6;
	v6 =	vld [tilespmem:s8+$0x480]  }
0x642: {  	v10 =	vmax.f32 v11, $0.0e+00;
	[tilespmem:s20+$0x110] =	vst v8;
	v8 =	vld [tilespmem:s8+$0x400]  }
0x643: {  	[tilespmem:s20+$0xFFFFFD10] =	vst v10;
	v10 =	vld [tilespmem:s25+$0xFFFFFCA0]  }
0x644: {  	v11 =	vld [tilespmem:s25+$0xFFFFFC20]  }
0x645: {  	v13 =	vld [tilespmem:s1+$0x380]  }
0x646: {  	v16 =	vld [tilespmem:s1+$0xFFFFFF10];
	v6 =	vadd.f32 v6, v9  }
0x647: {  	v8 =	vadd.f32 v8, v15;
	v9 =	vld [tilespmem:s1+$0x310]  }
0x648: {  	v15 =	vld [tilespmem:s20+$0xFFFFFD30];
	v10 =	vadd.f32 v10, v12;
	v6 =	vmax.f32 v6, $0.0e+00  }
0x649: {  	v11 =	vadd.f32 v11, v14;
	v12 =	vld [tilespmem:s20+$0x130];
	v8 =	vmax.f32 v8, $0.0e+00;
	[tilespmem:s1+$0x300] =	vst v6  }
0x64a: {  	v6 =	vmax.f32 v10, $0.0e+00;
	[tilespmem:s1+$0xFFFFFF00] =	vst v8;
	v8 =	vld [tilespmem:s8+$0x490]  }
0x64b: {  	v10 =	vmax.f32 v11, $0.0e+00;
	[tilespmem:s20+$0x120] =	vst v6;
	v6 =	vld [tilespmem:s8+$0x410]  }
0x64c: {  	[tilespmem:s20+$0xFFFFFD20] =	vst v10;
	v10 =	vld [tilespmem:s25+$0xFFFFFCB0]  }
0x64d: {  	v11 =	vld [tilespmem:s25+$0xFFFFFC30]  }
0x64e: {  	v14 =	vld [tilespmem:s1+$0xFFFFFF30]  }
0x64f: {  	v17 =	vld [tilespmem:s1+$0xFFFFFF20];
	v8 =	vadd.f32 v8, v9  }
0x650: {  	v6 =	vadd.f32 v6, v16;
	v9 =	vld [tilespmem:s1+$0x320]  }
0x651: {  	v16 =	vld [tilespmem:s20+$0xFFFFFD80];
	v10 =	vadd.f32 v10, v12;
	v8 =	vmax.f32 v8, $0.0e+00  }
0x652: {  	v11 =	vadd.f32 v11, v15;
	v12 =	vld [tilespmem:s20+$0x180];
	v6 =	vmax.f32 v6, $0.0e+00;
	[tilespmem:s1+$0x310] =	vst v8  }
0x653: {  	v8 =	vmax.f32 v10, $0.0e+00;
	[tilespmem:s1+$0xFFFFFF10] =	vst v6;
	v10 =	vld [tilespmem:s8+$0x4A0]  }
0x654: {  	v6 =	vmax.f32 v11, $0.0e+00;
	[tilespmem:s20+$0x130] =	vst v8;
	v11 =	vld [tilespmem:s8+$0x420]  }
0x655: {  	[tilespmem:s20+$0xFFFFFD30] =	vst v6;
	v15 =	vld [tilespmem:s25+$0xFFFFFCC0]  }
0x656: {  	v18 =	vld [tilespmem:s25+$0xFFFFFC40]  }
0x657: {  	v19 =	vld [tilespmem:s1+$0x330]  }
0x658: {  	v6 =	vld [tilespmem:s20+$0xFFFFFE10];
	v9 =	vadd.f32 v10, v9  }
0x659: {  	v8 =	vld [tilespmem:s20+$0xFFFFFE00];
	v10 =	vadd.f32 v11, v17  }
0x65a: {  	v11 =	vld [tilespmem:s20+$0xFFFFFD90];
	v12 =	vadd.f32 v15, v12;
	v9 =	vmax.f32 v9, $0.0e+00  }
0x65b: {  	v15 =	vadd.f32 v18, v16;
	v16 =	vld [tilespmem:s20+$0x190];
	v10 =	vmax.f32 v10, $0.0e+00;
	[tilespmem:s1+$0x320] =	vst v9  }
0x65c: {  	v9 =	vmax.f32 v12, $0.0e+00;
	[tilespmem:s1+$0xFFFFFF20] =	vst v10;
	v10 =	vld [tilespmem:s8+$0x4B0]  }
0x65d: {  	v12 =	vmax.f32 v15, $0.0e+00;
	[tilespmem:s20+$0x180] =	vst v9;
	v9 =	vld [tilespmem:s8+$0x430]  }
0x65e: {  	[tilespmem:s20+$0xFFFFFD80] =	vst v12;
	v12 =	vld [tilespmem:s25+$0xFFFFFCD0]  }
0x65f: {  	v15 =	vld [tilespmem:s25+$0xFFFFFC50]  }
0x660: {  	v17 =	vld [tilespmem:s20+$0xFFFFFDB0]  }
0x661: {  	v18 =	vld [tilespmem:s20+$0xFFFFFDA0];
	v10 =	vadd.f32 v10, v19  }
0x662: {  	s20 =	sadd.s32 $0x800, s20;
	v19 =	vld [tilespmem:s2+$0x1A0];
	v9 =	vadd.f32 v9, v14  }
0x663: {  	s25 =	sadd.s32 $0x100, s25;
	v14 =	vld [tilespmem:s20+$0xFFFFFC00];
	v12 =	vadd.f32 v12, v16;
	v10 =	vmax.f32 v10, $0.0e+00  }
0x664: {  	v16 =	vld [tilespmem:s25+$0xFFFFF880];
	v11 =	vadd.f32 v15, v11;
	v9 =	vmax.f32 v9, $0.0e+00;
	[tilespmem:s1+$0x330] =	vst v10  }
0x665: {  	v10 =	vmax.f32 v12, $0.0e+00;
	[tilespmem:s1+$0xFFFFFF30] =	vst v9;
	v9 =	vld [tilespmem:s8+$0x4C0]  }
0x666: {  	v11 =	vmax.f32 v11, $0.0e+00;
	[tilespmem:s2+$0x190] =	vst v10;
	v10 =	vld [tilespmem:s8+$0x440]  }
0x667: {  	[tilespmem:s2+$0xFFFFFD90] =	vst v11;
	v11 =	vld [tilespmem:s24+$0xFFFFFCE0]  }
0x668: {  	v12 =	vld [tilespmem:s24+$0xFFFFFC60]  }
0x669: {  	v15 =	vld [tilespmem:s20+$0x0]  }
0x66a: {  	v20 =	vld [tilespmem:s25+$0xFFFFF800];
	v9 =	vadd.f32 v9, v13  }
0x66b: {  	v13 =	vld [tilespmem:s2+$0x1B0];
	v7 =	vadd.f32 v10, v7  }
0x66c: {  	v10 =	vld [tilespmem:s20+$0xFFFFFC10];
	v11 =	vadd.f32 v11, v19;
	v9 =	vmax.f32 v9, $0.0e+00  }
0x66d: {  	v19 =	vld [tilespmem:s20+$0x10];
	v12 =	vadd.f32 v12, v18;
	v7 =	vmax.f32 v7, $0.0e+00;
	[tilespmem:s1+$0x380] =	vst v9  }
0x66e: {  	v9 =	vadd.f32 v16, v15;
	v11 =	vmax.f32 v11, $0.0e+00;
	[tilespmem:s1+$0xFFFFFF80] =	vst v7;
	v7 =	vld [tilespmem:s8+$0x4D0]  }
0x66f: {  	v14 =	vadd.f32 v20, v14;
	v12 =	vmax.f32 v12, $0.0e+00;
	[tilespmem:s2+$0x1A0] =	vst v11;
	v11 =	vld [tilespmem:s8+$0x450]  }
0x670: {  	v9 =	vmax.f32 v9, $0.0e+00;
	[tilespmem:s2+$0xFFFFFDA0] =	vst v12;
	v12 =	vld [tilespmem:s24+$0xFFFFFCF0]  }
0x671: {  	v14 =	vmax.f32 v14, $0.0e+00;
	[tilespmem:s20+$0x0] =	vst v9;
	v9 =	vld [tilespmem:s24+$0xFFFFFC70]  }
0x672: {  	[tilespmem:s20+$0xFFFFFC00] =	vst v14;
	v14 =	vld [tilespmem:s25+$0xFFFFF890]  }
0x673: {  	v15 =	vld [tilespmem:s25+$0xFFFFF810];
	v5 =	vadd.f32 v7, v5  }
0x674: {  	v16 =	vld [tilespmem:s2+$0x200];
	v4 =	vadd.f32 v11, v4  }
0x675: {  	v11 =	vld [tilespmem:s20+$0xFFFFFC20];
	v7 =	vadd.f32 v12, v13;
	v5 =	vmax.f32 v5, $0.0e+00  }
0x676: {  	v12 =	vld [tilespmem:s20+$0x20];
	v9 =	vadd.f32 v9, v17;
	v4 =	vmax.f32 v4, $0.0e+00;
	[tilespmem:s1+$0x390] =	vst v5  }
0x677: {  	v5 =	vadd.f32 v14, v19;
	v7 =	vmax.f32 v7, $0.0e+00;
	[tilespmem:s1+$0xFFFFFF90] =	vst v4;
	v4 =	vld [tilespmem:s8+$0x4E0]  }
0x678: {  	v10 =	vadd.f32 v15, v10;
	v9 =	vmax.f32 v9, $0.0e+00;
	[tilespmem:s2+$0x1B0] =	vst v7;
	v7 =	vld [tilespmem:s8+$0x460]  }
0x679: {  	v5 =	vmax.f32 v5, $0.0e+00;
	[tilespmem:s2+$0xFFFFFDB0] =	vst v9;
	v9 =	vld [tilespmem:s24+$0x80]  }
0x67a: {  	v10 =	vmax.f32 v10, $0.0e+00;
	[tilespmem:s20+$0x10] =	vst v5;
	v5 =	vld [tilespmem:s24+$0x0]  }
0x67b: {  	[tilespmem:s20+$0xFFFFFC10] =	vst v10;
	v10 =	vld [tilespmem:s25+$0xFFFFF8A0]  }
0x67c: {  	v13 =	vld [tilespmem:s25+$0xFFFFF820];
	v3 =	vadd.f32 v4, v3  }
0x67d: {  	v4 =	vld [tilespmem:s2+$0x210];
	v2 =	vadd.f32 v7, v2  }
0x67e: {  	v7 =	vld [tilespmem:s20+$0xFFFFFC30];
	v14 =	vadd.f32 v9, v16;
	v3 =	vmax.f32 v3, $0.0e+00  }
0x67f: {  	v9 =	vld [tilespmem:s20+$0x30];
	v5 =	vadd.f32 v5, v8;
	v2 =	vmax.f32 v2, $0.0e+00;
	[tilespmem:s1+$0x3A0] =	vst v3  }
0x680: {  	v3 =	vadd.f32 v10, v12;
	v8 =	vmax.f32 v14, $0.0e+00;
	[tilespmem:s1+$0xFFFFFFA0] =	vst v2;
	v2 =	vld [tilespmem:s8+$0x4F0]  }
0x681: {  	v10 =	vadd.f32 v13, v11;
	v5 =	vmax.f32 v5, $0.0e+00;
	[tilespmem:s2+$0x200] =	vst v8;
	v11 =	vld [tilespmem:s8+$0x470];
	s8 =	smov.u32 s24;
	s24 =	smov.u32 s25  }
0x682: {  	v3 =	vmax.f32 v3, $0.0e+00;
	[tilespmem:s2+$0xFFFFFE00] =	vst v5;
	v5 =	vld [tilespmem:s8+$0x90]  }
0x683: {  	v8 =	vmax.f32 v10, $0.0e+00;
	[tilespmem:s20+$0x20] =	vst v3;
	v12 =	vld [tilespmem:s8+$0x10]  }
.Ltmp4:
0x684: {  	[tilespmem:s20+$0xFFFFFC20] =	vst v8;
	v10 =	vld [tilespmem:s25+$0xFFFFF8B0];
	(pc) =	sbr.rel @p0 .LBB2_9-.Ltmp4, $4  }
0x685: {  	v8 =	vld [tilespmem:s25+$0xFFFFF830];
	v1 =	vadd.f32 v2, v1  }
0x686: {  	v11 =	vadd.f32 v11, v0;
	v0 =	vld [tilespmem:s2+$0xFFFFFFB0]  }
0x687: {  	v3 =	vld [tilespmem:s2+$0xFFFFFE20];
	v5 =	vadd.f32 v5, v4;
	v13 =	vmax.f32 v1, $0.0e+00  }
0x688: {  	v2 =	vadd.f32 v12, v6;
	v4 =	vld [tilespmem:s2+$0x220];
	v1 =	vmax.f32 v11, $0.0e+00;
	[tilespmem:s1+$0x3B0] =	vst v13  }
0x689: {  	v6 =	vadd.f32 v10, v9  }
0x68a: {  	v7 =	vadd.f32 v8, v7  }
0x68b: {  	v19 =	vld [tilespmem:s20+$0x80];
	v6 =	vmax.f32 v6, $0.0e+00  }
0x68c: {  	v20 =	vld [tilespmem:s20+$0xFFFFFC80];
	v7 =	vmax.f32 v7, $0.0e+00;
	[tilespmem:s20+$0x30] =	vst v6  }
0x68d: {  	[tilespmem:s20+$0xFFFFFC30] =	vst v7;
	v6 =	vld [tilespmem:s25+$0xFFFFF8C0]  }
0x68e: {  	v7 =	vld [tilespmem:s25+$0xFFFFF840];
	_ =	sdelay $0x3  }
0x68f: {  	v6 =	vadd.f32 v6, v19  }
0x690: {  	v7 =	vadd.f32 v7, v20  }
0x691: {  	v21 =	vld [tilespmem:s20+$0x90];
	v6 =	vmax.f32 v6, $0.0e+00  }
0x692: {  	v22 =	vld [tilespmem:s20+$0xFFFFFC90];
	v7 =	vmax.f32 v7, $0.0e+00;
	[tilespmem:s20+$0x80] =	vst v6  }
0x693: {  	[tilespmem:s20+$0xFFFFFC80] =	vst v7;
	v6 =	vld [tilespmem:s25+$0xFFFFF8D0]  }
0x694: {  	v7 =	vld [tilespmem:s25+$0xFFFFF850];
	_ =	sdelay $0x3  }
0x695: {  	v6 =	vadd.f32 v6, v21  }
0x696: {  	v7 =	vadd.f32 v7, v22  }
0x697: {  	v23 =	vld [tilespmem:s20+$0xA0];
	v6 =	vmax.f32 v6, $0.0e+00  }
0x698: {  	v24 =	vld [tilespmem:s20+$0xFFFFFCA0];
	v7 =	vmax.f32 v7, $0.0e+00;
	[tilespmem:s20+$0x90] =	vst v6  }
0x699: {  	[tilespmem:s20+$0xFFFFFC90] =	vst v7;
	v6 =	vld [tilespmem:s25+$0xFFFFF8E0]  }
0x69a: {  	v7 =	vld [tilespmem:s25+$0xFFFFF860];
	_ =	sdelay $0x3  }
0x69b: {  	v6 =	vadd.f32 v6, v23  }
0x69c: {  	v7 =	vadd.f32 v7, v24  }
0x69d: {  	v25 =	vld [tilespmem:s20+$0xB0];
	v6 =	vmax.f32 v6, $0.0e+00  }
0x69e: {  	v26 =	vld [tilespmem:s20+$0xFFFFFCB0];
	v7 =	vmax.f32 v7, $0.0e+00;
	[tilespmem:s20+$0xA0] =	vst v6  }
0x69f: {  	[tilespmem:s20+$0xFFFFFCA0] =	vst v7;
	v6 =	vld [tilespmem:s25+$0xFFFFF8F0]  }
0x6a0: {  	v7 =	vld [tilespmem:s25+$0xFFFFF870];
	_ =	sdelay $0x3  }
0x6a1: {  	v6 =	vadd.f32 v6, v25  }
0x6a2: {  	v7 =	vadd.f32 v7, v26  }
0x6a3: {  	v27 =	vld [tilespmem:s20+$0x100];
	v6 =	vmax.f32 v6, $0.0e+00  }
0x6a4: {  	v28 =	vld [tilespmem:s20+$0xFFFFFD00];
	v7 =	vmax.f32 v7, $0.0e+00;
	[tilespmem:s20+$0xB0] =	vst v6  }
0x6a5: {  	[tilespmem:s20+$0xFFFFFCB0] =	vst v7;
	v6 =	vld [tilespmem:s25+$0xFFFFFC80]  }
0x6a6: {  	v7 =	vld [tilespmem:s25+$0xFFFFFC00];
	_ =	sdelay $0x3  }
0x6a7: {  	v6 =	vadd.f32 v6, v27  }
0x6a8: {  	v7 =	vadd.f32 v7, v28  }
0x6a9: {  	v29 =	vld [tilespmem:s20+$0x110];
	v6 =	vmax.f32 v6, $0.0e+00  }
0x6aa: {  	v30 =	vld [tilespmem:s20+$0xFFFFFD10];
	v7 =	vmax.f32 v7, $0.0e+00;
	[tilespmem:s20+$0x100] =	vst v6  }
0x6ab: {  	[tilespmem:s20+$0xFFFFFD00] =	vst v7;
	v6 =	vld [tilespmem:s25+$0xFFFFFC90]  }
0x6ac: {  	v7 =	vld [tilespmem:s25+$0xFFFFFC10];
	_ =	sdelay $0x3  }
0x6ad: {  	v6 =	vadd.f32 v6, v29  }
0x6ae: {  	v7 =	vadd.f32 v7, v30  }
0x6af: {  	v31 =	vld [tilespmem:s20+$0x120];
	v6 =	vmax.f32 v6, $0.0e+00  }
0x6b0: {  	v32 =	vld [tilespmem:s20+$0xFFFFFD20];
	v7 =	vmax.f32 v7, $0.0e+00;
	[tilespmem:s20+$0x110] =	vst v6  }
0x6b1: {  	[tilespmem:s20+$0xFFFFFD10] =	vst v7;
	v6 =	vld [tilespmem:s25+$0xFFFFFCA0]  }
0x6b2: {  	v7 =	vld [tilespmem:s25+$0xFFFFFC20];
	_ =	sdelay $0x3  }
0x6b3: {  	v6 =	vadd.f32 v6, v31  }
0x6b4: {  	v7 =	vadd.f32 v7, v32  }
0x6b5: {  	v33 =	vld [tilespmem:s20+$0x130];
	v6 =	vmax.f32 v6, $0.0e+00  }
0x6b6: {  	v34 =	vld [tilespmem:s20+$0xFFFFFD30];
	v7 =	vmax.f32 v7, $0.0e+00;
	[tilespmem:s20+$0x120] =	vst v6  }
0x6b7: {  	[tilespmem:s20+$0xFFFFFD20] =	vst v7;
	v6 =	vld [tilespmem:s25+$0xFFFFFCB0]  }
0x6b8: {  	v7 =	vld [tilespmem:s25+$0xFFFFFC30];
	_ =	sdelay $0x3  }
0x6b9: {  	v6 =	vadd.f32 v6, v33  }
0x6ba: {  	v7 =	vadd.f32 v7, v34  }
0x6bb: {  	v35 =	vld [tilespmem:s20+$0x180];
	v6 =	vmax.f32 v6, $0.0e+00  }
0x6bc: {  	v36 =	vld [tilespmem:s20+$0xFFFFFD80];
	v7 =	vmax.f32 v7, $0.0e+00;
	[tilespmem:s20+$0x130] =	vst v6  }
0x6bd: {  	[tilespmem:s20+$0xFFFFFD30] =	vst v7;
	v6 =	vld [tilespmem:s25+$0xFFFFFCC0]  }
0x6be: {  	v7 =	vld [tilespmem:s25+$0xFFFFFC40];
	_ =	sdelay $0x3  }
0x6bf: {  	v6 =	vadd.f32 v6, v35  }
0x6c0: {  	v7 =	vadd.f32 v7, v36  }
0x6c1: {  	v39 =	vld [tilespmem:s20+$0x190];
	v6 =	vmax.f32 v6, $0.0e+00  }
0x6c2: {  	v11 =	vld [tilespmem:s20+$0xFFFFFD90];
	v7 =	vmax.f32 v7, $0.0e+00;
	[tilespmem:s20+$0x180] =	vst v6  }
0x6c3: {  	[tilespmem:s20+$0xFFFFFD80] =	vst v7;
	v6 =	vld [tilespmem:s25+$0xFFFFFCD0]  }
0x6c4: {  	v7 =	vld [tilespmem:s25+$0xFFFFFC50];
	_ =	sdelay $0x3  }
0x6c5: {  	v6 =	vadd.f32 v6, v39  }
0x6c6: {  	v7 =	vadd.f32 v7, v11  }
0x6c7: {  	v41 =	vld [tilespmem:s20+$0x1A0];
	v6 =	vmax.f32 v6, $0.0e+00  }
0x6c8: {  	v12 =	vld [tilespmem:s20+$0xFFFFFDA0];
	v7 =	vmax.f32 v7, $0.0e+00;
	[tilespmem:s20+$0x190] =	vst v6  }
0x6c9: {  	[tilespmem:s20+$0xFFFFFD90] =	vst v7;
	v6 =	vld [tilespmem:s24+$0xFFFFFCE0]  }
0x6ca: {  	v7 =	vld [tilespmem:s24+$0xFFFFFC60];
	_ =	sdelay $0x3  }
0x6cb: {  	v6 =	vadd.f32 v6, v41  }
0x6cc: {  	v7 =	vadd.f32 v7, v12  }
0x6cd: {  	v40 =	vld [tilespmem:s20+$0xFFFFFDB0];
	v6 =	vmax.f32 v6, $0.0e+00  }
0x6ce: {  	v42 =	vld [tilespmem:s20+$0x1B0];
	v7 =	vmax.f32 v7, $0.0e+00;
	[tilespmem:s20+$0x1A0] =	vst v6  }
0x6cf: {  	[tilespmem:s20+$0xFFFFFDA0] =	vst v7;
	v6 =	vld [tilespmem:s24+$0xFFFFFCF0]  }
0x6d0: {  	v7 =	vld [tilespmem:s24+$0xFFFFFC70];
	_ =	sdelay $0x3  }
0x6d1: {  	v6 =	vadd.f32 v6, v42  }
0x6d2: {  	v7 =	vadd.f32 v7, v40  }
0x6d3: {  	v38 =	vld [tilespmem:s20+$0xFFFFFE00];
	v6 =	vmax.f32 v6, $0.0e+00  }
0x6d4: {  	v43 =	vld [tilespmem:s20+$0x200];
	v7 =	vmax.f32 v7, $0.0e+00;
	[tilespmem:s20+$0x1B0] =	vst v6  }
0x6d5: {  	[tilespmem:s20+$0xFFFFFDB0] =	vst v7;
	v6 =	vld [tilespmem:s24+$0x80]  }
0x6d6: {  	v7 =	vld [tilespmem:s24+$0x0];
	_ =	sdelay $0x2  }
0x6d7: {  	v5 =	vmax.f32 v5, $0.0e+00  }
0x6d8: {  	[tilespmem:s2+$0x210] =	vst v5;
	v5 =	vadd.f32 v6, v43  }
0x6d9: {  	v37 =	vld [tilespmem:s20+$0xFFFFFE10];
	v7 =	vadd.f32 v7, v38  }
0x6da: {  	v44 =	vld [tilespmem:s8+$0xA0];
	v49 =	vmax.f32 v5, $0.0e+00  }
0x6db: {  	v48 =	vld [tilespmem:s20+$0x210];
	v7 =	vmax.f32 v7, $0.0e+00;
	[tilespmem:s20+$0x200] =	vst v49  }
0x6dc: {  	[tilespmem:s20+$0xFFFFFE00] =	vst v7;
	v51 =	vld [tilespmem:s24+$0x90]  }
0x6dd: {  	v52 =	vld [tilespmem:s24+$0x10];
	_ =	sdelay $0x1  }
0x6de: {  	v2 =	vmax.f32 v2, $0.0e+00;
	v4 =	vadd.f32 v44, v4  }
0x6df: {  	v47 =	vld [tilespmem:s2+$0x230];
	[tilespmem:s2+$0xFFFFFE10] =	vst v2  }
0x6e0: {  	v45 =	vld [tilespmem:s8+$0x20];
	v4 =	vmax.f32 v4, $0.0e+00;
	v7 =	vadd.f32 v51, v48  }
0x6e1: {  	v55 =	vld [tilespmem:s20+$0x220];
	[tilespmem:s2+$0x220] =	vst v4;
	v54 =	vadd.f32 v52, v37  }
0x6e2: {  	v50 =	vld [tilespmem:s8+$0xB0];
	v56 =	vmax.f32 v7, $0.0e+00  }
0x6e3: {  	v58 =	vld [tilespmem:s20+$0xFFFFFE20];
	v8 =	vmax.f32 v54, $0.0e+00;
	[tilespmem:s20+$0x210] =	vst v56  }
0x6e4: {  	[tilespmem:s20+$0xFFFFFE10] =	vst v8;
	v59 =	vld [tilespmem:s24+$0xA0]  }
0x6e5: {  	v3 =	vadd.f32 v45, v3;
	v61 =	vld [tilespmem:s24+$0x20];
	_ =	sdelay $0x1  }
0x6e6: {  	v46 =	vld [tilespmem:s2+$0xFFFFFE30];
	v3 =	vmax.f32 v3, $0.0e+00;
	v5 =	vadd.f32 v50, v47  }
0x6e7: {  	v14 =	vld [tilespmem:s2+$0x280];
	[tilespmem:s2+$0xFFFFFE20] =	vst v3  }
0x6e8: {  	v53 =	vld [tilespmem:s8+$0x30];
	v5 =	vmax.f32 v5, $0.0e+00;
	v8 =	vadd.f32 v59, v55  }
0x6e9: {  	v16 =	vld [tilespmem:s20+$0x230];
	[tilespmem:s2+$0x230] =	vst v5;
	v7 =	vadd.f32 v61, v58  }
0x6ea: {  	v62 =	vld [tilespmem:s8+$0xC0];
	v8 =	vmax.f32 v8, $0.0e+00  }
0x6eb: {  	v18 =	vld [tilespmem:s20+$0xFFFFFE30];
	v7 =	vmax.f32 v7, $0.0e+00;
	[tilespmem:s20+$0x220] =	vst v8  }
0x6ec: {  	[tilespmem:s20+$0xFFFFFE20] =	vst v7;
	v20 =	vld [tilespmem:s24+$0xB0]  }
0x6ed: {  	v57 =	vadd.f32 v53, v46;
	v21 =	vld [tilespmem:s24+$0x30];
	_ =	sdelay $0x1  }
0x6ee: {  	v13 =	vld [tilespmem:s2+$0xFFFFFE80];
	v60 =	vmax.f32 v57, $0.0e+00;
	v17 =	vadd.f32 v62, v14  }
0x6ef: {  	v15 =	vld [tilespmem:s2+$0x290];
	[tilespmem:s2+$0xFFFFFE30] =	vst v60  }
0x6f0: {  	v63 =	vld [tilespmem:s8+$0x40];
	v10 =	vmax.f32 v17, $0.0e+00;
	v9 =	vadd.f32 v20, v16  }
0x6f1: {  	v24 =	vld [tilespmem:s20+$0x280];
	[tilespmem:s2+$0x280] =	vst v10;
	v11 =	vadd.f32 v21, v18  }
0x6f2: {  	v10 =	vld [tilespmem:s8+$0xD0];
	v9 =	vmax.f32 v9, $0.0e+00  }
0x6f3: {  	v16 =	vld [tilespmem:s20+$0xFFFFFE80];
	v11 =	vmax.f32 v11, $0.0e+00;
	[tilespmem:s20+$0x230] =	vst v9  }
0x6f4: {  	[tilespmem:s20+$0xFFFFFE30] =	vst v11;
	v26 =	vld [tilespmem:s24+$0xC0]  }
0x6f5: {  	v28 =	vld [tilespmem:s24+$0x40];
	_ =	sdelay $0x2  }
0x6f6: {  	v19 =	vadd.f32 v63, v13  }
0x6f7: {  	v22 =	vld [tilespmem:s2+$0xFFFFFE90];
	v25 =	vadd.f32 v10, v15;
	v10 =	vadd.f32 v26, v24  }
0x6f8: {  	v33 =	vld [tilespmem:s20+$0x290];
	v8 =	vmax.f32 v19, $0.0e+00;
	v32 =	vadd.f32 v28, v16  }
0x6f9: {  	v34 =	vld [tilespmem:s20+$0xFFFFFE90];
	[tilespmem:s2+$0xFFFFFE80] =	vst v8;
	v10 =	vmax.f32 v10, $0.0e+00  }
0x6fa: {  	v23 =	vld [tilespmem:s8+$0x50];
	v12 =	vmax.f32 v32, $0.0e+00;
	[tilespmem:s20+$0x280] =	vst v10  }
0x6fb: {  	[tilespmem:s20+$0xFFFFFE80] =	vst v12;
	v35 =	vld [tilespmem:s24+$0xD0]  }
0x6fc: {  	v36 =	vld [tilespmem:s24+$0x50];
	_ =	sdelay $0x1  }
0x6fd: {  	v29 =	vld [tilespmem:s2+$0x2A0]  }
0x6fe: {  	v30 =	vld [tilespmem:s2+$0xFFFFFEA0];
	v27 =	vadd.f32 v23, v22  }
0x6ff: {  	v39 =	vld [tilespmem:s20+$0x2A0];
	v9 =	vmax.f32 v25, $0.0e+00;
	v12 =	vadd.f32 v35, v33  }
0x700: {  	v40 =	vld [tilespmem:s20+$0xFFFFFEA0];
	v11 =	vmax.f32 v27, $0.0e+00;
	[tilespmem:s2+$0x290] =	vst v9;
	v37 =	vadd.f32 v36, v34  }
0x701: {  	[tilespmem:s2+$0xFFFFFE90] =	vst v11;
	v31 =	vld [tilespmem:s8+$0xE0];
	v12 =	vmax.f32 v12, $0.0e+00  }
0x702: {  	v17 =	vld [tilespmem:s8+$0x60];
	v13 =	vmax.f32 v37, $0.0e+00;
	[tilespmem:s20+$0x290] =	vst v12  }
0x703: {  	[tilespmem:s20+$0xFFFFFE90] =	vst v13;
	v42 =	vld [tilespmem:s24+$0xE0]  }
0x704: {  	v43 =	vld [tilespmem:s24+$0x60];
	_ =	sdelay $0x1  }
0x705: {  	v46 =	vld [tilespmem:s20+$0x2B0];
	v11 =	vadd.f32 v31, v29  }
0x706: {  	v47 =	vld [tilespmem:s20+$0xFFFFFEB0];
	v38 =	vadd.f32 v17, v30  }
0x707: {  	v19 =	vld [tilespmem:s2+$0xFFFFFEB0];
	v11 =	vmax.f32 v11, $0.0e+00;
	v13 =	vadd.f32 v42, v39  }
0x708: {  	v18 =	vld [tilespmem:s2+$0x2B0];
	[tilespmem:s2+$0x2A0] =	vst v11;
	v41 =	vmax.f32 v38, $0.0e+00;
	v12 =	vadd.f32 v43, v40  }
0x709: {  	v20 =	vld [tilespmem:s8+$0xF0];
	[tilespmem:s2+$0xFFFFFEA0] =	vst v41;
	v13 =	vmax.f32 v13, $0.0e+00  }
0x70a: {  	v44 =	vld [tilespmem:s8+$0x70];
	v12 =	vmax.f32 v12, $0.0e+00;
	[tilespmem:s20+$0x2A0] =	vst v13  }
0x70b: {  	[tilespmem:s20+$0xFFFFFEA0] =	vst v12;
	v49 =	vld [tilespmem:s24+$0xF0]  }
0x70c: {  	v50 =	vld [tilespmem:s24+$0x70];
	_ =	sdelay $0x1  }
0x70d: {  	v56 =	vld [tilespmem:s20+$0xFFFFFF00];
	v45 =	vadd.f32 v20, v18  }
0x70e: {  	v55 =	vld [tilespmem:s20+$0x300];
	v14 =	vadd.f32 v44, v19  }
0x70f: {  	v21 =	vld [tilespmem:s2+$0xFFFFFF00];
	v48 =	vmax.f32 v45, $0.0e+00;
	v12 =	vadd.f32 v49, v46  }
0x710: {  	v22 =	vld [tilespmem:s2+$0x300];
	v14 =	vmax.f32 v14, $0.0e+00;
	[tilespmem:s2+$0x2B0] =	vst v48;
	v13 =	vadd.f32 v50, v47  }
0x711: {  	[tilespmem:s2+$0xFFFFFEB0] =	vst v14;
	v51 =	vld [tilespmem:s8+$0x480];
	v12 =	vmax.f32 v12, $0.0e+00  }
0x712: {  	v52 =	vld [tilespmem:s8+$0x400];
	v13 =	vmax.f32 v13, $0.0e+00;
	[tilespmem:s20+$0x2B0] =	vst v12  }
0x713: {  	[tilespmem:s20+$0xFFFFFEB0] =	vst v13;
	v58 =	vld [tilespmem:s24+$0x480]  }
0x714: {  	v59 =	vld [tilespmem:s24+$0x400];
	_ =	sdelay $0x1  }
0x715: {  	v60 =	vld [tilespmem:s2+$0xFFFFFF10];
	v14 =	vadd.f32 v51, v22  }
0x716: {  	v23 =	vld [tilespmem:s2+$0x310];
	v57 =	vadd.f32 v52, v21  }
0x717: {  	v25 =	vld [tilespmem:s20+$0xFFFFFF10];
	v14 =	vmax.f32 v14, $0.0e+00;
	v13 =	vadd.f32 v58, v55  }
0x718: {  	v28 =	vld [tilespmem:s20+$0x310];
	[tilespmem:s2+$0x300] =	vst v14;
	v12 =	vmax.f32 v57, $0.0e+00;
	v16 =	vadd.f32 v59, v56  }
0x719: {  	v61 =	vld [tilespmem:s8+$0x490];
	[tilespmem:s2+$0xFFFFFF00] =	vst v12;
	v13 =	vmax.f32 v13, $0.0e+00  }
0x71a: {  	v62 =	vld [tilespmem:s8+$0x410];
	v16 =	vmax.f32 v16, $0.0e+00;
	[tilespmem:s20+$0x300] =	vst v13  }
0x71b: {  	[tilespmem:s20+$0xFFFFFF00] =	vst v16;
	v13 =	vld [tilespmem:s24+$0x490]  }
0x71c: {  	v16 =	vld [tilespmem:s24+$0x410];
	_ =	sdelay $0x1  }
0x71d: {  	v26 =	vld [tilespmem:s20+$0xFFFFFF20];
	v12 =	vadd.f32 v61, v23  }
0x71e: {  	v29 =	vld [tilespmem:s2+$0x320];
	v14 =	vadd.f32 v62, v60  }
0x71f: {  	v30 =	vld [tilespmem:s2+$0xFFFFFF20];
	v12 =	vmax.f32 v12, $0.0e+00;
	v13 =	vadd.f32 v13, v28  }
0x720: {  	v32 =	vld [tilespmem:s20+$0x320];
	[tilespmem:s2+$0x310] =	vst v12;
	v14 =	vmax.f32 v14, $0.0e+00;
	v16 =	vadd.f32 v16, v25  }
0x721: {  	v12 =	vld [tilespmem:s8+$0x4A0];
	[tilespmem:s2+$0xFFFFFF10] =	vst v14;
	v13 =	vmax.f32 v13, $0.0e+00  }
0x722: {  	v14 =	vld [tilespmem:s8+$0x420];
	v16 =	vmax.f32 v16, $0.0e+00;
	[tilespmem:s20+$0x310] =	vst v13  }
0x723: {  	[tilespmem:s20+$0xFFFFFF10] =	vst v16;
	v13 =	vld [tilespmem:s24+$0x4A0]  }
0x724: {  	v16 =	vld [tilespmem:s24+$0x420];
	_ =	sdelay $0x1  }
0x725: {  	v24 =	vld [tilespmem:s2+$0xFFFFFF30];
	v12 =	vadd.f32 v12, v29  }
0x726: {  	v31 =	vld [tilespmem:s20+$0xFFFFFF30];
	v14 =	vadd.f32 v14, v30  }
0x727: {  	v33 =	vld [tilespmem:s2+$0x330];
	v12 =	vmax.f32 v12, $0.0e+00;
	v34 =	vadd.f32 v13, v32  }
0x728: {  	v37 =	vld [tilespmem:s20+$0x330];
	[tilespmem:s2+$0x320] =	vst v12;
	v35 =	vmax.f32 v14, $0.0e+00;
	v16 =	vadd.f32 v16, v26  }
0x729: {  	v36 =	vld [tilespmem:s8+$0x4B0];
	[tilespmem:s2+$0xFFFFFF20] =	vst v35;
	v12 =	vmax.f32 v34, $0.0e+00  }
0x72a: {  	v38 =	vld [tilespmem:s8+$0x430];
	v16 =	vmax.f32 v16, $0.0e+00;
	[tilespmem:s20+$0x320] =	vst v12  }
0x72b: {  	[tilespmem:s20+$0xFFFFFF20] =	vst v16;
	v12 =	vld [tilespmem:s24+$0x4B0]  }
0x72c: {  	v16 =	vld [tilespmem:s24+$0x430];
	_ =	sdelay $0x1  }
0x72d: {  	v53 =	vld [tilespmem:s2+$0x380];
	v14 =	vadd.f32 v36, v33  }
0x72e: {  	v63 =	vld [tilespmem:s20+$0x380];
	v39 =	vadd.f32 v38, v24  }
0x72f: {  	v54 =	vld [tilespmem:s20+$0xFFFFFF80];
	v40 =	vmax.f32 v14, $0.0e+00;
	v12 =	vadd.f32 v12, v37  }
0x730: {  	v17 =	vld [tilespmem:s2+$0xFFFFFF80];
	[tilespmem:s2+$0x330] =	vst v40;
	v41 =	vmax.f32 v39, $0.0e+00;
	v42 =	vadd.f32 v16, v31  }
0x731: {  	v43 =	vld [tilespmem:s8+$0x4C0];
	[tilespmem:s2+$0xFFFFFF30] =	vst v41;
	v12 =	vmax.f32 v12, $0.0e+00  }
0x732: {  	v44 =	vld [tilespmem:s8+$0x440];
	v14 =	vmax.f32 v42, $0.0e+00;
	[tilespmem:s20+$0x330] =	vst v12  }
0x733: {  	[tilespmem:s20+$0xFFFFFF30] =	vst v14;
	v12 =	vld [tilespmem:s24+$0x4C0]  }
0x734: {  	v14 =	vld [tilespmem:s24+$0x440];
	_ =	sdelay $0x1  }
0x735: {  	v15 =	vld [tilespmem:s20+$0x390];
	v13 =	vadd.f32 v43, v53  }
0x736: {  	v8 =	vld [tilespmem:s2+$0xFFFFFF90];
	v16 =	vadd.f32 v44, v17  }
0x737: {  	v10 =	vld [tilespmem:s2+$0x390];
	v13 =	vmax.f32 v13, $0.0e+00;
	v12 =	vadd.f32 v12, v63  }
0x738: {  	v11 =	vld [tilespmem:s20+$0xFFFFFF90];
	[tilespmem:s2+$0x380] =	vst v13;
	v16 =	vmax.f32 v16, $0.0e+00;
	v45 =	vadd.f32 v14, v54  }
0x739: {  	v46 =	vld [tilespmem:s8+$0x4D0];
	[tilespmem:s2+$0xFFFFFF80] =	vst v16;
	v12 =	vmax.f32 v12, $0.0e+00  }
0x73a: {  	v16 =	vld [tilespmem:s8+$0x450];
	v13 =	vmax.f32 v45, $0.0e+00;
	[tilespmem:s20+$0x380] =	vst v12  }
0x73b: {  	[tilespmem:s20+$0xFFFFFF80] =	vst v13;
	v12 =	vld [tilespmem:s24+$0x4D0]  }
0x73c: {  	v13 =	vld [tilespmem:s24+$0x450];
	_ =	sdelay $0x1  }
0x73d: {  	v4 =	vld [tilespmem:s2+$0xFFFFFFA0];
	v10 =	vadd.f32 v46, v10  }
0x73e: {  	v6 =	vld [tilespmem:s2+$0x3A0];
	v8 =	vadd.f32 v16, v8  }
0x73f: {  	v7 =	vld [tilespmem:s20+$0xFFFFFFA0];
	v10 =	vmax.f32 v10, $0.0e+00;
	v12 =	vadd.f32 v12, v15  }
0x740: {  	v9 =	vld [tilespmem:s20+$0x3A0];
	[tilespmem:s2+$0x390] =	vst v10;
	v8 =	vmax.f32 v8, $0.0e+00;
	v47 =	vadd.f32 v13, v11  }
0x741: {  	v48 =	vld [tilespmem:s8+$0x4E0];
	[tilespmem:s2+$0xFFFFFF90] =	vst v8;
	v49 =	vmax.f32 v12, $0.0e+00  }
0x742: {  	v50 =	vld [tilespmem:s8+$0x460];
	v10 =	vmax.f32 v47, $0.0e+00;
	[tilespmem:s20+$0x390] =	vst v49  }
0x743: {  	[tilespmem:s20+$0xFFFFFF90] =	vst v10;
	v51 =	vld [tilespmem:s24+$0x4E0]  }
0x744: {  	v52 =	vld [tilespmem:s24+$0x460];
	_ =	sdelay $0x1  }
0x745: {  	v6 =	vadd.f32 v48, v6  }
0x746: {  	v2 =	vld [tilespmem:s2+$0x3B0];
	v4 =	vadd.f32 v50, v4  }
0x747: {  	v3 =	vld [tilespmem:s20+$0xFFFFFFB0];
	v6 =	vmax.f32 v6, $0.0e+00;
	v53 =	vadd.f32 v51, v9  }
0x748: {  	v5 =	vld [tilespmem:s20+$0x3B0];
	[tilespmem:s2+$0x3A0] =	vst v6;
	v4 =	vmax.f32 v4, $0.0e+00;
	v54 =	vadd.f32 v52, v7  }
0x749: {  	v55 =	vld [tilespmem:s8+$0x4F0];
	[tilespmem:s2+$0xFFFFFFA0] =	vst v4;
	v56 =	vmax.f32 v53, $0.0e+00  }
0x74a: {  	v57 =	vld [tilespmem:s8+$0x470];
	v6 =	vmax.f32 v54, $0.0e+00;
	[tilespmem:s20+$0x3A0] =	vst v56  }
0x74b: {  	[tilespmem:s20+$0xFFFFFFA0] =	vst v6;
	v58 =	vld [tilespmem:s24+$0x4F0]  }
0x74c: {  	v59 =	vld [tilespmem:s24+$0x470];
	_ =	sdelay $0x1  }
0x74d: {  	v2 =	vadd.f32 v55, v2  }
0x74e: {  	v0 =	vadd.f32 v57, v0  }
0x74f: {  	[tilespmem:s1+$0xFFFFFFB0] =	vst v1;
	v60 =	vmax.f32 v2, $0.0e+00;
	v61 =	vadd.f32 v58, v5  }
0x750: {  	[tilespmem:s2+$0x3B0] =	vst v60;
	v0 =	vmax.f32 v0, $0.0e+00;
	v62 =	vadd.f32 v59, v3  }
0x751: {  	[tilespmem:s2+$0xFFFFFFB0] =	vst v0;
	v63 =	vmax.f32 v61, $0.0e+00  }
0x752: {  	v1 =	vmax.f32 v62, $0.0e+00;
	[tilespmem:s20+$0x3B0] =	vst v63  }
0x753: {  	s29 =	simm.s32 $0x16580;
	s24 =	simm.s32 $0x16380;
	[tilespmem:s20+$0xFFFFFFB0] =	vst v1  }
0x754: {  	[spmem:s3] =	stream.indirect.scatter.add.f32 [tilespmem:s29], [sflag:$0xB], $0x80, s24, s28, $0xb8;
	[tilespmem:$0x1C580] =	vst v63  }
0x755: {  	s31 =	simm.s32 $0x17580;
	s25 =	simm.s32 $0x16480  }
0x756: {  	[spmem:s3] =	stream.indirect.scatter.add.f32 [tilespmem:s31], [sflag:$0xD], $0x80, s25, s28, $0xb8;
	[tilespmem:$0x1C580] =	vst v63  }
0x757: {  	_ =	swait.ge [sflag:s16], $0x1000  }
0x758: {  	[sflag:s16] =	ssyncset.done $0x0  }
0x759: {  	[sflag:s16] =	ssyncadd.s32 $0xFFFFF000  }
0x75a: {  	_ =	swait.ge [sflag:s18], $0x1000  }
0x75b: {  	[sflag:s18] =	ssyncset.done $0x0  }
0x75c: {  	[sflag:s18] =	ssyncadd.s32 $0xFFFFF000  }
0x75d: {  	_ =	swait.ge [sflag:s30], $0x1000  }
0x75e: {  	[sflag:s30] =	ssyncset.done $0x0  }
0x75f: {  	[sflag:s30] =	ssyncadd.s32 $0xFFFFF000  }
0x760: {  	_ =	swait.ge [sflag:s26], $0x1000  }
0x761: {  	[sflag:s26] =	ssyncset.done $0x0  }
0x762: {  	[sflag:s26] =	ssyncadd.s32 $0xFFFFF000  }
0x763: {  	[bflag:$0x0] =	sbarrier.arrive $0xFFFF  }
0x764: {  	s8 =	rddreg [dreg:$0xc]  }
0x765: {  	s19 =	rddreg [dreg:$0xe]  }
0x766: {  	s20 =	rddreg [dreg:$0xf]  }
0x767: {  	[hbm:s8], [sflag:s19] =	dma.local [spmem:s20], $0x2780  }
0x768: {  	s8 =	simm.s32 $0xF  }
0x769: {  	_ =	swait.ge [sflag:s8], $0x2780  }
0x76a: {  	s1 =	rddreg [dreg:$0x10]  }
0x76b: {  	s2 =	sadd.s32 $0x1, s1;
	s1 =	rddreg [dreg:$0xd]  }
0x76c: {  	p0 =	sne.s32 s2, s1  }
.Ltmp5:
0x76d: {  	_ = 	snop;
	(pc) =	sbr.rel @p0 .LBB2_1-.Ltmp5, $3  }
0x76e: {  	_ =	sdelay $0x1  }
0x76f: {  	[sflag:s8] =	ssyncset.done $0x0  }
0x770: {  	[sflag:s8] =	ssyncadd.s32 $0xFFFFD880  }
0x771: {  	_ =	sfence.sel $0x180000  }
0x772: {  	[bflag:$0x0] =	sbarrier.arrive $0xFFFF  }
0x773: {  	_ =	strace $0x90000047  }
0x774: {  	s0 =	stileid.u32;
	[bflag:$0x2] =	sbarrier.arrive $0xFFFF  }
0x775: {  	p0 =	sne.s32 s0, $0x0;
	s0 =	rddreg [dreg:$0x3]  }
0x776: {  	s0 =	sadd.s32 @!p0 $0x100000, s0  }
0x777: {  	[sflag:s0] =	ssyncadd.tile.s32 @!p0 $0x1;
	_ =	shalt  }
.Lfunc_end2:
_tile_overlayer_lowered:
.L_overlay_start_2:
0x778: {  	(tag) =	ssettag $0x2  }
0x779: {  	s0 =	rddreg [dreg:$0x0];
	s2 =	stileid.u32  }
0x77a: {  	s1 =	rddreg [dreg:$0x1];
	p0 =	sne.s32 s2, $0x0  }
0x77b: {  	s3 =	rddreg [dreg:$0x2];
	[bflag:$0x3] =	sbarrier.arrive $0xFFFF;
	s2 =	simm.s32 @!p0 $0x1C0F  }
0x77c: {  	[timem:s3], [sflag:s2] =	dma.local @!p0 [hbm:s0], s1  }
0x77d: {  	s0 =	simm.s32 @!p0 $0xF  }
0x77e: {  	_ =	swait.ge @!p0 [sflag:s0], s1  }
0x77f: {  	s1 =	ssub.s32 @!p0 $0x0, s1;
	[sflag:s0] =	ssyncset.done @!p0 $0x0  }
0x780: {  	[sflag:s0] =	ssyncadd.s32 @!p0 s1  }
0x781: {  	[bflag:$0x3] =	sbarrier.arrive $0xFFFF  }
0x782: {  	_ =	shalt  }

</sc_bundles>
